<compile_context>
chip_gen: v7x
topology: tpu7x:2x2x1
jax: 0.10.2.dev20260603
libtpu: 0.0.44.dev20260713+nightly
codegen_flags: <defaults>
</compile_context>

<pallas_src>
import functools

import jax
import jax.numpy as jnp
from jax import lax
from jax.experimental import pallas as pl
from jax.experimental.pallas import tpu as pltpu
from jax.experimental.pallas import tpu_sc as plsc

N = 10000
E = 320000
G = 16
D_NODE = 128
D_EDGE = 16
D_U = 16
MSG = 32

NC = 2
NS = 16
NW = NC * NS
EH = E // 2
ROWS_PER_W = 40
IDX_ROWS_H = NW * ROWS_PER_W
E_PAD_H = IDX_ROWS_H * 128
CH = 4
N_SUP = ROWS_PER_W // (2 * CH)
R_C0 = 56
R_C1 = 24
IDX_ROWS_G = IDX_ROWS_H + (R_C0 - R_C1)
N_ACC = N + 16
ACC_W = 48
ROWS_PER_TILE = N_ACC // NS
NBLK = 1000
EBLK = 3200

_f32 = jnp.float32



def _tc1_body(xb, bb, u, We1, be1, Wn1a, bn1a, trow, tcol):
    xv = xb[...]
    b = bb[0, 0, :]
    oh = (b[:, None] == lax.broadcasted_iota(jnp.int32, (NBLK, G), 1)).astype(_f32)
    w = We1[...]
    ub1 = jnp.dot(u[...], w[2 * D_NODE + D_EDGE:, :], preferred_element_type=_f32)
    rowp = (jnp.dot(xv, w[:D_NODE, :], preferred_element_type=_f32)
            + jnp.dot(oh, ub1, preferred_element_type=_f32) + be1[0])
    xm = jnp.dot(xv, Wn1a[:D_NODE, :], preferred_element_type=_f32) + bn1a[0]
    trow[:, 0:MSG] = rowp
    trow[:, MSG:2 * MSG] = xm
    tcol[...] = jnp.dot(xv, w[D_NODE:2 * D_NODE, :], preferred_element_type=_f32)


def _tc1(x, batch3, u, We1, be1, Wn1a, bn1a):
    grid = N // NBLK
    return pl.pallas_call(
        _tc1_body,
        grid=(grid,),
        in_specs=[
            pl.BlockSpec((NBLK, D_NODE), lambda i: (i, 0)),
            pl.BlockSpec((1, 1, NBLK), lambda i: (i, 0, 0)),
            pl.BlockSpec(u.shape, lambda i: (0, 0)),
            pl.BlockSpec(We1.shape, lambda i: (0, 0)),
            pl.BlockSpec(be1.shape, lambda i: (0, 0)),
            pl.BlockSpec(Wn1a.shape, lambda i: (0, 0)),
            pl.BlockSpec(bn1a.shape, lambda i: (0, 0)),
        ],
        out_specs=[
            pl.BlockSpec((NBLK, 2 * MSG), lambda i: (i, 0)),
            pl.BlockSpec((NBLK, MSG), lambda i: (i, 0)),
        ],
        out_shape=[
            jax.ShapeDtypeStruct((N, 2 * MSG), _f32),
            jax.ShapeDtypeStruct((N, MSG), _f32),
        ],
    )(x, batch3, u, We1, be1, Wn1a, bn1a)



def _sc_gather_body(trow, tcol, ridx, cidx, grow,
                    idxr, idxc, bufr0, bufr1, bufc0, bufc1,
                    semi, semg0, semg1, semw0, semw1):
    c = lax.axis_index("c")
    s = lax.axis_index("s")
    rbase = jnp.where(c == 1, s * R_C0, NS * R_C0 + s * R_C1)
    n_sup = jnp.where(c == 1, R_C0 // (2 * CH), R_C1 // (2 * CH))
    ebase = rbase * 128
    cpi1 = pltpu.async_copy(ridx.at[pl.ds(rbase, R_C0)], idxr, semi)
    cpi2 = pltpu.async_copy(cidx.at[pl.ds(rbase, R_C0)], idxc, semi)
    cpi1.wait()
    cpi2.wait()

    def g_list(k, br, bc, sem):
        r0 = k * CH
        out = []
        for j in range(CH):
            out.append((trow.at[idxr.at[r0 + j]],
                        br.at[pl.ds(j * 128, 128)], sem))
            out.append((tcol.at[idxc.at[r0 + j]],
                        bc.at[pl.ds(j * 128, 128)], sem))
        return out

    def w_list(k, br, bc, sem):
        e0 = ebase + k * CH * 128
        return [(br, grow.at[pl.ds(e0, CH * 128), pl.ds(0, 2 * MSG)], sem),
                (bc, grow.at[pl.ds(e0, CH * 128), pl.ds(2 * MSG, MSG)], sem)]

    def fire(tl):
        for a, b, m in tl:
            pltpu.async_copy(a, b, m)

    def drain(tl):
        for a, b, m in tl:
            pltpu.make_async_copy(a, b, m).wait()

    fire(g_list(0, bufr0, bufc0, semg0))

    def sup(i, carry):
        k0 = 2 * i
        k1 = 2 * i + 1

        @pl.when(i > 0)
        def _():
            drain(w_list(k1, bufr1, bufc1, semw1))

        fire(g_list(k1, bufr1, bufc1, semg1))
        drain(g_list(k0, bufr0, bufc0, semg0))
        fire(w_list(k0, bufr0, bufc0, semw0))
        drain(g_list(k1, bufr1, bufc1, semg1))
        fire(w_list(k1, bufr1, bufc1, semw1))

        @pl.when(i < n_sup - 1)
        def _():
            drain(w_list(k0, bufr0, bufc0, semw0))
            fire(g_list(k0 + 2, bufr0, bufc0, semg0))

        return carry

    lax.fori_loop(0, n_sup, sup, 0)
    drain(w_list(0, bufr0, bufc0, semw0))
    drain(w_list(0, bufr1, bufc1, semw1))


def _sc_gather(trow, tcol, ridx, cidx):
    mesh = plsc.VectorSubcoreMesh(core_axis_name="c", subcore_axis_name="s",
                                  num_cores=NC, num_subcores=NS)
    fn = pl.kernel(
        _sc_gather_body,
        out_type=jax.ShapeDtypeStruct((E_PAD_H, 128), _f32),
        mesh=mesh,
        compiler_params=pltpu.CompilerParams(use_tc_tiling_on_sc=False),
        scratch_types=[
            pltpu.VMEM((R_C0, 128), jnp.int32),
            pltpu.VMEM((R_C0, 128), jnp.int32),
            pltpu.VMEM((CH * 128, 2 * MSG), _f32),
            pltpu.VMEM((CH * 128, 2 * MSG), _f32),
            pltpu.VMEM((CH * 128, MSG), _f32),
            pltpu.VMEM((CH * 128, MSG), _f32),
            pltpu.SemaphoreType.DMA,
            pltpu.SemaphoreType.DMA,
            pltpu.SemaphoreType.DMA,
            pltpu.SemaphoreType.DMA,
            pltpu.SemaphoreType.DMA,
        ],
    )
    return fn(trow, tcol, ridx, cidx)



def _tc2_body(gb, eaTb, We1, We2, be2, Wn1a, Wn1b, bn1b, *rest):
    en_out, m_out = rest[-2], rest[-1]
    g = gb[...]
    dn0 = (((0,), (0,)), ((), ()))
    eap = lax.dot_general(eaTb[...],
                          We1[2 * D_NODE:2 * D_NODE + D_EDGE, :], dn0,
                          preferred_element_type=_f32)
    h1 = jnp.maximum(g[:, 0:MSG] + g[:, 2 * MSG:3 * MSG] + eap, 0.0)
    enT = lax.dot_general(We2[...], h1, (((0,), (1,)), ((), ())),
                          preferred_element_type=_f32) + be2[...]
    en_out[...] = enT
    mh = jnp.maximum(
        g[:, MSG:2 * MSG]
        + lax.dot_general(enT, Wn1a[D_NODE:D_NODE + D_EDGE, :], dn0,
                          preferred_element_type=_f32),
        0.0)
    m = jnp.dot(mh, Wn1b[...], preferred_element_type=_f32) + bn1b[0]
    m_out[:, 0:MSG] = m
    m_out[:, MSG:] = jnp.zeros((EBLK, 128 - MSG), _f32)


def _tc2(g, ea, We1, We2, be2, Wn1a, Wn1b, bn1b, half, en_prev=None):
    grid = EH // EBLK
    off = half * grid
    in_specs = [
        pl.BlockSpec((EBLK, 128), lambda i: (i, 0)),
        pl.BlockSpec((D_EDGE, EBLK), lambda i: (0, i + off)),
        pl.BlockSpec(We1.shape, lambda i: (0, 0)),
        pl.BlockSpec(We2.shape, lambda i: (0, 0)),
        pl.BlockSpec(be2.shape, lambda i: (0, 0)),
        pl.BlockSpec(Wn1a.shape, lambda i: (0, 0)),
        pl.BlockSpec(Wn1b.shape, lambda i: (0, 0)),
        pl.BlockSpec(bn1b.shape, lambda i: (0, 0)),
    ]
    args = [g, ea, We1, We2, be2, Wn1a, Wn1b, bn1b]
    aliases = {}
    if en_prev is not None:
        in_specs.append(pl.BlockSpec(memory_space=pl.ANY))
        args.append(en_prev)
        aliases = {8: 0}
    return pl.pallas_call(
        _tc2_body,
        grid=(grid,),
        in_specs=in_specs,
        out_specs=[
            pl.BlockSpec((D_EDGE, EBLK), lambda i: (0, i + off)),
            pl.BlockSpec((EBLK, 128), lambda i: (i, 0)),
        ],
        out_shape=[
            jax.ShapeDtypeStruct((D_EDGE, E), _f32),
            jax.ShapeDtypeStruct((E_PAD_H, 128), _f32),
        ],
        input_output_aliases=aliases,
    )(*args)



def _sc_scatter_body(m_a, m_b, ca, cb, out_hbm, acc, mbuf0, mbuf1, idxc, zbuf,
                     semz, semi, seml0, seml1, sems0, sems1, semo):
    c = lax.axis_index("c")
    s = lax.axis_index("s")
    wid = s * NC + c
    rbase = wid * ROWS_PER_W
    ebase = rbase * 128

    def zfill(i, carry):
        zbuf[i, pl.ds(0, 16)] = jnp.zeros((16,), _f32)
        zbuf[i, pl.ds(16, 16)] = jnp.zeros((16,), _f32)
        zbuf[i, pl.ds(32, 16)] = jnp.zeros((16,), _f32)
        return carry

    lax.fori_loop(0, ROWS_PER_TILE // 2, zfill, 0)
    row0 = s * ROWS_PER_TILE
    pltpu.async_copy(zbuf, acc.at[pl.ds(row0, ROWS_PER_TILE // 2)], semz).wait()
    pltpu.async_copy(
        zbuf, acc.at[pl.ds(row0 + ROWS_PER_TILE // 2, ROWS_PER_TILE // 2)],
        semz).wait()

    def ofill(i, carry):
        mbuf0[i, pl.ds(MSG, 16)] = jnp.full((16,), 1.0, _f32)
        mbuf1[i, pl.ds(MSG, 16)] = jnp.full((16,), 1.0, _f32)
        return carry

    lax.fori_loop(0, CH * 128, ofill, 0)
    plsc.subcore_barrier()

    def fire(tl, add=False):
        for a, b, m in tl:
            pltpu.async_copy(a, b, m, add=add)

    def drain(tl):
        for a, b, m in tl:
            pltpu.make_async_copy(a, b, m).wait()

    def run_half(m_hbm, cidx):
        pltpu.async_copy(cidx.at[pl.ds(rbase, ROWS_PER_W)], idxc, semi).wait()

        def l_list(k, mb, sem):
            e0 = ebase + k * CH * 128
            return [(m_hbm.at[pl.ds(e0, CH * 128), pl.ds(0, MSG)],
                     mb.at[:, pl.ds(0, MSG)], sem)]

        def s_list(k, mb, sem):
            r0 = k * CH
            return [(mb.at[pl.ds(j * 128, 128)], acc.at[idxc.at[r0 + j]], sem)
                    for j in range(CH)]

        fire(l_list(0, mbuf0, seml0))

        def sup(i, carry):
            k0 = 2 * i
            k1 = 2 * i + 1

            @pl.when(i > 0)
            def _():
                drain(s_list(k1, mbuf1, sems1))

            fire(l_list(k1, mbuf1, seml1))
            drain(l_list(k0, mbuf0, seml0))
            fire(s_list(k0, mbuf0, sems0), add=True)
            drain(l_list(k1, mbuf1, seml1))
            fire(s_list(k1, mbuf1, sems1), add=True)

            @pl.when(i < N_SUP - 1)
            def _():
                drain(s_list(k0, mbuf0, sems0))
                fire(l_list(k0 + 2, mbuf0, seml0))

            return carry

        lax.fori_loop(0, N_SUP, sup, 0)
        drain(s_list(0, mbuf0, sems0))
        drain(s_list(0, mbuf1, sems1))

    run_half(m_a, ca)
    run_half(m_b, cb)
    plsc.subcore_barrier()
    pltpu.async_copy(acc.at[pl.ds(row0, ROWS_PER_TILE)],
                     out_hbm.at[c, pl.ds(row0, ROWS_PER_TILE)], semo).wait()


def _sc_scatter(m_a, m_b, ca, cb):
    mesh = plsc.VectorSubcoreMesh(core_axis_name="c", subcore_axis_name="s",
                                  num_cores=NC, num_subcores=NS)
    fn = pl.kernel(
        _sc_scatter_body,
        out_type=jax.ShapeDtypeStruct((NC, N_ACC, ACC_W), _f32),
        mesh=mesh,
        compiler_params=pltpu.CompilerParams(use_tc_tiling_on_sc=False),
        scratch_types=[
            pltpu.VMEM_SHARED((N_ACC, ACC_W), _f32),
            pltpu.VMEM((CH * 128, ACC_W), _f32),
            pltpu.VMEM((CH * 128, ACC_W), _f32),
            pltpu.VMEM((ROWS_PER_W, 128), jnp.int32),
            pltpu.VMEM((ROWS_PER_TILE // 2, ACC_W), _f32),
            pltpu.SemaphoreType.DMA,
            pltpu.SemaphoreType.DMA,
            pltpu.SemaphoreType.DMA,
            pltpu.SemaphoreType.DMA,
            pltpu.SemaphoreType.DMA,
            pltpu.SemaphoreType.DMA,
            pltpu.SemaphoreType.DMA,
        ],
    )
    return fn(m_a, m_b, ca, cb)



def _tc3_body(xb, pb, bb, u, Wn2a, bn2a, Wn2b, bn2b, Wg1, bg1, Wg2, bg2,
              xn_out, un_out, xsum, nct):
    i = pl.program_id(0)
    p = pb[...]
    ssum = p[0] + p[1]
    agg = ssum[:, 0:MSG] / jnp.maximum(ssum[:, MSG:MSG + 1], 1.0)
    b = bb[0, 0, :]
    oh = (b[:, None] == lax.broadcasted_iota(jnp.int32, (NBLK, G), 1)).astype(_f32)
    wa = Wn2a[...]
    ub2 = jnp.dot(u[...], wa[D_NODE + MSG:, :], preferred_element_type=_f32)
    h = jnp.maximum(
        jnp.dot(xb[...], wa[:D_NODE, :], preferred_element_type=_f32)
        + jnp.dot(agg, wa[D_NODE:D_NODE + MSG, :], preferred_element_type=_f32)
        + jnp.dot(oh, ub2, preferred_element_type=_f32) + bn2a[0],
        0.0)
    xn = jnp.dot(h, Wn2b[...], preferred_element_type=_f32) + bn2b[0]
    xn_out[...] = xn

    @pl.when(i == 0)
    def _init():
        xsum[...] = jnp.zeros((G, D_NODE), _f32)
        nct[...] = jnp.zeros((G, D_NODE), _f32)

    dn = (((0,), (0,)), ((), ()))
    xsum[...] += lax.dot_general(oh, xn, dn, preferred_element_type=_f32)
    nct[...] += lax.dot_general(oh, jnp.ones((NBLK, D_NODE), _f32), dn,
                                preferred_element_type=_f32)

    @pl.when(i == (N // NBLK) - 1)
    def _fin():
        xmean = xsum[...] / jnp.maximum(nct[...], 1.0)
        uu = u[...]
        gh = jnp.maximum(
            jnp.dot(uu, Wg1[:D_U, :], preferred_element_type=_f32)
            + jnp.dot(xmean, Wg1[D_U:, :], preferred_element_type=_f32)
            + bg1[0],
            0.0)
        un_out[...] = jnp.dot(gh, Wg2[...], preferred_element_type=_f32) + bg2[0]


def _tc3(x, parts, batch3, u, Wn2a, bn2a, Wn2b, bn2b, Wg1, bg1, Wg2, bg2):
    grid = N // NBLK
    return pl.pallas_call(
        _tc3_body,
        grid=(grid,),
        in_specs=[
            pl.BlockSpec((NBLK, D_NODE), lambda i: (i, 0)),
            pl.BlockSpec((NC, NBLK, ACC_W), lambda i: (0, i, 0)),
            pl.BlockSpec((1, 1, NBLK), lambda i: (i, 0, 0)),
            pl.BlockSpec(u.shape, lambda i: (0, 0)),
            pl.BlockSpec(Wn2a.shape, lambda i: (0, 0)),
            pl.BlockSpec(bn2a.shape, lambda i: (0, 0)),
            pl.BlockSpec(Wn2b.shape, lambda i: (0, 0)),
            pl.BlockSpec(bn2b.shape, lambda i: (0, 0)),
            pl.BlockSpec(Wg1.shape, lambda i: (0, 0)),
            pl.BlockSpec(bg1.shape, lambda i: (0, 0)),
            pl.BlockSpec(Wg2.shape, lambda i: (0, 0)),
            pl.BlockSpec(bg2.shape, lambda i: (0, 0)),
        ],
        out_specs=[
            pl.BlockSpec((NBLK, D_NODE), lambda i: (i, 0)),
            pl.BlockSpec((G, D_U), lambda i: (0, 0)),
        ],
        out_shape=[
            jax.ShapeDtypeStruct((N, D_NODE), _f32),
            jax.ShapeDtypeStruct((G, D_U), _f32),
        ],
        scratch_shapes=[
            pltpu.VMEM((G, D_NODE), _f32),
            pltpu.VMEM((G, D_NODE), _f32),
        ],
    )(x, parts, batch3, u, Wn2a, bn2a, Wn2b, bn2b, Wg1, bg1, Wg2, bg2)



def kernel(x, edge_index, edge_attr, u, batch,
           We1, be1, We2, be2,
           Wn1a, bn1a, Wn1b, bn1b,
           Wn2a, bn2a, Wn2b, bn2b,
           Wg1, bg1, Wg2, bg2):
    row = edge_index[0]
    col = edge_index[1]
    def _idx(v, fill, rows):
        return jnp.pad(v, (0, rows * 128 - EH),
                       constant_values=fill).reshape(rows, 128)

    ridx_a = _idx(row[:EH], 0, IDX_ROWS_G)
    ridx_b = _idx(row[EH:], 0, IDX_ROWS_G)
    cg_a = _idx(col[:EH], 0, IDX_ROWS_G)
    cg_b = _idx(col[EH:], 0, IDX_ROWS_G)
    cs_a = _idx(col[:EH], N, IDX_ROWS_H)
    cs_b = _idx(col[EH:], N, IDX_ROWS_H)
    batch3 = batch.reshape(N // NBLK, 1, NBLK)
    be1_ = be1.reshape(1, -1)
    be2_ = be2.reshape(-1, 1)
    bn1a_ = bn1a.reshape(1, -1)
    bn1b_ = bn1b.reshape(1, -1)
    bn2a_ = bn2a.reshape(1, -1)
    bn2b_ = bn2b.reshape(1, -1)
    bg1_ = bg1.reshape(1, -1)
    bg2_ = bg2.reshape(1, -1)

    trow, tcol = _tc1(x, batch3, u, We1, be1_, Wn1a, bn1a_)
    g_a = _sc_gather(trow, tcol, ridx_a, cg_a)
    g_b = _sc_gather(trow, tcol, ridx_b, cg_b)
    eaT = edge_attr.T
    enT_a, m_a = _tc2(g_a, eaT, We1, We2, be2_, Wn1a, Wn1b, bn1b_, 0)
    enT, m_b = _tc2(g_b, eaT, We1, We2, be2_, Wn1a, Wn1b, bn1b_, 1,
                    en_prev=enT_a)
    edge_new = enT.T
    parts = _sc_scatter(m_a, m_b, cs_a, cs_b)
    x_new, u_new = _tc3(x, parts, batch3, u,
                        Wn2a, bn2a_, Wn2b, bn2b_, Wg1, bg1_, Wg2, bg2_)
    return (x_new, edge_new, u_new)

# --- scband reference (transcript-rebuilt; emitter-appended) ---
"""Pipeline reference for scband-mpnns-85143431676130 (READ-ONLY COPY).

The authoritative reference and input builder live on the scoring server;
editing this copy changes nothing except your own understanding.
"""

import jax, jax.numpy as jnp
import numpy as np

N = 10000
E = 320000
G = 16
D_NODE = 128
D_EDGE = 16
D_U = 16
MSG = 32
D_NODE_OUT = 128
D_EDGE_OUT = 16
D_U_OUT = 16


def _lin(key, fan_in, fan_out):
    kw, kb = jax.random.split(key)
    lim = 1.0 / np.sqrt(fan_in)
    W = jax.random.uniform(kw, (fan_in, fan_out), minval=-lim, maxval=lim, dtype=jnp.float32)
    b = jax.random.uniform(kb, (fan_out,), minval=-lim, maxval=lim, dtype=jnp.float32)
    return W, b


def setup_inputs(seed: int = 0):
    key = jax.random.key(seed)
    ks = jax.random.split(key, 16)
    x = jax.random.normal(ks[0], (N, D_NODE), dtype=jnp.float32)
    edge_index = jax.random.randint(ks[1], (2, E), 0, N, dtype=jnp.int32)
    edge_attr = jax.random.normal(ks[2], (E, D_EDGE), dtype=jnp.float32)
    u = jax.random.normal(ks[3], (G, D_U), dtype=jnp.float32)
    batch = jnp.sort(jax.random.randint(ks[4], (N,), 0, G, dtype=jnp.int32))
    We1, be1 = _lin(ks[5], 2 * D_NODE + D_EDGE + D_U, MSG)
    We2, be2 = _lin(ks[6], MSG, D_EDGE_OUT)
    Wn1a, bn1a = _lin(ks[7], D_NODE + D_EDGE_OUT, MSG)
    Wn1b, bn1b = _lin(ks[8], MSG, MSG)
    Wn2a, bn2a = _lin(ks[9], D_NODE + MSG + D_U, MSG)
    Wn2b, bn2b = _lin(ks[10], MSG, D_NODE_OUT)
    Wg1, bg1 = _lin(ks[11], D_U + D_NODE_OUT, MSG)
    Wg2, bg2 = _lin(ks[12], MSG, D_U_OUT)
    return {
        'x': x, 'edge_index': edge_index, 'edge_attr': edge_attr, 'u': u, 'batch': batch,
        'We1': We1, 'be1': be1, 'We2': We2, 'be2': be2,
        'Wn1a': Wn1a, 'bn1a': bn1a, 'Wn1b': Wn1b, 'bn1b': bn1b,
        'Wn2a': Wn2a, 'bn2a': bn2a, 'Wn2b': Wn2b, 'bn2b': bn2b,
        'Wg1': Wg1, 'bg1': bg1, 'Wg2': Wg2, 'bg2': bg2,
    }


def reference(x, edge_index, edge_attr, u, batch,
              We1, be1, We2, be2,
              Wn1a, bn1a, Wn1b, bn1b,
              Wn2a, bn2a, Wn2b, bn2b,
              Wg1, bg1, Wg2, bg2):
    row = edge_index[0]
    col = edge_index[1]
    src = x[row]
    dst = x[col]
    # EdgeModel: MLP on [x_src, x_dst, edge_attr, u[batch[row]]]
    e_in = jnp.concatenate([src, dst, edge_attr, u[batch[row]]], axis=1)
    edge_new = jax.nn.relu(e_in @ We1 + be1) @ We2 + be2
    # NodeModel: per-edge message MLP, scatter-mean to dst, then node MLP
    m = jnp.concatenate([src, edge_new], axis=1)
    m = jax.nn.relu(m @ Wn1a + bn1a) @ Wn1b + bn1b
    msum = jax.ops.segment_sum(m, col, num_segments=N)
    cnt = jax.ops.segment_sum(jnp.ones((E,), jnp.float32), col, num_segments=N)
    agg = msum / jnp.maximum(cnt, 1.0)[:, None]
    n_in = jnp.concatenate([x, agg, u[batch]], axis=1)
    x_new = jax.nn.relu(n_in @ Wn2a + bn2a) @ Wn2b + bn2b
    # GlobalModel: scatter-mean of new node feats per graph, concat with u
    xsum = jax.ops.segment_sum(x_new, batch, num_segments=G)
    ncnt = jax.ops.segment_sum(jnp.ones((N,), jnp.float32), batch, num_segments=G)
    xmean = xsum / jnp.maximum(ncnt, 1.0)[:, None]
    g_in = jnp.concatenate([u, xmean], axis=1)
    u_new = jax.nn.relu(g_in @ Wg1 + bg1) @ Wg2 + bg2
    # p_out is None -> no extra activation
    return (x_new, edge_new, u_new)

if __name__ == "__main__":
    import jax
    _d = setup_inputs()
    print(jax.jit(kernel)(*tuple(_d.values())))

</pallas_src>

<mosaic_0001>
#map = affine_map<(d0, d1) -> (0, 0)>
#map1 = affine_map<(d0, d1) -> (0, 0, 0)>
module attributes {stable_mosaic.version = 14 : i64} {
  func.func @_sc_scatter_body(%arg0: i32, %arg1: i32, %arg2: memref<163840x128xf32, #tpu.memory_space<hbm>>, %arg3: memref<163840x128xf32, #tpu.memory_space<hbm>>, %arg4: memref<1280x128xi32, #tpu.memory_space<hbm>>, %arg5: memref<1280x128xi32, #tpu.memory_space<hbm>>, %arg6: memref<2x10016x48xf32, #tpu.memory_space<hbm>>, %arg7: memref<10016x48xf32, #tpu.memory_space<vmem_shared>>, %arg8: memref<512x48xf32, #tpu.memory_space<vmem>>, %arg9: memref<512x48xf32, #tpu.memory_space<vmem>>, %arg10: memref<40x128xi32, #tpu.memory_space<vmem>>, %arg11: memref<313x48xf32, #tpu.memory_space<vmem>>, %arg12: memref<!tpu.dma_semaphore, #tpu.memory_space<semaphore_mem>>, %arg13: memref<!tpu.dma_semaphore, #tpu.memory_space<semaphore_mem>>, %arg14: memref<!tpu.dma_semaphore, #tpu.memory_space<semaphore_mem>>, %arg15: memref<!tpu.dma_semaphore, #tpu.memory_space<semaphore_mem>>, %arg16: memref<!tpu.dma_semaphore, #tpu.memory_space<semaphore_mem>>, %arg17: memref<!tpu.dma_semaphore, #tpu.memory_space<semaphore_mem>>, %arg18: memref<!tpu.dma_semaphore, #tpu.memory_space<semaphore_mem>>) attributes {dimension_semantics = [#tpu.dimension_semantics<core_parallel>, #tpu.dimension_semantics<subcore_parallel>], iteration_bounds = array<i64: 2, 16>, scalar_prefetch = 0 : i64, scratch_operands = 12 : i64, tpu.core_type = #tpu.core_type<sc_vector_subcore>, window_params = [{transform_indices = #map}, {transform_indices = #map}, {transform_indices = #map}, {transform_indices = #map}, {transform_indices = #map1}]} {
    %mul3A = arith.constant 2 : i32
    %mul3A_0 = arith.muli %arg1, %mul3A : i32
    %add3A = arith.addi %mul3A_0, %arg0 : i32
    %mul3A_1 = arith.constant 40 : i32
    %mul3A_2 = arith.muli %add3A, %mul3A_1 : i32
    %mul3A_3 = arith.constant 128 : i32
    %mul3A_4 = arith.muli %mul3A_2, %mul3A_3 : i32
    %scan3A = arith.constant 0 : i32
    %scan3A_5 = arith.constant 0 : i32
    %scan3A_6 = arith.constant 313 : i32
    %scan3A_7 = arith.addi %scan3A_5, %scan3A_6 : i32
    %scan3A_8 = arith.constant 1 : i32
    scf.for %scan3A_257 = %scan3A_5 to %scan3A_7 step %scan3A_8  : i32 {
      %broadcast_in_dim3A = arith.constant 0.000000e+00 : f32
      %broadcast_in_dim3A_258 = vector.broadcast %broadcast_in_dim3A : f32 to vector<16xf32>
      %swap3A = arith.index_cast %scan3A_257 : i32 to index
      %swap3A_259 = arith.constant 0 : index
      %swap3A_260 = tpu.vector_load %arg11[%swap3A, %swap3A_259] {strides = array<i32>} : memref<313x48xf32, #tpu.memory_space<vmem>>, vector<1x16xf32>,
      %swap3A_261 = vector.shape_cast %swap3A_260 : vector<1x16xf32> to vector<16xf32>
      %swap3A_262 = vector.shape_cast %broadcast_in_dim3A_258 : vector<16xf32> to vector<1x16xf32>
      tpu.vector_store %arg11[%swap3A, %swap3A_259], %swap3A_262 {strides = array<i32>} : memref<313x48xf32, #tpu.memory_space<vmem>>, vector<1x16xf32>,
      %broadcast_in_dim3A_263 = arith.constant 0.000000e+00 : f32
      %broadcast_in_dim3A_264 = vector.broadcast %broadcast_in_dim3A_263 : f32 to vector<16xf32>
      %swap3A_265 = arith.index_cast %scan3A_257 : i32 to index
      %swap3A_266 = arith.constant 16 : index
      %swap3A_267 = tpu.vector_load %arg11[%swap3A_265, %swap3A_266] {strides = array<i32>} : memref<313x48xf32, #tpu.memory_space<vmem>>, vector<1x16xf32>,
      %swap3A_268 = vector.shape_cast %swap3A_267 : vector<1x16xf32> to vector<16xf32>
      %swap3A_269 = vector.shape_cast %broadcast_in_dim3A_264 : vector<16xf32> to vector<1x16xf32>
      tpu.vector_store %arg11[%swap3A_265, %swap3A_266], %swap3A_269 {strides = array<i32>} : memref<313x48xf32, #tpu.memory_space<vmem>>, vector<1x16xf32>,
      %broadcast_in_dim3A_270 = arith.constant 0.000000e+00 : f32
      %broadcast_in_dim3A_271 = vector.broadcast %broadcast_in_dim3A_270 : f32 to vector<16xf32>
      %swap3A_272 = arith.index_cast %scan3A_257 : i32 to index
      %swap3A_273 = arith.constant 32 : index
      %swap3A_274 = tpu.vector_load %arg11[%swap3A_272, %swap3A_273] {strides = array<i32>} : memref<313x48xf32, #tpu.memory_space<vmem>>, vector<1x16xf32>,
      %swap3A_275 = vector.shape_cast %swap3A_274 : vector<1x16xf32> to vector<16xf32>
      %swap3A_276 = vector.shape_cast %broadcast_in_dim3A_271 : vector<16xf32> to vector<1x16xf32>
      tpu.vector_store %arg11[%swap3A_272, %swap3A_273], %swap3A_276 {strides = array<i32>} : memref<313x48xf32, #tpu.memory_space<vmem>>, vector<1x16xf32>,
    }
    %scan3A_9 = arith.constant 313 : i32
    %mul3A_10 = arith.constant 626 : i32
    %mul3A_11 = arith.muli %arg1, %mul3A_10 : i32
    %dma_start3A = arith.constant 0 : i32
    %dma_start3A_12 = tpu.memref_slice %arg7[%mul3A_11, %dma_start3A] : memref<10016x48xf32, #tpu.memory_space<vmem_shared>> -> memref<313x48xf32, #tpu.memory_space<vmem_shared>>
    %dma_start3A_13 = arith.constant 0 : i32
    %dma_start3A_14 = tpu.memref_slice %arg7[%mul3A_11, %dma_start3A_13] : memref<10016x48xf32, #tpu.memory_space<vmem_shared>> -> memref<313x48xf32, #tpu.memory_space<vmem_shared>>
    tpu.enqueue_dma source(%arg11 : memref<313x48xf32, #tpu.memory_space<vmem>>) target(%dma_start3A_14 : memref<313x48xf32, #tpu.memory_space<vmem_shared>>) target_semaphore(%arg12 : memref<!tpu.dma_semaphore, #tpu.memory_space<semaphore_mem>>)
    %dma_wait3A = arith.constant 0 : i32
    %dma_wait3A_15 = tpu.memref_slice %arg7[%mul3A_11, %dma_wait3A] : memref<10016x48xf32, #tpu.memory_space<vmem_shared>> -> memref<313x48xf32, #tpu.memory_space<vmem_shared>>
    %dma_wait3A_16 = arith.constant 0 : i32
    %dma_wait3A_17 = tpu.memref_slice %arg7[%mul3A_11, %dma_wait3A_16] : memref<10016x48xf32, #tpu.memory_space<vmem_shared>> -> memref<313x48xf32, #tpu.memory_space<vmem_shared>>
    tpu.wait_dma2 semaphore(%arg12 : memref<!tpu.dma_semaphore, #tpu.memory_space<semaphore_mem>>) src(%arg11 : memref<313x48xf32, #tpu.memory_space<vmem>>) dst(%dma_wait3A_17 : memref<313x48xf32, #tpu.memory_space<vmem_shared>>)
    %add3A_18 = arith.constant 313 : i32
    %add3A_19 = arith.addi %mul3A_11, %add3A_18 : i32
    %dma_start3A_20 = arith.constant 0 : i32
    %dma_start3A_21 = tpu.memref_slice %arg7[%add3A_19, %dma_start3A_20] : memref<10016x48xf32, #tpu.memory_space<vmem_shared>> -> memref<313x48xf32, #tpu.memory_space<vmem_shared>>
    %dma_start3A_22 = arith.constant 0 : i32
    %dma_start3A_23 = tpu.memref_slice %arg7[%add3A_19, %dma_start3A_22] : memref<10016x48xf32, #tpu.memory_space<vmem_shared>> -> memref<313x48xf32, #tpu.memory_space<vmem_shared>>
    tpu.enqueue_dma source(%arg11 : memref<313x48xf32, #tpu.memory_space<vmem>>) target(%dma_start3A_23 : memref<313x48xf32, #tpu.memory_space<vmem_shared>>) target_semaphore(%arg12 : memref<!tpu.dma_semaphore, #tpu.memory_space<semaphore_mem>>)
    %dma_wait3A_24 = arith.constant 0 : i32
    %dma_wait3A_25 = tpu.memref_slice %arg7[%add3A_19, %dma_wait3A_24] : memref<10016x48xf32, #tpu.memory_space<vmem_shared>> -> memref<313x48xf32, #tpu.memory_space<vmem_shared>>
    %dma_wait3A_26 = arith.constant 0 : i32
    %dma_wait3A_27 = tpu.memref_slice %arg7[%add3A_19, %dma_wait3A_26] : memref<10016x48xf32, #tpu.memory_space<vmem_shared>> -> memref<313x48xf32, #tpu.memory_space<vmem_shared>>
    tpu.wait_dma2 semaphore(%arg12 : memref<!tpu.dma_semaphore, #tpu.memory_space<semaphore_mem>>) src(%arg11 : memref<313x48xf32, #tpu.memory_space<vmem>>) dst(%dma_wait3A_27 : memref<313x48xf32, #tpu.memory_space<vmem_shared>>)
    %scan3A_28 = arith.constant 0 : i32
    %scan3A_29 = arith.constant 0 : i32
    %scan3A_30 = arith.constant 512 : i32
    %scan3A_31 = arith.addi %scan3A_29, %scan3A_30 : i32
    %scan3A_32 = arith.constant 1 : i32
    scf.for %scan3A_257 = %scan3A_29 to %scan3A_31 step %scan3A_32  : i32 {
      %broadcast_in_dim3A = arith.constant 1.000000e+00 : f32
      %broadcast_in_dim3A_258 = vector.broadcast %broadcast_in_dim3A : f32 to vector<16xf32>
      %swap3A = arith.index_cast %scan3A_257 : i32 to index
      %swap3A_259 = arith.constant 32 : index
      %swap3A_260 = tpu.vector_load %arg8[%swap3A, %swap3A_259] {strides = array<i32>} : memref<512x48xf32, #tpu.memory_space<vmem>>, vector<1x16xf32>,
      %swap3A_261 = vector.shape_cast %swap3A_260 : vector<1x16xf32> to vector<16xf32>
      %swap3A_262 = vector.shape_cast %broadcast_in_dim3A_258 : vector<16xf32> to vector<1x16xf32>
      tpu.vector_store %arg8[%swap3A, %swap3A_259], %swap3A_262 {strides = array<i32>} : memref<512x48xf32, #tpu.memory_space<vmem>>, vector<1x16xf32>,
      %broadcast_in_dim3A_263 = arith.constant 1.000000e+00 : f32
      %broadcast_in_dim3A_264 = vector.broadcast %broadcast_in_dim3A_263 : f32 to vector<16xf32>
      %swap3A_265 = arith.index_cast %scan3A_257 : i32 to index
      %swap3A_266 = arith.constant 32 : index
      %swap3A_267 = tpu.vector_load %arg9[%swap3A_265, %swap3A_266] {strides = array<i32>} : memref<512x48xf32, #tpu.memory_space<vmem>>, vector<1x16xf32>,
      %swap3A_268 = vector.shape_cast %swap3A_267 : vector<1x16xf32> to vector<16xf32>
      %swap3A_269 = vector.shape_cast %broadcast_in_dim3A_264 : vector<16xf32> to vector<1x16xf32>
      tpu.vector_store %arg9[%swap3A_265, %swap3A_266], %swap3A_269 {strides = array<i32>} : memref<512x48xf32, #tpu.memory_space<vmem>>, vector<1x16xf32>,
    }
    %scan3A_33 = arith.constant 512 : i32
    %barrier3A = arith.constant 0 : index
    tpu.barrier barrier_id(%barrier3A)
    %dma_start3A_34 = arith.constant 0 : i32
    %dma_start3A_35 = tpu.memref_slice %arg4[%mul3A_2, %dma_start3A_34] : memref<1280x128xi32, #tpu.memory_space<hbm>> -> memref<40x128xi32, #tpu.memory_space<hbm>>
    %dma_start3A_36 = arith.constant 0 : i32
    %dma_start3A_37 = tpu.memref_slice %arg4[%mul3A_2, %dma_start3A_36] : memref<1280x128xi32, #tpu.memory_space<hbm>> -> memref<40x128xi32, #tpu.memory_space<hbm>>
    tpu.enqueue_dma source(%dma_start3A_37 : memref<40x128xi32, #tpu.memory_space<hbm>>) target(%arg10 : memref<40x128xi32, #tpu.memory_space<vmem>>) target_semaphore(%arg13 : memref<!tpu.dma_semaphore, #tpu.memory_space<semaphore_mem>>)
    %dma_wait3A_38 = arith.constant 0 : i32
    %dma_wait3A_39 = tpu.memref_slice %arg4[%mul3A_2, %dma_wait3A_38] : memref<1280x128xi32, #tpu.memory_space<hbm>> -> memref<40x128xi32, #tpu.memory_space<hbm>>
    %dma_wait3A_40 = arith.constant 0 : i32
    %dma_wait3A_41 = tpu.memref_slice %arg4[%mul3A_2, %dma_wait3A_40] : memref<1280x128xi32, #tpu.memory_space<hbm>> -> memref<40x128xi32, #tpu.memory_space<hbm>>
    tpu.wait_dma2 semaphore(%arg13 : memref<!tpu.dma_semaphore, #tpu.memory_space<semaphore_mem>>) src(%dma_wait3A_41 : memref<40x128xi32, #tpu.memory_space<hbm>>) dst(%arg10 : memref<40x128xi32, #tpu.memory_space<vmem>>)
    %add3A_42 = arith.constant 0 : i32
    %add3A_43 = arith.addi %mul3A_4, %add3A_42 : i32
    %dma_start3A_44 = arith.constant 0 : i32
    %dma_start3A_45 = arith.constant 0 : i32
    %dma_start3A_46 = tpu.memref_slice %arg8[%dma_start3A_44, %dma_start3A_45] : memref<512x48xf32, #tpu.memory_space<vmem>> -> memref<512x32xf32, #tpu.memory_space<vmem>>
    %dma_start3A_47 = arith.constant 0 : i32
    %dma_start3A_48 = tpu.memref_slice %arg2[%add3A_43, %dma_start3A_47] : memref<163840x128xf32, #tpu.memory_space<hbm>> -> memref<512x32xf32, #tpu.memory_space<hbm>>
    %dma_start3A_49 = arith.constant 0 : i32
    %dma_start3A_50 = arith.constant 0 : i32
    %dma_start3A_51 = tpu.memref_slice %arg8[%dma_start3A_49, %dma_start3A_50] : memref<512x48xf32, #tpu.memory_space<vmem>> -> memref<512x32xf32, #tpu.memory_space<vmem>>
    %dma_start3A_52 = arith.constant 0 : i32
    %dma_start3A_53 = tpu.memref_slice %arg2[%add3A_43, %dma_start3A_52] : memref<163840x128xf32, #tpu.memory_space<hbm>> -> memref<512x32xf32, #tpu.memory_space<hbm>>
    tpu.enqueue_dma source(%dma_start3A_53 : memref<512x32xf32, #tpu.memory_space<hbm>>) target(%dma_start3A_51 : memref<512x32xf32, #tpu.memory_space<vmem>>) target_semaphore(%arg14 : memref<!tpu.dma_semaphore, #tpu.memory_space<semaphore_mem>>)
    %scan3A_54 = arith.constant 0 : i32
    %scan3A_55 = arith.constant 0 : i32
    %scan3A_56 = arith.constant 5 : i32
    %scan3A_57 = arith.addi %scan3A_55, %scan3A_56 : i32
    %scan3A_58 = arith.constant 1 : i32
    scf.for %scan3A_257 = %scan3A_55 to %scan3A_57 step %scan3A_58  : i32 {
      %mul3A_258 = arith.constant 2 : i32
      %mul3A_259 = arith.muli %mul3A_258, %scan3A_257 : i32
      %mul3A_260 = arith.constant 2 : i32
      %mul3A_261 = arith.muli %mul3A_260, %scan3A_257 : i32
      %add3A_262 = arith.constant 1 : i32
      %add3A_263 = arith.addi %mul3A_261, %add3A_262 : i32
      %gt3A = arith.constant 0 : i32
      %gt3A_264 = arith.cmpi sgt, %scan3A_257, %gt3A : i32
      %convert_element_type3A = arith.extui %gt3A_264 : i1 to i32
      %cond3A = arith.constant 0 : i32
      %cond3A_265 = arith.cmpi ne, %convert_element_type3A, %cond3A : i32
      scf.if %cond3A_265 {
        %mul3A_407 = arith.constant 4 : i32
        %mul3A_408 = arith.muli %add3A_263, %mul3A_407 : i32
        %add3A_409 = arith.constant 0 : i32
        %add3A_410 = arith.addi %mul3A_408, %add3A_409 : i32
        %add3A_411 = arith.constant 1 : i32
        %add3A_412 = arith.addi %mul3A_408, %add3A_411 : i32
        %add3A_413 = arith.constant 2 : i32
        %add3A_414 = arith.addi %mul3A_408, %add3A_413 : i32
        %add3A_415 = arith.constant 3 : i32
        %add3A_416 = arith.addi %mul3A_408, %add3A_415 : i32
        %dma_wait3A_417 = arith.constant 0 : i32
        %dma_wait3A_418 = arith.constant 0 : i32
        %dma_wait3A_419 = tpu.memref_slice %arg9[%dma_wait3A_417, %dma_wait3A_418] : memref<512x48xf32, #tpu.memory_space<vmem>> -> memref<128x48xf32, #tpu.memory_space<vmem>>
        %dma_wait3A_420 = arith.constant 0 : i32
        %dma_wait3A_421 = tpu.memref_slice %arg10[%add3A_410, %dma_wait3A_420] : memref<40x128xi32, #tpu.memory_space<vmem>> -> memref<1x128xi32, #tpu.memory_space<vmem>>
        %dma_wait3A_422 = tpu.memref_squeeze %dma_wait3A_421 : memref<1x128xi32, #tpu.memory_space<vmem>> -> memref<128xi32, #tpu.memory_space<vmem>>
        %dma_wait3A_423 = arith.constant 0 : i32
        %dma_wait3A_424 = arith.constant 0 : i32
        %dma_wait3A_425 = tpu.memref_slice %arg7[%dma_wait3A_423, %dma_wait3A_424] : memref<10016x48xf32, #tpu.memory_space<vmem_shared>> -> memref<10016x48xf32, #tpu.memory_space<vmem_shared>>
        tpu.wait_indirect_dma semaphore(%arg17 : memref<!tpu.dma_semaphore, #tpu.memory_space<semaphore_mem>>) src(%dma_wait3A_419 : memref<128x48xf32, #tpu.memory_space<vmem>>) dst(%dma_wait3A_425 : memref<10016x48xf32, #tpu.memory_space<vmem_shared>>)
        %dma_wait3A_426 = arith.constant 128 : i32
        %dma_wait3A_427 = arith.constant 0 : i32
        %dma_wait3A_428 = tpu.memref_slice %arg9[%dma_wait3A_426, %dma_wait3A_427] : memref<512x48xf32, #tpu.memory_space<vmem>> -> memref<128x48xf32, #tpu.memory_space<vmem>>
        %dma_wait3A_429 = arith.constant 0 : i32
        %dma_wait3A_430 = tpu.memref_slice %arg10[%add3A_412, %dma_wait3A_429] : memref<40x128xi32, #tpu.memory_space<vmem>> -> memref<1x128xi32, #tpu.memory_space<vmem>>
        %dma_wait3A_431 = tpu.memref_squeeze %dma_wait3A_430 : memref<1x128xi32, #tpu.memory_space<vmem>> -> memref<128xi32, #tpu.memory_space<vmem>>
        %dma_wait3A_432 = arith.constant 0 : i32
        %dma_wait3A_433 = arith.constant 0 : i32
        %dma_wait3A_434 = tpu.memref_slice %arg7[%dma_wait3A_432, %dma_wait3A_433] : memref<10016x48xf32, #tpu.memory_space<vmem_shared>> -> memref<10016x48xf32, #tpu.memory_space<vmem_shared>>
        tpu.wait_indirect_dma semaphore(%arg17 : memref<!tpu.dma_semaphore, #tpu.memory_space<semaphore_mem>>) src(%dma_wait3A_428 : memref<128x48xf32, #tpu.memory_space<vmem>>) dst(%dma_wait3A_434 : memref<10016x48xf32, #tpu.memory_space<vmem_shared>>)
        %dma_wait3A_435 = arith.constant 256 : i32
        %dma_wait3A_436 = arith.constant 0 : i32
        %dma_wait3A_437 = tpu.memref_slice %arg9[%dma_wait3A_435, %dma_wait3A_436] : memref<512x48xf32, #tpu.memory_space<vmem>> -> memref<128x48xf32, #tpu.memory_space<vmem>>
        %dma_wait3A_438 = arith.constant 0 : i32
        %dma_wait3A_439 = tpu.memref_slice %arg10[%add3A_414, %dma_wait3A_438] : memref<40x128xi32, #tpu.memory_space<vmem>> -> memref<1x128xi32, #tpu.memory_space<vmem>>
        %dma_wait3A_440 = tpu.memref_squeeze %dma_wait3A_439 : memref<1x128xi32, #tpu.memory_space<vmem>> -> memref<128xi32, #tpu.memory_space<vmem>>
        %dma_wait3A_441 = arith.constant 0 : i32
        %dma_wait3A_442 = arith.constant 0 : i32
        %dma_wait3A_443 = tpu.memref_slice %arg7[%dma_wait3A_441, %dma_wait3A_442] : memref<10016x48xf32, #tpu.memory_space<vmem_shared>> -> memref<10016x48xf32, #tpu.memory_space<vmem_shared>>
        tpu.wait_indirect_dma semaphore(%arg17 : memref<!tpu.dma_semaphore, #tpu.memory_space<semaphore_mem>>) src(%dma_wait3A_437 : memref<128x48xf32, #tpu.memory_space<vmem>>) dst(%dma_wait3A_443 : memref<10016x48xf32, #tpu.memory_space<vmem_shared>>)
        %dma_wait3A_444 = arith.constant 384 : i32
        %dma_wait3A_445 = arith.constant 0 : i32
        %dma_wait3A_446 = tpu.memref_slice %arg9[%dma_wait3A_444, %dma_wait3A_445] : memref<512x48xf32, #tpu.memory_space<vmem>> -> memref<128x48xf32, #tpu.memory_space<vmem>>
        %dma_wait3A_447 = arith.constant 0 : i32
        %dma_wait3A_448 = tpu.memref_slice %arg10[%add3A_416, %dma_wait3A_447] : memref<40x128xi32, #tpu.memory_space<vmem>> -> memref<1x128xi32, #tpu.memory_space<vmem>>
        %dma_wait3A_449 = tpu.memref_squeeze %dma_wait3A_448 : memref<1x128xi32, #tpu.memory_space<vmem>> -> memref<128xi32, #tpu.memory_space<vmem>>
        %dma_wait3A_450 = arith.constant 0 : i32
        %dma_wait3A_451 = arith.constant 0 : i32
        %dma_wait3A_452 = tpu.memref_slice %arg7[%dma_wait3A_450, %dma_wait3A_451] : memref<10016x48xf32, #tpu.memory_space<vmem_shared>> -> memref<10016x48xf32, #tpu.memory_space<vmem_shared>>
        tpu.wait_indirect_dma semaphore(%arg17 : memref<!tpu.dma_semaphore, #tpu.memory_space<semaphore_mem>>) src(%dma_wait3A_446 : memref<128x48xf32, #tpu.memory_space<vmem>>) dst(%dma_wait3A_452 : memref<10016x48xf32, #tpu.memory_space<vmem_shared>>)
      } else {
      }
      %mul3A_266 = arith.constant 4 : i32
      %mul3A_267 = arith.muli %add3A_263, %mul3A_266 : i32
      %mul3A_268 = arith.constant 128 : i32
      %mul3A_269 = arith.muli %mul3A_267, %mul3A_268 : i32
      %add3A_270 = arith.addi %mul3A_4, %mul3A_269 : i32
      %dma_start3A_271 = arith.constant 0 : i32
      %dma_start3A_272 = arith.constant 0 : i32
      %dma_start3A_273 = tpu.memref_slice %arg9[%dma_start3A_271, %dma_start3A_272] : memref<512x48xf32, #tpu.memory_space<vmem>> -> memref<512x32xf32, #tpu.memory_space<vmem>>
      %dma_start3A_274 = arith.constant 0 : i32
      %dma_start3A_275 = tpu.memref_slice %arg2[%add3A_270, %dma_start3A_274] : memref<163840x128xf32, #tpu.memory_space<hbm>> -> memref<512x32xf32, #tpu.memory_space<hbm>>
      %dma_start3A_276 = arith.constant 0 : i32
      %dma_start3A_277 = arith.constant 0 : i32
      %dma_start3A_278 = tpu.memref_slice %arg9[%dma_start3A_276, %dma_start3A_277] : memref<512x48xf32, #tpu.memory_space<vmem>> -> memref<512x32xf32, #tpu.memory_space<vmem>>
      %dma_start3A_279 = arith.constant 0 : i32
      %dma_start3A_280 = tpu.memref_slice %arg2[%add3A_270, %dma_start3A_279] : memref<163840x128xf32, #tpu.memory_space<hbm>> -> memref<512x32xf32, #tpu.memory_space<hbm>>
      tpu.enqueue_dma source(%dma_start3A_280 : memref<512x32xf32, #tpu.memory_space<hbm>>) target(%dma_start3A_278 : memref<512x32xf32, #tpu.memory_space<vmem>>) target_semaphore(%arg15 : memref<!tpu.dma_semaphore, #tpu.memory_space<semaphore_mem>>)
      %mul3A_281 = arith.constant 4 : i32
      %mul3A_282 = arith.muli %mul3A_259, %mul3A_281 : i32
      %mul3A_283 = arith.constant 128 : i32
      %mul3A_284 = arith.muli %mul3A_282, %mul3A_283 : i32
      %add3A_285 = arith.addi %mul3A_4, %mul3A_284 : i32
      %dma_wait3A_286 = arith.constant 0 : i32
      %dma_wait3A_287 = arith.constant 0 : i32
      %dma_wait3A_288 = tpu.memref_slice %arg8[%dma_wait3A_286, %dma_wait3A_287] : memref<512x48xf32, #tpu.memory_space<vmem>> -> memref<512x32xf32, #tpu.memory_space<vmem>>
      %dma_wait3A_289 = arith.constant 0 : i32
      %dma_wait3A_290 = tpu.memref_slice %arg2[%add3A_285, %dma_wait3A_289] : memref<163840x128xf32, #tpu.memory_space<hbm>> -> memref<512x32xf32, #tpu.memory_space<hbm>>
      %dma_wait3A_291 = arith.constant 0 : i32
      %dma_wait3A_292 = arith.constant 0 : i32
      %dma_wait3A_293 = tpu.memref_slice %arg8[%dma_wait3A_291, %dma_wait3A_292] : memref<512x48xf32, #tpu.memory_space<vmem>> -> memref<512x32xf32, #tpu.memory_space<vmem>>
      %dma_wait3A_294 = arith.constant 0 : i32
      %dma_wait3A_295 = tpu.memref_slice %arg2[%add3A_285, %dma_wait3A_294] : memref<163840x128xf32, #tpu.memory_space<hbm>> -> memref<512x32xf32, #tpu.memory_space<hbm>>
      tpu.wait_dma2 semaphore(%arg14 : memref<!tpu.dma_semaphore, #tpu.memory_space<semaphore_mem>>) src(%dma_wait3A_295 : memref<512x32xf32, #tpu.memory_space<hbm>>) dst(%dma_wait3A_293 : memref<512x32xf32, #tpu.memory_space<vmem>>)
      %mul3A_296 = arith.constant 4 : i32
      %mul3A_297 = arith.muli %mul3A_259, %mul3A_296 : i32
      %add3A_298 = arith.constant 0 : i32
      %add3A_299 = arith.addi %mul3A_297, %add3A_298 : i32
      %add3A_300 = arith.constant 1 : i32
      %add3A_301 = arith.addi %mul3A_297, %add3A_300 : i32
      %add3A_302 = arith.constant 2 : i32
      %add3A_303 = arith.addi %mul3A_297, %add3A_302 : i32
      %add3A_304 = arith.constant 3 : i32
      %add3A_305 = arith.addi %mul3A_297, %add3A_304 : i32
      %dma_start3A_306 = arith.constant 0 : i32
      %dma_start3A_307 = arith.constant 0 : i32
      %dma_start3A_308 = tpu.memref_slice %arg8[%dma_start3A_306, %dma_start3A_307] : memref<512x48xf32, #tpu.memory_space<vmem>> -> memref<128x48xf32, #tpu.memory_space<vmem>>
      %dma_start3A_309 = arith.constant 0 : i32
      %dma_start3A_310 = tpu.memref_slice %arg10[%add3A_299, %dma_start3A_309] : memref<40x128xi32, #tpu.memory_space<vmem>> -> memref<1x128xi32, #tpu.memory_space<vmem>>
      %dma_start3A_311 = tpu.memref_squeeze %dma_start3A_310 : memref<1x128xi32, #tpu.memory_space<vmem>> -> memref<128xi32, #tpu.memory_space<vmem>>
      %dma_start3A_312 = arith.constant 0 : i32
      %dma_start3A_313 = arith.constant 0 : i32
      %dma_start3A_314 = tpu.memref_slice %arg7[%dma_start3A_312, %dma_start3A_313] : memref<10016x48xf32, #tpu.memory_space<vmem_shared>> -> memref<10016x48xf32, #tpu.memory_space<vmem_shared>>
      tpu.enqueue_indirect_dma source(%dma_start3A_308 : memref<128x48xf32, #tpu.memory_space<vmem>>) target(%dma_start3A_314 : memref<10016x48xf32, #tpu.memory_space<vmem_shared>>) offsets(%dma_start3A_311 : memref<128xi32, #tpu.memory_space<vmem>>) semaphore(%arg16 : memref<!tpu.dma_semaphore, #tpu.memory_space<semaphore_mem>>) {add = true}
      %dma_start3A_315 = arith.constant 128 : i32
      %dma_start3A_316 = arith.constant 0 : i32
      %dma_start3A_317 = tpu.memref_slice %arg8[%dma_start3A_315, %dma_start3A_316] : memref<512x48xf32, #tpu.memory_space<vmem>> -> memref<128x48xf32, #tpu.memory_space<vmem>>
      %dma_start3A_318 = arith.constant 0 : i32
      %dma_start3A_319 = tpu.memref_slice %arg10[%add3A_301, %dma_start3A_318] : memref<40x128xi32, #tpu.memory_space<vmem>> -> memref<1x128xi32, #tpu.memory_space<vmem>>
      %dma_start3A_320 = tpu.memref_squeeze %dma_start3A_319 : memref<1x128xi32, #tpu.memory_space<vmem>> -> memref<128xi32, #tpu.memory_space<vmem>>
      %dma_start3A_321 = arith.constant 0 : i32
      %dma_start3A_322 = arith.constant 0 : i32
      %dma_start3A_323 = tpu.memref_slice %arg7[%dma_start3A_321, %dma_start3A_322] : memref<10016x48xf32, #tpu.memory_space<vmem_shared>> -> memref<10016x48xf32, #tpu.memory_space<vmem_shared>>
      tpu.enqueue_indirect_dma source(%dma_start3A_317 : memref<128x48xf32, #tpu.memory_space<vmem>>) target(%dma_start3A_323 : memref<10016x48xf32, #tpu.memory_space<vmem_shared>>) offsets(%dma_start3A_320 : memref<128xi32, #tpu.memory_space<vmem>>) semaphore(%arg16 : memref<!tpu.dma_semaphore, #tpu.memory_space<semaphore_mem>>) {add = true}
      %dma_start3A_324 = arith.constant 256 : i32
      %dma_start3A_325 = arith.constant 0 : i32
      %dma_start3A_326 = tpu.memref_slice %arg8[%dma_start3A_324, %dma_start3A_325] : memref<512x48xf32, #tpu.memory_space<vmem>> -> memref<128x48xf32, #tpu.memory_space<vmem>>
      %dma_start3A_327 = arith.constant 0 : i32
      %dma_start3A_328 = tpu.memref_slice %arg10[%add3A_303, %dma_start3A_327] : memref<40x128xi32, #tpu.memory_space<vmem>> -> memref<1x128xi32, #tpu.memory_space<vmem>>
      %dma_start3A_329 = tpu.memref_squeeze %dma_start3A_328 : memref<1x128xi32, #tpu.memory_space<vmem>> -> memref<128xi32, #tpu.memory_space<vmem>>
      %dma_start3A_330 = arith.constant 0 : i32
      %dma_start3A_331 = arith.constant 0 : i32
      %dma_start3A_332 = tpu.memref_slice %arg7[%dma_start3A_330, %dma_start3A_331] : memref<10016x48xf32, #tpu.memory_space<vmem_shared>> -> memref<10016x48xf32, #tpu.memory_space<vmem_shared>>
      tpu.enqueue_indirect_dma source(%dma_start3A_326 : memref<128x48xf32, #tpu.memory_space<vmem>>) target(%dma_start3A_332 : memref<10016x48xf32, #tpu.memory_space<vmem_shared>>) offsets(%dma_start3A_329 : memref<128xi32, #tpu.memory_space<vmem>>) semaphore(%arg16 : memref<!tpu.dma_semaphore, #tpu.memory_space<semaphore_mem>>) {add = true}
      %dma_start3A_333 = arith.constant 384 : i32
      %dma_start3A_334 = arith.constant 0 : i32
      %dma_start3A_335 = tpu.memref_slice %arg8[%dma_start3A_333, %dma_start3A_334] : memref<512x48xf32, #tpu.memory_space<vmem>> -> memref<128x48xf32, #tpu.memory_space<vmem>>
      %dma_start3A_336 = arith.constant 0 : i32
      %dma_start3A_337 = tpu.memref_slice %arg10[%add3A_305, %dma_start3A_336] : memref<40x128xi32, #tpu.memory_space<vmem>> -> memref<1x128xi32, #tpu.memory_space<vmem>>
      %dma_start3A_338 = tpu.memref_squeeze %dma_start3A_337 : memref<1x128xi32, #tpu.memory_space<vmem>> -> memref<128xi32, #tpu.memory_space<vmem>>
      %dma_start3A_339 = arith.constant 0 : i32
      %dma_start3A_340 = arith.constant 0 : i32
      %dma_start3A_341 = tpu.memref_slice %arg7[%dma_start3A_339, %dma_start3A_340] : memref<10016x48xf32, #tpu.memory_space<vmem_shared>> -> memref<10016x48xf32, #tpu.memory_space<vmem_shared>>
      tpu.enqueue_indirect_dma source(%dma_start3A_335 : memref<128x48xf32, #tpu.memory_space<vmem>>) target(%dma_start3A_341 : memref<10016x48xf32, #tpu.memory_space<vmem_shared>>) offsets(%dma_start3A_338 : memref<128xi32, #tpu.memory_space<vmem>>) semaphore(%arg16 : memref<!tpu.dma_semaphore, #tpu.memory_space<semaphore_mem>>) {add = true}
      %mul3A_342 = arith.constant 4 : i32
      %mul3A_343 = arith.muli %add3A_263, %mul3A_342 : i32
      %mul3A_344 = arith.constant 128 : i32
      %mul3A_345 = arith.muli %mul3A_343, %mul3A_344 : i32
      %add3A_346 = arith.addi %mul3A_4, %mul3A_345 : i32
      %dma_wait3A_347 = arith.constant 0 : i32
      %dma_wait3A_348 = arith.constant 0 : i32
      %dma_wait3A_349 = tpu.memref_slice %arg9[%dma_wait3A_347, %dma_wait3A_348] : memref<512x48xf32, #tpu.memory_space<vmem>> -> memref<512x32xf32, #tpu.memory_space<vmem>>
      %dma_wait3A_350 = arith.constant 0 : i32
      %dma_wait3A_351 = tpu.memref_slice %arg2[%add3A_346, %dma_wait3A_350] : memref<163840x128xf32, #tpu.memory_space<hbm>> -> memref<512x32xf32, #tpu.memory_space<hbm>>
      %dma_wait3A_352 = arith.constant 0 : i32
      %dma_wait3A_353 = arith.constant 0 : i32
      %dma_wait3A_354 = tpu.memref_slice %arg9[%dma_wait3A_352, %dma_wait3A_353] : memref<512x48xf32, #tpu.memory_space<vmem>> -> memref<512x32xf32, #tpu.memory_space<vmem>>
      %dma_wait3A_355 = arith.constant 0 : i32
      %dma_wait3A_356 = tpu.memref_slice %arg2[%add3A_346, %dma_wait3A_355] : memref<163840x128xf32, #tpu.memory_space<hbm>> -> memref<512x32xf32, #tpu.memory_space<hbm>>
      tpu.wait_dma2 semaphore(%arg15 : memref<!tpu.dma_semaphore, #tpu.memory_space<semaphore_mem>>) src(%dma_wait3A_356 : memref<512x32xf32, #tpu.memory_space<hbm>>) dst(%dma_wait3A_354 : memref<512x32xf32, #tpu.memory_space<vmem>>)
      %mul3A_357 = arith.constant 4 : i32
      %mul3A_358 = arith.muli %add3A_263, %mul3A_357 : i32
      %add3A_359 = arith.constant 0 : i32
      %add3A_360 = arith.addi %mul3A_358, %add3A_359 : i32
      %add3A_361 = arith.constant 1 : i32
      %add3A_362 = arith.addi %mul3A_358, %add3A_361 : i32
      %add3A_363 = arith.constant 2 : i32
      %add3A_364 = arith.addi %mul3A_358, %add3A_363 : i32
      %add3A_365 = arith.constant 3 : i32
      %add3A_366 = arith.addi %mul3A_358, %add3A_365 : i32
      %dma_start3A_367 = arith.constant 0 : i32
      %dma_start3A_368 = arith.constant 0 : i32
      %dma_start3A_369 = tpu.memref_slice %arg9[%dma_start3A_367, %dma_start3A_368] : memref<512x48xf32, #tpu.memory_space<vmem>> -> memref<128x48xf32, #tpu.memory_space<vmem>>
      %dma_start3A_370 = arith.constant 0 : i32
      %dma_start3A_371 = tpu.memref_slice %arg10[%add3A_360, %dma_start3A_370] : memref<40x128xi32, #tpu.memory_space<vmem>> -> memref<1x128xi32, #tpu.memory_space<vmem>>
      %dma_start3A_372 = tpu.memref_squeeze %dma_start3A_371 : memref<1x128xi32, #tpu.memory_space<vmem>> -> memref<128xi32, #tpu.memory_space<vmem>>
      %dma_start3A_373 = arith.constant 0 : i32
      %dma_start3A_374 = arith.constant 0 : i32
      %dma_start3A_375 = tpu.memref_slice %arg7[%dma_start3A_373, %dma_start3A_374] : memref<10016x48xf32, #tpu.memory_space<vmem_shared>> -> memref<10016x48xf32, #tpu.memory_space<vmem_shared>>
      tpu.enqueue_indirect_dma source(%dma_start3A_369 : memref<128x48xf32, #tpu.memory_space<vmem>>) target(%dma_start3A_375 : memref<10016x48xf32, #tpu.memory_space<vmem_shared>>) offsets(%dma_start3A_372 : memref<128xi32, #tpu.memory_space<vmem>>) semaphore(%arg17 : memref<!tpu.dma_semaphore, #tpu.memory_space<semaphore_mem>>) {add = true}
      %dma_start3A_376 = arith.constant 128 : i32
      %dma_start3A_377 = arith.constant 0 : i32
      %dma_start3A_378 = tpu.memref_slice %arg9[%dma_start3A_376, %dma_start3A_377] : memref<512x48xf32, #tpu.memory_space<vmem>> -> memref<128x48xf32, #tpu.memory_space<vmem>>
      %dma_start3A_379 = arith.constant 0 : i32
      %dma_start3A_380 = tpu.memref_slice %arg10[%add3A_362, %dma_start3A_379] : memref<40x128xi32, #tpu.memory_space<vmem>> -> memref<1x128xi32, #tpu.memory_space<vmem>>
      %dma_start3A_381 = tpu.memref_squeeze %dma_start3A_380 : memref<1x128xi32, #tpu.memory_space<vmem>> -> memref<128xi32, #tpu.memory_space<vmem>>
      %dma_start3A_382 = arith.constant 0 : i32
      %dma_start3A_383 = arith.constant 0 : i32
      %dma_start3A_384 = tpu.memref_slice %arg7[%dma_start3A_382, %dma_start3A_383] : memref<10016x48xf32, #tpu.memory_space<vmem_shared>> -> memref<10016x48xf32, #tpu.memory_space<vmem_shared>>
      tpu.enqueue_indirect_dma source(%dma_start3A_378 : memref<128x48xf32, #tpu.memory_space<vmem>>) target(%dma_start3A_384 : memref<10016x48xf32, #tpu.memory_space<vmem_shared>>) offsets(%dma_start3A_381 : memref<128xi32, #tpu.memory_space<vmem>>) semaphore(%arg17 : memref<!tpu.dma_semaphore, #tpu.memory_space<semaphore_mem>>) {add = true}
      %dma_start3A_385 = arith.constant 256 : i32
      %dma_start3A_386 = arith.constant 0 : i32
      %dma_start3A_387 = tpu.memref_slice %arg9[%dma_start3A_385, %dma_start3A_386] : memref<512x48xf32, #tpu.memory_space<vmem>> -> memref<128x48xf32, #tpu.memory_space<vmem>>
      %dma_start3A_388 = arith.constant 0 : i32
      %dma_start3A_389 = tpu.memref_slice %arg10[%add3A_364, %dma_start3A_388] : memref<40x128xi32, #tpu.memory_space<vmem>> -> memref<1x128xi32, #tpu.memory_space<vmem>>
      %dma_start3A_390 = tpu.memref_squeeze %dma_start3A_389 : memref<1x128xi32, #tpu.memory_space<vmem>> -> memref<128xi32, #tpu.memory_space<vmem>>
      %dma_start3A_391 = arith.constant 0 : i32
      %dma_start3A_392 = arith.constant 0 : i32
      %dma_start3A_393 = tpu.memref_slice %arg7[%dma_start3A_391, %dma_start3A_392] : memref<10016x48xf32, #tpu.memory_space<vmem_shared>> -> memref<10016x48xf32, #tpu.memory_space<vmem_shared>>
      tpu.enqueue_indirect_dma source(%dma_start3A_387 : memref<128x48xf32, #tpu.memory_space<vmem>>) target(%dma_start3A_393 : memref<10016x48xf32, #tpu.memory_space<vmem_shared>>) offsets(%dma_start3A_390 : memref<128xi32, #tpu.memory_space<vmem>>) semaphore(%arg17 : memref<!tpu.dma_semaphore, #tpu.memory_space<semaphore_mem>>) {add = true}
      %dma_start3A_394 = arith.constant 384 : i32
      %dma_start3A_395 = arith.constant 0 : i32
      %dma_start3A_396 = tpu.memref_slice %arg9[%dma_start3A_394, %dma_start3A_395] : memref<512x48xf32, #tpu.memory_space<vmem>> -> memref<128x48xf32, #tpu.memory_space<vmem>>
      %dma_start3A_397 = arith.constant 0 : i32
      %dma_start3A_398 = tpu.memref_slice %arg10[%add3A_366, %dma_start3A_397] : memref<40x128xi32, #tpu.memory_space<vmem>> -> memref<1x128xi32, #tpu.memory_space<vmem>>
      %dma_start3A_399 = tpu.memref_squeeze %dma_start3A_398 : memref<1x128xi32, #tpu.memory_space<vmem>> -> memref<128xi32, #tpu.memory_space<vmem>>
      %dma_start3A_400 = arith.constant 0 : i32
      %dma_start3A_401 = arith.constant 0 : i32
      %dma_start3A_402 = tpu.memref_slice %arg7[%dma_start3A_400, %dma_start3A_401] : memref<10016x48xf32, #tpu.memory_space<vmem_shared>> -> memref<10016x48xf32, #tpu.memory_space<vmem_shared>>
      tpu.enqueue_indirect_dma source(%dma_start3A_396 : memref<128x48xf32, #tpu.memory_space<vmem>>) target(%dma_start3A_402 : memref<10016x48xf32, #tpu.memory_space<vmem_shared>>) offsets(%dma_start3A_399 : memref<128xi32, #tpu.memory_space<vmem>>) semaphore(%arg17 : memref<!tpu.dma_semaphore, #tpu.memory_space<semaphore_mem>>) {add = true}
      %lt3A = arith.constant 4 : i32
      %lt3A_403 = arith.cmpi slt, %scan3A_257, %lt3A : i32
      %convert_element_type3A_404 = arith.extui %lt3A_403 : i1 to i32
      %cond3A_405 = arith.constant 0 : i32
      %cond3A_406 = arith.cmpi ne, %convert_element_type3A_404, %cond3A_405 : i32
      scf.if %cond3A_406 {
        %mul3A_407 = arith.constant 4 : i32
        %mul3A_408 = arith.muli %mul3A_259, %mul3A_407 : i32
        %add3A_409 = arith.constant 0 : i32
        %add3A_410 = arith.addi %mul3A_408, %add3A_409 : i32
        %add3A_411 = arith.constant 1 : i32
        %add3A_412 = arith.addi %mul3A_408, %add3A_411 : i32
        %add3A_413 = arith.constant 2 : i32
        %add3A_414 = arith.addi %mul3A_408, %add3A_413 : i32
        %add3A_415 = arith.constant 3 : i32
        %add3A_416 = arith.addi %mul3A_408, %add3A_415 : i32
        %dma_wait3A_417 = arith.constant 0 : i32
        %dma_wait3A_418 = arith.constant 0 : i32
        %dma_wait3A_419 = tpu.memref_slice %arg8[%dma_wait3A_417, %dma_wait3A_418] : memref<512x48xf32, #tpu.memory_space<vmem>> -> memref<128x48xf32, #tpu.memory_space<vmem>>
        %dma_wait3A_420 = arith.constant 0 : i32
        %dma_wait3A_421 = tpu.memref_slice %arg10[%add3A_410, %dma_wait3A_420] : memref<40x128xi32, #tpu.memory_space<vmem>> -> memref<1x128xi32, #tpu.memory_space<vmem>>
        %dma_wait3A_422 = tpu.memref_squeeze %dma_wait3A_421 : memref<1x128xi32, #tpu.memory_space<vmem>> -> memref<128xi32, #tpu.memory_space<vmem>>
        %dma_wait3A_423 = arith.constant 0 : i32
        %dma_wait3A_424 = arith.constant 0 : i32
        %dma_wait3A_425 = tpu.memref_slice %arg7[%dma_wait3A_423, %dma_wait3A_424] : memref<10016x48xf32, #tpu.memory_space<vmem_shared>> -> memref<10016x48xf32, #tpu.memory_space<vmem_shared>>
        tpu.wait_indirect_dma semaphore(%arg16 : memref<!tpu.dma_semaphore, #tpu.memory_space<semaphore_mem>>) src(%dma_wait3A_419 : memref<128x48xf32, #tpu.memory_space<vmem>>) dst(%dma_wait3A_425 : memref<10016x48xf32, #tpu.memory_space<vmem_shared>>)
        %dma_wait3A_426 = arith.constant 128 : i32
        %dma_wait3A_427 = arith.constant 0 : i32
        %dma_wait3A_428 = tpu.memref_slice %arg8[%dma_wait3A_426, %dma_wait3A_427] : memref<512x48xf32, #tpu.memory_space<vmem>> -> memref<128x48xf32, #tpu.memory_space<vmem>>
        %dma_wait3A_429 = arith.constant 0 : i32
        %dma_wait3A_430 = tpu.memref_slice %arg10[%add3A_412, %dma_wait3A_429] : memref<40x128xi32, #tpu.memory_space<vmem>> -> memref<1x128xi32, #tpu.memory_space<vmem>>
        %dma_wait3A_431 = tpu.memref_squeeze %dma_wait3A_430 : memref<1x128xi32, #tpu.memory_space<vmem>> -> memref<128xi32, #tpu.memory_space<vmem>>
        %dma_wait3A_432 = arith.constant 0 : i32
        %dma_wait3A_433 = arith.constant 0 : i32
        %dma_wait3A_434 = tpu.memref_slice %arg7[%dma_wait3A_432, %dma_wait3A_433] : memref<10016x48xf32, #tpu.memory_space<vmem_shared>> -> memref<10016x48xf32, #tpu.memory_space<vmem_shared>>
        tpu.wait_indirect_dma semaphore(%arg16 : memref<!tpu.dma_semaphore, #tpu.memory_space<semaphore_mem>>) src(%dma_wait3A_428 : memref<128x48xf32, #tpu.memory_space<vmem>>) dst(%dma_wait3A_434 : memref<10016x48xf32, #tpu.memory_space<vmem_shared>>)
        %dma_wait3A_435 = arith.constant 256 : i32
        %dma_wait3A_436 = arith.constant 0 : i32
        %dma_wait3A_437 = tpu.memref_slice %arg8[%dma_wait3A_435, %dma_wait3A_436] : memref<512x48xf32, #tpu.memory_space<vmem>> -> memref<128x48xf32, #tpu.memory_space<vmem>>
        %dma_wait3A_438 = arith.constant 0 : i32
        %dma_wait3A_439 = tpu.memref_slice %arg10[%add3A_414, %dma_wait3A_438] : memref<40x128xi32, #tpu.memory_space<vmem>> -> memref<1x128xi32, #tpu.memory_space<vmem>>
        %dma_wait3A_440 = tpu.memref_squeeze %dma_wait3A_439 : memref<1x128xi32, #tpu.memory_space<vmem>> -> memref<128xi32, #tpu.memory_space<vmem>>
        %dma_wait3A_441 = arith.constant 0 : i32
        %dma_wait3A_442 = arith.constant 0 : i32
        %dma_wait3A_443 = tpu.memref_slice %arg7[%dma_wait3A_441, %dma_wait3A_442] : memref<10016x48xf32, #tpu.memory_space<vmem_shared>> -> memref<10016x48xf32, #tpu.memory_space<vmem_shared>>
        tpu.wait_indirect_dma semaphore(%arg16 : memref<!tpu.dma_semaphore, #tpu.memory_space<semaphore_mem>>) src(%dma_wait3A_437 : memref<128x48xf32, #tpu.memory_space<vmem>>) dst(%dma_wait3A_443 : memref<10016x48xf32, #tpu.memory_space<vmem_shared>>)
        %dma_wait3A_444 = arith.constant 384 : i32
        %dma_wait3A_445 = arith.constant 0 : i32
        %dma_wait3A_446 = tpu.memref_slice %arg8[%dma_wait3A_444, %dma_wait3A_445] : memref<512x48xf32, #tpu.memory_space<vmem>> -> memref<128x48xf32, #tpu.memory_space<vmem>>
        %dma_wait3A_447 = arith.constant 0 : i32
        %dma_wait3A_448 = tpu.memref_slice %arg10[%add3A_416, %dma_wait3A_447] : memref<40x128xi32, #tpu.memory_space<vmem>> -> memref<1x128xi32, #tpu.memory_space<vmem>>
        %dma_wait3A_449 = tpu.memref_squeeze %dma_wait3A_448 : memref<1x128xi32, #tpu.memory_space<vmem>> -> memref<128xi32, #tpu.memory_space<vmem>>
        %dma_wait3A_450 = arith.constant 0 : i32
        %dma_wait3A_451 = arith.constant 0 : i32
        %dma_wait3A_452 = tpu.memref_slice %arg7[%dma_wait3A_450, %dma_wait3A_451] : memref<10016x48xf32, #tpu.memory_space<vmem_shared>> -> memref<10016x48xf32, #tpu.memory_space<vmem_shared>>
        tpu.wait_indirect_dma semaphore(%arg16 : memref<!tpu.dma_semaphore, #tpu.memory_space<semaphore_mem>>) src(%dma_wait3A_446 : memref<128x48xf32, #tpu.memory_space<vmem>>) dst(%dma_wait3A_452 : memref<10016x48xf32, #tpu.memory_space<vmem_shared>>)
        %add3A_453 = arith.constant 2 : i32
        %add3A_454 = arith.addi %mul3A_259, %add3A_453 : i32
        %mul3A_455 = arith.constant 4 : i32
        %mul3A_456 = arith.muli %add3A_454, %mul3A_455 : i32
        %mul3A_457 = arith.constant 128 : i32
        %mul3A_458 = arith.muli %mul3A_456, %mul3A_457 : i32
        %add3A_459 = arith.addi %mul3A_4, %mul3A_458 : i32
        %dma_start3A_460 = arith.constant 0 : i32
        %dma_start3A_461 = arith.constant 0 : i32
        %dma_start3A_462 = tpu.memref_slice %arg8[%dma_start3A_460, %dma_start3A_461] : memref<512x48xf32, #tpu.memory_space<vmem>> -> memref<512x32xf32, #tpu.memory_space<vmem>>
        %dma_start3A_463 = arith.constant 0 : i32
        %dma_start3A_464 = tpu.memref_slice %arg2[%add3A_459, %dma_start3A_463] : memref<163840x128xf32, #tpu.memory_space<hbm>> -> memref<512x32xf32, #tpu.memory_space<hbm>>
        %dma_start3A_465 = arith.constant 0 : i32
        %dma_start3A_466 = arith.constant 0 : i32
        %dma_start3A_467 = tpu.memref_slice %arg8[%dma_start3A_465, %dma_start3A_466] : memref<512x48xf32, #tpu.memory_space<vmem>> -> memref<512x32xf32, #tpu.memory_space<vmem>>
        %dma_start3A_468 = arith.constant 0 : i32
        %dma_start3A_469 = tpu.memref_slice %arg2[%add3A_459, %dma_start3A_468] : memref<163840x128xf32, #tpu.memory_space<hbm>> -> memref<512x32xf32, #tpu.memory_space<hbm>>
        tpu.enqueue_dma source(%dma_start3A_469 : memref<512x32xf32, #tpu.memory_space<hbm>>) target(%dma_start3A_467 : memref<512x32xf32, #tpu.memory_space<vmem>>) target_semaphore(%arg14 : memref<!tpu.dma_semaphore, #tpu.memory_space<semaphore_mem>>)
      } else {
      }
    }
    %scan3A_59 = arith.constant 5 : i32
    %dma_wait3A_60 = arith.constant 0 : i32
    %dma_wait3A_61 = arith.constant 0 : i32
    %dma_wait3A_62 = arith.constant 0 : i32
    %dma_wait3A_63 = tpu.memref_slice %arg8[%dma_wait3A_61, %dma_wait3A_62] : memref<512x48xf32, #tpu.memory_space<vmem>> -> memref<128x48xf32, #tpu.memory_space<vmem>>
    %dma_wait3A_64 = arith.constant 0 : i32
    %dma_wait3A_65 = tpu.memref_slice %arg10[%dma_wait3A_60, %dma_wait3A_64] : memref<40x128xi32, #tpu.memory_space<vmem>> -> memref<1x128xi32, #tpu.memory_space<vmem>>
    %dma_wait3A_66 = tpu.memref_squeeze %dma_wait3A_65 : memref<1x128xi32, #tpu.memory_space<vmem>> -> memref<128xi32, #tpu.memory_space<vmem>>
    %dma_wait3A_67 = arith.constant 0 : i32
    %dma_wait3A_68 = arith.constant 0 : i32
    %dma_wait3A_69 = tpu.memref_slice %arg7[%dma_wait3A_67, %dma_wait3A_68] : memref<10016x48xf32, #tpu.memory_space<vmem_shared>> -> memref<10016x48xf32, #tpu.memory_space<vmem_shared>>
    tpu.wait_indirect_dma semaphore(%arg16 : memref<!tpu.dma_semaphore, #tpu.memory_space<semaphore_mem>>) src(%dma_wait3A_63 : memref<128x48xf32, #tpu.memory_space<vmem>>) dst(%dma_wait3A_69 : memref<10016x48xf32, #tpu.memory_space<vmem_shared>>)
    %dma_wait3A_70 = arith.constant 1 : i32
    %dma_wait3A_71 = arith.constant 128 : i32
    %dma_wait3A_72 = arith.constant 0 : i32
    %dma_wait3A_73 = tpu.memref_slice %arg8[%dma_wait3A_71, %dma_wait3A_72] : memref<512x48xf32, #tpu.memory_space<vmem>> -> memref<128x48xf32, #tpu.memory_space<vmem>>
    %dma_wait3A_74 = arith.constant 0 : i32
    %dma_wait3A_75 = tpu.memref_slice %arg10[%dma_wait3A_70, %dma_wait3A_74] : memref<40x128xi32, #tpu.memory_space<vmem>> -> memref<1x128xi32, #tpu.memory_space<vmem>>
    %dma_wait3A_76 = tpu.memref_squeeze %dma_wait3A_75 : memref<1x128xi32, #tpu.memory_space<vmem>> -> memref<128xi32, #tpu.memory_space<vmem>>
    %dma_wait3A_77 = arith.constant 0 : i32
    %dma_wait3A_78 = arith.constant 0 : i32
    %dma_wait3A_79 = tpu.memref_slice %arg7[%dma_wait3A_77, %dma_wait3A_78] : memref<10016x48xf32, #tpu.memory_space<vmem_shared>> -> memref<10016x48xf32, #tpu.memory_space<vmem_shared>>
    tpu.wait_indirect_dma semaphore(%arg16 : memref<!tpu.dma_semaphore, #tpu.memory_space<semaphore_mem>>) src(%dma_wait3A_73 : memref<128x48xf32, #tpu.memory_space<vmem>>) dst(%dma_wait3A_79 : memref<10016x48xf32, #tpu.memory_space<vmem_shared>>)
    %dma_wait3A_80 = arith.constant 2 : i32
    %dma_wait3A_81 = arith.constant 256 : i32
    %dma_wait3A_82 = arith.constant 0 : i32
    %dma_wait3A_83 = tpu.memref_slice %arg8[%dma_wait3A_81, %dma_wait3A_82] : memref<512x48xf32, #tpu.memory_space<vmem>> -> memref<128x48xf32, #tpu.memory_space<vmem>>
    %dma_wait3A_84 = arith.constant 0 : i32
    %dma_wait3A_85 = tpu.memref_slice %arg10[%dma_wait3A_80, %dma_wait3A_84] : memref<40x128xi32, #tpu.memory_space<vmem>> -> memref<1x128xi32, #tpu.memory_space<vmem>>
    %dma_wait3A_86 = tpu.memref_squeeze %dma_wait3A_85 : memref<1x128xi32, #tpu.memory_space<vmem>> -> memref<128xi32, #tpu.memory_space<vmem>>
    %dma_wait3A_87 = arith.constant 0 : i32
    %dma_wait3A_88 = arith.constant 0 : i32
    %dma_wait3A_89 = tpu.memref_slice %arg7[%dma_wait3A_87, %dma_wait3A_88] : memref<10016x48xf32, #tpu.memory_space<vmem_shared>> -> memref<10016x48xf32, #tpu.memory_space<vmem_shared>>
    tpu.wait_indirect_dma semaphore(%arg16 : memref<!tpu.dma_semaphore, #tpu.memory_space<semaphore_mem>>) src(%dma_wait3A_83 : memref<128x48xf32, #tpu.memory_space<vmem>>) dst(%dma_wait3A_89 : memref<10016x48xf32, #tpu.memory_space<vmem_shared>>)
    %dma_wait3A_90 = arith.constant 3 : i32
    %dma_wait3A_91 = arith.constant 384 : i32
    %dma_wait3A_92 = arith.constant 0 : i32
    %dma_wait3A_93 = tpu.memref_slice %arg8[%dma_wait3A_91, %dma_wait3A_92] : memref<512x48xf32, #tpu.memory_space<vmem>> -> memref<128x48xf32, #tpu.memory_space<vmem>>
    %dma_wait3A_94 = arith.constant 0 : i32
    %dma_wait3A_95 = tpu.memref_slice %arg10[%dma_wait3A_90, %dma_wait3A_94] : memref<40x128xi32, #tpu.memory_space<vmem>> -> memref<1x128xi32, #tpu.memory_space<vmem>>
    %dma_wait3A_96 = tpu.memref_squeeze %dma_wait3A_95 : memref<1x128xi32, #tpu.memory_space<vmem>> -> memref<128xi32, #tpu.memory_space<vmem>>
    %dma_wait3A_97 = arith.constant 0 : i32
    %dma_wait3A_98 = arith.constant 0 : i32
    %dma_wait3A_99 = tpu.memref_slice %arg7[%dma_wait3A_97, %dma_wait3A_98] : memref<10016x48xf32, #tpu.memory_space<vmem_shared>> -> memref<10016x48xf32, #tpu.memory_space<vmem_shared>>
    tpu.wait_indirect_dma semaphore(%arg16 : memref<!tpu.dma_semaphore, #tpu.memory_space<semaphore_mem>>) src(%dma_wait3A_93 : memref<128x48xf32, #tpu.memory_space<vmem>>) dst(%dma_wait3A_99 : memref<10016x48xf32, #tpu.memory_space<vmem_shared>>)
    %dma_wait3A_100 = arith.constant 0 : i32
    %dma_wait3A_101 = arith.constant 0 : i32
    %dma_wait3A_102 = arith.constant 0 : i32
    %dma_wait3A_103 = tpu.memref_slice %arg9[%dma_wait3A_101, %dma_wait3A_102] : memref<512x48xf32, #tpu.memory_space<vmem>> -> memref<128x48xf32, #tpu.memory_space<vmem>>
    %dma_wait3A_104 = arith.constant 0 : i32
    %dma_wait3A_105 = tpu.memref_slice %arg10[%dma_wait3A_100, %dma_wait3A_104] : memref<40x128xi32, #tpu.memory_space<vmem>> -> memref<1x128xi32, #tpu.memory_space<vmem>>
    %dma_wait3A_106 = tpu.memref_squeeze %dma_wait3A_105 : memref<1x128xi32, #tpu.memory_space<vmem>> -> memref<128xi32, #tpu.memory_space<vmem>>
    %dma_wait3A_107 = arith.constant 0 : i32
    %dma_wait3A_108 = arith.constant 0 : i32
    %dma_wait3A_109 = tpu.memref_slice %arg7[%dma_wait3A_107, %dma_wait3A_108] : memref<10016x48xf32, #tpu.memory_space<vmem_shared>> -> memref<10016x48xf32, #tpu.memory_space<vmem_shared>>
    tpu.wait_indirect_dma semaphore(%arg17 : memref<!tpu.dma_semaphore, #tpu.memory_space<semaphore_mem>>) src(%dma_wait3A_103 : memref<128x48xf32, #tpu.memory_space<vmem>>) dst(%dma_wait3A_109 : memref<10016x48xf32, #tpu.memory_space<vmem_shared>>)
    %dma_wait3A_110 = arith.constant 1 : i32
    %dma_wait3A_111 = arith.constant 128 : i32
    %dma_wait3A_112 = arith.constant 0 : i32
    %dma_wait3A_113 = tpu.memref_slice %arg9[%dma_wait3A_111, %dma_wait3A_112] : memref<512x48xf32, #tpu.memory_space<vmem>> -> memref<128x48xf32, #tpu.memory_space<vmem>>
    %dma_wait3A_114 = arith.constant 0 : i32
    %dma_wait3A_115 = tpu.memref_slice %arg10[%dma_wait3A_110, %dma_wait3A_114] : memref<40x128xi32, #tpu.memory_space<vmem>> -> memref<1x128xi32, #tpu.memory_space<vmem>>
    %dma_wait3A_116 = tpu.memref_squeeze %dma_wait3A_115 : memref<1x128xi32, #tpu.memory_space<vmem>> -> memref<128xi32, #tpu.memory_space<vmem>>
    %dma_wait3A_117 = arith.constant 0 : i32
    %dma_wait3A_118 = arith.constant 0 : i32
    %dma_wait3A_119 = tpu.memref_slice %arg7[%dma_wait3A_117, %dma_wait3A_118] : memref<10016x48xf32, #tpu.memory_space<vmem_shared>> -> memref<10016x48xf32, #tpu.memory_space<vmem_shared>>
    tpu.wait_indirect_dma semaphore(%arg17 : memref<!tpu.dma_semaphore, #tpu.memory_space<semaphore_mem>>) src(%dma_wait3A_113 : memref<128x48xf32, #tpu.memory_space<vmem>>) dst(%dma_wait3A_119 : memref<10016x48xf32, #tpu.memory_space<vmem_shared>>)
    %dma_wait3A_120 = arith.constant 2 : i32
    %dma_wait3A_121 = arith.constant 256 : i32
    %dma_wait3A_122 = arith.constant 0 : i32
    %dma_wait3A_123 = tpu.memref_slice %arg9[%dma_wait3A_121, %dma_wait3A_122] : memref<512x48xf32, #tpu.memory_space<vmem>> -> memref<128x48xf32, #tpu.memory_space<vmem>>
    %dma_wait3A_124 = arith.constant 0 : i32
    %dma_wait3A_125 = tpu.memref_slice %arg10[%dma_wait3A_120, %dma_wait3A_124] : memref<40x128xi32, #tpu.memory_space<vmem>> -> memref<1x128xi32, #tpu.memory_space<vmem>>
    %dma_wait3A_126 = tpu.memref_squeeze %dma_wait3A_125 : memref<1x128xi32, #tpu.memory_space<vmem>> -> memref<128xi32, #tpu.memory_space<vmem>>
    %dma_wait3A_127 = arith.constant 0 : i32
    %dma_wait3A_128 = arith.constant 0 : i32
    %dma_wait3A_129 = tpu.memref_slice %arg7[%dma_wait3A_127, %dma_wait3A_128] : memref<10016x48xf32, #tpu.memory_space<vmem_shared>> -> memref<10016x48xf32, #tpu.memory_space<vmem_shared>>
    tpu.wait_indirect_dma semaphore(%arg17 : memref<!tpu.dma_semaphore, #tpu.memory_space<semaphore_mem>>) src(%dma_wait3A_123 : memref<128x48xf32, #tpu.memory_space<vmem>>) dst(%dma_wait3A_129 : memref<10016x48xf32, #tpu.memory_space<vmem_shared>>)
    %dma_wait3A_130 = arith.constant 3 : i32
    %dma_wait3A_131 = arith.constant 384 : i32
    %dma_wait3A_132 = arith.constant 0 : i32
    %dma_wait3A_133 = tpu.memref_slice %arg9[%dma_wait3A_131, %dma_wait3A_132] : memref<512x48xf32, #tpu.memory_space<vmem>> -> memref<128x48xf32, #tpu.memory_space<vmem>>
    %dma_wait3A_134 = arith.constant 0 : i32
    %dma_wait3A_135 = tpu.memref_slice %arg10[%dma_wait3A_130, %dma_wait3A_134] : memref<40x128xi32, #tpu.memory_space<vmem>> -> memref<1x128xi32, #tpu.memory_space<vmem>>
    %dma_wait3A_136 = tpu.memref_squeeze %dma_wait3A_135 : memref<1x128xi32, #tpu.memory_space<vmem>> -> memref<128xi32, #tpu.memory_space<vmem>>
    %dma_wait3A_137 = arith.constant 0 : i32
    %dma_wait3A_138 = arith.constant 0 : i32
    %dma_wait3A_139 = tpu.memref_slice %arg7[%dma_wait3A_137, %dma_wait3A_138] : memref<10016x48xf32, #tpu.memory_space<vmem_shared>> -> memref<10016x48xf32, #tpu.memory_space<vmem_shared>>
    tpu.wait_indirect_dma semaphore(%arg17 : memref<!tpu.dma_semaphore, #tpu.memory_space<semaphore_mem>>) src(%dma_wait3A_133 : memref<128x48xf32, #tpu.memory_space<vmem>>) dst(%dma_wait3A_139 : memref<10016x48xf32, #tpu.memory_space<vmem_shared>>)
    %dma_start3A_140 = arith.constant 0 : i32
    %dma_start3A_141 = tpu.memref_slice %arg5[%mul3A_2, %dma_start3A_140] : memref<1280x128xi32, #tpu.memory_space<hbm>> -> memref<40x128xi32, #tpu.memory_space<hbm>>
    %dma_start3A_142 = arith.constant 0 : i32
    %dma_start3A_143 = tpu.memref_slice %arg5[%mul3A_2, %dma_start3A_142] : memref<1280x128xi32, #tpu.memory_space<hbm>> -> memref<40x128xi32, #tpu.memory_space<hbm>>
    tpu.enqueue_dma source(%dma_start3A_143 : memref<40x128xi32, #tpu.memory_space<hbm>>) target(%arg10 : memref<40x128xi32, #tpu.memory_space<vmem>>) target_semaphore(%arg13 : memref<!tpu.dma_semaphore, #tpu.memory_space<semaphore_mem>>)
    %dma_wait3A_144 = arith.constant 0 : i32
    %dma_wait3A_145 = tpu.memref_slice %arg5[%mul3A_2, %dma_wait3A_144] : memref<1280x128xi32, #tpu.memory_space<hbm>> -> memref<40x128xi32, #tpu.memory_space<hbm>>
    %dma_wait3A_146 = arith.constant 0 : i32
    %dma_wait3A_147 = tpu.memref_slice %arg5[%mul3A_2, %dma_wait3A_146] : memref<1280x128xi32, #tpu.memory_space<hbm>> -> memref<40x128xi32, #tpu.memory_space<hbm>>
    tpu.wait_dma2 semaphore(%arg13 : memref<!tpu.dma_semaphore, #tpu.memory_space<semaphore_mem>>) src(%dma_wait3A_147 : memref<40x128xi32, #tpu.memory_space<hbm>>) dst(%arg10 : memref<40x128xi32, #tpu.memory_space<vmem>>)
    %add3A_148 = arith.constant 0 : i32
    %add3A_149 = arith.addi %mul3A_4, %add3A_148 : i32
    %dma_start3A_150 = arith.constant 0 : i32
    %dma_start3A_151 = arith.constant 0 : i32
    %dma_start3A_152 = tpu.memref_slice %arg8[%dma_start3A_150, %dma_start3A_151] : memref<512x48xf32, #tpu.memory_space<vmem>> -> memref<512x32xf32, #tpu.memory_space<vmem>>
    %dma_start3A_153 = arith.constant 0 : i32
    %dma_start3A_154 = tpu.memref_slice %arg3[%add3A_149, %dma_start3A_153] : memref<163840x128xf32, #tpu.memory_space<hbm>> -> memref<512x32xf32, #tpu.memory_space<hbm>>
    %dma_start3A_155 = arith.constant 0 : i32
    %dma_start3A_156 = arith.constant 0 : i32
    %dma_start3A_157 = tpu.memref_slice %arg8[%dma_start3A_155, %dma_start3A_156] : memref<512x48xf32, #tpu.memory_space<vmem>> -> memref<512x32xf32, #tpu.memory_space<vmem>>
    %dma_start3A_158 = arith.constant 0 : i32
    %dma_start3A_159 = tpu.memref_slice %arg3[%add3A_149, %dma_start3A_158] : memref<163840x128xf32, #tpu.memory_space<hbm>> -> memref<512x32xf32, #tpu.memory_space<hbm>>
    tpu.enqueue_dma source(%dma_start3A_159 : memref<512x32xf32, #tpu.memory_space<hbm>>) target(%dma_start3A_157 : memref<512x32xf32, #tpu.memory_space<vmem>>) target_semaphore(%arg14 : memref<!tpu.dma_semaphore, #tpu.memory_space<semaphore_mem>>)
    %scan3A_160 = arith.constant 0 : i32
    %scan3A_161 = arith.constant 0 : i32
    %scan3A_162 = arith.constant 5 : i32
    %scan3A_163 = arith.addi %scan3A_161, %scan3A_162 : i32
    %scan3A_164 = arith.constant 1 : i32
    scf.for %scan3A_257 = %scan3A_161 to %scan3A_163 step %scan3A_164  : i32 {
      %mul3A_258 = arith.constant 2 : i32
      %mul3A_259 = arith.muli %mul3A_258, %scan3A_257 : i32
      %mul3A_260 = arith.constant 2 : i32
      %mul3A_261 = arith.muli %mul3A_260, %scan3A_257 : i32
      %add3A_262 = arith.constant 1 : i32
      %add3A_263 = arith.addi %mul3A_261, %add3A_262 : i32
      %gt3A = arith.constant 0 : i32
      %gt3A_264 = arith.cmpi sgt, %scan3A_257, %gt3A : i32
      %convert_element_type3A = arith.extui %gt3A_264 : i1 to i32
      %cond3A = arith.constant 0 : i32
      %cond3A_265 = arith.cmpi ne, %convert_element_type3A, %cond3A : i32
      scf.if %cond3A_265 {
        %mul3A_407 = arith.constant 4 : i32
        %mul3A_408 = arith.muli %add3A_263, %mul3A_407 : i32
        %add3A_409 = arith.constant 0 : i32
        %add3A_410 = arith.addi %mul3A_408, %add3A_409 : i32
        %add3A_411 = arith.constant 1 : i32
        %add3A_412 = arith.addi %mul3A_408, %add3A_411 : i32
        %add3A_413 = arith.constant 2 : i32
        %add3A_414 = arith.addi %mul3A_408, %add3A_413 : i32
        %add3A_415 = arith.constant 3 : i32
        %add3A_416 = arith.addi %mul3A_408, %add3A_415 : i32
        %dma_wait3A_417 = arith.constant 0 : i32
        %dma_wait3A_418 = arith.constant 0 : i32
        %dma_wait3A_419 = tpu.memref_slice %arg9[%dma_wait3A_417, %dma_wait3A_418] : memref<512x48xf32, #tpu.memory_space<vmem>> -> memref<128x48xf32, #tpu.memory_space<vmem>>
        %dma_wait3A_420 = arith.constant 0 : i32
        %dma_wait3A_421 = tpu.memref_slice %arg10[%add3A_410, %dma_wait3A_420] : memref<40x128xi32, #tpu.memory_space<vmem>> -> memref<1x128xi32, #tpu.memory_space<vmem>>
        %dma_wait3A_422 = tpu.memref_squeeze %dma_wait3A_421 : memref<1x128xi32, #tpu.memory_space<vmem>> -> memref<128xi32, #tpu.memory_space<vmem>>
        %dma_wait3A_423 = arith.constant 0 : i32
        %dma_wait3A_424 = arith.constant 0 : i32
        %dma_wait3A_425 = tpu.memref_slice %arg7[%dma_wait3A_423, %dma_wait3A_424] : memref<10016x48xf32, #tpu.memory_space<vmem_shared>> -> memref<10016x48xf32, #tpu.memory_space<vmem_shared>>
        tpu.wait_indirect_dma semaphore(%arg17 : memref<!tpu.dma_semaphore, #tpu.memory_space<semaphore_mem>>) src(%dma_wait3A_419 : memref<128x48xf32, #tpu.memory_space<vmem>>) dst(%dma_wait3A_425 : memref<10016x48xf32, #tpu.memory_space<vmem_shared>>)
        %dma_wait3A_426 = arith.constant 128 : i32
        %dma_wait3A_427 = arith.constant 0 : i32
        %dma_wait3A_428 = tpu.memref_slice %arg9[%dma_wait3A_426, %dma_wait3A_427] : memref<512x48xf32, #tpu.memory_space<vmem>> -> memref<128x48xf32, #tpu.memory_space<vmem>>
        %dma_wait3A_429 = arith.constant 0 : i32
        %dma_wait3A_430 = tpu.memref_slice %arg10[%add3A_412, %dma_wait3A_429] : memref<40x128xi32, #tpu.memory_space<vmem>> -> memref<1x128xi32, #tpu.memory_space<vmem>>
        %dma_wait3A_431 = tpu.memref_squeeze %dma_wait3A_430 : memref<1x128xi32, #tpu.memory_space<vmem>> -> memref<128xi32, #tpu.memory_space<vmem>>
        %dma_wait3A_432 = arith.constant 0 : i32
        %dma_wait3A_433 = arith.constant 0 : i32
        %dma_wait3A_434 = tpu.memref_slice %arg7[%dma_wait3A_432, %dma_wait3A_433] : memref<10016x48xf32, #tpu.memory_space<vmem_shared>> -> memref<10016x48xf32, #tpu.memory_space<vmem_shared>>
        tpu.wait_indirect_dma semaphore(%arg17 : memref<!tpu.dma_semaphore, #tpu.memory_space<semaphore_mem>>) src(%dma_wait3A_428 : memref<128x48xf32, #tpu.memory_space<vmem>>) dst(%dma_wait3A_434 : memref<10016x48xf32, #tpu.memory_space<vmem_shared>>)
        %dma_wait3A_435 = arith.constant 256 : i32
        %dma_wait3A_436 = arith.constant 0 : i32
        %dma_wait3A_437 = tpu.memref_slice %arg9[%dma_wait3A_435, %dma_wait3A_436] : memref<512x48xf32, #tpu.memory_space<vmem>> -> memref<128x48xf32, #tpu.memory_space<vmem>>
        %dma_wait3A_438 = arith.constant 0 : i32
        %dma_wait3A_439 = tpu.memref_slice %arg10[%add3A_414, %dma_wait3A_438] : memref<40x128xi32, #tpu.memory_space<vmem>> -> memref<1x128xi32, #tpu.memory_space<vmem>>
        %dma_wait3A_440 = tpu.memref_squeeze %dma_wait3A_439 : memref<1x128xi32, #tpu.memory_space<vmem>> -> memref<128xi32, #tpu.memory_space<vmem>>
        %dma_wait3A_441 = arith.constant 0 : i32
        %dma_wait3A_442 = arith.constant 0 : i32
        %dma_wait3A_443 = tpu.memref_slice %arg7[%dma_wait3A_441, %dma_wait3A_442] : memref<10016x48xf32, #tpu.memory_space<vmem_shared>> -> memref<10016x48xf32, #tpu.memory_space<vmem_shared>>
        tpu.wait_indirect_dma semaphore(%arg17 : memref<!tpu.dma_semaphore, #tpu.memory_space<semaphore_mem>>) src(%dma_wait3A_437 : memref<128x48xf32, #tpu.memory_space<vmem>>) dst(%dma_wait3A_443 : memref<10016x48xf32, #tpu.memory_space<vmem_shared>>)
        %dma_wait3A_444 = arith.constant 384 : i32
        %dma_wait3A_445 = arith.constant 0 : i32
        %dma_wait3A_446 = tpu.memref_slice %arg9[%dma_wait3A_444, %dma_wait3A_445] : memref<512x48xf32, #tpu.memory_space<vmem>> -> memref<128x48xf32, #tpu.memory_space<vmem>>
        %dma_wait3A_447 = arith.constant 0 : i32
        %dma_wait3A_448 = tpu.memref_slice %arg10[%add3A_416, %dma_wait3A_447] : memref<40x128xi32, #tpu.memory_space<vmem>> -> memref<1x128xi32, #tpu.memory_space<vmem>>
        %dma_wait3A_449 = tpu.memref_squeeze %dma_wait3A_448 : memref<1x128xi32, #tpu.memory_space<vmem>> -> memref<128xi32, #tpu.memory_space<vmem>>
        %dma_wait3A_450 = arith.constant 0 : i32
        %dma_wait3A_451 = arith.constant 0 : i32
        %dma_wait3A_452 = tpu.memref_slice %arg7[%dma_wait3A_450, %dma_wait3A_451] : memref<10016x48xf32, #tpu.memory_space<vmem_shared>> -> memref<10016x48xf32, #tpu.memory_space<vmem_shared>>
        tpu.wait_indirect_dma semaphore(%arg17 : memref<!tpu.dma_semaphore, #tpu.memory_space<semaphore_mem>>) src(%dma_wait3A_446 : memref<128x48xf32, #tpu.memory_space<vmem>>) dst(%dma_wait3A_452 : memref<10016x48xf32, #tpu.memory_space<vmem_shared>>)
      } else {
      }
      %mul3A_266 = arith.constant 4 : i32
      %mul3A_267 = arith.muli %add3A_263, %mul3A_266 : i32
      %mul3A_268 = arith.constant 128 : i32
      %mul3A_269 = arith.muli %mul3A_267, %mul3A_268 : i32
      %add3A_270 = arith.addi %mul3A_4, %mul3A_269 : i32
      %dma_start3A_271 = arith.constant 0 : i32
      %dma_start3A_272 = arith.constant 0 : i32
      %dma_start3A_273 = tpu.memref_slice %arg9[%dma_start3A_271, %dma_start3A_272] : memref<512x48xf32, #tpu.memory_space<vmem>> -> memref<512x32xf32, #tpu.memory_space<vmem>>
      %dma_start3A_274 = arith.constant 0 : i32
      %dma_start3A_275 = tpu.memref_slice %arg3[%add3A_270, %dma_start3A_274] : memref<163840x128xf32, #tpu.memory_space<hbm>> -> memref<512x32xf32, #tpu.memory_space<hbm>>
      %dma_start3A_276 = arith.constant 0 : i32
      %dma_start3A_277 = arith.constant 0 : i32
      %dma_start3A_278 = tpu.memref_slice %arg9[%dma_start3A_276, %dma_start3A_277] : memref<512x48xf32, #tpu.memory_space<vmem>> -> memref<512x32xf32, #tpu.memory_space<vmem>>
      %dma_start3A_279 = arith.constant 0 : i32
      %dma_start3A_280 = tpu.memref_slice %arg3[%add3A_270, %dma_start3A_279] : memref<163840x128xf32, #tpu.memory_space<hbm>> -> memref<512x32xf32, #tpu.memory_space<hbm>>
      tpu.enqueue_dma source(%dma_start3A_280 : memref<512x32xf32, #tpu.memory_space<hbm>>) target(%dma_start3A_278 : memref<512x32xf32, #tpu.memory_space<vmem>>) target_semaphore(%arg15 : memref<!tpu.dma_semaphore, #tpu.memory_space<semaphore_mem>>)
      %mul3A_281 = arith.constant 4 : i32
      %mul3A_282 = arith.muli %mul3A_259, %mul3A_281 : i32
      %mul3A_283 = arith.constant 128 : i32
      %mul3A_284 = arith.muli %mul3A_282, %mul3A_283 : i32
      %add3A_285 = arith.addi %mul3A_4, %mul3A_284 : i32
      %dma_wait3A_286 = arith.constant 0 : i32
      %dma_wait3A_287 = arith.constant 0 : i32
      %dma_wait3A_288 = tpu.memref_slice %arg8[%dma_wait3A_286, %dma_wait3A_287] : memref<512x48xf32, #tpu.memory_space<vmem>> -> memref<512x32xf32, #tpu.memory_space<vmem>>
      %dma_wait3A_289 = arith.constant 0 : i32
      %dma_wait3A_290 = tpu.memref_slice %arg3[%add3A_285, %dma_wait3A_289] : memref<163840x128xf32, #tpu.memory_space<hbm>> -> memref<512x32xf32, #tpu.memory_space<hbm>>
      %dma_wait3A_291 = arith.constant 0 : i32
      %dma_wait3A_292 = arith.constant 0 : i32
      %dma_wait3A_293 = tpu.memref_slice %arg8[%dma_wait3A_291, %dma_wait3A_292] : memref<512x48xf32, #tpu.memory_space<vmem>> -> memref<512x32xf32, #tpu.memory_space<vmem>>
      %dma_wait3A_294 = arith.constant 0 : i32
      %dma_wait3A_295 = tpu.memref_slice %arg3[%add3A_285, %dma_wait3A_294] : memref<163840x128xf32, #tpu.memory_space<hbm>> -> memref<512x32xf32, #tpu.memory_space<hbm>>
      tpu.wait_dma2 semaphore(%arg14 : memref<!tpu.dma_semaphore, #tpu.memory_space<semaphore_mem>>) src(%dma_wait3A_295 : memref<512x32xf32, #tpu.memory_space<hbm>>) dst(%dma_wait3A_293 : memref<512x32xf32, #tpu.memory_space<vmem>>)
      %mul3A_296 = arith.constant 4 : i32
      %mul3A_297 = arith.muli %mul3A_259, %mul3A_296 : i32
      %add3A_298 = arith.constant 0 : i32
      %add3A_299 = arith.addi %mul3A_297, %add3A_298 : i32
      %add3A_300 = arith.constant 1 : i32
      %add3A_301 = arith.addi %mul3A_297, %add3A_300 : i32
      %add3A_302 = arith.constant 2 : i32
      %add3A_303 = arith.addi %mul3A_297, %add3A_302 : i32
      %add3A_304 = arith.constant 3 : i32
      %add3A_305 = arith.addi %mul3A_297, %add3A_304 : i32
      %dma_start3A_306 = arith.constant 0 : i32
      %dma_start3A_307 = arith.constant 0 : i32
      %dma_start3A_308 = tpu.memref_slice %arg8[%dma_start3A_306, %dma_start3A_307] : memref<512x48xf32, #tpu.memory_space<vmem>> -> memref<128x48xf32, #tpu.memory_space<vmem>>
      %dma_start3A_309 = arith.constant 0 : i32
      %dma_start3A_310 = tpu.memref_slice %arg10[%add3A_299, %dma_start3A_309] : memref<40x128xi32, #tpu.memory_space<vmem>> -> memref<1x128xi32, #tpu.memory_space<vmem>>
      %dma_start3A_311 = tpu.memref_squeeze %dma_start3A_310 : memref<1x128xi32, #tpu.memory_space<vmem>> -> memref<128xi32, #tpu.memory_space<vmem>>
      %dma_start3A_312 = arith.constant 0 : i32
      %dma_start3A_313 = arith.constant 0 : i32
      %dma_start3A_314 = tpu.memref_slice %arg7[%dma_start3A_312, %dma_start3A_313] : memref<10016x48xf32, #tpu.memory_space<vmem_shared>> -> memref<10016x48xf32, #tpu.memory_space<vmem_shared>>
      tpu.enqueue_indirect_dma source(%dma_start3A_308 : memref<128x48xf32, #tpu.memory_space<vmem>>) target(%dma_start3A_314 : memref<10016x48xf32, #tpu.memory_space<vmem_shared>>) offsets(%dma_start3A_311 : memref<128xi32, #tpu.memory_space<vmem>>) semaphore(%arg16 : memref<!tpu.dma_semaphore, #tpu.memory_space<semaphore_mem>>) {add = true}
      %dma_start3A_315 = arith.constant 128 : i32
      %dma_start3A_316 = arith.constant 0 : i32
      %dma_start3A_317 = tpu.memref_slice %arg8[%dma_start3A_315, %dma_start3A_316] : memref<512x48xf32, #tpu.memory_space<vmem>> -> memref<128x48xf32, #tpu.memory_space<vmem>>
      %dma_start3A_318 = arith.constant 0 : i32
      %dma_start3A_319 = tpu.memref_slice %arg10[%add3A_301, %dma_start3A_318] : memref<40x128xi32, #tpu.memory_space<vmem>> -> memref<1x128xi32, #tpu.memory_space<vmem>>
      %dma_start3A_320 = tpu.memref_squeeze %dma_start3A_319 : memref<1x128xi32, #tpu.memory_space<vmem>> -> memref<128xi32, #tpu.memory_space<vmem>>
      %dma_start3A_321 = arith.constant 0 : i32
      %dma_start3A_322 = arith.constant 0 : i32
      %dma_start3A_323 = tpu.memref_slice %arg7[%dma_start3A_321, %dma_start3A_322] : memref<10016x48xf32, #tpu.memory_space<vmem_shared>> -> memref<10016x48xf32, #tpu.memory_space<vmem_shared>>
      tpu.enqueue_indirect_dma source(%dma_start3A_317 : memref<128x48xf32, #tpu.memory_space<vmem>>) target(%dma_start3A_323 : memref<10016x48xf32, #tpu.memory_space<vmem_shared>>) offsets(%dma_start3A_320 : memref<128xi32, #tpu.memory_space<vmem>>) semaphore(%arg16 : memref<!tpu.dma_semaphore, #tpu.memory_space<semaphore_mem>>) {add = true}
      %dma_start3A_324 = arith.constant 256 : i32
      %dma_start3A_325 = arith.constant 0 : i32
      %dma_start3A_326 = tpu.memref_slice %arg8[%dma_start3A_324, %dma_start3A_325] : memref<512x48xf32, #tpu.memory_space<vmem>> -> memref<128x48xf32, #tpu.memory_space<vmem>>
      %dma_start3A_327 = arith.constant 0 : i32
      %dma_start3A_328 = tpu.memref_slice %arg10[%add3A_303, %dma_start3A_327] : memref<40x128xi32, #tpu.memory_space<vmem>> -> memref<1x128xi32, #tpu.memory_space<vmem>>
      %dma_start3A_329 = tpu.memref_squeeze %dma_start3A_328 : memref<1x128xi32, #tpu.memory_space<vmem>> -> memref<128xi32, #tpu.memory_space<vmem>>
      %dma_start3A_330 = arith.constant 0 : i32
      %dma_start3A_331 = arith.constant 0 : i32
      %dma_start3A_332 = tpu.memref_slice %arg7[%dma_start3A_330, %dma_start3A_331] : memref<10016x48xf32, #tpu.memory_space<vmem_shared>> -> memref<10016x48xf32, #tpu.memory_space<vmem_shared>>
      tpu.enqueue_indirect_dma source(%dma_start3A_326 : memref<128x48xf32, #tpu.memory_space<vmem>>) target(%dma_start3A_332 : memref<10016x48xf32, #tpu.memory_space<vmem_shared>>) offsets(%dma_start3A_329 : memref<128xi32, #tpu.memory_space<vmem>>) semaphore(%arg16 : memref<!tpu.dma_semaphore, #tpu.memory_space<semaphore_mem>>) {add = true}
      %dma_start3A_333 = arith.constant 384 : i32
      %dma_start3A_334 = arith.constant 0 : i32
      %dma_start3A_335 = tpu.memref_slice %arg8[%dma_start3A_333, %dma_start3A_334] : memref<512x48xf32, #tpu.memory_space<vmem>> -> memref<128x48xf32, #tpu.memory_space<vmem>>
      %dma_start3A_336 = arith.constant 0 : i32
      %dma_start3A_337 = tpu.memref_slice %arg10[%add3A_305, %dma_start3A_336] : memref<40x128xi32, #tpu.memory_space<vmem>> -> memref<1x128xi32, #tpu.memory_space<vmem>>
      %dma_start3A_338 = tpu.memref_squeeze %dma_start3A_337 : memref<1x128xi32, #tpu.memory_space<vmem>> -> memref<128xi32, #tpu.memory_space<vmem>>
      %dma_start3A_339 = arith.constant 0 : i32
      %dma_start3A_340 = arith.constant 0 : i32
      %dma_start3A_341 = tpu.memref_slice %arg7[%dma_start3A_339, %dma_start3A_340] : memref<10016x48xf32, #tpu.memory_space<vmem_shared>> -> memref<10016x48xf32, #tpu.memory_space<vmem_shared>>
      tpu.enqueue_indirect_dma source(%dma_start3A_335 : memref<128x48xf32, #tpu.memory_space<vmem>>) target(%dma_start3A_341 : memref<10016x48xf32, #tpu.memory_space<vmem_shared>>) offsets(%dma_start3A_338 : memref<128xi32, #tpu.memory_space<vmem>>) semaphore(%arg16 : memref<!tpu.dma_semaphore, #tpu.memory_space<semaphore_mem>>) {add = true}
      %mul3A_342 = arith.constant 4 : i32
      %mul3A_343 = arith.muli %add3A_263, %mul3A_342 : i32
      %mul3A_344 = arith.constant 128 : i32
      %mul3A_345 = arith.muli %mul3A_343, %mul3A_344 : i32
      %add3A_346 = arith.addi %mul3A_4, %mul3A_345 : i32
      %dma_wait3A_347 = arith.constant 0 : i32
      %dma_wait3A_348 = arith.constant 0 : i32
      %dma_wait3A_349 = tpu.memref_slice %arg9[%dma_wait3A_347, %dma_wait3A_348] : memref<512x48xf32, #tpu.memory_space<vmem>> -> memref<512x32xf32, #tpu.memory_space<vmem>>
      %dma_wait3A_350 = arith.constant 0 : i32
      %dma_wait3A_351 = tpu.memref_slice %arg3[%add3A_346, %dma_wait3A_350] : memref<163840x128xf32, #tpu.memory_space<hbm>> -> memref<512x32xf32, #tpu.memory_space<hbm>>
      %dma_wait3A_352 = arith.constant 0 : i32
      %dma_wait3A_353 = arith.constant 0 : i32
      %dma_wait3A_354 = tpu.memref_slice %arg9[%dma_wait3A_352, %dma_wait3A_353] : memref<512x48xf32, #tpu.memory_space<vmem>> -> memref<512x32xf32, #tpu.memory_space<vmem>>
      %dma_wait3A_355 = arith.constant 0 : i32
      %dma_wait3A_356 = tpu.memref_slice %arg3[%add3A_346, %dma_wait3A_355] : memref<163840x128xf32, #tpu.memory_space<hbm>> -> memref<512x32xf32, #tpu.memory_space<hbm>>
      tpu.wait_dma2 semaphore(%arg15 : memref<!tpu.dma_semaphore, #tpu.memory_space<semaphore_mem>>) src(%dma_wait3A_356 : memref<512x32xf32, #tpu.memory_space<hbm>>) dst(%dma_wait3A_354 : memref<512x32xf32, #tpu.memory_space<vmem>>)
      %mul3A_357 = arith.constant 4 : i32
      %mul3A_358 = arith.muli %add3A_263, %mul3A_357 : i32
      %add3A_359 = arith.constant 0 : i32
      %add3A_360 = arith.addi %mul3A_358, %add3A_359 : i32
      %add3A_361 = arith.constant 1 : i32
      %add3A_362 = arith.addi %mul3A_358, %add3A_361 : i32
      %add3A_363 = arith.constant 2 : i32
      %add3A_364 = arith.addi %mul3A_358, %add3A_363 : i32
      %add3A_365 = arith.constant 3 : i32
      %add3A_366 = arith.addi %mul3A_358, %add3A_365 : i32
      %dma_start3A_367 = arith.constant 0 : i32
      %dma_start3A_368 = arith.constant 0 : i32
      %dma_start3A_369 = tpu.memref_slice %arg9[%dma_start3A_367, %dma_start3A_368] : memref<512x48xf32, #tpu.memory_space<vmem>> -> memref<128x48xf32, #tpu.memory_space<vmem>>
      %dma_start3A_370 = arith.constant 0 : i32
      %dma_start3A_371 = tpu.memref_slice %arg10[%add3A_360, %dma_start3A_370] : memref<40x128xi32, #tpu.memory_space<vmem>> -> memref<1x128xi32, #tpu.memory_space<vmem>>
      %dma_start3A_372 = tpu.memref_squeeze %dma_start3A_371 : memref<1x128xi32, #tpu.memory_space<vmem>> -> memref<128xi32, #tpu.memory_space<vmem>>
      %dma_start3A_373 = arith.constant 0 : i32
      %dma_start3A_374 = arith.constant 0 : i32
      %dma_start3A_375 = tpu.memref_slice %arg7[%dma_start3A_373, %dma_start3A_374] : memref<10016x48xf32, #tpu.memory_space<vmem_shared>> -> memref<10016x48xf32, #tpu.memory_space<vmem_shared>>
      tpu.enqueue_indirect_dma source(%dma_start3A_369 : memref<128x48xf32, #tpu.memory_space<vmem>>) target(%dma_start3A_375 : memref<10016x48xf32, #tpu.memory_space<vmem_shared>>) offsets(%dma_start3A_372 : memref<128xi32, #tpu.memory_space<vmem>>) semaphore(%arg17 : memref<!tpu.dma_semaphore, #tpu.memory_space<semaphore_mem>>) {add = true}
      %dma_start3A_376 = arith.constant 128 : i32
      %dma_start3A_377 = arith.constant 0 : i32
      %dma_start3A_378 = tpu.memref_slice %arg9[%dma_start3A_376, %dma_start3A_377] : memref<512x48xf32, #tpu.memory_space<vmem>> -> memref<128x48xf32, #tpu.memory_space<vmem>>
      %dma_start3A_379 = arith.constant 0 : i32
      %dma_start3A_380 = tpu.memref_slice %arg10[%add3A_362, %dma_start3A_379] : memref<40x128xi32, #tpu.memory_space<vmem>> -> memref<1x128xi32, #tpu.memory_space<vmem>>
      %dma_start3A_381 = tpu.memref_squeeze %dma_start3A_380 : memref<1x128xi32, #tpu.memory_space<vmem>> -> memref<128xi32, #tpu.memory_space<vmem>>
      %dma_start3A_382 = arith.constant 0 : i32
      %dma_start3A_383 = arith.constant 0 : i32
      %dma_start3A_384 = tpu.memref_slice %arg7[%dma_start3A_382, %dma_start3A_383] : memref<10016x48xf32, #tpu.memory_space<vmem_shared>> -> memref<10016x48xf32, #tpu.memory_space<vmem_shared>>
      tpu.enqueue_indirect_dma source(%dma_start3A_378 : memref<128x48xf32, #tpu.memory_space<vmem>>) target(%dma_start3A_384 : memref<10016x48xf32, #tpu.memory_space<vmem_shared>>) offsets(%dma_start3A_381 : memref<128xi32, #tpu.memory_space<vmem>>) semaphore(%arg17 : memref<!tpu.dma_semaphore, #tpu.memory_space<semaphore_mem>>) {add = true}
      %dma_start3A_385 = arith.constant 256 : i32
      %dma_start3A_386 = arith.constant 0 : i32
      %dma_start3A_387 = tpu.memref_slice %arg9[%dma_start3A_385, %dma_start3A_386] : memref<512x48xf32, #tpu.memory_space<vmem>> -> memref<128x48xf32, #tpu.memory_space<vmem>>
      %dma_start3A_388 = arith.constant 0 : i32
      %dma_start3A_389 = tpu.memref_slice %arg10[%add3A_364, %dma_start3A_388] : memref<40x128xi32, #tpu.memory_space<vmem>> -> memref<1x128xi32, #tpu.memory_space<vmem>>
      %dma_start3A_390 = tpu.memref_squeeze %dma_start3A_389 : memref<1x128xi32, #tpu.memory_space<vmem>> -> memref<128xi32, #tpu.memory_space<vmem>>
      %dma_start3A_391 = arith.constant 0 : i32
      %dma_start3A_392 = arith.constant 0 : i32
      %dma_start3A_393 = tpu.memref_slice %arg7[%dma_start3A_391, %dma_start3A_392] : memref<10016x48xf32, #tpu.memory_space<vmem_shared>> -> memref<10016x48xf32, #tpu.memory_space<vmem_shared>>
      tpu.enqueue_indirect_dma source(%dma_start3A_387 : memref<128x48xf32, #tpu.memory_space<vmem>>) target(%dma_start3A_393 : memref<10016x48xf32, #tpu.memory_space<vmem_shared>>) offsets(%dma_start3A_390 : memref<128xi32, #tpu.memory_space<vmem>>) semaphore(%arg17 : memref<!tpu.dma_semaphore, #tpu.memory_space<semaphore_mem>>) {add = true}
      %dma_start3A_394 = arith.constant 384 : i32
      %dma_start3A_395 = arith.constant 0 : i32
      %dma_start3A_396 = tpu.memref_slice %arg9[%dma_start3A_394, %dma_start3A_395] : memref<512x48xf32, #tpu.memory_space<vmem>> -> memref<128x48xf32, #tpu.memory_space<vmem>>
      %dma_start3A_397 = arith.constant 0 : i32
      %dma_start3A_398 = tpu.memref_slice %arg10[%add3A_366, %dma_start3A_397] : memref<40x128xi32, #tpu.memory_space<vmem>> -> memref<1x128xi32, #tpu.memory_space<vmem>>
      %dma_start3A_399 = tpu.memref_squeeze %dma_start3A_398 : memref<1x128xi32, #tpu.memory_space<vmem>> -> memref<128xi32, #tpu.memory_space<vmem>>
      %dma_start3A_400 = arith.constant 0 : i32
      %dma_start3A_401 = arith.constant 0 : i32
      %dma_start3A_402 = tpu.memref_slice %arg7[%dma_start3A_400, %dma_start3A_401] : memref<10016x48xf32, #tpu.memory_space<vmem_shared>> -> memref<10016x48xf32, #tpu.memory_space<vmem_shared>>
      tpu.enqueue_indirect_dma source(%dma_start3A_396 : memref<128x48xf32, #tpu.memory_space<vmem>>) target(%dma_start3A_402 : memref<10016x48xf32, #tpu.memory_space<vmem_shared>>) offsets(%dma_start3A_399 : memref<128xi32, #tpu.memory_space<vmem>>) semaphore(%arg17 : memref<!tpu.dma_semaphore, #tpu.memory_space<semaphore_mem>>) {add = true}
      %lt3A = arith.constant 4 : i32
      %lt3A_403 = arith.cmpi slt, %scan3A_257, %lt3A : i32
      %convert_element_type3A_404 = arith.extui %lt3A_403 : i1 to i32
      %cond3A_405 = arith.constant 0 : i32
      %cond3A_406 = arith.cmpi ne, %convert_element_type3A_404, %cond3A_405 : i32
      scf.if %cond3A_406 {
        %mul3A_407 = arith.constant 4 : i32
        %mul3A_408 = arith.muli %mul3A_259, %mul3A_407 : i32
        %add3A_409 = arith.constant 0 : i32
        %add3A_410 = arith.addi %mul3A_408, %add3A_409 : i32
        %add3A_411 = arith.constant 1 : i32
        %add3A_412 = arith.addi %mul3A_408, %add3A_411 : i32
        %add3A_413 = arith.constant 2 : i32
        %add3A_414 = arith.addi %mul3A_408, %add3A_413 : i32
        %add3A_415 = arith.constant 3 : i32
        %add3A_416 = arith.addi %mul3A_408, %add3A_415 : i32
        %dma_wait3A_417 = arith.constant 0 : i32
        %dma_wait3A_418 = arith.constant 0 : i32
        %dma_wait3A_419 = tpu.memref_slice %arg8[%dma_wait3A_417, %dma_wait3A_418] : memref<512x48xf32, #tpu.memory_space<vmem>> -> memref<128x48xf32, #tpu.memory_space<vmem>>
        %dma_wait3A_420 = arith.constant 0 : i32
        %dma_wait3A_421 = tpu.memref_slice %arg10[%add3A_410, %dma_wait3A_420] : memref<40x128xi32, #tpu.memory_space<vmem>> -> memref<1x128xi32, #tpu.memory_space<vmem>>
        %dma_wait3A_422 = tpu.memref_squeeze %dma_wait3A_421 : memref<1x128xi32, #tpu.memory_space<vmem>> -> memref<128xi32, #tpu.memory_space<vmem>>
        %dma_wait3A_423 = arith.constant 0 : i32
        %dma_wait3A_424 = arith.constant 0 : i32
        %dma_wait3A_425 = tpu.memref_slice %arg7[%dma_wait3A_423, %dma_wait3A_424] : memref<10016x48xf32, #tpu.memory_space<vmem_shared>> -> memref<10016x48xf32, #tpu.memory_space<vmem_shared>>
        tpu.wait_indirect_dma semaphore(%arg16 : memref<!tpu.dma_semaphore, #tpu.memory_space<semaphore_mem>>) src(%dma_wait3A_419 : memref<128x48xf32, #tpu.memory_space<vmem>>) dst(%dma_wait3A_425 : memref<10016x48xf32, #tpu.memory_space<vmem_shared>>)
        %dma_wait3A_426 = arith.constant 128 : i32
        %dma_wait3A_427 = arith.constant 0 : i32
        %dma_wait3A_428 = tpu.memref_slice %arg8[%dma_wait3A_426, %dma_wait3A_427] : memref<512x48xf32, #tpu.memory_space<vmem>> -> memref<128x48xf32, #tpu.memory_space<vmem>>
        %dma_wait3A_429 = arith.constant 0 : i32
        %dma_wait3A_430 = tpu.memref_slice %arg10[%add3A_412, %dma_wait3A_429] : memref<40x128xi32, #tpu.memory_space<vmem>> -> memref<1x128xi32, #tpu.memory_space<vmem>>
        %dma_wait3A_431 = tpu.memref_squeeze %dma_wait3A_430 : memref<1x128xi32, #tpu.memory_space<vmem>> -> memref<128xi32, #tpu.memory_space<vmem>>
        %dma_wait3A_432 = arith.constant 0 : i32
        %dma_wait3A_433 = arith.constant 0 : i32
        %dma_wait3A_434 = tpu.memref_slice %arg7[%dma_wait3A_432, %dma_wait3A_433] : memref<10016x48xf32, #tpu.memory_space<vmem_shared>> -> memref<10016x48xf32, #tpu.memory_space<vmem_shared>>
        tpu.wait_indirect_dma semaphore(%arg16 : memref<!tpu.dma_semaphore, #tpu.memory_space<semaphore_mem>>) src(%dma_wait3A_428 : memref<128x48xf32, #tpu.memory_space<vmem>>) dst(%dma_wait3A_434 : memref<10016x48xf32, #tpu.memory_space<vmem_shared>>)
        %dma_wait3A_435 = arith.constant 256 : i32
        %dma_wait3A_436 = arith.constant 0 : i32
        %dma_wait3A_437 = tpu.memref_slice %arg8[%dma_wait3A_435, %dma_wait3A_436] : memref<512x48xf32, #tpu.memory_space<vmem>> -> memref<128x48xf32, #tpu.memory_space<vmem>>
        %dma_wait3A_438 = arith.constant 0 : i32
        %dma_wait3A_439 = tpu.memref_slice %arg10[%add3A_414, %dma_wait3A_438] : memref<40x128xi32, #tpu.memory_space<vmem>> -> memref<1x128xi32, #tpu.memory_space<vmem>>
        %dma_wait3A_440 = tpu.memref_squeeze %dma_wait3A_439 : memref<1x128xi32, #tpu.memory_space<vmem>> -> memref<128xi32, #tpu.memory_space<vmem>>
        %dma_wait3A_441 = arith.constant 0 : i32
        %dma_wait3A_442 = arith.constant 0 : i32
        %dma_wait3A_443 = tpu.memref_slice %arg7[%dma_wait3A_441, %dma_wait3A_442] : memref<10016x48xf32, #tpu.memory_space<vmem_shared>> -> memref<10016x48xf32, #tpu.memory_space<vmem_shared>>
        tpu.wait_indirect_dma semaphore(%arg16 : memref<!tpu.dma_semaphore, #tpu.memory_space<semaphore_mem>>) src(%dma_wait3A_437 : memref<128x48xf32, #tpu.memory_space<vmem>>) dst(%dma_wait3A_443 : memref<10016x48xf32, #tpu.memory_space<vmem_shared>>)
        %dma_wait3A_444 = arith.constant 384 : i32
        %dma_wait3A_445 = arith.constant 0 : i32
        %dma_wait3A_446 = tpu.memref_slice %arg8[%dma_wait3A_444, %dma_wait3A_445] : memref<512x48xf32, #tpu.memory_space<vmem>> -> memref<128x48xf32, #tpu.memory_space<vmem>>
        %dma_wait3A_447 = arith.constant 0 : i32
        %dma_wait3A_448 = tpu.memref_slice %arg10[%add3A_416, %dma_wait3A_447] : memref<40x128xi32, #tpu.memory_space<vmem>> -> memref<1x128xi32, #tpu.memory_space<vmem>>
        %dma_wait3A_449 = tpu.memref_squeeze %dma_wait3A_448 : memref<1x128xi32, #tpu.memory_space<vmem>> -> memref<128xi32, #tpu.memory_space<vmem>>
        %dma_wait3A_450 = arith.constant 0 : i32
        %dma_wait3A_451 = arith.constant 0 : i32
        %dma_wait3A_452 = tpu.memref_slice %arg7[%dma_wait3A_450, %dma_wait3A_451] : memref<10016x48xf32, #tpu.memory_space<vmem_shared>> -> memref<10016x48xf32, #tpu.memory_space<vmem_shared>>
        tpu.wait_indirect_dma semaphore(%arg16 : memref<!tpu.dma_semaphore, #tpu.memory_space<semaphore_mem>>) src(%dma_wait3A_446 : memref<128x48xf32, #tpu.memory_space<vmem>>) dst(%dma_wait3A_452 : memref<10016x48xf32, #tpu.memory_space<vmem_shared>>)
        %add3A_453 = arith.constant 2 : i32
        %add3A_454 = arith.addi %mul3A_259, %add3A_453 : i32
        %mul3A_455 = arith.constant 4 : i32
        %mul3A_456 = arith.muli %add3A_454, %mul3A_455 : i32
        %mul3A_457 = arith.constant 128 : i32
        %mul3A_458 = arith.muli %mul3A_456, %mul3A_457 : i32
        %add3A_459 = arith.addi %mul3A_4, %mul3A_458 : i32
        %dma_start3A_460 = arith.constant 0 : i32
        %dma_start3A_461 = arith.constant 0 : i32
        %dma_start3A_462 = tpu.memref_slice %arg8[%dma_start3A_460, %dma_start3A_461] : memref<512x48xf32, #tpu.memory_space<vmem>> -> memref<512x32xf32, #tpu.memory_space<vmem>>
        %dma_start3A_463 = arith.constant 0 : i32
        %dma_start3A_464 = tpu.memref_slice %arg3[%add3A_459, %dma_start3A_463] : memref<163840x128xf32, #tpu.memory_space<hbm>> -> memref<512x32xf32, #tpu.memory_space<hbm>>
        %dma_start3A_465 = arith.constant 0 : i32
        %dma_start3A_466 = arith.constant 0 : i32
        %dma_start3A_467 = tpu.memref_slice %arg8[%dma_start3A_465, %dma_start3A_466] : memref<512x48xf32, #tpu.memory_space<vmem>> -> memref<512x32xf32, #tpu.memory_space<vmem>>
        %dma_start3A_468 = arith.constant 0 : i32
        %dma_start3A_469 = tpu.memref_slice %arg3[%add3A_459, %dma_start3A_468] : memref<163840x128xf32, #tpu.memory_space<hbm>> -> memref<512x32xf32, #tpu.memory_space<hbm>>
        tpu.enqueue_dma source(%dma_start3A_469 : memref<512x32xf32, #tpu.memory_space<hbm>>) target(%dma_start3A_467 : memref<512x32xf32, #tpu.memory_space<vmem>>) target_semaphore(%arg14 : memref<!tpu.dma_semaphore, #tpu.memory_space<semaphore_mem>>)
      } else {
      }
    }
    %scan3A_165 = arith.constant 5 : i32
    %dma_wait3A_166 = arith.constant 0 : i32
    %dma_wait3A_167 = arith.constant 0 : i32
    %dma_wait3A_168 = arith.constant 0 : i32
    %dma_wait3A_169 = tpu.memref_slice %arg8[%dma_wait3A_167, %dma_wait3A_168] : memref<512x48xf32, #tpu.memory_space<vmem>> -> memref<128x48xf32, #tpu.memory_space<vmem>>
    %dma_wait3A_170 = arith.constant 0 : i32
    %dma_wait3A_171 = tpu.memref_slice %arg10[%dma_wait3A_166, %dma_wait3A_170] : memref<40x128xi32, #tpu.memory_space<vmem>> -> memref<1x128xi32, #tpu.memory_space<vmem>>
    %dma_wait3A_172 = tpu.memref_squeeze %dma_wait3A_171 : memref<1x128xi32, #tpu.memory_space<vmem>> -> memref<128xi32, #tpu.memory_space<vmem>>
    %dma_wait3A_173 = arith.constant 0 : i32
    %dma_wait3A_174 = arith.constant 0 : i32
    %dma_wait3A_175 = tpu.memref_slice %arg7[%dma_wait3A_173, %dma_wait3A_174] : memref<10016x48xf32, #tpu.memory_space<vmem_shared>> -> memref<10016x48xf32, #tpu.memory_space<vmem_shared>>
    tpu.wait_indirect_dma semaphore(%arg16 : memref<!tpu.dma_semaphore, #tpu.memory_space<semaphore_mem>>) src(%dma_wait3A_169 : memref<128x48xf32, #tpu.memory_space<vmem>>) dst(%dma_wait3A_175 : memref<10016x48xf32, #tpu.memory_space<vmem_shared>>)
    %dma_wait3A_176 = arith.constant 1 : i32
    %dma_wait3A_177 = arith.constant 128 : i32
    %dma_wait3A_178 = arith.constant 0 : i32
    %dma_wait3A_179 = tpu.memref_slice %arg8[%dma_wait3A_177, %dma_wait3A_178] : memref<512x48xf32, #tpu.memory_space<vmem>> -> memref<128x48xf32, #tpu.memory_space<vmem>>
    %dma_wait3A_180 = arith.constant 0 : i32
    %dma_wait3A_181 = tpu.memref_slice %arg10[%dma_wait3A_176, %dma_wait3A_180] : memref<40x128xi32, #tpu.memory_space<vmem>> -> memref<1x128xi32, #tpu.memory_space<vmem>>
    %dma_wait3A_182 = tpu.memref_squeeze %dma_wait3A_181 : memref<1x128xi32, #tpu.memory_space<vmem>> -> memref<128xi32, #tpu.memory_space<vmem>>
    %dma_wait3A_183 = arith.constant 0 : i32
    %dma_wait3A_184 = arith.constant 0 : i32
    %dma_wait3A_185 = tpu.memref_slice %arg7[%dma_wait3A_183, %dma_wait3A_184] : memref<10016x48xf32, #tpu.memory_space<vmem_shared>> -> memref<10016x48xf32, #tpu.memory_space<vmem_shared>>
    tpu.wait_indirect_dma semaphore(%arg16 : memref<!tpu.dma_semaphore, #tpu.memory_space<semaphore_mem>>) src(%dma_wait3A_179 : memref<128x48xf32, #tpu.memory_space<vmem>>) dst(%dma_wait3A_185 : memref<10016x48xf32, #tpu.memory_space<vmem_shared>>)
    %dma_wait3A_186 = arith.constant 2 : i32
    %dma_wait3A_187 = arith.constant 256 : i32
    %dma_wait3A_188 = arith.constant 0 : i32
    %dma_wait3A_189 = tpu.memref_slice %arg8[%dma_wait3A_187, %dma_wait3A_188] : memref<512x48xf32, #tpu.memory_space<vmem>> -> memref<128x48xf32, #tpu.memory_space<vmem>>
    %dma_wait3A_190 = arith.constant 0 : i32
    %dma_wait3A_191 = tpu.memref_slice %arg10[%dma_wait3A_186, %dma_wait3A_190] : memref<40x128xi32, #tpu.memory_space<vmem>> -> memref<1x128xi32, #tpu.memory_space<vmem>>
    %dma_wait3A_192 = tpu.memref_squeeze %dma_wait3A_191 : memref<1x128xi32, #tpu.memory_space<vmem>> -> memref<128xi32, #tpu.memory_space<vmem>>
    %dma_wait3A_193 = arith.constant 0 : i32
    %dma_wait3A_194 = arith.constant 0 : i32
    %dma_wait3A_195 = tpu.memref_slice %arg7[%dma_wait3A_193, %dma_wait3A_194] : memref<10016x48xf32, #tpu.memory_space<vmem_shared>> -> memref<10016x48xf32, #tpu.memory_space<vmem_shared>>
    tpu.wait_indirect_dma semaphore(%arg16 : memref<!tpu.dma_semaphore, #tpu.memory_space<semaphore_mem>>) src(%dma_wait3A_189 : memref<128x48xf32, #tpu.memory_space<vmem>>) dst(%dma_wait3A_195 : memref<10016x48xf32, #tpu.memory_space<vmem_shared>>)
    %dma_wait3A_196 = arith.constant 3 : i32
    %dma_wait3A_197 = arith.constant 384 : i32
    %dma_wait3A_198 = arith.constant 0 : i32
    %dma_wait3A_199 = tpu.memref_slice %arg8[%dma_wait3A_197, %dma_wait3A_198] : memref<512x48xf32, #tpu.memory_space<vmem>> -> memref<128x48xf32, #tpu.memory_space<vmem>>
    %dma_wait3A_200 = arith.constant 0 : i32
    %dma_wait3A_201 = tpu.memref_slice %arg10[%dma_wait3A_196, %dma_wait3A_200] : memref<40x128xi32, #tpu.memory_space<vmem>> -> memref<1x128xi32, #tpu.memory_space<vmem>>
    %dma_wait3A_202 = tpu.memref_squeeze %dma_wait3A_201 : memref<1x128xi32, #tpu.memory_space<vmem>> -> memref<128xi32, #tpu.memory_space<vmem>>
    %dma_wait3A_203 = arith.constant 0 : i32
    %dma_wait3A_204 = arith.constant 0 : i32
    %dma_wait3A_205 = tpu.memref_slice %arg7[%dma_wait3A_203, %dma_wait3A_204] : memref<10016x48xf32, #tpu.memory_space<vmem_shared>> -> memref<10016x48xf32, #tpu.memory_space<vmem_shared>>
    tpu.wait_indirect_dma semaphore(%arg16 : memref<!tpu.dma_semaphore, #tpu.memory_space<semaphore_mem>>) src(%dma_wait3A_199 : memref<128x48xf32, #tpu.memory_space<vmem>>) dst(%dma_wait3A_205 : memref<10016x48xf32, #tpu.memory_space<vmem_shared>>)
    %dma_wait3A_206 = arith.constant 0 : i32
    %dma_wait3A_207 = arith.constant 0 : i32
    %dma_wait3A_208 = arith.constant 0 : i32
    %dma_wait3A_209 = tpu.memref_slice %arg9[%dma_wait3A_207, %dma_wait3A_208] : memref<512x48xf32, #tpu.memory_space<vmem>> -> memref<128x48xf32, #tpu.memory_space<vmem>>
    %dma_wait3A_210 = arith.constant 0 : i32
    %dma_wait3A_211 = tpu.memref_slice %arg10[%dma_wait3A_206, %dma_wait3A_210] : memref<40x128xi32, #tpu.memory_space<vmem>> -> memref<1x128xi32, #tpu.memory_space<vmem>>
    %dma_wait3A_212 = tpu.memref_squeeze %dma_wait3A_211 : memref<1x128xi32, #tpu.memory_space<vmem>> -> memref<128xi32, #tpu.memory_space<vmem>>
    %dma_wait3A_213 = arith.constant 0 : i32
    %dma_wait3A_214 = arith.constant 0 : i32
    %dma_wait3A_215 = tpu.memref_slice %arg7[%dma_wait3A_213, %dma_wait3A_214] : memref<10016x48xf32, #tpu.memory_space<vmem_shared>> -> memref<10016x48xf32, #tpu.memory_space<vmem_shared>>
    tpu.wait_indirect_dma semaphore(%arg17 : memref<!tpu.dma_semaphore, #tpu.memory_space<semaphore_mem>>) src(%dma_wait3A_209 : memref<128x48xf32, #tpu.memory_space<vmem>>) dst(%dma_wait3A_215 : memref<10016x48xf32, #tpu.memory_space<vmem_shared>>)
    %dma_wait3A_216 = arith.constant 1 : i32
    %dma_wait3A_217 = arith.constant 128 : i32
    %dma_wait3A_218 = arith.constant 0 : i32
    %dma_wait3A_219 = tpu.memref_slice %arg9[%dma_wait3A_217, %dma_wait3A_218] : memref<512x48xf32, #tpu.memory_space<vmem>> -> memref<128x48xf32, #tpu.memory_space<vmem>>
    %dma_wait3A_220 = arith.constant 0 : i32
    %dma_wait3A_221 = tpu.memref_slice %arg10[%dma_wait3A_216, %dma_wait3A_220] : memref<40x128xi32, #tpu.memory_space<vmem>> -> memref<1x128xi32, #tpu.memory_space<vmem>>
    %dma_wait3A_222 = tpu.memref_squeeze %dma_wait3A_221 : memref<1x128xi32, #tpu.memory_space<vmem>> -> memref<128xi32, #tpu.memory_space<vmem>>
    %dma_wait3A_223 = arith.constant 0 : i32
    %dma_wait3A_224 = arith.constant 0 : i32
    %dma_wait3A_225 = tpu.memref_slice %arg7[%dma_wait3A_223, %dma_wait3A_224] : memref<10016x48xf32, #tpu.memory_space<vmem_shared>> -> memref<10016x48xf32, #tpu.memory_space<vmem_shared>>
    tpu.wait_indirect_dma semaphore(%arg17 : memref<!tpu.dma_semaphore, #tpu.memory_space<semaphore_mem>>) src(%dma_wait3A_219 : memref<128x48xf32, #tpu.memory_space<vmem>>) dst(%dma_wait3A_225 : memref<10016x48xf32, #tpu.memory_space<vmem_shared>>)
    %dma_wait3A_226 = arith.constant 2 : i32
    %dma_wait3A_227 = arith.constant 256 : i32
    %dma_wait3A_228 = arith.constant 0 : i32
    %dma_wait3A_229 = tpu.memref_slice %arg9[%dma_wait3A_227, %dma_wait3A_228] : memref<512x48xf32, #tpu.memory_space<vmem>> -> memref<128x48xf32, #tpu.memory_space<vmem>>
    %dma_wait3A_230 = arith.constant 0 : i32
    %dma_wait3A_231 = tpu.memref_slice %arg10[%dma_wait3A_226, %dma_wait3A_230] : memref<40x128xi32, #tpu.memory_space<vmem>> -> memref<1x128xi32, #tpu.memory_space<vmem>>
    %dma_wait3A_232 = tpu.memref_squeeze %dma_wait3A_231 : memref<1x128xi32, #tpu.memory_space<vmem>> -> memref<128xi32, #tpu.memory_space<vmem>>
    %dma_wait3A_233 = arith.constant 0 : i32
    %dma_wait3A_234 = arith.constant 0 : i32
    %dma_wait3A_235 = tpu.memref_slice %arg7[%dma_wait3A_233, %dma_wait3A_234] : memref<10016x48xf32, #tpu.memory_space<vmem_shared>> -> memref<10016x48xf32, #tpu.memory_space<vmem_shared>>
    tpu.wait_indirect_dma semaphore(%arg17 : memref<!tpu.dma_semaphore, #tpu.memory_space<semaphore_mem>>) src(%dma_wait3A_229 : memref<128x48xf32, #tpu.memory_space<vmem>>) dst(%dma_wait3A_235 : memref<10016x48xf32, #tpu.memory_space<vmem_shared>>)
    %dma_wait3A_236 = arith.constant 3 : i32
    %dma_wait3A_237 = arith.constant 384 : i32
    %dma_wait3A_238 = arith.constant 0 : i32
    %dma_wait3A_239 = tpu.memref_slice %arg9[%dma_wait3A_237, %dma_wait3A_238] : memref<512x48xf32, #tpu.memory_space<vmem>> -> memref<128x48xf32, #tpu.memory_space<vmem>>
    %dma_wait3A_240 = arith.constant 0 : i32
    %dma_wait3A_241 = tpu.memref_slice %arg10[%dma_wait3A_236, %dma_wait3A_240] : memref<40x128xi32, #tpu.memory_space<vmem>> -> memref<1x128xi32, #tpu.memory_space<vmem>>
    %dma_wait3A_242 = tpu.memref_squeeze %dma_wait3A_241 : memref<1x128xi32, #tpu.memory_space<vmem>> -> memref<128xi32, #tpu.memory_space<vmem>>
    %dma_wait3A_243 = arith.constant 0 : i32
    %dma_wait3A_244 = arith.constant 0 : i32
    %dma_wait3A_245 = tpu.memref_slice %arg7[%dma_wait3A_243, %dma_wait3A_244] : memref<10016x48xf32, #tpu.memory_space<vmem_shared>> -> memref<10016x48xf32, #tpu.memory_space<vmem_shared>>
    tpu.wait_indirect_dma semaphore(%arg17 : memref<!tpu.dma_semaphore, #tpu.memory_space<semaphore_mem>>) src(%dma_wait3A_239 : memref<128x48xf32, #tpu.memory_space<vmem>>) dst(%dma_wait3A_245 : memref<10016x48xf32, #tpu.memory_space<vmem_shared>>)
    %barrier3A_246 = arith.constant 0 : index
    tpu.barrier barrier_id(%barrier3A_246)
    %dma_start3A_247 = arith.constant 0 : i32
    %dma_start3A_248 = tpu.memref_slice %arg6[%arg0, %mul3A_11, %dma_start3A_247] : memref<2x10016x48xf32, #tpu.memory_space<hbm>> -> memref<1x626x48xf32, #tpu.memory_space<hbm>>
    %dma_start3A_249 = tpu.memref_squeeze %dma_start3A_248 : memref<1x626x48xf32, #tpu.memory_space<hbm>> -> memref<626x48xf32, #tpu.memory_space<hbm>>
    %dma_start3A_250 = arith.constant 0 : i32
    %dma_start3A_251 = tpu.memref_slice %arg7[%mul3A_11, %dma_start3A_250] : memref<10016x48xf32, #tpu.memory_space<vmem_shared>> -> memref<626x48xf32, #tpu.memory_space<vmem_shared>>
    tpu.enqueue_dma source(%dma_start3A_251 : memref<626x48xf32, #tpu.memory_space<vmem_shared>>) target(%dma_start3A_249 : memref<626x48xf32, #tpu.memory_space<hbm>>) target_semaphore(%arg18 : memref<!tpu.dma_semaphore, #tpu.memory_space<semaphore_mem>>)
    %dma_wait3A_252 = arith.constant 0 : i32
    %dma_wait3A_253 = tpu.memref_slice %arg6[%arg0, %mul3A_11, %dma_wait3A_252] : memref<2x10016x48xf32, #tpu.memory_space<hbm>> -> memref<1x626x48xf32, #tpu.memory_space<hbm>>
    %dma_wait3A_254 = tpu.memref_squeeze %dma_wait3A_253 : memref<1x626x48xf32, #tpu.memory_space<hbm>> -> memref<626x48xf32, #tpu.memory_space<hbm>>
    %dma_wait3A_255 = arith.constant 0 : i32
    %dma_wait3A_256 = tpu.memref_slice %arg7[%mul3A_11, %dma_wait3A_255] : memref<10016x48xf32, #tpu.memory_space<vmem_shared>> -> memref<626x48xf32, #tpu.memory_space<vmem_shared>>
    tpu.wait_dma2 semaphore(%arg18 : memref<!tpu.dma_semaphore, #tpu.memory_space<semaphore_mem>>) src(%dma_wait3A_256 : memref<626x48xf32, #tpu.memory_space<vmem_shared>>) dst(%dma_wait3A_254 : memref<626x48xf32, #tpu.memory_space<hbm>>)
    return
  }
}

#map = affine_map<(d0, d1) -> (0, 0)>
module attributes {stable_mosaic.version = 14 : i64} {
  func.func @_sc_gather_body(%arg0: i32, %arg1: i32, %arg2: memref<10000x64xf32, #tpu.memory_space<hbm>>, %arg3: memref<10000x32xf32, #tpu.memory_space<hbm>>, %arg4: memref<1312x128xi32, #tpu.memory_space<hbm>>, %arg5: memref<1312x128xi32, #tpu.memory_space<hbm>>, %arg6: memref<163840x128xf32, #tpu.memory_space<hbm>>, %arg7: memref<56x128xi32, #tpu.memory_space<vmem>>, %arg8: memref<56x128xi32, #tpu.memory_space<vmem>>, %arg9: memref<512x64xf32, #tpu.memory_space<vmem>>, %arg10: memref<512x64xf32, #tpu.memory_space<vmem>>, %arg11: memref<512x32xf32, #tpu.memory_space<vmem>>, %arg12: memref<512x32xf32, #tpu.memory_space<vmem>>, %arg13: memref<!tpu.dma_semaphore, #tpu.memory_space<semaphore_mem>>, %arg14: memref<!tpu.dma_semaphore, #tpu.memory_space<semaphore_mem>>, %arg15: memref<!tpu.dma_semaphore, #tpu.memory_space<semaphore_mem>>, %arg16: memref<!tpu.dma_semaphore, #tpu.memory_space<semaphore_mem>>, %arg17: memref<!tpu.dma_semaphore, #tpu.memory_space<semaphore_mem>>) attributes {dimension_semantics = [#tpu.dimension_semantics<core_parallel>, #tpu.dimension_semantics<subcore_parallel>], iteration_bounds = array<i64: 2, 16>, scalar_prefetch = 0 : i64, scratch_operands = 11 : i64, tpu.core_type = #tpu.core_type<sc_vector_subcore>, window_params = [{transform_indices = #map}, {transform_indices = #map}, {transform_indices = #map}, {transform_indices = #map}, {transform_indices = #map}]} {
    %eq3A = arith.constant 1 : i32
    %eq3A_0 = arith.cmpi eq, %arg0, %eq3A : i32
    %mul3A = arith.constant 56 : i32
    %mul3A_1 = arith.muli %arg1, %mul3A : i32
    %mul3A_2 = arith.constant 24 : i32
    %mul3A_3 = arith.muli %arg1, %mul3A_2 : i32
    %add3A = arith.constant 896 : i32
    %add3A_4 = arith.addi %add3A, %mul3A_3 : i32
    %select_n3A = arith.select %eq3A_0, %mul3A_1, %add3A_4 : i32
    %eq3A_5 = arith.constant 1 : i32
    %eq3A_6 = arith.cmpi eq, %arg0, %eq3A_5 : i32
    %jit3A = arith.constant 7 : i32
    %jit3A_7 = arith.constant 3 : i32
    %select_n3A_8 = arith.select %eq3A_6, %jit3A, %jit3A_7 : i32
    %mul3A_9 = arith.constant 128 : i32
    %mul3A_10 = arith.muli %select_n3A, %mul3A_9 : i32
    %dma_start3A = arith.constant 0 : i32
    %dma_start3A_11 = tpu.memref_slice %arg4[%select_n3A, %dma_start3A] : memref<1312x128xi32, #tpu.memory_space<hbm>> -> memref<56x128xi32, #tpu.memory_space<hbm>>
    %dma_start3A_12 = arith.constant 0 : i32
    %dma_start3A_13 = tpu.memref_slice %arg4[%select_n3A, %dma_start3A_12] : memref<1312x128xi32, #tpu.memory_space<hbm>> -> memref<56x128xi32, #tpu.memory_space<hbm>>
    tpu.enqueue_dma source(%dma_start3A_13 : memref<56x128xi32, #tpu.memory_space<hbm>>) target(%arg7 : memref<56x128xi32, #tpu.memory_space<vmem>>) target_semaphore(%arg13 : memref<!tpu.dma_semaphore, #tpu.memory_space<semaphore_mem>>)
    %dma_start3A_14 = arith.constant 0 : i32
    %dma_start3A_15 = tpu.memref_slice %arg5[%select_n3A, %dma_start3A_14] : memref<1312x128xi32, #tpu.memory_space<hbm>> -> memref<56x128xi32, #tpu.memory_space<hbm>>
    %dma_start3A_16 = arith.constant 0 : i32
    %dma_start3A_17 = tpu.memref_slice %arg5[%select_n3A, %dma_start3A_16] : memref<1312x128xi32, #tpu.memory_space<hbm>> -> memref<56x128xi32, #tpu.memory_space<hbm>>
    tpu.enqueue_dma source(%dma_start3A_17 : memref<56x128xi32, #tpu.memory_space<hbm>>) target(%arg8 : memref<56x128xi32, #tpu.memory_space<vmem>>) target_semaphore(%arg13 : memref<!tpu.dma_semaphore, #tpu.memory_space<semaphore_mem>>)
    %dma_wait3A = arith.constant 0 : i32
    %dma_wait3A_18 = tpu.memref_slice %arg4[%select_n3A, %dma_wait3A] : memref<1312x128xi32, #tpu.memory_space<hbm>> -> memref<56x128xi32, #tpu.memory_space<hbm>>
    %dma_wait3A_19 = arith.constant 0 : i32
    %dma_wait3A_20 = tpu.memref_slice %arg4[%select_n3A, %dma_wait3A_19] : memref<1312x128xi32, #tpu.memory_space<hbm>> -> memref<56x128xi32, #tpu.memory_space<hbm>>
    tpu.wait_dma2 semaphore(%arg13 : memref<!tpu.dma_semaphore, #tpu.memory_space<semaphore_mem>>) src(%dma_wait3A_20 : memref<56x128xi32, #tpu.memory_space<hbm>>) dst(%arg7 : memref<56x128xi32, #tpu.memory_space<vmem>>)
    %dma_wait3A_21 = arith.constant 0 : i32
    %dma_wait3A_22 = tpu.memref_slice %arg5[%select_n3A, %dma_wait3A_21] : memref<1312x128xi32, #tpu.memory_space<hbm>> -> memref<56x128xi32, #tpu.memory_space<hbm>>
    %dma_wait3A_23 = arith.constant 0 : i32
    %dma_wait3A_24 = tpu.memref_slice %arg5[%select_n3A, %dma_wait3A_23] : memref<1312x128xi32, #tpu.memory_space<hbm>> -> memref<56x128xi32, #tpu.memory_space<hbm>>
    tpu.wait_dma2 semaphore(%arg13 : memref<!tpu.dma_semaphore, #tpu.memory_space<semaphore_mem>>) src(%dma_wait3A_24 : memref<56x128xi32, #tpu.memory_space<hbm>>) dst(%arg8 : memref<56x128xi32, #tpu.memory_space<vmem>>)
    %dma_start3A_25 = arith.constant 0 : i32
    %dma_start3A_26 = arith.constant 0 : i32
    %dma_start3A_27 = arith.constant 0 : i32
    %dma_start3A_28 = tpu.memref_slice %arg9[%dma_start3A_26, %dma_start3A_27] : memref<512x64xf32, #tpu.memory_space<vmem>> -> memref<128x64xf32, #tpu.memory_space<vmem>>
    %dma_start3A_29 = arith.constant 0 : i32
    %dma_start3A_30 = tpu.memref_slice %arg7[%dma_start3A_25, %dma_start3A_29] : memref<56x128xi32, #tpu.memory_space<vmem>> -> memref<1x128xi32, #tpu.memory_space<vmem>>
    %dma_start3A_31 = tpu.memref_squeeze %dma_start3A_30 : memref<1x128xi32, #tpu.memory_space<vmem>> -> memref<128xi32, #tpu.memory_space<vmem>>
    %dma_start3A_32 = arith.constant 0 : i32
    %dma_start3A_33 = arith.constant 0 : i32
    %dma_start3A_34 = tpu.memref_slice %arg2[%dma_start3A_32, %dma_start3A_33] : memref<10000x64xf32, #tpu.memory_space<hbm>> -> memref<10000x64xf32, #tpu.memory_space<hbm>>
    tpu.enqueue_indirect_dma source(%dma_start3A_34 : memref<10000x64xf32, #tpu.memory_space<hbm>>) target(%dma_start3A_28 : memref<128x64xf32, #tpu.memory_space<vmem>>) offsets(%dma_start3A_31 : memref<128xi32, #tpu.memory_space<vmem>>) semaphore(%arg14 : memref<!tpu.dma_semaphore, #tpu.memory_space<semaphore_mem>>)
    %dma_start3A_35 = arith.constant 0 : i32
    %dma_start3A_36 = arith.constant 0 : i32
    %dma_start3A_37 = arith.constant 0 : i32
    %dma_start3A_38 = tpu.memref_slice %arg11[%dma_start3A_36, %dma_start3A_37] : memref<512x32xf32, #tpu.memory_space<vmem>> -> memref<128x32xf32, #tpu.memory_space<vmem>>
    %dma_start3A_39 = arith.constant 0 : i32
    %dma_start3A_40 = tpu.memref_slice %arg8[%dma_start3A_35, %dma_start3A_39] : memref<56x128xi32, #tpu.memory_space<vmem>> -> memref<1x128xi32, #tpu.memory_space<vmem>>
    %dma_start3A_41 = tpu.memref_squeeze %dma_start3A_40 : memref<1x128xi32, #tpu.memory_space<vmem>> -> memref<128xi32, #tpu.memory_space<vmem>>
    %dma_start3A_42 = arith.constant 0 : i32
    %dma_start3A_43 = arith.constant 0 : i32
    %dma_start3A_44 = tpu.memref_slice %arg3[%dma_start3A_42, %dma_start3A_43] : memref<10000x32xf32, #tpu.memory_space<hbm>> -> memref<10000x32xf32, #tpu.memory_space<hbm>>
    tpu.enqueue_indirect_dma source(%dma_start3A_44 : memref<10000x32xf32, #tpu.memory_space<hbm>>) target(%dma_start3A_38 : memref<128x32xf32, #tpu.memory_space<vmem>>) offsets(%dma_start3A_41 : memref<128xi32, #tpu.memory_space<vmem>>) semaphore(%arg14 : memref<!tpu.dma_semaphore, #tpu.memory_space<semaphore_mem>>)
    %dma_start3A_45 = arith.constant 1 : i32
    %dma_start3A_46 = arith.constant 128 : i32
    %dma_start3A_47 = arith.constant 0 : i32
    %dma_start3A_48 = tpu.memref_slice %arg9[%dma_start3A_46, %dma_start3A_47] : memref<512x64xf32, #tpu.memory_space<vmem>> -> memref<128x64xf32, #tpu.memory_space<vmem>>
    %dma_start3A_49 = arith.constant 0 : i32
    %dma_start3A_50 = tpu.memref_slice %arg7[%dma_start3A_45, %dma_start3A_49] : memref<56x128xi32, #tpu.memory_space<vmem>> -> memref<1x128xi32, #tpu.memory_space<vmem>>
    %dma_start3A_51 = tpu.memref_squeeze %dma_start3A_50 : memref<1x128xi32, #tpu.memory_space<vmem>> -> memref<128xi32, #tpu.memory_space<vmem>>
    %dma_start3A_52 = arith.constant 0 : i32
    %dma_start3A_53 = arith.constant 0 : i32
    %dma_start3A_54 = tpu.memref_slice %arg2[%dma_start3A_52, %dma_start3A_53] : memref<10000x64xf32, #tpu.memory_space<hbm>> -> memref<10000x64xf32, #tpu.memory_space<hbm>>
    tpu.enqueue_indirect_dma source(%dma_start3A_54 : memref<10000x64xf32, #tpu.memory_space<hbm>>) target(%dma_start3A_48 : memref<128x64xf32, #tpu.memory_space<vmem>>) offsets(%dma_start3A_51 : memref<128xi32, #tpu.memory_space<vmem>>) semaphore(%arg14 : memref<!tpu.dma_semaphore, #tpu.memory_space<semaphore_mem>>)
    %dma_start3A_55 = arith.constant 1 : i32
    %dma_start3A_56 = arith.constant 128 : i32
    %dma_start3A_57 = arith.constant 0 : i32
    %dma_start3A_58 = tpu.memref_slice %arg11[%dma_start3A_56, %dma_start3A_57] : memref<512x32xf32, #tpu.memory_space<vmem>> -> memref<128x32xf32, #tpu.memory_space<vmem>>
    %dma_start3A_59 = arith.constant 0 : i32
    %dma_start3A_60 = tpu.memref_slice %arg8[%dma_start3A_55, %dma_start3A_59] : memref<56x128xi32, #tpu.memory_space<vmem>> -> memref<1x128xi32, #tpu.memory_space<vmem>>
    %dma_start3A_61 = tpu.memref_squeeze %dma_start3A_60 : memref<1x128xi32, #tpu.memory_space<vmem>> -> memref<128xi32, #tpu.memory_space<vmem>>
    %dma_start3A_62 = arith.constant 0 : i32
    %dma_start3A_63 = arith.constant 0 : i32
    %dma_start3A_64 = tpu.memref_slice %arg3[%dma_start3A_62, %dma_start3A_63] : memref<10000x32xf32, #tpu.memory_space<hbm>> -> memref<10000x32xf32, #tpu.memory_space<hbm>>
    tpu.enqueue_indirect_dma source(%dma_start3A_64 : memref<10000x32xf32, #tpu.memory_space<hbm>>) target(%dma_start3A_58 : memref<128x32xf32, #tpu.memory_space<vmem>>) offsets(%dma_start3A_61 : memref<128xi32, #tpu.memory_space<vmem>>) semaphore(%arg14 : memref<!tpu.dma_semaphore, #tpu.memory_space<semaphore_mem>>)
    %dma_start3A_65 = arith.constant 2 : i32
    %dma_start3A_66 = arith.constant 256 : i32
    %dma_start3A_67 = arith.constant 0 : i32
    %dma_start3A_68 = tpu.memref_slice %arg9[%dma_start3A_66, %dma_start3A_67] : memref<512x64xf32, #tpu.memory_space<vmem>> -> memref<128x64xf32, #tpu.memory_space<vmem>>
    %dma_start3A_69 = arith.constant 0 : i32
    %dma_start3A_70 = tpu.memref_slice %arg7[%dma_start3A_65, %dma_start3A_69] : memref<56x128xi32, #tpu.memory_space<vmem>> -> memref<1x128xi32, #tpu.memory_space<vmem>>
    %dma_start3A_71 = tpu.memref_squeeze %dma_start3A_70 : memref<1x128xi32, #tpu.memory_space<vmem>> -> memref<128xi32, #tpu.memory_space<vmem>>
    %dma_start3A_72 = arith.constant 0 : i32
    %dma_start3A_73 = arith.constant 0 : i32
    %dma_start3A_74 = tpu.memref_slice %arg2[%dma_start3A_72, %dma_start3A_73] : memref<10000x64xf32, #tpu.memory_space<hbm>> -> memref<10000x64xf32, #tpu.memory_space<hbm>>
    tpu.enqueue_indirect_dma source(%dma_start3A_74 : memref<10000x64xf32, #tpu.memory_space<hbm>>) target(%dma_start3A_68 : memref<128x64xf32, #tpu.memory_space<vmem>>) offsets(%dma_start3A_71 : memref<128xi32, #tpu.memory_space<vmem>>) semaphore(%arg14 : memref<!tpu.dma_semaphore, #tpu.memory_space<semaphore_mem>>)
    %dma_start3A_75 = arith.constant 2 : i32
    %dma_start3A_76 = arith.constant 256 : i32
    %dma_start3A_77 = arith.constant 0 : i32
    %dma_start3A_78 = tpu.memref_slice %arg11[%dma_start3A_76, %dma_start3A_77] : memref<512x32xf32, #tpu.memory_space<vmem>> -> memref<128x32xf32, #tpu.memory_space<vmem>>
    %dma_start3A_79 = arith.constant 0 : i32
    %dma_start3A_80 = tpu.memref_slice %arg8[%dma_start3A_75, %dma_start3A_79] : memref<56x128xi32, #tpu.memory_space<vmem>> -> memref<1x128xi32, #tpu.memory_space<vmem>>
    %dma_start3A_81 = tpu.memref_squeeze %dma_start3A_80 : memref<1x128xi32, #tpu.memory_space<vmem>> -> memref<128xi32, #tpu.memory_space<vmem>>
    %dma_start3A_82 = arith.constant 0 : i32
    %dma_start3A_83 = arith.constant 0 : i32
    %dma_start3A_84 = tpu.memref_slice %arg3[%dma_start3A_82, %dma_start3A_83] : memref<10000x32xf32, #tpu.memory_space<hbm>> -> memref<10000x32xf32, #tpu.memory_space<hbm>>
    tpu.enqueue_indirect_dma source(%dma_start3A_84 : memref<10000x32xf32, #tpu.memory_space<hbm>>) target(%dma_start3A_78 : memref<128x32xf32, #tpu.memory_space<vmem>>) offsets(%dma_start3A_81 : memref<128xi32, #tpu.memory_space<vmem>>) semaphore(%arg14 : memref<!tpu.dma_semaphore, #tpu.memory_space<semaphore_mem>>)
    %dma_start3A_85 = arith.constant 3 : i32
    %dma_start3A_86 = arith.constant 384 : i32
    %dma_start3A_87 = arith.constant 0 : i32
    %dma_start3A_88 = tpu.memref_slice %arg9[%dma_start3A_86, %dma_start3A_87] : memref<512x64xf32, #tpu.memory_space<vmem>> -> memref<128x64xf32, #tpu.memory_space<vmem>>
    %dma_start3A_89 = arith.constant 0 : i32
    %dma_start3A_90 = tpu.memref_slice %arg7[%dma_start3A_85, %dma_start3A_89] : memref<56x128xi32, #tpu.memory_space<vmem>> -> memref<1x128xi32, #tpu.memory_space<vmem>>
    %dma_start3A_91 = tpu.memref_squeeze %dma_start3A_90 : memref<1x128xi32, #tpu.memory_space<vmem>> -> memref<128xi32, #tpu.memory_space<vmem>>
    %dma_start3A_92 = arith.constant 0 : i32
    %dma_start3A_93 = arith.constant 0 : i32
    %dma_start3A_94 = tpu.memref_slice %arg2[%dma_start3A_92, %dma_start3A_93] : memref<10000x64xf32, #tpu.memory_space<hbm>> -> memref<10000x64xf32, #tpu.memory_space<hbm>>
    tpu.enqueue_indirect_dma source(%dma_start3A_94 : memref<10000x64xf32, #tpu.memory_space<hbm>>) target(%dma_start3A_88 : memref<128x64xf32, #tpu.memory_space<vmem>>) offsets(%dma_start3A_91 : memref<128xi32, #tpu.memory_space<vmem>>) semaphore(%arg14 : memref<!tpu.dma_semaphore, #tpu.memory_space<semaphore_mem>>)
    %dma_start3A_95 = arith.constant 3 : i32
    %dma_start3A_96 = arith.constant 384 : i32
    %dma_start3A_97 = arith.constant 0 : i32
    %dma_start3A_98 = tpu.memref_slice %arg11[%dma_start3A_96, %dma_start3A_97] : memref<512x32xf32, #tpu.memory_space<vmem>> -> memref<128x32xf32, #tpu.memory_space<vmem>>
    %dma_start3A_99 = arith.constant 0 : i32
    %dma_start3A_100 = tpu.memref_slice %arg8[%dma_start3A_95, %dma_start3A_99] : memref<56x128xi32, #tpu.memory_space<vmem>> -> memref<1x128xi32, #tpu.memory_space<vmem>>
    %dma_start3A_101 = tpu.memref_squeeze %dma_start3A_100 : memref<1x128xi32, #tpu.memory_space<vmem>> -> memref<128xi32, #tpu.memory_space<vmem>>
    %dma_start3A_102 = arith.constant 0 : i32
    %dma_start3A_103 = arith.constant 0 : i32
    %dma_start3A_104 = tpu.memref_slice %arg3[%dma_start3A_102, %dma_start3A_103] : memref<10000x32xf32, #tpu.memory_space<hbm>> -> memref<10000x32xf32, #tpu.memory_space<hbm>>
    tpu.enqueue_indirect_dma source(%dma_start3A_104 : memref<10000x32xf32, #tpu.memory_space<hbm>>) target(%dma_start3A_98 : memref<128x32xf32, #tpu.memory_space<vmem>>) offsets(%dma_start3A_101 : memref<128xi32, #tpu.memory_space<vmem>>) semaphore(%arg14 : memref<!tpu.dma_semaphore, #tpu.memory_space<semaphore_mem>>)
    %while3A = arith.constant 0 : i32
    %while3A_105 = arith.constant 0 : i32
    %while3A_106 = arith.subi %select_n3A_8, %while3A_105 : i32
    %while3A_107 = arith.addi %while3A_105, %while3A_106 : i32
    %while3A_108 = arith.constant 1 : i32
    %while3A_109 = arith.divsi %while3A_106, %while3A_108 : i32
    %while3A_110 = arith.muli %while3A_109, %while3A_108 : i32
    %while3A_111 = arith.addi %while3A_105, %while3A_110 : i32
    %while3A_112 = arith.constant 1 : i32
    scf.for %while3A_134 = %while3A_105 to %while3A_111 step %while3A_112  : i32 {
      %mul3A_135 = arith.constant 2 : i32
      %mul3A_136 = arith.muli %mul3A_135, %while3A_134 : i32
      %mul3A_137 = arith.constant 2 : i32
      %mul3A_138 = arith.muli %mul3A_137, %while3A_134 : i32
      %add3A_139 = arith.constant 1 : i32
      %add3A_140 = arith.addi %mul3A_138, %add3A_139 : i32
      %gt3A = arith.constant 0 : i32
      %gt3A_141 = arith.cmpi sgt, %while3A_134, %gt3A : i32
      %convert_element_type3A = arith.extui %gt3A_141 : i1 to i32
      %cond3A = arith.constant 0 : i32
      %cond3A_142 = arith.cmpi ne, %convert_element_type3A, %cond3A : i32
      scf.if %cond3A_142 {
        %mul3A_443 = arith.constant 4 : i32
        %mul3A_444 = arith.muli %add3A_140, %mul3A_443 : i32
        %mul3A_445 = arith.constant 128 : i32
        %mul3A_446 = arith.muli %mul3A_444, %mul3A_445 : i32
        %add3A_447 = arith.addi %mul3A_10, %mul3A_446 : i32
        %dma_wait3A_448 = arith.constant 0 : i32
        %dma_wait3A_449 = tpu.memref_slice %arg6[%add3A_447, %dma_wait3A_448] : memref<163840x128xf32, #tpu.memory_space<hbm>> -> memref<512x64xf32, #tpu.memory_space<hbm>>
        %dma_wait3A_450 = arith.constant 0 : i32
        %dma_wait3A_451 = tpu.memref_slice %arg6[%add3A_447, %dma_wait3A_450] : memref<163840x128xf32, #tpu.memory_space<hbm>> -> memref<512x64xf32, #tpu.memory_space<hbm>>
        tpu.wait_dma2 semaphore(%arg17 : memref<!tpu.dma_semaphore, #tpu.memory_space<semaphore_mem>>) src(%arg10 : memref<512x64xf32, #tpu.memory_space<vmem>>) dst(%dma_wait3A_451 : memref<512x64xf32, #tpu.memory_space<hbm>>)
        %dma_wait3A_452 = arith.constant 64 : i32
        %dma_wait3A_453 = tpu.memref_slice %arg6[%add3A_447, %dma_wait3A_452] : memref<163840x128xf32, #tpu.memory_space<hbm>> -> memref<512x32xf32, #tpu.memory_space<hbm>>
        %dma_wait3A_454 = arith.constant 64 : i32
        %dma_wait3A_455 = tpu.memref_slice %arg6[%add3A_447, %dma_wait3A_454] : memref<163840x128xf32, #tpu.memory_space<hbm>> -> memref<512x32xf32, #tpu.memory_space<hbm>>
        tpu.wait_dma2 semaphore(%arg17 : memref<!tpu.dma_semaphore, #tpu.memory_space<semaphore_mem>>) src(%arg12 : memref<512x32xf32, #tpu.memory_space<vmem>>) dst(%dma_wait3A_455 : memref<512x32xf32, #tpu.memory_space<hbm>>)
      } else {
      }
      %mul3A_143 = arith.constant 4 : i32
      %mul3A_144 = arith.muli %add3A_140, %mul3A_143 : i32
      %add3A_145 = arith.constant 0 : i32
      %add3A_146 = arith.addi %mul3A_144, %add3A_145 : i32
      %add3A_147 = arith.constant 0 : i32
      %add3A_148 = arith.addi %mul3A_144, %add3A_147 : i32
      %add3A_149 = arith.constant 1 : i32
      %add3A_150 = arith.addi %mul3A_144, %add3A_149 : i32
      %add3A_151 = arith.constant 1 : i32
      %add3A_152 = arith.addi %mul3A_144, %add3A_151 : i32
      %add3A_153 = arith.constant 2 : i32
      %add3A_154 = arith.addi %mul3A_144, %add3A_153 : i32
      %add3A_155 = arith.constant 2 : i32
      %add3A_156 = arith.addi %mul3A_144, %add3A_155 : i32
      %add3A_157 = arith.constant 3 : i32
      %add3A_158 = arith.addi %mul3A_144, %add3A_157 : i32
      %add3A_159 = arith.constant 3 : i32
      %add3A_160 = arith.addi %mul3A_144, %add3A_159 : i32
      %dma_start3A_161 = arith.constant 0 : i32
      %dma_start3A_162 = arith.constant 0 : i32
      %dma_start3A_163 = tpu.memref_slice %arg10[%dma_start3A_161, %dma_start3A_162] : memref<512x64xf32, #tpu.memory_space<vmem>> -> memref<128x64xf32, #tpu.memory_space<vmem>>
      %dma_start3A_164 = arith.constant 0 : i32
      %dma_start3A_165 = tpu.memref_slice %arg7[%add3A_146, %dma_start3A_164] : memref<56x128xi32, #tpu.memory_space<vmem>> -> memref<1x128xi32, #tpu.memory_space<vmem>>
      %dma_start3A_166 = tpu.memref_squeeze %dma_start3A_165 : memref<1x128xi32, #tpu.memory_space<vmem>> -> memref<128xi32, #tpu.memory_space<vmem>>
      %dma_start3A_167 = arith.constant 0 : i32
      %dma_start3A_168 = arith.constant 0 : i32
      %dma_start3A_169 = tpu.memref_slice %arg2[%dma_start3A_167, %dma_start3A_168] : memref<10000x64xf32, #tpu.memory_space<hbm>> -> memref<10000x64xf32, #tpu.memory_space<hbm>>
      tpu.enqueue_indirect_dma source(%dma_start3A_169 : memref<10000x64xf32, #tpu.memory_space<hbm>>) target(%dma_start3A_163 : memref<128x64xf32, #tpu.memory_space<vmem>>) offsets(%dma_start3A_166 : memref<128xi32, #tpu.memory_space<vmem>>) semaphore(%arg15 : memref<!tpu.dma_semaphore, #tpu.memory_space<semaphore_mem>>)
      %dma_start3A_170 = arith.constant 0 : i32
      %dma_start3A_171 = arith.constant 0 : i32
      %dma_start3A_172 = tpu.memref_slice %arg12[%dma_start3A_170, %dma_start3A_171] : memref<512x32xf32, #tpu.memory_space<vmem>> -> memref<128x32xf32, #tpu.memory_space<vmem>>
      %dma_start3A_173 = arith.constant 0 : i32
      %dma_start3A_174 = tpu.memref_slice %arg8[%add3A_148, %dma_start3A_173] : memref<56x128xi32, #tpu.memory_space<vmem>> -> memref<1x128xi32, #tpu.memory_space<vmem>>
      %dma_start3A_175 = tpu.memref_squeeze %dma_start3A_174 : memref<1x128xi32, #tpu.memory_space<vmem>> -> memref<128xi32, #tpu.memory_space<vmem>>
      %dma_start3A_176 = arith.constant 0 : i32
      %dma_start3A_177 = arith.constant 0 : i32
      %dma_start3A_178 = tpu.memref_slice %arg3[%dma_start3A_176, %dma_start3A_177] : memref<10000x32xf32, #tpu.memory_space<hbm>> -> memref<10000x32xf32, #tpu.memory_space<hbm>>
      tpu.enqueue_indirect_dma source(%dma_start3A_178 : memref<10000x32xf32, #tpu.memory_space<hbm>>) target(%dma_start3A_172 : memref<128x32xf32, #tpu.memory_space<vmem>>) offsets(%dma_start3A_175 : memref<128xi32, #tpu.memory_space<vmem>>) semaphore(%arg15 : memref<!tpu.dma_semaphore, #tpu.memory_space<semaphore_mem>>)
      %dma_start3A_179 = arith.constant 128 : i32
      %dma_start3A_180 = arith.constant 0 : i32
      %dma_start3A_181 = tpu.memref_slice %arg10[%dma_start3A_179, %dma_start3A_180] : memref<512x64xf32, #tpu.memory_space<vmem>> -> memref<128x64xf32, #tpu.memory_space<vmem>>
      %dma_start3A_182 = arith.constant 0 : i32
      %dma_start3A_183 = tpu.memref_slice %arg7[%add3A_150, %dma_start3A_182] : memref<56x128xi32, #tpu.memory_space<vmem>> -> memref<1x128xi32, #tpu.memory_space<vmem>>
      %dma_start3A_184 = tpu.memref_squeeze %dma_start3A_183 : memref<1x128xi32, #tpu.memory_space<vmem>> -> memref<128xi32, #tpu.memory_space<vmem>>
      %dma_start3A_185 = arith.constant 0 : i32
      %dma_start3A_186 = arith.constant 0 : i32
      %dma_start3A_187 = tpu.memref_slice %arg2[%dma_start3A_185, %dma_start3A_186] : memref<10000x64xf32, #tpu.memory_space<hbm>> -> memref<10000x64xf32, #tpu.memory_space<hbm>>
      tpu.enqueue_indirect_dma source(%dma_start3A_187 : memref<10000x64xf32, #tpu.memory_space<hbm>>) target(%dma_start3A_181 : memref<128x64xf32, #tpu.memory_space<vmem>>) offsets(%dma_start3A_184 : memref<128xi32, #tpu.memory_space<vmem>>) semaphore(%arg15 : memref<!tpu.dma_semaphore, #tpu.memory_space<semaphore_mem>>)
      %dma_start3A_188 = arith.constant 128 : i32
      %dma_start3A_189 = arith.constant 0 : i32
      %dma_start3A_190 = tpu.memref_slice %arg12[%dma_start3A_188, %dma_start3A_189] : memref<512x32xf32, #tpu.memory_space<vmem>> -> memref<128x32xf32, #tpu.memory_space<vmem>>
      %dma_start3A_191 = arith.constant 0 : i32
      %dma_start3A_192 = tpu.memref_slice %arg8[%add3A_152, %dma_start3A_191] : memref<56x128xi32, #tpu.memory_space<vmem>> -> memref<1x128xi32, #tpu.memory_space<vmem>>
      %dma_start3A_193 = tpu.memref_squeeze %dma_start3A_192 : memref<1x128xi32, #tpu.memory_space<vmem>> -> memref<128xi32, #tpu.memory_space<vmem>>
      %dma_start3A_194 = arith.constant 0 : i32
      %dma_start3A_195 = arith.constant 0 : i32
      %dma_start3A_196 = tpu.memref_slice %arg3[%dma_start3A_194, %dma_start3A_195] : memref<10000x32xf32, #tpu.memory_space<hbm>> -> memref<10000x32xf32, #tpu.memory_space<hbm>>
      tpu.enqueue_indirect_dma source(%dma_start3A_196 : memref<10000x32xf32, #tpu.memory_space<hbm>>) target(%dma_start3A_190 : memref<128x32xf32, #tpu.memory_space<vmem>>) offsets(%dma_start3A_193 : memref<128xi32, #tpu.memory_space<vmem>>) semaphore(%arg15 : memref<!tpu.dma_semaphore, #tpu.memory_space<semaphore_mem>>)
      %dma_start3A_197 = arith.constant 256 : i32
      %dma_start3A_198 = arith.constant 0 : i32
      %dma_start3A_199 = tpu.memref_slice %arg10[%dma_start3A_197, %dma_start3A_198] : memref<512x64xf32, #tpu.memory_space<vmem>> -> memref<128x64xf32, #tpu.memory_space<vmem>>
      %dma_start3A_200 = arith.constant 0 : i32
      %dma_start3A_201 = tpu.memref_slice %arg7[%add3A_154, %dma_start3A_200] : memref<56x128xi32, #tpu.memory_space<vmem>> -> memref<1x128xi32, #tpu.memory_space<vmem>>
      %dma_start3A_202 = tpu.memref_squeeze %dma_start3A_201 : memref<1x128xi32, #tpu.memory_space<vmem>> -> memref<128xi32, #tpu.memory_space<vmem>>
      %dma_start3A_203 = arith.constant 0 : i32
      %dma_start3A_204 = arith.constant 0 : i32
      %dma_start3A_205 = tpu.memref_slice %arg2[%dma_start3A_203, %dma_start3A_204] : memref<10000x64xf32, #tpu.memory_space<hbm>> -> memref<10000x64xf32, #tpu.memory_space<hbm>>
      tpu.enqueue_indirect_dma source(%dma_start3A_205 : memref<10000x64xf32, #tpu.memory_space<hbm>>) target(%dma_start3A_199 : memref<128x64xf32, #tpu.memory_space<vmem>>) offsets(%dma_start3A_202 : memref<128xi32, #tpu.memory_space<vmem>>) semaphore(%arg15 : memref<!tpu.dma_semaphore, #tpu.memory_space<semaphore_mem>>)
      %dma_start3A_206 = arith.constant 256 : i32
      %dma_start3A_207 = arith.constant 0 : i32
      %dma_start3A_208 = tpu.memref_slice %arg12[%dma_start3A_206, %dma_start3A_207] : memref<512x32xf32, #tpu.memory_space<vmem>> -> memref<128x32xf32, #tpu.memory_space<vmem>>
      %dma_start3A_209 = arith.constant 0 : i32
      %dma_start3A_210 = tpu.memref_slice %arg8[%add3A_156, %dma_start3A_209] : memref<56x128xi32, #tpu.memory_space<vmem>> -> memref<1x128xi32, #tpu.memory_space<vmem>>
      %dma_start3A_211 = tpu.memref_squeeze %dma_start3A_210 : memref<1x128xi32, #tpu.memory_space<vmem>> -> memref<128xi32, #tpu.memory_space<vmem>>
      %dma_start3A_212 = arith.constant 0 : i32
      %dma_start3A_213 = arith.constant 0 : i32
      %dma_start3A_214 = tpu.memref_slice %arg3[%dma_start3A_212, %dma_start3A_213] : memref<10000x32xf32, #tpu.memory_space<hbm>> -> memref<10000x32xf32, #tpu.memory_space<hbm>>
      tpu.enqueue_indirect_dma source(%dma_start3A_214 : memref<10000x32xf32, #tpu.memory_space<hbm>>) target(%dma_start3A_208 : memref<128x32xf32, #tpu.memory_space<vmem>>) offsets(%dma_start3A_211 : memref<128xi32, #tpu.memory_space<vmem>>) semaphore(%arg15 : memref<!tpu.dma_semaphore, #tpu.memory_space<semaphore_mem>>)
      %dma_start3A_215 = arith.constant 384 : i32
      %dma_start3A_216 = arith.constant 0 : i32
      %dma_start3A_217 = tpu.memref_slice %arg10[%dma_start3A_215, %dma_start3A_216] : memref<512x64xf32, #tpu.memory_space<vmem>> -> memref<128x64xf32, #tpu.memory_space<vmem>>
      %dma_start3A_218 = arith.constant 0 : i32
      %dma_start3A_219 = tpu.memref_slice %arg7[%add3A_158, %dma_start3A_218] : memref<56x128xi32, #tpu.memory_space<vmem>> -> memref<1x128xi32, #tpu.memory_space<vmem>>
      %dma_start3A_220 = tpu.memref_squeeze %dma_start3A_219 : memref<1x128xi32, #tpu.memory_space<vmem>> -> memref<128xi32, #tpu.memory_space<vmem>>
      %dma_start3A_221 = arith.constant 0 : i32
      %dma_start3A_222 = arith.constant 0 : i32
      %dma_start3A_223 = tpu.memref_slice %arg2[%dma_start3A_221, %dma_start3A_222] : memref<10000x64xf32, #tpu.memory_space<hbm>> -> memref<10000x64xf32, #tpu.memory_space<hbm>>
      tpu.enqueue_indirect_dma source(%dma_start3A_223 : memref<10000x64xf32, #tpu.memory_space<hbm>>) target(%dma_start3A_217 : memref<128x64xf32, #tpu.memory_space<vmem>>) offsets(%dma_start3A_220 : memref<128xi32, #tpu.memory_space<vmem>>) semaphore(%arg15 : memref<!tpu.dma_semaphore, #tpu.memory_space<semaphore_mem>>)
      %dma_start3A_224 = arith.constant 384 : i32
      %dma_start3A_225 = arith.constant 0 : i32
      %dma_start3A_226 = tpu.memref_slice %arg12[%dma_start3A_224, %dma_start3A_225] : memref<512x32xf32, #tpu.memory_space<vmem>> -> memref<128x32xf32, #tpu.memory_space<vmem>>
      %dma_start3A_227 = arith.constant 0 : i32
      %dma_start3A_228 = tpu.memref_slice %arg8[%add3A_160, %dma_start3A_227] : memref<56x128xi32, #tpu.memory_space<vmem>> -> memref<1x128xi32, #tpu.memory_space<vmem>>
      %dma_start3A_229 = tpu.memref_squeeze %dma_start3A_228 : memref<1x128xi32, #tpu.memory_space<vmem>> -> memref<128xi32, #tpu.memory_space<vmem>>
      %dma_start3A_230 = arith.constant 0 : i32
      %dma_start3A_231 = arith.constant 0 : i32
      %dma_start3A_232 = tpu.memref_slice %arg3[%dma_start3A_230, %dma_start3A_231] : memref<10000x32xf32, #tpu.memory_space<hbm>> -> memref<10000x32xf32, #tpu.memory_space<hbm>>
      tpu.enqueue_indirect_dma source(%dma_start3A_232 : memref<10000x32xf32, #tpu.memory_space<hbm>>) target(%dma_start3A_226 : memref<128x32xf32, #tpu.memory_space<vmem>>) offsets(%dma_start3A_229 : memref<128xi32, #tpu.memory_space<vmem>>) semaphore(%arg15 : memref<!tpu.dma_semaphore, #tpu.memory_space<semaphore_mem>>)
      %mul3A_233 = arith.constant 4 : i32
      %mul3A_234 = arith.muli %mul3A_136, %mul3A_233 : i32
      %add3A_235 = arith.constant 0 : i32
      %add3A_236 = arith.addi %mul3A_234, %add3A_235 : i32
      %add3A_237 = arith.constant 0 : i32
      %add3A_238 = arith.addi %mul3A_234, %add3A_237 : i32
      %add3A_239 = arith.constant 1 : i32
      %add3A_240 = arith.addi %mul3A_234, %add3A_239 : i32
      %add3A_241 = arith.constant 1 : i32
      %add3A_242 = arith.addi %mul3A_234, %add3A_241 : i32
      %add3A_243 = arith.constant 2 : i32
      %add3A_244 = arith.addi %mul3A_234, %add3A_243 : i32
      %add3A_245 = arith.constant 2 : i32
      %add3A_246 = arith.addi %mul3A_234, %add3A_245 : i32
      %add3A_247 = arith.constant 3 : i32
      %add3A_248 = arith.addi %mul3A_234, %add3A_247 : i32
      %add3A_249 = arith.constant 3 : i32
      %add3A_250 = arith.addi %mul3A_234, %add3A_249 : i32
      %dma_wait3A_251 = arith.constant 0 : i32
      %dma_wait3A_252 = arith.constant 0 : i32
      %dma_wait3A_253 = tpu.memref_slice %arg9[%dma_wait3A_251, %dma_wait3A_252] : memref<512x64xf32, #tpu.memory_space<vmem>> -> memref<128x64xf32, #tpu.memory_space<vmem>>
      %dma_wait3A_254 = arith.constant 0 : i32
      %dma_wait3A_255 = tpu.memref_slice %arg7[%add3A_236, %dma_wait3A_254] : memref<56x128xi32, #tpu.memory_space<vmem>> -> memref<1x128xi32, #tpu.memory_space<vmem>>
      %dma_wait3A_256 = tpu.memref_squeeze %dma_wait3A_255 : memref<1x128xi32, #tpu.memory_space<vmem>> -> memref<128xi32, #tpu.memory_space<vmem>>
      %dma_wait3A_257 = arith.constant 0 : i32
      %dma_wait3A_258 = arith.constant 0 : i32
      %dma_wait3A_259 = tpu.memref_slice %arg2[%dma_wait3A_257, %dma_wait3A_258] : memref<10000x64xf32, #tpu.memory_space<hbm>> -> memref<10000x64xf32, #tpu.memory_space<hbm>>
      tpu.wait_indirect_dma semaphore(%arg14 : memref<!tpu.dma_semaphore, #tpu.memory_space<semaphore_mem>>) src(%dma_wait3A_259 : memref<10000x64xf32, #tpu.memory_space<hbm>>) dst(%dma_wait3A_253 : memref<128x64xf32, #tpu.memory_space<vmem>>)
      %dma_wait3A_260 = arith.constant 0 : i32
      %dma_wait3A_261 = arith.constant 0 : i32
      %dma_wait3A_262 = tpu.memref_slice %arg11[%dma_wait3A_260, %dma_wait3A_261] : memref<512x32xf32, #tpu.memory_space<vmem>> -> memref<128x32xf32, #tpu.memory_space<vmem>>
      %dma_wait3A_263 = arith.constant 0 : i32
      %dma_wait3A_264 = tpu.memref_slice %arg8[%add3A_238, %dma_wait3A_263] : memref<56x128xi32, #tpu.memory_space<vmem>> -> memref<1x128xi32, #tpu.memory_space<vmem>>
      %dma_wait3A_265 = tpu.memref_squeeze %dma_wait3A_264 : memref<1x128xi32, #tpu.memory_space<vmem>> -> memref<128xi32, #tpu.memory_space<vmem>>
      %dma_wait3A_266 = arith.constant 0 : i32
      %dma_wait3A_267 = arith.constant 0 : i32
      %dma_wait3A_268 = tpu.memref_slice %arg3[%dma_wait3A_266, %dma_wait3A_267] : memref<10000x32xf32, #tpu.memory_space<hbm>> -> memref<10000x32xf32, #tpu.memory_space<hbm>>
      tpu.wait_indirect_dma semaphore(%arg14 : memref<!tpu.dma_semaphore, #tpu.memory_space<semaphore_mem>>) src(%dma_wait3A_268 : memref<10000x32xf32, #tpu.memory_space<hbm>>) dst(%dma_wait3A_262 : memref<128x32xf32, #tpu.memory_space<vmem>>)
      %dma_wait3A_269 = arith.constant 128 : i32
      %dma_wait3A_270 = arith.constant 0 : i32
      %dma_wait3A_271 = tpu.memref_slice %arg9[%dma_wait3A_269, %dma_wait3A_270] : memref<512x64xf32, #tpu.memory_space<vmem>> -> memref<128x64xf32, #tpu.memory_space<vmem>>
      %dma_wait3A_272 = arith.constant 0 : i32
      %dma_wait3A_273 = tpu.memref_slice %arg7[%add3A_240, %dma_wait3A_272] : memref<56x128xi32, #tpu.memory_space<vmem>> -> memref<1x128xi32, #tpu.memory_space<vmem>>
      %dma_wait3A_274 = tpu.memref_squeeze %dma_wait3A_273 : memref<1x128xi32, #tpu.memory_space<vmem>> -> memref<128xi32, #tpu.memory_space<vmem>>
      %dma_wait3A_275 = arith.constant 0 : i32
      %dma_wait3A_276 = arith.constant 0 : i32
      %dma_wait3A_277 = tpu.memref_slice %arg2[%dma_wait3A_275, %dma_wait3A_276] : memref<10000x64xf32, #tpu.memory_space<hbm>> -> memref<10000x64xf32, #tpu.memory_space<hbm>>
      tpu.wait_indirect_dma semaphore(%arg14 : memref<!tpu.dma_semaphore, #tpu.memory_space<semaphore_mem>>) src(%dma_wait3A_277 : memref<10000x64xf32, #tpu.memory_space<hbm>>) dst(%dma_wait3A_271 : memref<128x64xf32, #tpu.memory_space<vmem>>)
      %dma_wait3A_278 = arith.constant 128 : i32
      %dma_wait3A_279 = arith.constant 0 : i32
      %dma_wait3A_280 = tpu.memref_slice %arg11[%dma_wait3A_278, %dma_wait3A_279] : memref<512x32xf32, #tpu.memory_space<vmem>> -> memref<128x32xf32, #tpu.memory_space<vmem>>
      %dma_wait3A_281 = arith.constant 0 : i32
      %dma_wait3A_282 = tpu.memref_slice %arg8[%add3A_242, %dma_wait3A_281] : memref<56x128xi32, #tpu.memory_space<vmem>> -> memref<1x128xi32, #tpu.memory_space<vmem>>
      %dma_wait3A_283 = tpu.memref_squeeze %dma_wait3A_282 : memref<1x128xi32, #tpu.memory_space<vmem>> -> memref<128xi32, #tpu.memory_space<vmem>>
      %dma_wait3A_284 = arith.constant 0 : i32
      %dma_wait3A_285 = arith.constant 0 : i32
      %dma_wait3A_286 = tpu.memref_slice %arg3[%dma_wait3A_284, %dma_wait3A_285] : memref<10000x32xf32, #tpu.memory_space<hbm>> -> memref<10000x32xf32, #tpu.memory_space<hbm>>
      tpu.wait_indirect_dma semaphore(%arg14 : memref<!tpu.dma_semaphore, #tpu.memory_space<semaphore_mem>>) src(%dma_wait3A_286 : memref<10000x32xf32, #tpu.memory_space<hbm>>) dst(%dma_wait3A_280 : memref<128x32xf32, #tpu.memory_space<vmem>>)
      %dma_wait3A_287 = arith.constant 256 : i32
      %dma_wait3A_288 = arith.constant 0 : i32
      %dma_wait3A_289 = tpu.memref_slice %arg9[%dma_wait3A_287, %dma_wait3A_288] : memref<512x64xf32, #tpu.memory_space<vmem>> -> memref<128x64xf32, #tpu.memory_space<vmem>>
      %dma_wait3A_290 = arith.constant 0 : i32
      %dma_wait3A_291 = tpu.memref_slice %arg7[%add3A_244, %dma_wait3A_290] : memref<56x128xi32, #tpu.memory_space<vmem>> -> memref<1x128xi32, #tpu.memory_space<vmem>>
      %dma_wait3A_292 = tpu.memref_squeeze %dma_wait3A_291 : memref<1x128xi32, #tpu.memory_space<vmem>> -> memref<128xi32, #tpu.memory_space<vmem>>
      %dma_wait3A_293 = arith.constant 0 : i32
      %dma_wait3A_294 = arith.constant 0 : i32
      %dma_wait3A_295 = tpu.memref_slice %arg2[%dma_wait3A_293, %dma_wait3A_294] : memref<10000x64xf32, #tpu.memory_space<hbm>> -> memref<10000x64xf32, #tpu.memory_space<hbm>>
      tpu.wait_indirect_dma semaphore(%arg14 : memref<!tpu.dma_semaphore, #tpu.memory_space<semaphore_mem>>) src(%dma_wait3A_295 : memref<10000x64xf32, #tpu.memory_space<hbm>>) dst(%dma_wait3A_289 : memref<128x64xf32, #tpu.memory_space<vmem>>)
      %dma_wait3A_296 = arith.constant 256 : i32
      %dma_wait3A_297 = arith.constant 0 : i32
      %dma_wait3A_298 = tpu.memref_slice %arg11[%dma_wait3A_296, %dma_wait3A_297] : memref<512x32xf32, #tpu.memory_space<vmem>> -> memref<128x32xf32, #tpu.memory_space<vmem>>
      %dma_wait3A_299 = arith.constant 0 : i32
      %dma_wait3A_300 = tpu.memref_slice %arg8[%add3A_246, %dma_wait3A_299] : memref<56x128xi32, #tpu.memory_space<vmem>> -> memref<1x128xi32, #tpu.memory_space<vmem>>
      %dma_wait3A_301 = tpu.memref_squeeze %dma_wait3A_300 : memref<1x128xi32, #tpu.memory_space<vmem>> -> memref<128xi32, #tpu.memory_space<vmem>>
      %dma_wait3A_302 = arith.constant 0 : i32
      %dma_wait3A_303 = arith.constant 0 : i32
      %dma_wait3A_304 = tpu.memref_slice %arg3[%dma_wait3A_302, %dma_wait3A_303] : memref<10000x32xf32, #tpu.memory_space<hbm>> -> memref<10000x32xf32, #tpu.memory_space<hbm>>
      tpu.wait_indirect_dma semaphore(%arg14 : memref<!tpu.dma_semaphore, #tpu.memory_space<semaphore_mem>>) src(%dma_wait3A_304 : memref<10000x32xf32, #tpu.memory_space<hbm>>) dst(%dma_wait3A_298 : memref<128x32xf32, #tpu.memory_space<vmem>>)
      %dma_wait3A_305 = arith.constant 384 : i32
      %dma_wait3A_306 = arith.constant 0 : i32
      %dma_wait3A_307 = tpu.memref_slice %arg9[%dma_wait3A_305, %dma_wait3A_306] : memref<512x64xf32, #tpu.memory_space<vmem>> -> memref<128x64xf32, #tpu.memory_space<vmem>>
      %dma_wait3A_308 = arith.constant 0 : i32
      %dma_wait3A_309 = tpu.memref_slice %arg7[%add3A_248, %dma_wait3A_308] : memref<56x128xi32, #tpu.memory_space<vmem>> -> memref<1x128xi32, #tpu.memory_space<vmem>>
      %dma_wait3A_310 = tpu.memref_squeeze %dma_wait3A_309 : memref<1x128xi32, #tpu.memory_space<vmem>> -> memref<128xi32, #tpu.memory_space<vmem>>
      %dma_wait3A_311 = arith.constant 0 : i32
      %dma_wait3A_312 = arith.constant 0 : i32
      %dma_wait3A_313 = tpu.memref_slice %arg2[%dma_wait3A_311, %dma_wait3A_312] : memref<10000x64xf32, #tpu.memory_space<hbm>> -> memref<10000x64xf32, #tpu.memory_space<hbm>>
      tpu.wait_indirect_dma semaphore(%arg14 : memref<!tpu.dma_semaphore, #tpu.memory_space<semaphore_mem>>) src(%dma_wait3A_313 : memref<10000x64xf32, #tpu.memory_space<hbm>>) dst(%dma_wait3A_307 : memref<128x64xf32, #tpu.memory_space<vmem>>)
      %dma_wait3A_314 = arith.constant 384 : i32
      %dma_wait3A_315 = arith.constant 0 : i32
      %dma_wait3A_316 = tpu.memref_slice %arg11[%dma_wait3A_314, %dma_wait3A_315] : memref<512x32xf32, #tpu.memory_space<vmem>> -> memref<128x32xf32, #tpu.memory_space<vmem>>
      %dma_wait3A_317 = arith.constant 0 : i32
      %dma_wait3A_318 = tpu.memref_slice %arg8[%add3A_250, %dma_wait3A_317] : memref<56x128xi32, #tpu.memory_space<vmem>> -> memref<1x128xi32, #tpu.memory_space<vmem>>
      %dma_wait3A_319 = tpu.memref_squeeze %dma_wait3A_318 : memref<1x128xi32, #tpu.memory_space<vmem>> -> memref<128xi32, #tpu.memory_space<vmem>>
      %dma_wait3A_320 = arith.constant 0 : i32
      %dma_wait3A_321 = arith.constant 0 : i32
      %dma_wait3A_322 = tpu.memref_slice %arg3[%dma_wait3A_320, %dma_wait3A_321] : memref<10000x32xf32, #tpu.memory_space<hbm>> -> memref<10000x32xf32, #tpu.memory_space<hbm>>
      tpu.wait_indirect_dma semaphore(%arg14 : memref<!tpu.dma_semaphore, #tpu.memory_space<semaphore_mem>>) src(%dma_wait3A_322 : memref<10000x32xf32, #tpu.memory_space<hbm>>) dst(%dma_wait3A_316 : memref<128x32xf32, #tpu.memory_space<vmem>>)
      %mul3A_323 = arith.constant 4 : i32
      %mul3A_324 = arith.muli %mul3A_136, %mul3A_323 : i32
      %mul3A_325 = arith.constant 128 : i32
      %mul3A_326 = arith.muli %mul3A_324, %mul3A_325 : i32
      %add3A_327 = arith.addi %mul3A_10, %mul3A_326 : i32
      %dma_start3A_328 = arith.constant 0 : i32
      %dma_start3A_329 = tpu.memref_slice %arg6[%add3A_327, %dma_start3A_328] : memref<163840x128xf32, #tpu.memory_space<hbm>> -> memref<512x64xf32, #tpu.memory_space<hbm>>
      %dma_start3A_330 = arith.constant 0 : i32
      %dma_start3A_331 = tpu.memref_slice %arg6[%add3A_327, %dma_start3A_330] : memref<163840x128xf32, #tpu.memory_space<hbm>> -> memref<512x64xf32, #tpu.memory_space<hbm>>
      tpu.enqueue_dma source(%arg9 : memref<512x64xf32, #tpu.memory_space<vmem>>) target(%dma_start3A_331 : memref<512x64xf32, #tpu.memory_space<hbm>>) target_semaphore(%arg16 : memref<!tpu.dma_semaphore, #tpu.memory_space<semaphore_mem>>)
      %dma_start3A_332 = arith.constant 64 : i32
      %dma_start3A_333 = tpu.memref_slice %arg6[%add3A_327, %dma_start3A_332] : memref<163840x128xf32, #tpu.memory_space<hbm>> -> memref<512x32xf32, #tpu.memory_space<hbm>>
      %dma_start3A_334 = arith.constant 64 : i32
      %dma_start3A_335 = tpu.memref_slice %arg6[%add3A_327, %dma_start3A_334] : memref<163840x128xf32, #tpu.memory_space<hbm>> -> memref<512x32xf32, #tpu.memory_space<hbm>>
      tpu.enqueue_dma source(%arg11 : memref<512x32xf32, #tpu.memory_space<vmem>>) target(%dma_start3A_335 : memref<512x32xf32, #tpu.memory_space<hbm>>) target_semaphore(%arg16 : memref<!tpu.dma_semaphore, #tpu.memory_space<semaphore_mem>>)
      %mul3A_336 = arith.constant 4 : i32
      %mul3A_337 = arith.muli %add3A_140, %mul3A_336 : i32
      %add3A_338 = arith.constant 0 : i32
      %add3A_339 = arith.addi %mul3A_337, %add3A_338 : i32
      %add3A_340 = arith.constant 0 : i32
      %add3A_341 = arith.addi %mul3A_337, %add3A_340 : i32
      %add3A_342 = arith.constant 1 : i32
      %add3A_343 = arith.addi %mul3A_337, %add3A_342 : i32
      %add3A_344 = arith.constant 1 : i32
      %add3A_345 = arith.addi %mul3A_337, %add3A_344 : i32
      %add3A_346 = arith.constant 2 : i32
      %add3A_347 = arith.addi %mul3A_337, %add3A_346 : i32
      %add3A_348 = arith.constant 2 : i32
      %add3A_349 = arith.addi %mul3A_337, %add3A_348 : i32
      %add3A_350 = arith.constant 3 : i32
      %add3A_351 = arith.addi %mul3A_337, %add3A_350 : i32
      %add3A_352 = arith.constant 3 : i32
      %add3A_353 = arith.addi %mul3A_337, %add3A_352 : i32
      %dma_wait3A_354 = arith.constant 0 : i32
      %dma_wait3A_355 = arith.constant 0 : i32
      %dma_wait3A_356 = tpu.memref_slice %arg10[%dma_wait3A_354, %dma_wait3A_355] : memref<512x64xf32, #tpu.memory_space<vmem>> -> memref<128x64xf32, #tpu.memory_space<vmem>>
      %dma_wait3A_357 = arith.constant 0 : i32
      %dma_wait3A_358 = tpu.memref_slice %arg7[%add3A_339, %dma_wait3A_357] : memref<56x128xi32, #tpu.memory_space<vmem>> -> memref<1x128xi32, #tpu.memory_space<vmem>>
      %dma_wait3A_359 = tpu.memref_squeeze %dma_wait3A_358 : memref<1x128xi32, #tpu.memory_space<vmem>> -> memref<128xi32, #tpu.memory_space<vmem>>
      %dma_wait3A_360 = arith.constant 0 : i32
      %dma_wait3A_361 = arith.constant 0 : i32
      %dma_wait3A_362 = tpu.memref_slice %arg2[%dma_wait3A_360, %dma_wait3A_361] : memref<10000x64xf32, #tpu.memory_space<hbm>> -> memref<10000x64xf32, #tpu.memory_space<hbm>>
      tpu.wait_indirect_dma semaphore(%arg15 : memref<!tpu.dma_semaphore, #tpu.memory_space<semaphore_mem>>) src(%dma_wait3A_362 : memref<10000x64xf32, #tpu.memory_space<hbm>>) dst(%dma_wait3A_356 : memref<128x64xf32, #tpu.memory_space<vmem>>)
      %dma_wait3A_363 = arith.constant 0 : i32
      %dma_wait3A_364 = arith.constant 0 : i32
      %dma_wait3A_365 = tpu.memref_slice %arg12[%dma_wait3A_363, %dma_wait3A_364] : memref<512x32xf32, #tpu.memory_space<vmem>> -> memref<128x32xf32, #tpu.memory_space<vmem>>
      %dma_wait3A_366 = arith.constant 0 : i32
      %dma_wait3A_367 = tpu.memref_slice %arg8[%add3A_341, %dma_wait3A_366] : memref<56x128xi32, #tpu.memory_space<vmem>> -> memref<1x128xi32, #tpu.memory_space<vmem>>
      %dma_wait3A_368 = tpu.memref_squeeze %dma_wait3A_367 : memref<1x128xi32, #tpu.memory_space<vmem>> -> memref<128xi32, #tpu.memory_space<vmem>>
      %dma_wait3A_369 = arith.constant 0 : i32
      %dma_wait3A_370 = arith.constant 0 : i32
      %dma_wait3A_371 = tpu.memref_slice %arg3[%dma_wait3A_369, %dma_wait3A_370] : memref<10000x32xf32, #tpu.memory_space<hbm>> -> memref<10000x32xf32, #tpu.memory_space<hbm>>
      tpu.wait_indirect_dma semaphore(%arg15 : memref<!tpu.dma_semaphore, #tpu.memory_space<semaphore_mem>>) src(%dma_wait3A_371 : memref<10000x32xf32, #tpu.memory_space<hbm>>) dst(%dma_wait3A_365 : memref<128x32xf32, #tpu.memory_space<vmem>>)
      %dma_wait3A_372 = arith.constant 128 : i32
      %dma_wait3A_373 = arith.constant 0 : i32
      %dma_wait3A_374 = tpu.memref_slice %arg10[%dma_wait3A_372, %dma_wait3A_373] : memref<512x64xf32, #tpu.memory_space<vmem>> -> memref<128x64xf32, #tpu.memory_space<vmem>>
      %dma_wait3A_375 = arith.constant 0 : i32
      %dma_wait3A_376 = tpu.memref_slice %arg7[%add3A_343, %dma_wait3A_375] : memref<56x128xi32, #tpu.memory_space<vmem>> -> memref<1x128xi32, #tpu.memory_space<vmem>>
      %dma_wait3A_377 = tpu.memref_squeeze %dma_wait3A_376 : memref<1x128xi32, #tpu.memory_space<vmem>> -> memref<128xi32, #tpu.memory_space<vmem>>
      %dma_wait3A_378 = arith.constant 0 : i32
      %dma_wait3A_379 = arith.constant 0 : i32
      %dma_wait3A_380 = tpu.memref_slice %arg2[%dma_wait3A_378, %dma_wait3A_379] : memref<10000x64xf32, #tpu.memory_space<hbm>> -> memref<10000x64xf32, #tpu.memory_space<hbm>>
      tpu.wait_indirect_dma semaphore(%arg15 : memref<!tpu.dma_semaphore, #tpu.memory_space<semaphore_mem>>) src(%dma_wait3A_380 : memref<10000x64xf32, #tpu.memory_space<hbm>>) dst(%dma_wait3A_374 : memref<128x64xf32, #tpu.memory_space<vmem>>)
      %dma_wait3A_381 = arith.constant 128 : i32
      %dma_wait3A_382 = arith.constant 0 : i32
      %dma_wait3A_383 = tpu.memref_slice %arg12[%dma_wait3A_381, %dma_wait3A_382] : memref<512x32xf32, #tpu.memory_space<vmem>> -> memref<128x32xf32, #tpu.memory_space<vmem>>
      %dma_wait3A_384 = arith.constant 0 : i32
      %dma_wait3A_385 = tpu.memref_slice %arg8[%add3A_345, %dma_wait3A_384] : memref<56x128xi32, #tpu.memory_space<vmem>> -> memref<1x128xi32, #tpu.memory_space<vmem>>
      %dma_wait3A_386 = tpu.memref_squeeze %dma_wait3A_385 : memref<1x128xi32, #tpu.memory_space<vmem>> -> memref<128xi32, #tpu.memory_space<vmem>>
      %dma_wait3A_387 = arith.constant 0 : i32
      %dma_wait3A_388 = arith.constant 0 : i32
      %dma_wait3A_389 = tpu.memref_slice %arg3[%dma_wait3A_387, %dma_wait3A_388] : memref<10000x32xf32, #tpu.memory_space<hbm>> -> memref<10000x32xf32, #tpu.memory_space<hbm>>
      tpu.wait_indirect_dma semaphore(%arg15 : memref<!tpu.dma_semaphore, #tpu.memory_space<semaphore_mem>>) src(%dma_wait3A_389 : memref<10000x32xf32, #tpu.memory_space<hbm>>) dst(%dma_wait3A_383 : memref<128x32xf32, #tpu.memory_space<vmem>>)
      %dma_wait3A_390 = arith.constant 256 : i32
      %dma_wait3A_391 = arith.constant 0 : i32
      %dma_wait3A_392 = tpu.memref_slice %arg10[%dma_wait3A_390, %dma_wait3A_391] : memref<512x64xf32, #tpu.memory_space<vmem>> -> memref<128x64xf32, #tpu.memory_space<vmem>>
      %dma_wait3A_393 = arith.constant 0 : i32
      %dma_wait3A_394 = tpu.memref_slice %arg7[%add3A_347, %dma_wait3A_393] : memref<56x128xi32, #tpu.memory_space<vmem>> -> memref<1x128xi32, #tpu.memory_space<vmem>>
      %dma_wait3A_395 = tpu.memref_squeeze %dma_wait3A_394 : memref<1x128xi32, #tpu.memory_space<vmem>> -> memref<128xi32, #tpu.memory_space<vmem>>
      %dma_wait3A_396 = arith.constant 0 : i32
      %dma_wait3A_397 = arith.constant 0 : i32
      %dma_wait3A_398 = tpu.memref_slice %arg2[%dma_wait3A_396, %dma_wait3A_397] : memref<10000x64xf32, #tpu.memory_space<hbm>> -> memref<10000x64xf32, #tpu.memory_space<hbm>>
      tpu.wait_indirect_dma semaphore(%arg15 : memref<!tpu.dma_semaphore, #tpu.memory_space<semaphore_mem>>) src(%dma_wait3A_398 : memref<10000x64xf32, #tpu.memory_space<hbm>>) dst(%dma_wait3A_392 : memref<128x64xf32, #tpu.memory_space<vmem>>)
      %dma_wait3A_399 = arith.constant 256 : i32
      %dma_wait3A_400 = arith.constant 0 : i32
      %dma_wait3A_401 = tpu.memref_slice %arg12[%dma_wait3A_399, %dma_wait3A_400] : memref<512x32xf32, #tpu.memory_space<vmem>> -> memref<128x32xf32, #tpu.memory_space<vmem>>
      %dma_wait3A_402 = arith.constant 0 : i32
      %dma_wait3A_403 = tpu.memref_slice %arg8[%add3A_349, %dma_wait3A_402] : memref<56x128xi32, #tpu.memory_space<vmem>> -> memref<1x128xi32, #tpu.memory_space<vmem>>
      %dma_wait3A_404 = tpu.memref_squeeze %dma_wait3A_403 : memref<1x128xi32, #tpu.memory_space<vmem>> -> memref<128xi32, #tpu.memory_space<vmem>>
      %dma_wait3A_405 = arith.constant 0 : i32
      %dma_wait3A_406 = arith.constant 0 : i32
      %dma_wait3A_407 = tpu.memref_slice %arg3[%dma_wait3A_405, %dma_wait3A_406] : memref<10000x32xf32, #tpu.memory_space<hbm>> -> memref<10000x32xf32, #tpu.memory_space<hbm>>
      tpu.wait_indirect_dma semaphore(%arg15 : memref<!tpu.dma_semaphore, #tpu.memory_space<semaphore_mem>>) src(%dma_wait3A_407 : memref<10000x32xf32, #tpu.memory_space<hbm>>) dst(%dma_wait3A_401 : memref<128x32xf32, #tpu.memory_space<vmem>>)
      %dma_wait3A_408 = arith.constant 384 : i32
      %dma_wait3A_409 = arith.constant 0 : i32
      %dma_wait3A_410 = tpu.memref_slice %arg10[%dma_wait3A_408, %dma_wait3A_409] : memref<512x64xf32, #tpu.memory_space<vmem>> -> memref<128x64xf32, #tpu.memory_space<vmem>>
      %dma_wait3A_411 = arith.constant 0 : i32
      %dma_wait3A_412 = tpu.memref_slice %arg7[%add3A_351, %dma_wait3A_411] : memref<56x128xi32, #tpu.memory_space<vmem>> -> memref<1x128xi32, #tpu.memory_space<vmem>>
      %dma_wait3A_413 = tpu.memref_squeeze %dma_wait3A_412 : memref<1x128xi32, #tpu.memory_space<vmem>> -> memref<128xi32, #tpu.memory_space<vmem>>
      %dma_wait3A_414 = arith.constant 0 : i32
      %dma_wait3A_415 = arith.constant 0 : i32
      %dma_wait3A_416 = tpu.memref_slice %arg2[%dma_wait3A_414, %dma_wait3A_415] : memref<10000x64xf32, #tpu.memory_space<hbm>> -> memref<10000x64xf32, #tpu.memory_space<hbm>>
      tpu.wait_indirect_dma semaphore(%arg15 : memref<!tpu.dma_semaphore, #tpu.memory_space<semaphore_mem>>) src(%dma_wait3A_416 : memref<10000x64xf32, #tpu.memory_space<hbm>>) dst(%dma_wait3A_410 : memref<128x64xf32, #tpu.memory_space<vmem>>)
      %dma_wait3A_417 = arith.constant 384 : i32
      %dma_wait3A_418 = arith.constant 0 : i32
      %dma_wait3A_419 = tpu.memref_slice %arg12[%dma_wait3A_417, %dma_wait3A_418] : memref<512x32xf32, #tpu.memory_space<vmem>> -> memref<128x32xf32, #tpu.memory_space<vmem>>
      %dma_wait3A_420 = arith.constant 0 : i32
      %dma_wait3A_421 = tpu.memref_slice %arg8[%add3A_353, %dma_wait3A_420] : memref<56x128xi32, #tpu.memory_space<vmem>> -> memref<1x128xi32, #tpu.memory_space<vmem>>
      %dma_wait3A_422 = tpu.memref_squeeze %dma_wait3A_421 : memref<1x128xi32, #tpu.memory_space<vmem>> -> memref<128xi32, #tpu.memory_space<vmem>>
      %dma_wait3A_423 = arith.constant 0 : i32
      %dma_wait3A_424 = arith.constant 0 : i32
      %dma_wait3A_425 = tpu.memref_slice %arg3[%dma_wait3A_423, %dma_wait3A_424] : memref<10000x32xf32, #tpu.memory_space<hbm>> -> memref<10000x32xf32, #tpu.memory_space<hbm>>
      tpu.wait_indirect_dma semaphore(%arg15 : memref<!tpu.dma_semaphore, #tpu.memory_space<semaphore_mem>>) src(%dma_wait3A_425 : memref<10000x32xf32, #tpu.memory_space<hbm>>) dst(%dma_wait3A_419 : memref<128x32xf32, #tpu.memory_space<vmem>>)
      %mul3A_426 = arith.constant 4 : i32
      %mul3A_427 = arith.muli %add3A_140, %mul3A_426 : i32
      %mul3A_428 = arith.constant 128 : i32
      %mul3A_429 = arith.muli %mul3A_427, %mul3A_428 : i32
      %add3A_430 = arith.addi %mul3A_10, %mul3A_429 : i32
      %dma_start3A_431 = arith.constant 0 : i32
      %dma_start3A_432 = tpu.memref_slice %arg6[%add3A_430, %dma_start3A_431] : memref<163840x128xf32, #tpu.memory_space<hbm>> -> memref<512x64xf32, #tpu.memory_space<hbm>>
      %dma_start3A_433 = arith.constant 0 : i32
      %dma_start3A_434 = tpu.memref_slice %arg6[%add3A_430, %dma_start3A_433] : memref<163840x128xf32, #tpu.memory_space<hbm>> -> memref<512x64xf32, #tpu.memory_space<hbm>>
      tpu.enqueue_dma source(%arg10 : memref<512x64xf32, #tpu.memory_space<vmem>>) target(%dma_start3A_434 : memref<512x64xf32, #tpu.memory_space<hbm>>) target_semaphore(%arg17 : memref<!tpu.dma_semaphore, #tpu.memory_space<semaphore_mem>>)
      %dma_start3A_435 = arith.constant 64 : i32
      %dma_start3A_436 = tpu.memref_slice %arg6[%add3A_430, %dma_start3A_435] : memref<163840x128xf32, #tpu.memory_space<hbm>> -> memref<512x32xf32, #tpu.memory_space<hbm>>
      %dma_start3A_437 = arith.constant 64 : i32
      %dma_start3A_438 = tpu.memref_slice %arg6[%add3A_430, %dma_start3A_437] : memref<163840x128xf32, #tpu.memory_space<hbm>> -> memref<512x32xf32, #tpu.memory_space<hbm>>
      tpu.enqueue_dma source(%arg12 : memref<512x32xf32, #tpu.memory_space<vmem>>) target(%dma_start3A_438 : memref<512x32xf32, #tpu.memory_space<hbm>>) target_semaphore(%arg17 : memref<!tpu.dma_semaphore, #tpu.memory_space<semaphore_mem>>)
      %sub3A = arith.constant 1 : i32
      %sub3A_439 = arith.subi %select_n3A_8, %sub3A : i32
      %lt3A = arith.cmpi slt, %while3A_134, %sub3A_439 : i32
      %convert_element_type3A_440 = arith.extui %lt3A : i1 to i32
      %cond3A_441 = arith.constant 0 : i32
      %cond3A_442 = arith.cmpi ne, %convert_element_type3A_440, %cond3A_441 : i32
      scf.if %cond3A_442 {
        %mul3A_443 = arith.constant 4 : i32
        %mul3A_444 = arith.muli %mul3A_136, %mul3A_443 : i32
        %mul3A_445 = arith.constant 128 : i32
        %mul3A_446 = arith.muli %mul3A_444, %mul3A_445 : i32
        %add3A_447 = arith.addi %mul3A_10, %mul3A_446 : i32
        %dma_wait3A_448 = arith.constant 0 : i32
        %dma_wait3A_449 = tpu.memref_slice %arg6[%add3A_447, %dma_wait3A_448] : memref<163840x128xf32, #tpu.memory_space<hbm>> -> memref<512x64xf32, #tpu.memory_space<hbm>>
        %dma_wait3A_450 = arith.constant 0 : i32
        %dma_wait3A_451 = tpu.memref_slice %arg6[%add3A_447, %dma_wait3A_450] : memref<163840x128xf32, #tpu.memory_space<hbm>> -> memref<512x64xf32, #tpu.memory_space<hbm>>
        tpu.wait_dma2 semaphore(%arg16 : memref<!tpu.dma_semaphore, #tpu.memory_space<semaphore_mem>>) src(%arg9 : memref<512x64xf32, #tpu.memory_space<vmem>>) dst(%dma_wait3A_451 : memref<512x64xf32, #tpu.memory_space<hbm>>)
        %dma_wait3A_452 = arith.constant 64 : i32
        %dma_wait3A_453 = tpu.memref_slice %arg6[%add3A_447, %dma_wait3A_452] : memref<163840x128xf32, #tpu.memory_space<hbm>> -> memref<512x32xf32, #tpu.memory_space<hbm>>
        %dma_wait3A_454 = arith.constant 64 : i32
        %dma_wait3A_455 = tpu.memref_slice %arg6[%add3A_447, %dma_wait3A_454] : memref<163840x128xf32, #tpu.memory_space<hbm>> -> memref<512x32xf32, #tpu.memory_space<hbm>>
        tpu.wait_dma2 semaphore(%arg16 : memref<!tpu.dma_semaphore, #tpu.memory_space<semaphore_mem>>) src(%arg11 : memref<512x32xf32, #tpu.memory_space<vmem>>) dst(%dma_wait3A_455 : memref<512x32xf32, #tpu.memory_space<hbm>>)
        %add3A_456 = arith.constant 2 : i32
        %add3A_457 = arith.addi %mul3A_136, %add3A_456 : i32
        %mul3A_458 = arith.constant 4 : i32
        %mul3A_459 = arith.muli %add3A_457, %mul3A_458 : i32
        %add3A_460 = arith.constant 0 : i32
        %add3A_461 = arith.addi %mul3A_459, %add3A_460 : i32
        %add3A_462 = arith.constant 0 : i32
        %add3A_463 = arith.addi %mul3A_459, %add3A_462 : i32
        %add3A_464 = arith.constant 1 : i32
        %add3A_465 = arith.addi %mul3A_459, %add3A_464 : i32
        %add3A_466 = arith.constant 1 : i32
        %add3A_467 = arith.addi %mul3A_459, %add3A_466 : i32
        %add3A_468 = arith.constant 2 : i32
        %add3A_469 = arith.addi %mul3A_459, %add3A_468 : i32
        %add3A_470 = arith.constant 2 : i32
        %add3A_471 = arith.addi %mul3A_459, %add3A_470 : i32
        %add3A_472 = arith.constant 3 : i32
        %add3A_473 = arith.addi %mul3A_459, %add3A_472 : i32
        %add3A_474 = arith.constant 3 : i32
        %add3A_475 = arith.addi %mul3A_459, %add3A_474 : i32
        %dma_start3A_476 = arith.constant 0 : i32
        %dma_start3A_477 = arith.constant 0 : i32
        %dma_start3A_478 = tpu.memref_slice %arg9[%dma_start3A_476, %dma_start3A_477] : memref<512x64xf32, #tpu.memory_space<vmem>> -> memref<128x64xf32, #tpu.memory_space<vmem>>
        %dma_start3A_479 = arith.constant 0 : i32
        %dma_start3A_480 = tpu.memref_slice %arg7[%add3A_461, %dma_start3A_479] : memref<56x128xi32, #tpu.memory_space<vmem>> -> memref<1x128xi32, #tpu.memory_space<vmem>>
        %dma_start3A_481 = tpu.memref_squeeze %dma_start3A_480 : memref<1x128xi32, #tpu.memory_space<vmem>> -> memref<128xi32, #tpu.memory_space<vmem>>
        %dma_start3A_482 = arith.constant 0 : i32
        %dma_start3A_483 = arith.constant 0 : i32
        %dma_start3A_484 = tpu.memref_slice %arg2[%dma_start3A_482, %dma_start3A_483] : memref<10000x64xf32, #tpu.memory_space<hbm>> -> memref<10000x64xf32, #tpu.memory_space<hbm>>
        tpu.enqueue_indirect_dma source(%dma_start3A_484 : memref<10000x64xf32, #tpu.memory_space<hbm>>) target(%dma_start3A_478 : memref<128x64xf32, #tpu.memory_space<vmem>>) offsets(%dma_start3A_481 : memref<128xi32, #tpu.memory_space<vmem>>) semaphore(%arg14 : memref<!tpu.dma_semaphore, #tpu.memory_space<semaphore_mem>>)
        %dma_start3A_485 = arith.constant 0 : i32
        %dma_start3A_486 = arith.constant 0 : i32
        %dma_start3A_487 = tpu.memref_slice %arg11[%dma_start3A_485, %dma_start3A_486] : memref<512x32xf32, #tpu.memory_space<vmem>> -> memref<128x32xf32, #tpu.memory_space<vmem>>
        %dma_start3A_488 = arith.constant 0 : i32
        %dma_start3A_489 = tpu.memref_slice %arg8[%add3A_463, %dma_start3A_488] : memref<56x128xi32, #tpu.memory_space<vmem>> -> memref<1x128xi32, #tpu.memory_space<vmem>>
        %dma_start3A_490 = tpu.memref_squeeze %dma_start3A_489 : memref<1x128xi32, #tpu.memory_space<vmem>> -> memref<128xi32, #tpu.memory_space<vmem>>
        %dma_start3A_491 = arith.constant 0 : i32
        %dma_start3A_492 = arith.constant 0 : i32
        %dma_start3A_493 = tpu.memref_slice %arg3[%dma_start3A_491, %dma_start3A_492] : memref<10000x32xf32, #tpu.memory_space<hbm>> -> memref<10000x32xf32, #tpu.memory_space<hbm>>
        tpu.enqueue_indirect_dma source(%dma_start3A_493 : memref<10000x32xf32, #tpu.memory_space<hbm>>) target(%dma_start3A_487 : memref<128x32xf32, #tpu.memory_space<vmem>>) offsets(%dma_start3A_490 : memref<128xi32, #tpu.memory_space<vmem>>) semaphore(%arg14 : memref<!tpu.dma_semaphore, #tpu.memory_space<semaphore_mem>>)
        %dma_start3A_494 = arith.constant 128 : i32
        %dma_start3A_495 = arith.constant 0 : i32
        %dma_start3A_496 = tpu.memref_slice %arg9[%dma_start3A_494, %dma_start3A_495] : memref<512x64xf32, #tpu.memory_space<vmem>> -> memref<128x64xf32, #tpu.memory_space<vmem>>
        %dma_start3A_497 = arith.constant 0 : i32
        %dma_start3A_498 = tpu.memref_slice %arg7[%add3A_465, %dma_start3A_497] : memref<56x128xi32, #tpu.memory_space<vmem>> -> memref<1x128xi32, #tpu.memory_space<vmem>>
        %dma_start3A_499 = tpu.memref_squeeze %dma_start3A_498 : memref<1x128xi32, #tpu.memory_space<vmem>> -> memref<128xi32, #tpu.memory_space<vmem>>
        %dma_start3A_500 = arith.constant 0 : i32
        %dma_start3A_501 = arith.constant 0 : i32
        %dma_start3A_502 = tpu.memref_slice %arg2[%dma_start3A_500, %dma_start3A_501] : memref<10000x64xf32, #tpu.memory_space<hbm>> -> memref<10000x64xf32, #tpu.memory_space<hbm>>
        tpu.enqueue_indirect_dma source(%dma_start3A_502 : memref<10000x64xf32, #tpu.memory_space<hbm>>) target(%dma_start3A_496 : memref<128x64xf32, #tpu.memory_space<vmem>>) offsets(%dma_start3A_499 : memref<128xi32, #tpu.memory_space<vmem>>) semaphore(%arg14 : memref<!tpu.dma_semaphore, #tpu.memory_space<semaphore_mem>>)
        %dma_start3A_503 = arith.constant 128 : i32
        %dma_start3A_504 = arith.constant 0 : i32
        %dma_start3A_505 = tpu.memref_slice %arg11[%dma_start3A_503, %dma_start3A_504] : memref<512x32xf32, #tpu.memory_space<vmem>> -> memref<128x32xf32, #tpu.memory_space<vmem>>
        %dma_start3A_506 = arith.constant 0 : i32
        %dma_start3A_507 = tpu.memref_slice %arg8[%add3A_467, %dma_start3A_506] : memref<56x128xi32, #tpu.memory_space<vmem>> -> memref<1x128xi32, #tpu.memory_space<vmem>>
        %dma_start3A_508 = tpu.memref_squeeze %dma_start3A_507 : memref<1x128xi32, #tpu.memory_space<vmem>> -> memref<128xi32, #tpu.memory_space<vmem>>
        %dma_start3A_509 = arith.constant 0 : i32
        %dma_start3A_510 = arith.constant 0 : i32
        %dma_start3A_511 = tpu.memref_slice %arg3[%dma_start3A_509, %dma_start3A_510] : memref<10000x32xf32, #tpu.memory_space<hbm>> -> memref<10000x32xf32, #tpu.memory_space<hbm>>
        tpu.enqueue_indirect_dma source(%dma_start3A_511 : memref<10000x32xf32, #tpu.memory_space<hbm>>) target(%dma_start3A_505 : memref<128x32xf32, #tpu.memory_space<vmem>>) offsets(%dma_start3A_508 : memref<128xi32, #tpu.memory_space<vmem>>) semaphore(%arg14 : memref<!tpu.dma_semaphore, #tpu.memory_space<semaphore_mem>>)
        %dma_start3A_512 = arith.constant 256 : i32
        %dma_start3A_513 = arith.constant 0 : i32
        %dma_start3A_514 = tpu.memref_slice %arg9[%dma_start3A_512, %dma_start3A_513] : memref<512x64xf32, #tpu.memory_space<vmem>> -> memref<128x64xf32, #tpu.memory_space<vmem>>
        %dma_start3A_515 = arith.constant 0 : i32
        %dma_start3A_516 = tpu.memref_slice %arg7[%add3A_469, %dma_start3A_515] : memref<56x128xi32, #tpu.memory_space<vmem>> -> memref<1x128xi32, #tpu.memory_space<vmem>>
        %dma_start3A_517 = tpu.memref_squeeze %dma_start3A_516 : memref<1x128xi32, #tpu.memory_space<vmem>> -> memref<128xi32, #tpu.memory_space<vmem>>
        %dma_start3A_518 = arith.constant 0 : i32
        %dma_start3A_519 = arith.constant 0 : i32
        %dma_start3A_520 = tpu.memref_slice %arg2[%dma_start3A_518, %dma_start3A_519] : memref<10000x64xf32, #tpu.memory_space<hbm>> -> memref<10000x64xf32, #tpu.memory_space<hbm>>
        tpu.enqueue_indirect_dma source(%dma_start3A_520 : memref<10000x64xf32, #tpu.memory_space<hbm>>) target(%dma_start3A_514 : memref<128x64xf32, #tpu.memory_space<vmem>>) offsets(%dma_start3A_517 : memref<128xi32, #tpu.memory_space<vmem>>) semaphore(%arg14 : memref<!tpu.dma_semaphore, #tpu.memory_space<semaphore_mem>>)
        %dma_start3A_521 = arith.constant 256 : i32
        %dma_start3A_522 = arith.constant 0 : i32
        %dma_start3A_523 = tpu.memref_slice %arg11[%dma_start3A_521, %dma_start3A_522] : memref<512x32xf32, #tpu.memory_space<vmem>> -> memref<128x32xf32, #tpu.memory_space<vmem>>
        %dma_start3A_524 = arith.constant 0 : i32
        %dma_start3A_525 = tpu.memref_slice %arg8[%add3A_471, %dma_start3A_524] : memref<56x128xi32, #tpu.memory_space<vmem>> -> memref<1x128xi32, #tpu.memory_space<vmem>>
        %dma_start3A_526 = tpu.memref_squeeze %dma_start3A_525 : memref<1x128xi32, #tpu.memory_space<vmem>> -> memref<128xi32, #tpu.memory_space<vmem>>
        %dma_start3A_527 = arith.constant 0 : i32
        %dma_start3A_528 = arith.constant 0 : i32
        %dma_start3A_529 = tpu.memref_slice %arg3[%dma_start3A_527, %dma_start3A_528] : memref<10000x32xf32, #tpu.memory_space<hbm>> -> memref<10000x32xf32, #tpu.memory_space<hbm>>
        tpu.enqueue_indirect_dma source(%dma_start3A_529 : memref<10000x32xf32, #tpu.memory_space<hbm>>) target(%dma_start3A_523 : memref<128x32xf32, #tpu.memory_space<vmem>>) offsets(%dma_start3A_526 : memref<128xi32, #tpu.memory_space<vmem>>) semaphore(%arg14 : memref<!tpu.dma_semaphore, #tpu.memory_space<semaphore_mem>>)
        %dma_start3A_530 = arith.constant 384 : i32
        %dma_start3A_531 = arith.constant 0 : i32
        %dma_start3A_532 = tpu.memref_slice %arg9[%dma_start3A_530, %dma_start3A_531] : memref<512x64xf32, #tpu.memory_space<vmem>> -> memref<128x64xf32, #tpu.memory_space<vmem>>
        %dma_start3A_533 = arith.constant 0 : i32
        %dma_start3A_534 = tpu.memref_slice %arg7[%add3A_473, %dma_start3A_533] : memref<56x128xi32, #tpu.memory_space<vmem>> -> memref<1x128xi32, #tpu.memory_space<vmem>>
        %dma_start3A_535 = tpu.memref_squeeze %dma_start3A_534 : memref<1x128xi32, #tpu.memory_space<vmem>> -> memref<128xi32, #tpu.memory_space<vmem>>
        %dma_start3A_536 = arith.constant 0 : i32
        %dma_start3A_537 = arith.constant 0 : i32
        %dma_start3A_538 = tpu.memref_slice %arg2[%dma_start3A_536, %dma_start3A_537] : memref<10000x64xf32, #tpu.memory_space<hbm>> -> memref<10000x64xf32, #tpu.memory_space<hbm>>
        tpu.enqueue_indirect_dma source(%dma_start3A_538 : memref<10000x64xf32, #tpu.memory_space<hbm>>) target(%dma_start3A_532 : memref<128x64xf32, #tpu.memory_space<vmem>>) offsets(%dma_start3A_535 : memref<128xi32, #tpu.memory_space<vmem>>) semaphore(%arg14 : memref<!tpu.dma_semaphore, #tpu.memory_space<semaphore_mem>>)
        %dma_start3A_539 = arith.constant 384 : i32
        %dma_start3A_540 = arith.constant 0 : i32
        %dma_start3A_541 = tpu.memref_slice %arg11[%dma_start3A_539, %dma_start3A_540] : memref<512x32xf32, #tpu.memory_space<vmem>> -> memref<128x32xf32, #tpu.memory_space<vmem>>
        %dma_start3A_542 = arith.constant 0 : i32
        %dma_start3A_543 = tpu.memref_slice %arg8[%add3A_475, %dma_start3A_542] : memref<56x128xi32, #tpu.memory_space<vmem>> -> memref<1x128xi32, #tpu.memory_space<vmem>>
        %dma_start3A_544 = tpu.memref_squeeze %dma_start3A_543 : memref<1x128xi32, #tpu.memory_space<vmem>> -> memref<128xi32, #tpu.memory_space<vmem>>
        %dma_start3A_545 = arith.constant 0 : i32
        %dma_start3A_546 = arith.constant 0 : i32
        %dma_start3A_547 = tpu.memref_slice %arg3[%dma_start3A_545, %dma_start3A_546] : memref<10000x32xf32, #tpu.memory_space<hbm>> -> memref<10000x32xf32, #tpu.memory_space<hbm>>
        tpu.enqueue_indirect_dma source(%dma_start3A_547 : memref<10000x32xf32, #tpu.memory_space<hbm>>) target(%dma_start3A_541 : memref<128x32xf32, #tpu.memory_space<vmem>>) offsets(%dma_start3A_544 : memref<128xi32, #tpu.memory_space<vmem>>) semaphore(%arg14 : memref<!tpu.dma_semaphore, #tpu.memory_space<semaphore_mem>>)
      } else {
      }
    }
    %while3A_113 = arith.constant 1 : i32
    scf.for %while3A_134 = %while3A_111 to %while3A_107 step %while3A_113  : i32 {
      %mul3A_135 = arith.constant 2 : i32
      %mul3A_136 = arith.muli %mul3A_135, %while3A_134 : i32
      %mul3A_137 = arith.constant 2 : i32
      %mul3A_138 = arith.muli %mul3A_137, %while3A_134 : i32
      %add3A_139 = arith.constant 1 : i32
      %add3A_140 = arith.addi %mul3A_138, %add3A_139 : i32
      %gt3A = arith.constant 0 : i32
      %gt3A_141 = arith.cmpi sgt, %while3A_134, %gt3A : i32
      %convert_element_type3A = arith.extui %gt3A_141 : i1 to i32
      %cond3A = arith.constant 0 : i32
      %cond3A_142 = arith.cmpi ne, %convert_element_type3A, %cond3A : i32
      scf.if %cond3A_142 {
        %mul3A_443 = arith.constant 4 : i32
        %mul3A_444 = arith.muli %add3A_140, %mul3A_443 : i32
        %mul3A_445 = arith.constant 128 : i32
        %mul3A_446 = arith.muli %mul3A_444, %mul3A_445 : i32
        %add3A_447 = arith.addi %mul3A_10, %mul3A_446 : i32
        %dma_wait3A_448 = arith.constant 0 : i32
        %dma_wait3A_449 = tpu.memref_slice %arg6[%add3A_447, %dma_wait3A_448] : memref<163840x128xf32, #tpu.memory_space<hbm>> -> memref<512x64xf32, #tpu.memory_space<hbm>>
        %dma_wait3A_450 = arith.constant 0 : i32
        %dma_wait3A_451 = tpu.memref_slice %arg6[%add3A_447, %dma_wait3A_450] : memref<163840x128xf32, #tpu.memory_space<hbm>> -> memref<512x64xf32, #tpu.memory_space<hbm>>
        tpu.wait_dma2 semaphore(%arg17 : memref<!tpu.dma_semaphore, #tpu.memory_space<semaphore_mem>>) src(%arg10 : memref<512x64xf32, #tpu.memory_space<vmem>>) dst(%dma_wait3A_451 : memref<512x64xf32, #tpu.memory_space<hbm>>)
        %dma_wait3A_452 = arith.constant 64 : i32
        %dma_wait3A_453 = tpu.memref_slice %arg6[%add3A_447, %dma_wait3A_452] : memref<163840x128xf32, #tpu.memory_space<hbm>> -> memref<512x32xf32, #tpu.memory_space<hbm>>
        %dma_wait3A_454 = arith.constant 64 : i32
        %dma_wait3A_455 = tpu.memref_slice %arg6[%add3A_447, %dma_wait3A_454] : memref<163840x128xf32, #tpu.memory_space<hbm>> -> memref<512x32xf32, #tpu.memory_space<hbm>>
        tpu.wait_dma2 semaphore(%arg17 : memref<!tpu.dma_semaphore, #tpu.memory_space<semaphore_mem>>) src(%arg12 : memref<512x32xf32, #tpu.memory_space<vmem>>) dst(%dma_wait3A_455 : memref<512x32xf32, #tpu.memory_space<hbm>>)
      } else {
      }
      %mul3A_143 = arith.constant 4 : i32
      %mul3A_144 = arith.muli %add3A_140, %mul3A_143 : i32
      %add3A_145 = arith.constant 0 : i32
      %add3A_146 = arith.addi %mul3A_144, %add3A_145 : i32
      %add3A_147 = arith.constant 0 : i32
      %add3A_148 = arith.addi %mul3A_144, %add3A_147 : i32
      %add3A_149 = arith.constant 1 : i32
      %add3A_150 = arith.addi %mul3A_144, %add3A_149 : i32
      %add3A_151 = arith.constant 1 : i32
      %add3A_152 = arith.addi %mul3A_144, %add3A_151 : i32
      %add3A_153 = arith.constant 2 : i32
      %add3A_154 = arith.addi %mul3A_144, %add3A_153 : i32
      %add3A_155 = arith.constant 2 : i32
      %add3A_156 = arith.addi %mul3A_144, %add3A_155 : i32
      %add3A_157 = arith.constant 3 : i32
      %add3A_158 = arith.addi %mul3A_144, %add3A_157 : i32
      %add3A_159 = arith.constant 3 : i32
      %add3A_160 = arith.addi %mul3A_144, %add3A_159 : i32
      %dma_start3A_161 = arith.constant 0 : i32
      %dma_start3A_162 = arith.constant 0 : i32
      %dma_start3A_163 = tpu.memref_slice %arg10[%dma_start3A_161, %dma_start3A_162] : memref<512x64xf32, #tpu.memory_space<vmem>> -> memref<128x64xf32, #tpu.memory_space<vmem>>
      %dma_start3A_164 = arith.constant 0 : i32
      %dma_start3A_165 = tpu.memref_slice %arg7[%add3A_146, %dma_start3A_164] : memref<56x128xi32, #tpu.memory_space<vmem>> -> memref<1x128xi32, #tpu.memory_space<vmem>>
      %dma_start3A_166 = tpu.memref_squeeze %dma_start3A_165 : memref<1x128xi32, #tpu.memory_space<vmem>> -> memref<128xi32, #tpu.memory_space<vmem>>
      %dma_start3A_167 = arith.constant 0 : i32
      %dma_start3A_168 = arith.constant 0 : i32
      %dma_start3A_169 = tpu.memref_slice %arg2[%dma_start3A_167, %dma_start3A_168] : memref<10000x64xf32, #tpu.memory_space<hbm>> -> memref<10000x64xf32, #tpu.memory_space<hbm>>
      tpu.enqueue_indirect_dma source(%dma_start3A_169 : memref<10000x64xf32, #tpu.memory_space<hbm>>) target(%dma_start3A_163 : memref<128x64xf32, #tpu.memory_space<vmem>>) offsets(%dma_start3A_166 : memref<128xi32, #tpu.memory_space<vmem>>) semaphore(%arg15 : memref<!tpu.dma_semaphore, #tpu.memory_space<semaphore_mem>>)
      %dma_start3A_170 = arith.constant 0 : i32
      %dma_start3A_171 = arith.constant 0 : i32
      %dma_start3A_172 = tpu.memref_slice %arg12[%dma_start3A_170, %dma_start3A_171] : memref<512x32xf32, #tpu.memory_space<vmem>> -> memref<128x32xf32, #tpu.memory_space<vmem>>
      %dma_start3A_173 = arith.constant 0 : i32
      %dma_start3A_174 = tpu.memref_slice %arg8[%add3A_148, %dma_start3A_173] : memref<56x128xi32, #tpu.memory_space<vmem>> -> memref<1x128xi32, #tpu.memory_space<vmem>>
      %dma_start3A_175 = tpu.memref_squeeze %dma_start3A_174 : memref<1x128xi32, #tpu.memory_space<vmem>> -> memref<128xi32, #tpu.memory_space<vmem>>
      %dma_start3A_176 = arith.constant 0 : i32
      %dma_start3A_177 = arith.constant 0 : i32
      %dma_start3A_178 = tpu.memref_slice %arg3[%dma_start3A_176, %dma_start3A_177] : memref<10000x32xf32, #tpu.memory_space<hbm>> -> memref<10000x32xf32, #tpu.memory_space<hbm>>
      tpu.enqueue_indirect_dma source(%dma_start3A_178 : memref<10000x32xf32, #tpu.memory_space<hbm>>) target(%dma_start3A_172 : memref<128x32xf32, #tpu.memory_space<vmem>>) offsets(%dma_start3A_175 : memref<128xi32, #tpu.memory_space<vmem>>) semaphore(%arg15 : memref<!tpu.dma_semaphore, #tpu.memory_space<semaphore_mem>>)
      %dma_start3A_179 = arith.constant 128 : i32
      %dma_start3A_180 = arith.constant 0 : i32
      %dma_start3A_181 = tpu.memref_slice %arg10[%dma_start3A_179, %dma_start3A_180] : memref<512x64xf32, #tpu.memory_space<vmem>> -> memref<128x64xf32, #tpu.memory_space<vmem>>
      %dma_start3A_182 = arith.constant 0 : i32
      %dma_start3A_183 = tpu.memref_slice %arg7[%add3A_150, %dma_start3A_182] : memref<56x128xi32, #tpu.memory_space<vmem>> -> memref<1x128xi32, #tpu.memory_space<vmem>>
      %dma_start3A_184 = tpu.memref_squeeze %dma_start3A_183 : memref<1x128xi32, #tpu.memory_space<vmem>> -> memref<128xi32, #tpu.memory_space<vmem>>
      %dma_start3A_185 = arith.constant 0 : i32
      %dma_start3A_186 = arith.constant 0 : i32
      %dma_start3A_187 = tpu.memref_slice %arg2[%dma_start3A_185, %dma_start3A_186] : memref<10000x64xf32, #tpu.memory_space<hbm>> -> memref<10000x64xf32, #tpu.memory_space<hbm>>
      tpu.enqueue_indirect_dma source(%dma_start3A_187 : memref<10000x64xf32, #tpu.memory_space<hbm>>) target(%dma_start3A_181 : memref<128x64xf32, #tpu.memory_space<vmem>>) offsets(%dma_start3A_184 : memref<128xi32, #tpu.memory_space<vmem>>) semaphore(%arg15 : memref<!tpu.dma_semaphore, #tpu.memory_space<semaphore_mem>>)
      %dma_start3A_188 = arith.constant 128 : i32
      %dma_start3A_189 = arith.constant 0 : i32
      %dma_start3A_190 = tpu.memref_slice %arg12[%dma_start3A_188, %dma_start3A_189] : memref<512x32xf32, #tpu.memory_space<vmem>> -> memref<128x32xf32, #tpu.memory_space<vmem>>
      %dma_start3A_191 = arith.constant 0 : i32
      %dma_start3A_192 = tpu.memref_slice %arg8[%add3A_152, %dma_start3A_191] : memref<56x128xi32, #tpu.memory_space<vmem>> -> memref<1x128xi32, #tpu.memory_space<vmem>>
      %dma_start3A_193 = tpu.memref_squeeze %dma_start3A_192 : memref<1x128xi32, #tpu.memory_space<vmem>> -> memref<128xi32, #tpu.memory_space<vmem>>
      %dma_start3A_194 = arith.constant 0 : i32
      %dma_start3A_195 = arith.constant 0 : i32
      %dma_start3A_196 = tpu.memref_slice %arg3[%dma_start3A_194, %dma_start3A_195] : memref<10000x32xf32, #tpu.memory_space<hbm>> -> memref<10000x32xf32, #tpu.memory_space<hbm>>
      tpu.enqueue_indirect_dma source(%dma_start3A_196 : memref<10000x32xf32, #tpu.memory_space<hbm>>) target(%dma_start3A_190 : memref<128x32xf32, #tpu.memory_space<vmem>>) offsets(%dma_start3A_193 : memref<128xi32, #tpu.memory_space<vmem>>) semaphore(%arg15 : memref<!tpu.dma_semaphore, #tpu.memory_space<semaphore_mem>>)
      %dma_start3A_197 = arith.constant 256 : i32
      %dma_start3A_198 = arith.constant 0 : i32
      %dma_start3A_199 = tpu.memref_slice %arg10[%dma_start3A_197, %dma_start3A_198] : memref<512x64xf32, #tpu.memory_space<vmem>> -> memref<128x64xf32, #tpu.memory_space<vmem>>
      %dma_start3A_200 = arith.constant 0 : i32
      %dma_start3A_201 = tpu.memref_slice %arg7[%add3A_154, %dma_start3A_200] : memref<56x128xi32, #tpu.memory_space<vmem>> -> memref<1x128xi32, #tpu.memory_space<vmem>>
      %dma_start3A_202 = tpu.memref_squeeze %dma_start3A_201 : memref<1x128xi32, #tpu.memory_space<vmem>> -> memref<128xi32, #tpu.memory_space<vmem>>
      %dma_start3A_203 = arith.constant 0 : i32
      %dma_start3A_204 = arith.constant 0 : i32
      %dma_start3A_205 = tpu.memref_slice %arg2[%dma_start3A_203, %dma_start3A_204] : memref<10000x64xf32, #tpu.memory_space<hbm>> -> memref<10000x64xf32, #tpu.memory_space<hbm>>
      tpu.enqueue_indirect_dma source(%dma_start3A_205 : memref<10000x64xf32, #tpu.memory_space<hbm>>) target(%dma_start3A_199 : memref<128x64xf32, #tpu.memory_space<vmem>>) offsets(%dma_start3A_202 : memref<128xi32, #tpu.memory_space<vmem>>) semaphore(%arg15 : memref<!tpu.dma_semaphore, #tpu.memory_space<semaphore_mem>>)
      %dma_start3A_206 = arith.constant 256 : i32
      %dma_start3A_207 = arith.constant 0 : i32
      %dma_start3A_208 = tpu.memref_slice %arg12[%dma_start3A_206, %dma_start3A_207] : memref<512x32xf32, #tpu.memory_space<vmem>> -> memref<128x32xf32, #tpu.memory_space<vmem>>
      %dma_start3A_209 = arith.constant 0 : i32
      %dma_start3A_210 = tpu.memref_slice %arg8[%add3A_156, %dma_start3A_209] : memref<56x128xi32, #tpu.memory_space<vmem>> -> memref<1x128xi32, #tpu.memory_space<vmem>>
      %dma_start3A_211 = tpu.memref_squeeze %dma_start3A_210 : memref<1x128xi32, #tpu.memory_space<vmem>> -> memref<128xi32, #tpu.memory_space<vmem>>
      %dma_start3A_212 = arith.constant 0 : i32
      %dma_start3A_213 = arith.constant 0 : i32
      %dma_start3A_214 = tpu.memref_slice %arg3[%dma_start3A_212, %dma_start3A_213] : memref<10000x32xf32, #tpu.memory_space<hbm>> -> memref<10000x32xf32, #tpu.memory_space<hbm>>
      tpu.enqueue_indirect_dma source(%dma_start3A_214 : memref<10000x32xf32, #tpu.memory_space<hbm>>) target(%dma_start3A_208 : memref<128x32xf32, #tpu.memory_space<vmem>>) offsets(%dma_start3A_211 : memref<128xi32, #tpu.memory_space<vmem>>) semaphore(%arg15 : memref<!tpu.dma_semaphore, #tpu.memory_space<semaphore_mem>>)
      %dma_start3A_215 = arith.constant 384 : i32
      %dma_start3A_216 = arith.constant 0 : i32
      %dma_start3A_217 = tpu.memref_slice %arg10[%dma_start3A_215, %dma_start3A_216] : memref<512x64xf32, #tpu.memory_space<vmem>> -> memref<128x64xf32, #tpu.memory_space<vmem>>
      %dma_start3A_218 = arith.constant 0 : i32
      %dma_start3A_219 = tpu.memref_slice %arg7[%add3A_158, %dma_start3A_218] : memref<56x128xi32, #tpu.memory_space<vmem>> -> memref<1x128xi32, #tpu.memory_space<vmem>>
      %dma_start3A_220 = tpu.memref_squeeze %dma_start3A_219 : memref<1x128xi32, #tpu.memory_space<vmem>> -> memref<128xi32, #tpu.memory_space<vmem>>
      %dma_start3A_221 = arith.constant 0 : i32
      %dma_start3A_222 = arith.constant 0 : i32
      %dma_start3A_223 = tpu.memref_slice %arg2[%dma_start3A_221, %dma_start3A_222] : memref<10000x64xf32, #tpu.memory_space<hbm>> -> memref<10000x64xf32, #tpu.memory_space<hbm>>
      tpu.enqueue_indirect_dma source(%dma_start3A_223 : memref<10000x64xf32, #tpu.memory_space<hbm>>) target(%dma_start3A_217 : memref<128x64xf32, #tpu.memory_space<vmem>>) offsets(%dma_start3A_220 : memref<128xi32, #tpu.memory_space<vmem>>) semaphore(%arg15 : memref<!tpu.dma_semaphore, #tpu.memory_space<semaphore_mem>>)
      %dma_start3A_224 = arith.constant 384 : i32
      %dma_start3A_225 = arith.constant 0 : i32
      %dma_start3A_226 = tpu.memref_slice %arg12[%dma_start3A_224, %dma_start3A_225] : memref<512x32xf32, #tpu.memory_space<vmem>> -> memref<128x32xf32, #tpu.memory_space<vmem>>
      %dma_start3A_227 = arith.constant 0 : i32
      %dma_start3A_228 = tpu.memref_slice %arg8[%add3A_160, %dma_start3A_227] : memref<56x128xi32, #tpu.memory_space<vmem>> -> memref<1x128xi32, #tpu.memory_space<vmem>>
      %dma_start3A_229 = tpu.memref_squeeze %dma_start3A_228 : memref<1x128xi32, #tpu.memory_space<vmem>> -> memref<128xi32, #tpu.memory_space<vmem>>
      %dma_start3A_230 = arith.constant 0 : i32
      %dma_start3A_231 = arith.constant 0 : i32
      %dma_start3A_232 = tpu.memref_slice %arg3[%dma_start3A_230, %dma_start3A_231] : memref<10000x32xf32, #tpu.memory_space<hbm>> -> memref<10000x32xf32, #tpu.memory_space<hbm>>
      tpu.enqueue_indirect_dma source(%dma_start3A_232 : memref<10000x32xf32, #tpu.memory_space<hbm>>) target(%dma_start3A_226 : memref<128x32xf32, #tpu.memory_space<vmem>>) offsets(%dma_start3A_229 : memref<128xi32, #tpu.memory_space<vmem>>) semaphore(%arg15 : memref<!tpu.dma_semaphore, #tpu.memory_space<semaphore_mem>>)
      %mul3A_233 = arith.constant 4 : i32
      %mul3A_234 = arith.muli %mul3A_136, %mul3A_233 : i32
      %add3A_235 = arith.constant 0 : i32
      %add3A_236 = arith.addi %mul3A_234, %add3A_235 : i32
      %add3A_237 = arith.constant 0 : i32
      %add3A_238 = arith.addi %mul3A_234, %add3A_237 : i32
      %add3A_239 = arith.constant 1 : i32
      %add3A_240 = arith.addi %mul3A_234, %add3A_239 : i32
      %add3A_241 = arith.constant 1 : i32
      %add3A_242 = arith.addi %mul3A_234, %add3A_241 : i32
      %add3A_243 = arith.constant 2 : i32
      %add3A_244 = arith.addi %mul3A_234, %add3A_243 : i32
      %add3A_245 = arith.constant 2 : i32
      %add3A_246 = arith.addi %mul3A_234, %add3A_245 : i32
      %add3A_247 = arith.constant 3 : i32
      %add3A_248 = arith.addi %mul3A_234, %add3A_247 : i32
      %add3A_249 = arith.constant 3 : i32
      %add3A_250 = arith.addi %mul3A_234, %add3A_249 : i32
      %dma_wait3A_251 = arith.constant 0 : i32
      %dma_wait3A_252 = arith.constant 0 : i32
      %dma_wait3A_253 = tpu.memref_slice %arg9[%dma_wait3A_251, %dma_wait3A_252] : memref<512x64xf32, #tpu.memory_space<vmem>> -> memref<128x64xf32, #tpu.memory_space<vmem>>
      %dma_wait3A_254 = arith.constant 0 : i32
      %dma_wait3A_255 = tpu.memref_slice %arg7[%add3A_236, %dma_wait3A_254] : memref<56x128xi32, #tpu.memory_space<vmem>> -> memref<1x128xi32, #tpu.memory_space<vmem>>
      %dma_wait3A_256 = tpu.memref_squeeze %dma_wait3A_255 : memref<1x128xi32, #tpu.memory_space<vmem>> -> memref<128xi32, #tpu.memory_space<vmem>>
      %dma_wait3A_257 = arith.constant 0 : i32
      %dma_wait3A_258 = arith.constant 0 : i32
      %dma_wait3A_259 = tpu.memref_slice %arg2[%dma_wait3A_257, %dma_wait3A_258] : memref<10000x64xf32, #tpu.memory_space<hbm>> -> memref<10000x64xf32, #tpu.memory_space<hbm>>
      tpu.wait_indirect_dma semaphore(%arg14 : memref<!tpu.dma_semaphore, #tpu.memory_space<semaphore_mem>>) src(%dma_wait3A_259 : memref<10000x64xf32, #tpu.memory_space<hbm>>) dst(%dma_wait3A_253 : memref<128x64xf32, #tpu.memory_space<vmem>>)
      %dma_wait3A_260 = arith.constant 0 : i32
      %dma_wait3A_261 = arith.constant 0 : i32
      %dma_wait3A_262 = tpu.memref_slice %arg11[%dma_wait3A_260, %dma_wait3A_261] : memref<512x32xf32, #tpu.memory_space<vmem>> -> memref<128x32xf32, #tpu.memory_space<vmem>>
      %dma_wait3A_263 = arith.constant 0 : i32
      %dma_wait3A_264 = tpu.memref_slice %arg8[%add3A_238, %dma_wait3A_263] : memref<56x128xi32, #tpu.memory_space<vmem>> -> memref<1x128xi32, #tpu.memory_space<vmem>>
      %dma_wait3A_265 = tpu.memref_squeeze %dma_wait3A_264 : memref<1x128xi32, #tpu.memory_space<vmem>> -> memref<128xi32, #tpu.memory_space<vmem>>
      %dma_wait3A_266 = arith.constant 0 : i32
      %dma_wait3A_267 = arith.constant 0 : i32
      %dma_wait3A_268 = tpu.memref_slice %arg3[%dma_wait3A_266, %dma_wait3A_267] : memref<10000x32xf32, #tpu.memory_space<hbm>> -> memref<10000x32xf32, #tpu.memory_space<hbm>>
      tpu.wait_indirect_dma semaphore(%arg14 : memref<!tpu.dma_semaphore, #tpu.memory_space<semaphore_mem>>) src(%dma_wait3A_268 : memref<10000x32xf32, #tpu.memory_space<hbm>>) dst(%dma_wait3A_262 : memref<128x32xf32, #tpu.memory_space<vmem>>)
      %dma_wait3A_269 = arith.constant 128 : i32
      %dma_wait3A_270 = arith.constant 0 : i32
      %dma_wait3A_271 = tpu.memref_slice %arg9[%dma_wait3A_269, %dma_wait3A_270] : memref<512x64xf32, #tpu.memory_space<vmem>> -> memref<128x64xf32, #tpu.memory_space<vmem>>
      %dma_wait3A_272 = arith.constant 0 : i32
      %dma_wait3A_273 = tpu.memref_slice %arg7[%add3A_240, %dma_wait3A_272] : memref<56x128xi32, #tpu.memory_space<vmem>> -> memref<1x128xi32, #tpu.memory_space<vmem>>
      %dma_wait3A_274 = tpu.memref_squeeze %dma_wait3A_273 : memref<1x128xi32, #tpu.memory_space<vmem>> -> memref<128xi32, #tpu.memory_space<vmem>>
      %dma_wait3A_275 = arith.constant 0 : i32
      %dma_wait3A_276 = arith.constant 0 : i32
      %dma_wait3A_277 = tpu.memref_slice %arg2[%dma_wait3A_275, %dma_wait3A_276] : memref<10000x64xf32, #tpu.memory_space<hbm>> -> memref<10000x64xf32, #tpu.memory_space<hbm>>
      tpu.wait_indirect_dma semaphore(%arg14 : memref<!tpu.dma_semaphore, #tpu.memory_space<semaphore_mem>>) src(%dma_wait3A_277 : memref<10000x64xf32, #tpu.memory_space<hbm>>) dst(%dma_wait3A_271 : memref<128x64xf32, #tpu.memory_space<vmem>>)
      %dma_wait3A_278 = arith.constant 128 : i32
      %dma_wait3A_279 = arith.constant 0 : i32
      %dma_wait3A_280 = tpu.memref_slice %arg11[%dma_wait3A_278, %dma_wait3A_279] : memref<512x32xf32, #tpu.memory_space<vmem>> -> memref<128x32xf32, #tpu.memory_space<vmem>>
      %dma_wait3A_281 = arith.constant 0 : i32
      %dma_wait3A_282 = tpu.memref_slice %arg8[%add3A_242, %dma_wait3A_281] : memref<56x128xi32, #tpu.memory_space<vmem>> -> memref<1x128xi32, #tpu.memory_space<vmem>>
      %dma_wait3A_283 = tpu.memref_squeeze %dma_wait3A_282 : memref<1x128xi32, #tpu.memory_space<vmem>> -> memref<128xi32, #tpu.memory_space<vmem>>
      %dma_wait3A_284 = arith.constant 0 : i32
      %dma_wait3A_285 = arith.constant 0 : i32
      %dma_wait3A_286 = tpu.memref_slice %arg3[%dma_wait3A_284, %dma_wait3A_285] : memref<10000x32xf32, #tpu.memory_space<hbm>> -> memref<10000x32xf32, #tpu.memory_space<hbm>>
      tpu.wait_indirect_dma semaphore(%arg14 : memref<!tpu.dma_semaphore, #tpu.memory_space<semaphore_mem>>) src(%dma_wait3A_286 : memref<10000x32xf32, #tpu.memory_space<hbm>>) dst(%dma_wait3A_280 : memref<128x32xf32, #tpu.memory_space<vmem>>)
      %dma_wait3A_287 = arith.constant 256 : i32
      %dma_wait3A_288 = arith.constant 0 : i32
      %dma_wait3A_289 = tpu.memref_slice %arg9[%dma_wait3A_287, %dma_wait3A_288] : memref<512x64xf32, #tpu.memory_space<vmem>> -> memref<128x64xf32, #tpu.memory_space<vmem>>
      %dma_wait3A_290 = arith.constant 0 : i32
      %dma_wait3A_291 = tpu.memref_slice %arg7[%add3A_244, %dma_wait3A_290] : memref<56x128xi32, #tpu.memory_space<vmem>> -> memref<1x128xi32, #tpu.memory_space<vmem>>
      %dma_wait3A_292 = tpu.memref_squeeze %dma_wait3A_291 : memref<1x128xi32, #tpu.memory_space<vmem>> -> memref<128xi32, #tpu.memory_space<vmem>>
      %dma_wait3A_293 = arith.constant 0 : i32
      %dma_wait3A_294 = arith.constant 0 : i32
      %dma_wait3A_295 = tpu.memref_slice %arg2[%dma_wait3A_293, %dma_wait3A_294] : memref<10000x64xf32, #tpu.memory_space<hbm>> -> memref<10000x64xf32, #tpu.memory_space<hbm>>
      tpu.wait_indirect_dma semaphore(%arg14 : memref<!tpu.dma_semaphore, #tpu.memory_space<semaphore_mem>>) src(%dma_wait3A_295 : memref<10000x64xf32, #tpu.memory_space<hbm>>) dst(%dma_wait3A_289 : memref<128x64xf32, #tpu.memory_space<vmem>>)
      %dma_wait3A_296 = arith.constant 256 : i32
      %dma_wait3A_297 = arith.constant 0 : i32
      %dma_wait3A_298 = tpu.memref_slice %arg11[%dma_wait3A_296, %dma_wait3A_297] : memref<512x32xf32, #tpu.memory_space<vmem>> -> memref<128x32xf32, #tpu.memory_space<vmem>>
      %dma_wait3A_299 = arith.constant 0 : i32
      %dma_wait3A_300 = tpu.memref_slice %arg8[%add3A_246, %dma_wait3A_299] : memref<56x128xi32, #tpu.memory_space<vmem>> -> memref<1x128xi32, #tpu.memory_space<vmem>>
      %dma_wait3A_301 = tpu.memref_squeeze %dma_wait3A_300 : memref<1x128xi32, #tpu.memory_space<vmem>> -> memref<128xi32, #tpu.memory_space<vmem>>
      %dma_wait3A_302 = arith.constant 0 : i32
      %dma_wait3A_303 = arith.constant 0 : i32
      %dma_wait3A_304 = tpu.memref_slice %arg3[%dma_wait3A_302, %dma_wait3A_303] : memref<10000x32xf32, #tpu.memory_space<hbm>> -> memref<10000x32xf32, #tpu.memory_space<hbm>>
      tpu.wait_indirect_dma semaphore(%arg14 : memref<!tpu.dma_semaphore, #tpu.memory_space<semaphore_mem>>) src(%dma_wait3A_304 : memref<10000x32xf32, #tpu.memory_space<hbm>>) dst(%dma_wait3A_298 : memref<128x32xf32, #tpu.memory_space<vmem>>)
      %dma_wait3A_305 = arith.constant 384 : i32
      %dma_wait3A_306 = arith.constant 0 : i32
      %dma_wait3A_307 = tpu.memref_slice %arg9[%dma_wait3A_305, %dma_wait3A_306] : memref<512x64xf32, #tpu.memory_space<vmem>> -> memref<128x64xf32, #tpu.memory_space<vmem>>
      %dma_wait3A_308 = arith.constant 0 : i32
      %dma_wait3A_309 = tpu.memref_slice %arg7[%add3A_248, %dma_wait3A_308] : memref<56x128xi32, #tpu.memory_space<vmem>> -> memref<1x128xi32, #tpu.memory_space<vmem>>
      %dma_wait3A_310 = tpu.memref_squeeze %dma_wait3A_309 : memref<1x128xi32, #tpu.memory_space<vmem>> -> memref<128xi32, #tpu.memory_space<vmem>>
      %dma_wait3A_311 = arith.constant 0 : i32
      %dma_wait3A_312 = arith.constant 0 : i32
      %dma_wait3A_313 = tpu.memref_slice %arg2[%dma_wait3A_311, %dma_wait3A_312] : memref<10000x64xf32, #tpu.memory_space<hbm>> -> memref<10000x64xf32, #tpu.memory_space<hbm>>
      tpu.wait_indirect_dma semaphore(%arg14 : memref<!tpu.dma_semaphore, #tpu.memory_space<semaphore_mem>>) src(%dma_wait3A_313 : memref<10000x64xf32, #tpu.memory_space<hbm>>) dst(%dma_wait3A_307 : memref<128x64xf32, #tpu.memory_space<vmem>>)
      %dma_wait3A_314 = arith.constant 384 : i32
      %dma_wait3A_315 = arith.constant 0 : i32
      %dma_wait3A_316 = tpu.memref_slice %arg11[%dma_wait3A_314, %dma_wait3A_315] : memref<512x32xf32, #tpu.memory_space<vmem>> -> memref<128x32xf32, #tpu.memory_space<vmem>>
      %dma_wait3A_317 = arith.constant 0 : i32
      %dma_wait3A_318 = tpu.memref_slice %arg8[%add3A_250, %dma_wait3A_317] : memref<56x128xi32, #tpu.memory_space<vmem>> -> memref<1x128xi32, #tpu.memory_space<vmem>>
      %dma_wait3A_319 = tpu.memref_squeeze %dma_wait3A_318 : memref<1x128xi32, #tpu.memory_space<vmem>> -> memref<128xi32, #tpu.memory_space<vmem>>
      %dma_wait3A_320 = arith.constant 0 : i32
      %dma_wait3A_321 = arith.constant 0 : i32
      %dma_wait3A_322 = tpu.memref_slice %arg3[%dma_wait3A_320, %dma_wait3A_321] : memref<10000x32xf32, #tpu.memory_space<hbm>> -> memref<10000x32xf32, #tpu.memory_space<hbm>>
      tpu.wait_indirect_dma semaphore(%arg14 : memref<!tpu.dma_semaphore, #tpu.memory_space<semaphore_mem>>) src(%dma_wait3A_322 : memref<10000x32xf32, #tpu.memory_space<hbm>>) dst(%dma_wait3A_316 : memref<128x32xf32, #tpu.memory_space<vmem>>)
      %mul3A_323 = arith.constant 4 : i32
      %mul3A_324 = arith.muli %mul3A_136, %mul3A_323 : i32
      %mul3A_325 = arith.constant 128 : i32
      %mul3A_326 = arith.muli %mul3A_324, %mul3A_325 : i32
      %add3A_327 = arith.addi %mul3A_10, %mul3A_326 : i32
      %dma_start3A_328 = arith.constant 0 : i32
      %dma_start3A_329 = tpu.memref_slice %arg6[%add3A_327, %dma_start3A_328] : memref<163840x128xf32, #tpu.memory_space<hbm>> -> memref<512x64xf32, #tpu.memory_space<hbm>>
      %dma_start3A_330 = arith.constant 0 : i32
      %dma_start3A_331 = tpu.memref_slice %arg6[%add3A_327, %dma_start3A_330] : memref<163840x128xf32, #tpu.memory_space<hbm>> -> memref<512x64xf32, #tpu.memory_space<hbm>>
      tpu.enqueue_dma source(%arg9 : memref<512x64xf32, #tpu.memory_space<vmem>>) target(%dma_start3A_331 : memref<512x64xf32, #tpu.memory_space<hbm>>) target_semaphore(%arg16 : memref<!tpu.dma_semaphore, #tpu.memory_space<semaphore_mem>>)
      %dma_start3A_332 = arith.constant 64 : i32
      %dma_start3A_333 = tpu.memref_slice %arg6[%add3A_327, %dma_start3A_332] : memref<163840x128xf32, #tpu.memory_space<hbm>> -> memref<512x32xf32, #tpu.memory_space<hbm>>
      %dma_start3A_334 = arith.constant 64 : i32
      %dma_start3A_335 = tpu.memref_slice %arg6[%add3A_327, %dma_start3A_334] : memref<163840x128xf32, #tpu.memory_space<hbm>> -> memref<512x32xf32, #tpu.memory_space<hbm>>
      tpu.enqueue_dma source(%arg11 : memref<512x32xf32, #tpu.memory_space<vmem>>) target(%dma_start3A_335 : memref<512x32xf32, #tpu.memory_space<hbm>>) target_semaphore(%arg16 : memref<!tpu.dma_semaphore, #tpu.memory_space<semaphore_mem>>)
      %mul3A_336 = arith.constant 4 : i32
      %mul3A_337 = arith.muli %add3A_140, %mul3A_336 : i32
      %add3A_338 = arith.constant 0 : i32
      %add3A_339 = arith.addi %mul3A_337, %add3A_338 : i32
      %add3A_340 = arith.constant 0 : i32
      %add3A_341 = arith.addi %mul3A_337, %add3A_340 : i32
      %add3A_342 = arith.constant 1 : i32
      %add3A_343 = arith.addi %mul3A_337, %add3A_342 : i32
      %add3A_344 = arith.constant 1 : i32
      %add3A_345 = arith.addi %mul3A_337, %add3A_344 : i32
      %add3A_346 = arith.constant 2 : i32
      %add3A_347 = arith.addi %mul3A_337, %add3A_346 : i32
      %add3A_348 = arith.constant 2 : i32
      %add3A_349 = arith.addi %mul3A_337, %add3A_348 : i32
      %add3A_350 = arith.constant 3 : i32
      %add3A_351 = arith.addi %mul3A_337, %add3A_350 : i32
      %add3A_352 = arith.constant 3 : i32
      %add3A_353 = arith.addi %mul3A_337, %add3A_352 : i32
      %dma_wait3A_354 = arith.constant 0 : i32
      %dma_wait3A_355 = arith.constant 0 : i32
      %dma_wait3A_356 = tpu.memref_slice %arg10[%dma_wait3A_354, %dma_wait3A_355] : memref<512x64xf32, #tpu.memory_space<vmem>> -> memref<128x64xf32, #tpu.memory_space<vmem>>
      %dma_wait3A_357 = arith.constant 0 : i32
      %dma_wait3A_358 = tpu.memref_slice %arg7[%add3A_339, %dma_wait3A_357] : memref<56x128xi32, #tpu.memory_space<vmem>> -> memref<1x128xi32, #tpu.memory_space<vmem>>
      %dma_wait3A_359 = tpu.memref_squeeze %dma_wait3A_358 : memref<1x128xi32, #tpu.memory_space<vmem>> -> memref<128xi32, #tpu.memory_space<vmem>>
      %dma_wait3A_360 = arith.constant 0 : i32
      %dma_wait3A_361 = arith.constant 0 : i32
      %dma_wait3A_362 = tpu.memref_slice %arg2[%dma_wait3A_360, %dma_wait3A_361] : memref<10000x64xf32, #tpu.memory_space<hbm>> -> memref<10000x64xf32, #tpu.memory_space<hbm>>
      tpu.wait_indirect_dma semaphore(%arg15 : memref<!tpu.dma_semaphore, #tpu.memory_space<semaphore_mem>>) src(%dma_wait3A_362 : memref<10000x64xf32, #tpu.memory_space<hbm>>) dst(%dma_wait3A_356 : memref<128x64xf32, #tpu.memory_space<vmem>>)
      %dma_wait3A_363 = arith.constant 0 : i32
      %dma_wait3A_364 = arith.constant 0 : i32
      %dma_wait3A_365 = tpu.memref_slice %arg12[%dma_wait3A_363, %dma_wait3A_364] : memref<512x32xf32, #tpu.memory_space<vmem>> -> memref<128x32xf32, #tpu.memory_space<vmem>>
      %dma_wait3A_366 = arith.constant 0 : i32
      %dma_wait3A_367 = tpu.memref_slice %arg8[%add3A_341, %dma_wait3A_366] : memref<56x128xi32, #tpu.memory_space<vmem>> -> memref<1x128xi32, #tpu.memory_space<vmem>>
      %dma_wait3A_368 = tpu.memref_squeeze %dma_wait3A_367 : memref<1x128xi32, #tpu.memory_space<vmem>> -> memref<128xi32, #tpu.memory_space<vmem>>
      %dma_wait3A_369 = arith.constant 0 : i32
      %dma_wait3A_370 = arith.constant 0 : i32
      %dma_wait3A_371 = tpu.memref_slice %arg3[%dma_wait3A_369, %dma_wait3A_370] : memref<10000x32xf32, #tpu.memory_space<hbm>> -> memref<10000x32xf32, #tpu.memory_space<hbm>>
      tpu.wait_indirect_dma semaphore(%arg15 : memref<!tpu.dma_semaphore, #tpu.memory_space<semaphore_mem>>) src(%dma_wait3A_371 : memref<10000x32xf32, #tpu.memory_space<hbm>>) dst(%dma_wait3A_365 : memref<128x32xf32, #tpu.memory_space<vmem>>)
      %dma_wait3A_372 = arith.constant 128 : i32
      %dma_wait3A_373 = arith.constant 0 : i32
      %dma_wait3A_374 = tpu.memref_slice %arg10[%dma_wait3A_372, %dma_wait3A_373] : memref<512x64xf32, #tpu.memory_space<vmem>> -> memref<128x64xf32, #tpu.memory_space<vmem>>
      %dma_wait3A_375 = arith.constant 0 : i32
      %dma_wait3A_376 = tpu.memref_slice %arg7[%add3A_343, %dma_wait3A_375] : memref<56x128xi32, #tpu.memory_space<vmem>> -> memref<1x128xi32, #tpu.memory_space<vmem>>
      %dma_wait3A_377 = tpu.memref_squeeze %dma_wait3A_376 : memref<1x128xi32, #tpu.memory_space<vmem>> -> memref<128xi32, #tpu.memory_space<vmem>>
      %dma_wait3A_378 = arith.constant 0 : i32
      %dma_wait3A_379 = arith.constant 0 : i32
      %dma_wait3A_380 = tpu.memref_slice %arg2[%dma_wait3A_378, %dma_wait3A_379] : memref<10000x64xf32, #tpu.memory_space<hbm>> -> memref<10000x64xf32, #tpu.memory_space<hbm>>
      tpu.wait_indirect_dma semaphore(%arg15 : memref<!tpu.dma_semaphore, #tpu.memory_space<semaphore_mem>>) src(%dma_wait3A_380 : memref<10000x64xf32, #tpu.memory_space<hbm>>) dst(%dma_wait3A_374 : memref<128x64xf32, #tpu.memory_space<vmem>>)
      %dma_wait3A_381 = arith.constant 128 : i32
      %dma_wait3A_382 = arith.constant 0 : i32
      %dma_wait3A_383 = tpu.memref_slice %arg12[%dma_wait3A_381, %dma_wait3A_382] : memref<512x32xf32, #tpu.memory_space<vmem>> -> memref<128x32xf32, #tpu.memory_space<vmem>>
      %dma_wait3A_384 = arith.constant 0 : i32
      %dma_wait3A_385 = tpu.memref_slice %arg8[%add3A_345, %dma_wait3A_384] : memref<56x128xi32, #tpu.memory_space<vmem>> -> memref<1x128xi32, #tpu.memory_space<vmem>>
      %dma_wait3A_386 = tpu.memref_squeeze %dma_wait3A_385 : memref<1x128xi32, #tpu.memory_space<vmem>> -> memref<128xi32, #tpu.memory_space<vmem>>
      %dma_wait3A_387 = arith.constant 0 : i32
      %dma_wait3A_388 = arith.constant 0 : i32
      %dma_wait3A_389 = tpu.memref_slice %arg3[%dma_wait3A_387, %dma_wait3A_388] : memref<10000x32xf32, #tpu.memory_space<hbm>> -> memref<10000x32xf32, #tpu.memory_space<hbm>>
      tpu.wait_indirect_dma semaphore(%arg15 : memref<!tpu.dma_semaphore, #tpu.memory_space<semaphore_mem>>) src(%dma_wait3A_389 : memref<10000x32xf32, #tpu.memory_space<hbm>>) dst(%dma_wait3A_383 : memref<128x32xf32, #tpu.memory_space<vmem>>)
      %dma_wait3A_390 = arith.constant 256 : i32
      %dma_wait3A_391 = arith.constant 0 : i32
      %dma_wait3A_392 = tpu.memref_slice %arg10[%dma_wait3A_390, %dma_wait3A_391] : memref<512x64xf32, #tpu.memory_space<vmem>> -> memref<128x64xf32, #tpu.memory_space<vmem>>
      %dma_wait3A_393 = arith.constant 0 : i32
      %dma_wait3A_394 = tpu.memref_slice %arg7[%add3A_347, %dma_wait3A_393] : memref<56x128xi32, #tpu.memory_space<vmem>> -> memref<1x128xi32, #tpu.memory_space<vmem>>
      %dma_wait3A_395 = tpu.memref_squeeze %dma_wait3A_394 : memref<1x128xi32, #tpu.memory_space<vmem>> -> memref<128xi32, #tpu.memory_space<vmem>>
      %dma_wait3A_396 = arith.constant 0 : i32
      %dma_wait3A_397 = arith.constant 0 : i32
      %dma_wait3A_398 = tpu.memref_slice %arg2[%dma_wait3A_396, %dma_wait3A_397] : memref<10000x64xf32, #tpu.memory_space<hbm>> -> memref<10000x64xf32, #tpu.memory_space<hbm>>
      tpu.wait_indirect_dma semaphore(%arg15 : memref<!tpu.dma_semaphore, #tpu.memory_space<semaphore_mem>>) src(%dma_wait3A_398 : memref<10000x64xf32, #tpu.memory_space<hbm>>) dst(%dma_wait3A_392 : memref<128x64xf32, #tpu.memory_space<vmem>>)
      %dma_wait3A_399 = arith.constant 256 : i32
      %dma_wait3A_400 = arith.constant 0 : i32
      %dma_wait3A_401 = tpu.memref_slice %arg12[%dma_wait3A_399, %dma_wait3A_400] : memref<512x32xf32, #tpu.memory_space<vmem>> -> memref<128x32xf32, #tpu.memory_space<vmem>>
      %dma_wait3A_402 = arith.constant 0 : i32
      %dma_wait3A_403 = tpu.memref_slice %arg8[%add3A_349, %dma_wait3A_402] : memref<56x128xi32, #tpu.memory_space<vmem>> -> memref<1x128xi32, #tpu.memory_space<vmem>>
      %dma_wait3A_404 = tpu.memref_squeeze %dma_wait3A_403 : memref<1x128xi32, #tpu.memory_space<vmem>> -> memref<128xi32, #tpu.memory_space<vmem>>
      %dma_wait3A_405 = arith.constant 0 : i32
      %dma_wait3A_406 = arith.constant 0 : i32
      %dma_wait3A_407 = tpu.memref_slice %arg3[%dma_wait3A_405, %dma_wait3A_406] : memref<10000x32xf32, #tpu.memory_space<hbm>> -> memref<10000x32xf32, #tpu.memory_space<hbm>>
      tpu.wait_indirect_dma semaphore(%arg15 : memref<!tpu.dma_semaphore, #tpu.memory_space<semaphore_mem>>) src(%dma_wait3A_407 : memref<10000x32xf32, #tpu.memory_space<hbm>>) dst(%dma_wait3A_401 : memref<128x32xf32, #tpu.memory_space<vmem>>)
      %dma_wait3A_408 = arith.constant 384 : i32
      %dma_wait3A_409 = arith.constant 0 : i32
      %dma_wait3A_410 = tpu.memref_slice %arg10[%dma_wait3A_408, %dma_wait3A_409] : memref<512x64xf32, #tpu.memory_space<vmem>> -> memref<128x64xf32, #tpu.memory_space<vmem>>
      %dma_wait3A_411 = arith.constant 0 : i32
      %dma_wait3A_412 = tpu.memref_slice %arg7[%add3A_351, %dma_wait3A_411] : memref<56x128xi32, #tpu.memory_space<vmem>> -> memref<1x128xi32, #tpu.memory_space<vmem>>
      %dma_wait3A_413 = tpu.memref_squeeze %dma_wait3A_412 : memref<1x128xi32, #tpu.memory_space<vmem>> -> memref<128xi32, #tpu.memory_space<vmem>>
      %dma_wait3A_414 = arith.constant 0 : i32
      %dma_wait3A_415 = arith.constant 0 : i32
      %dma_wait3A_416 = tpu.memref_slice %arg2[%dma_wait3A_414, %dma_wait3A_415] : memref<10000x64xf32, #tpu.memory_space<hbm>> -> memref<10000x64xf32, #tpu.memory_space<hbm>>
      tpu.wait_indirect_dma semaphore(%arg15 : memref<!tpu.dma_semaphore, #tpu.memory_space<semaphore_mem>>) src(%dma_wait3A_416 : memref<10000x64xf32, #tpu.memory_space<hbm>>) dst(%dma_wait3A_410 : memref<128x64xf32, #tpu.memory_space<vmem>>)
      %dma_wait3A_417 = arith.constant 384 : i32
      %dma_wait3A_418 = arith.constant 0 : i32
      %dma_wait3A_419 = tpu.memref_slice %arg12[%dma_wait3A_417, %dma_wait3A_418] : memref<512x32xf32, #tpu.memory_space<vmem>> -> memref<128x32xf32, #tpu.memory_space<vmem>>
      %dma_wait3A_420 = arith.constant 0 : i32
      %dma_wait3A_421 = tpu.memref_slice %arg8[%add3A_353, %dma_wait3A_420] : memref<56x128xi32, #tpu.memory_space<vmem>> -> memref<1x128xi32, #tpu.memory_space<vmem>>
      %dma_wait3A_422 = tpu.memref_squeeze %dma_wait3A_421 : memref<1x128xi32, #tpu.memory_space<vmem>> -> memref<128xi32, #tpu.memory_space<vmem>>
      %dma_wait3A_423 = arith.constant 0 : i32
      %dma_wait3A_424 = arith.constant 0 : i32
      %dma_wait3A_425 = tpu.memref_slice %arg3[%dma_wait3A_423, %dma_wait3A_424] : memref<10000x32xf32, #tpu.memory_space<hbm>> -> memref<10000x32xf32, #tpu.memory_space<hbm>>
      tpu.wait_indirect_dma semaphore(%arg15 : memref<!tpu.dma_semaphore, #tpu.memory_space<semaphore_mem>>) src(%dma_wait3A_425 : memref<10000x32xf32, #tpu.memory_space<hbm>>) dst(%dma_wait3A_419 : memref<128x32xf32, #tpu.memory_space<vmem>>)
      %mul3A_426 = arith.constant 4 : i32
      %mul3A_427 = arith.muli %add3A_140, %mul3A_426 : i32
      %mul3A_428 = arith.constant 128 : i32
      %mul3A_429 = arith.muli %mul3A_427, %mul3A_428 : i32
      %add3A_430 = arith.addi %mul3A_10, %mul3A_429 : i32
      %dma_start3A_431 = arith.constant 0 : i32
      %dma_start3A_432 = tpu.memref_slice %arg6[%add3A_430, %dma_start3A_431] : memref<163840x128xf32, #tpu.memory_space<hbm>> -> memref<512x64xf32, #tpu.memory_space<hbm>>
      %dma_start3A_433 = arith.constant 0 : i32
      %dma_start3A_434 = tpu.memref_slice %arg6[%add3A_430, %dma_start3A_433] : memref<163840x128xf32, #tpu.memory_space<hbm>> -> memref<512x64xf32, #tpu.memory_space<hbm>>
      tpu.enqueue_dma source(%arg10 : memref<512x64xf32, #tpu.memory_space<vmem>>) target(%dma_start3A_434 : memref<512x64xf32, #tpu.memory_space<hbm>>) target_semaphore(%arg17 : memref<!tpu.dma_semaphore, #tpu.memory_space<semaphore_mem>>)
      %dma_start3A_435 = arith.constant 64 : i32
      %dma_start3A_436 = tpu.memref_slice %arg6[%add3A_430, %dma_start3A_435] : memref<163840x128xf32, #tpu.memory_space<hbm>> -> memref<512x32xf32, #tpu.memory_space<hbm>>
      %dma_start3A_437 = arith.constant 64 : i32
      %dma_start3A_438 = tpu.memref_slice %arg6[%add3A_430, %dma_start3A_437] : memref<163840x128xf32, #tpu.memory_space<hbm>> -> memref<512x32xf32, #tpu.memory_space<hbm>>
      tpu.enqueue_dma source(%arg12 : memref<512x32xf32, #tpu.memory_space<vmem>>) target(%dma_start3A_438 : memref<512x32xf32, #tpu.memory_space<hbm>>) target_semaphore(%arg17 : memref<!tpu.dma_semaphore, #tpu.memory_space<semaphore_mem>>)
      %sub3A = arith.constant 1 : i32
      %sub3A_439 = arith.subi %select_n3A_8, %sub3A : i32
      %lt3A = arith.cmpi slt, %while3A_134, %sub3A_439 : i32
      %convert_element_type3A_440 = arith.extui %lt3A : i1 to i32
      %cond3A_441 = arith.constant 0 : i32
      %cond3A_442 = arith.cmpi ne, %convert_element_type3A_440, %cond3A_441 : i32
      scf.if %cond3A_442 {
        %mul3A_443 = arith.constant 4 : i32
        %mul3A_444 = arith.muli %mul3A_136, %mul3A_443 : i32
        %mul3A_445 = arith.constant 128 : i32
        %mul3A_446 = arith.muli %mul3A_444, %mul3A_445 : i32
        %add3A_447 = arith.addi %mul3A_10, %mul3A_446 : i32
        %dma_wait3A_448 = arith.constant 0 : i32
        %dma_wait3A_449 = tpu.memref_slice %arg6[%add3A_447, %dma_wait3A_448] : memref<163840x128xf32, #tpu.memory_space<hbm>> -> memref<512x64xf32, #tpu.memory_space<hbm>>
        %dma_wait3A_450 = arith.constant 0 : i32
        %dma_wait3A_451 = tpu.memref_slice %arg6[%add3A_447, %dma_wait3A_450] : memref<163840x128xf32, #tpu.memory_space<hbm>> -> memref<512x64xf32, #tpu.memory_space<hbm>>
        tpu.wait_dma2 semaphore(%arg16 : memref<!tpu.dma_semaphore, #tpu.memory_space<semaphore_mem>>) src(%arg9 : memref<512x64xf32, #tpu.memory_space<vmem>>) dst(%dma_wait3A_451 : memref<512x64xf32, #tpu.memory_space<hbm>>)
        %dma_wait3A_452 = arith.constant 64 : i32
        %dma_wait3A_453 = tpu.memref_slice %arg6[%add3A_447, %dma_wait3A_452] : memref<163840x128xf32, #tpu.memory_space<hbm>> -> memref<512x32xf32, #tpu.memory_space<hbm>>
        %dma_wait3A_454 = arith.constant 64 : i32
        %dma_wait3A_455 = tpu.memref_slice %arg6[%add3A_447, %dma_wait3A_454] : memref<163840x128xf32, #tpu.memory_space<hbm>> -> memref<512x32xf32, #tpu.memory_space<hbm>>
        tpu.wait_dma2 semaphore(%arg16 : memref<!tpu.dma_semaphore, #tpu.memory_space<semaphore_mem>>) src(%arg11 : memref<512x32xf32, #tpu.memory_space<vmem>>) dst(%dma_wait3A_455 : memref<512x32xf32, #tpu.memory_space<hbm>>)
        %add3A_456 = arith.constant 2 : i32
        %add3A_457 = arith.addi %mul3A_136, %add3A_456 : i32
        %mul3A_458 = arith.constant 4 : i32
        %mul3A_459 = arith.muli %add3A_457, %mul3A_458 : i32
        %add3A_460 = arith.constant 0 : i32
        %add3A_461 = arith.addi %mul3A_459, %add3A_460 : i32
        %add3A_462 = arith.constant 0 : i32
        %add3A_463 = arith.addi %mul3A_459, %add3A_462 : i32
        %add3A_464 = arith.constant 1 : i32
        %add3A_465 = arith.addi %mul3A_459, %add3A_464 : i32
        %add3A_466 = arith.constant 1 : i32
        %add3A_467 = arith.addi %mul3A_459, %add3A_466 : i32
        %add3A_468 = arith.constant 2 : i32
        %add3A_469 = arith.addi %mul3A_459, %add3A_468 : i32
        %add3A_470 = arith.constant 2 : i32
        %add3A_471 = arith.addi %mul3A_459, %add3A_470 : i32
        %add3A_472 = arith.constant 3 : i32
        %add3A_473 = arith.addi %mul3A_459, %add3A_472 : i32
        %add3A_474 = arith.constant 3 : i32
        %add3A_475 = arith.addi %mul3A_459, %add3A_474 : i32
        %dma_start3A_476 = arith.constant 0 : i32
        %dma_start3A_477 = arith.constant 0 : i32
        %dma_start3A_478 = tpu.memref_slice %arg9[%dma_start3A_476, %dma_start3A_477] : memref<512x64xf32, #tpu.memory_space<vmem>> -> memref<128x64xf32, #tpu.memory_space<vmem>>
        %dma_start3A_479 = arith.constant 0 : i32
        %dma_start3A_480 = tpu.memref_slice %arg7[%add3A_461, %dma_start3A_479] : memref<56x128xi32, #tpu.memory_space<vmem>> -> memref<1x128xi32, #tpu.memory_space<vmem>>
        %dma_start3A_481 = tpu.memref_squeeze %dma_start3A_480 : memref<1x128xi32, #tpu.memory_space<vmem>> -> memref<128xi32, #tpu.memory_space<vmem>>
        %dma_start3A_482 = arith.constant 0 : i32
        %dma_start3A_483 = arith.constant 0 : i32
        %dma_start3A_484 = tpu.memref_slice %arg2[%dma_start3A_482, %dma_start3A_483] : memref<10000x64xf32, #tpu.memory_space<hbm>> -> memref<10000x64xf32, #tpu.memory_space<hbm>>
        tpu.enqueue_indirect_dma source(%dma_start3A_484 : memref<10000x64xf32, #tpu.memory_space<hbm>>) target(%dma_start3A_478 : memref<128x64xf32, #tpu.memory_space<vmem>>) offsets(%dma_start3A_481 : memref<128xi32, #tpu.memory_space<vmem>>) semaphore(%arg14 : memref<!tpu.dma_semaphore, #tpu.memory_space<semaphore_mem>>)
        %dma_start3A_485 = arith.constant 0 : i32
        %dma_start3A_486 = arith.constant 0 : i32
        %dma_start3A_487 = tpu.memref_slice %arg11[%dma_start3A_485, %dma_start3A_486] : memref<512x32xf32, #tpu.memory_space<vmem>> -> memref<128x32xf32, #tpu.memory_space<vmem>>
        %dma_start3A_488 = arith.constant 0 : i32
        %dma_start3A_489 = tpu.memref_slice %arg8[%add3A_463, %dma_start3A_488] : memref<56x128xi32, #tpu.memory_space<vmem>> -> memref<1x128xi32, #tpu.memory_space<vmem>>
        %dma_start3A_490 = tpu.memref_squeeze %dma_start3A_489 : memref<1x128xi32, #tpu.memory_space<vmem>> -> memref<128xi32, #tpu.memory_space<vmem>>
        %dma_start3A_491 = arith.constant 0 : i32
        %dma_start3A_492 = arith.constant 0 : i32
        %dma_start3A_493 = tpu.memref_slice %arg3[%dma_start3A_491, %dma_start3A_492] : memref<10000x32xf32, #tpu.memory_space<hbm>> -> memref<10000x32xf32, #tpu.memory_space<hbm>>
        tpu.enqueue_indirect_dma source(%dma_start3A_493 : memref<10000x32xf32, #tpu.memory_space<hbm>>) target(%dma_start3A_487 : memref<128x32xf32, #tpu.memory_space<vmem>>) offsets(%dma_start3A_490 : memref<128xi32, #tpu.memory_space<vmem>>) semaphore(%arg14 : memref<!tpu.dma_semaphore, #tpu.memory_space<semaphore_mem>>)
        %dma_start3A_494 = arith.constant 128 : i32
        %dma_start3A_495 = arith.constant 0 : i32
        %dma_start3A_496 = tpu.memref_slice %arg9[%dma_start3A_494, %dma_start3A_495] : memref<512x64xf32, #tpu.memory_space<vmem>> -> memref<128x64xf32, #tpu.memory_space<vmem>>
        %dma_start3A_497 = arith.constant 0 : i32
        %dma_start3A_498 = tpu.memref_slice %arg7[%add3A_465, %dma_start3A_497] : memref<56x128xi32, #tpu.memory_space<vmem>> -> memref<1x128xi32, #tpu.memory_space<vmem>>
        %dma_start3A_499 = tpu.memref_squeeze %dma_start3A_498 : memref<1x128xi32, #tpu.memory_space<vmem>> -> memref<128xi32, #tpu.memory_space<vmem>>
        %dma_start3A_500 = arith.constant 0 : i32
        %dma_start3A_501 = arith.constant 0 : i32
        %dma_start3A_502 = tpu.memref_slice %arg2[%dma_start3A_500, %dma_start3A_501] : memref<10000x64xf32, #tpu.memory_space<hbm>> -> memref<10000x64xf32, #tpu.memory_space<hbm>>
        tpu.enqueue_indirect_dma source(%dma_start3A_502 : memref<10000x64xf32, #tpu.memory_space<hbm>>) target(%dma_start3A_496 : memref<128x64xf32, #tpu.memory_space<vmem>>) offsets(%dma_start3A_499 : memref<128xi32, #tpu.memory_space<vmem>>) semaphore(%arg14 : memref<!tpu.dma_semaphore, #tpu.memory_space<semaphore_mem>>)
        %dma_start3A_503 = arith.constant 128 : i32
        %dma_start3A_504 = arith.constant 0 : i32
        %dma_start3A_505 = tpu.memref_slice %arg11[%dma_start3A_503, %dma_start3A_504] : memref<512x32xf32, #tpu.memory_space<vmem>> -> memref<128x32xf32, #tpu.memory_space<vmem>>
        %dma_start3A_506 = arith.constant 0 : i32
        %dma_start3A_507 = tpu.memref_slice %arg8[%add3A_467, %dma_start3A_506] : memref<56x128xi32, #tpu.memory_space<vmem>> -> memref<1x128xi32, #tpu.memory_space<vmem>>
        %dma_start3A_508 = tpu.memref_squeeze %dma_start3A_507 : memref<1x128xi32, #tpu.memory_space<vmem>> -> memref<128xi32, #tpu.memory_space<vmem>>
        %dma_start3A_509 = arith.constant 0 : i32
        %dma_start3A_510 = arith.constant 0 : i32
        %dma_start3A_511 = tpu.memref_slice %arg3[%dma_start3A_509, %dma_start3A_510] : memref<10000x32xf32, #tpu.memory_space<hbm>> -> memref<10000x32xf32, #tpu.memory_space<hbm>>
        tpu.enqueue_indirect_dma source(%dma_start3A_511 : memref<10000x32xf32, #tpu.memory_space<hbm>>) target(%dma_start3A_505 : memref<128x32xf32, #tpu.memory_space<vmem>>) offsets(%dma_start3A_508 : memref<128xi32, #tpu.memory_space<vmem>>) semaphore(%arg14 : memref<!tpu.dma_semaphore, #tpu.memory_space<semaphore_mem>>)
        %dma_start3A_512 = arith.constant 256 : i32
        %dma_start3A_513 = arith.constant 0 : i32
        %dma_start3A_514 = tpu.memref_slice %arg9[%dma_start3A_512, %dma_start3A_513] : memref<512x64xf32, #tpu.memory_space<vmem>> -> memref<128x64xf32, #tpu.memory_space<vmem>>
        %dma_start3A_515 = arith.constant 0 : i32
        %dma_start3A_516 = tpu.memref_slice %arg7[%add3A_469, %dma_start3A_515] : memref<56x128xi32, #tpu.memory_space<vmem>> -> memref<1x128xi32, #tpu.memory_space<vmem>>
        %dma_start3A_517 = tpu.memref_squeeze %dma_start3A_516 : memref<1x128xi32, #tpu.memory_space<vmem>> -> memref<128xi32, #tpu.memory_space<vmem>>
        %dma_start3A_518 = arith.constant 0 : i32
        %dma_start3A_519 = arith.constant 0 : i32
        %dma_start3A_520 = tpu.memref_slice %arg2[%dma_start3A_518, %dma_start3A_519] : memref<10000x64xf32, #tpu.memory_space<hbm>> -> memref<10000x64xf32, #tpu.memory_space<hbm>>
        tpu.enqueue_indirect_dma source(%dma_start3A_520 : memref<10000x64xf32, #tpu.memory_space<hbm>>) target(%dma_start3A_514 : memref<128x64xf32, #tpu.memory_space<vmem>>) offsets(%dma_start3A_517 : memref<128xi32, #tpu.memory_space<vmem>>) semaphore(%arg14 : memref<!tpu.dma_semaphore, #tpu.memory_space<semaphore_mem>>)
        %dma_start3A_521 = arith.constant 256 : i32
        %dma_start3A_522 = arith.constant 0 : i32
        %dma_start3A_523 = tpu.memref_slice %arg11[%dma_start3A_521, %dma_start3A_522] : memref<512x32xf32, #tpu.memory_space<vmem>> -> memref<128x32xf32, #tpu.memory_space<vmem>>
        %dma_start3A_524 = arith.constant 0 : i32
        %dma_start3A_525 = tpu.memref_slice %arg8[%add3A_471, %dma_start3A_524] : memref<56x128xi32, #tpu.memory_space<vmem>> -> memref<1x128xi32, #tpu.memory_space<vmem>>
        %dma_start3A_526 = tpu.memref_squeeze %dma_start3A_525 : memref<1x128xi32, #tpu.memory_space<vmem>> -> memref<128xi32, #tpu.memory_space<vmem>>
        %dma_start3A_527 = arith.constant 0 : i32
        %dma_start3A_528 = arith.constant 0 : i32
        %dma_start3A_529 = tpu.memref_slice %arg3[%dma_start3A_527, %dma_start3A_528] : memref<10000x32xf32, #tpu.memory_space<hbm>> -> memref<10000x32xf32, #tpu.memory_space<hbm>>
        tpu.enqueue_indirect_dma source(%dma_start3A_529 : memref<10000x32xf32, #tpu.memory_space<hbm>>) target(%dma_start3A_523 : memref<128x32xf32, #tpu.memory_space<vmem>>) offsets(%dma_start3A_526 : memref<128xi32, #tpu.memory_space<vmem>>) semaphore(%arg14 : memref<!tpu.dma_semaphore, #tpu.memory_space<semaphore_mem>>)
        %dma_start3A_530 = arith.constant 384 : i32
        %dma_start3A_531 = arith.constant 0 : i32
        %dma_start3A_532 = tpu.memref_slice %arg9[%dma_start3A_530, %dma_start3A_531] : memref<512x64xf32, #tpu.memory_space<vmem>> -> memref<128x64xf32, #tpu.memory_space<vmem>>
        %dma_start3A_533 = arith.constant 0 : i32
        %dma_start3A_534 = tpu.memref_slice %arg7[%add3A_473, %dma_start3A_533] : memref<56x128xi32, #tpu.memory_space<vmem>> -> memref<1x128xi32, #tpu.memory_space<vmem>>
        %dma_start3A_535 = tpu.memref_squeeze %dma_start3A_534 : memref<1x128xi32, #tpu.memory_space<vmem>> -> memref<128xi32, #tpu.memory_space<vmem>>
        %dma_start3A_536 = arith.constant 0 : i32
        %dma_start3A_537 = arith.constant 0 : i32
        %dma_start3A_538 = tpu.memref_slice %arg2[%dma_start3A_536, %dma_start3A_537] : memref<10000x64xf32, #tpu.memory_space<hbm>> -> memref<10000x64xf32, #tpu.memory_space<hbm>>
        tpu.enqueue_indirect_dma source(%dma_start3A_538 : memref<10000x64xf32, #tpu.memory_space<hbm>>) target(%dma_start3A_532 : memref<128x64xf32, #tpu.memory_space<vmem>>) offsets(%dma_start3A_535 : memref<128xi32, #tpu.memory_space<vmem>>) semaphore(%arg14 : memref<!tpu.dma_semaphore, #tpu.memory_space<semaphore_mem>>)
        %dma_start3A_539 = arith.constant 384 : i32
        %dma_start3A_540 = arith.constant 0 : i32
        %dma_start3A_541 = tpu.memref_slice %arg11[%dma_start3A_539, %dma_start3A_540] : memref<512x32xf32, #tpu.memory_space<vmem>> -> memref<128x32xf32, #tpu.memory_space<vmem>>
        %dma_start3A_542 = arith.constant 0 : i32
        %dma_start3A_543 = tpu.memref_slice %arg8[%add3A_475, %dma_start3A_542] : memref<56x128xi32, #tpu.memory_space<vmem>> -> memref<1x128xi32, #tpu.memory_space<vmem>>
        %dma_start3A_544 = tpu.memref_squeeze %dma_start3A_543 : memref<1x128xi32, #tpu.memory_space<vmem>> -> memref<128xi32, #tpu.memory_space<vmem>>
        %dma_start3A_545 = arith.constant 0 : i32
        %dma_start3A_546 = arith.constant 0 : i32
        %dma_start3A_547 = tpu.memref_slice %arg3[%dma_start3A_545, %dma_start3A_546] : memref<10000x32xf32, #tpu.memory_space<hbm>> -> memref<10000x32xf32, #tpu.memory_space<hbm>>
        tpu.enqueue_indirect_dma source(%dma_start3A_547 : memref<10000x32xf32, #tpu.memory_space<hbm>>) target(%dma_start3A_541 : memref<128x32xf32, #tpu.memory_space<vmem>>) offsets(%dma_start3A_544 : memref<128xi32, #tpu.memory_space<vmem>>) semaphore(%arg14 : memref<!tpu.dma_semaphore, #tpu.memory_space<semaphore_mem>>)
      } else {
      }
    }
    %add3A_114 = arith.constant 0 : i32
    %add3A_115 = arith.addi %mul3A_10, %add3A_114 : i32
    %dma_wait3A_116 = arith.constant 0 : i32
    %dma_wait3A_117 = tpu.memref_slice %arg6[%add3A_115, %dma_wait3A_116] : memref<163840x128xf32, #tpu.memory_space<hbm>> -> memref<512x64xf32, #tpu.memory_space<hbm>>
    %dma_wait3A_118 = arith.constant 0 : i32
    %dma_wait3A_119 = tpu.memref_slice %arg6[%add3A_115, %dma_wait3A_118] : memref<163840x128xf32, #tpu.memory_space<hbm>> -> memref<512x64xf32, #tpu.memory_space<hbm>>
    tpu.wait_dma2 semaphore(%arg16 : memref<!tpu.dma_semaphore, #tpu.memory_space<semaphore_mem>>) src(%arg9 : memref<512x64xf32, #tpu.memory_space<vmem>>) dst(%dma_wait3A_119 : memref<512x64xf32, #tpu.memory_space<hbm>>)
    %dma_wait3A_120 = arith.constant 64 : i32
    %dma_wait3A_121 = tpu.memref_slice %arg6[%add3A_115, %dma_wait3A_120] : memref<163840x128xf32, #tpu.memory_space<hbm>> -> memref<512x32xf32, #tpu.memory_space<hbm>>
    %dma_wait3A_122 = arith.constant 64 : i32
    %dma_wait3A_123 = tpu.memref_slice %arg6[%add3A_115, %dma_wait3A_122] : memref<163840x128xf32, #tpu.memory_space<hbm>> -> memref<512x32xf32, #tpu.memory_space<hbm>>
    tpu.wait_dma2 semaphore(%arg16 : memref<!tpu.dma_semaphore, #tpu.memory_space<semaphore_mem>>) src(%arg11 : memref<512x32xf32, #tpu.memory_space<vmem>>) dst(%dma_wait3A_123 : memref<512x32xf32, #tpu.memory_space<hbm>>)
    %add3A_124 = arith.constant 0 : i32
    %add3A_125 = arith.addi %mul3A_10, %add3A_124 : i32
    %dma_wait3A_126 = arith.constant 0 : i32
    %dma_wait3A_127 = tpu.memref_slice %arg6[%add3A_125, %dma_wait3A_126] : memref<163840x128xf32, #tpu.memory_space<hbm>> -> memref<512x64xf32, #tpu.memory_space<hbm>>
    %dma_wait3A_128 = arith.constant 0 : i32
    %dma_wait3A_129 = tpu.memref_slice %arg6[%add3A_125, %dma_wait3A_128] : memref<163840x128xf32, #tpu.memory_space<hbm>> -> memref<512x64xf32, #tpu.memory_space<hbm>>
    tpu.wait_dma2 semaphore(%arg17 : memref<!tpu.dma_semaphore, #tpu.memory_space<semaphore_mem>>) src(%arg10 : memref<512x64xf32, #tpu.memory_space<vmem>>) dst(%dma_wait3A_129 : memref<512x64xf32, #tpu.memory_space<hbm>>)
    %dma_wait3A_130 = arith.constant 64 : i32
    %dma_wait3A_131 = tpu.memref_slice %arg6[%add3A_125, %dma_wait3A_130] : memref<163840x128xf32, #tpu.memory_space<hbm>> -> memref<512x32xf32, #tpu.memory_space<hbm>>
    %dma_wait3A_132 = arith.constant 64 : i32
    %dma_wait3A_133 = tpu.memref_slice %arg6[%add3A_125, %dma_wait3A_132] : memref<163840x128xf32, #tpu.memory_space<hbm>> -> memref<512x32xf32, #tpu.memory_space<hbm>>
    tpu.wait_dma2 semaphore(%arg17 : memref<!tpu.dma_semaphore, #tpu.memory_space<semaphore_mem>>) src(%arg12 : memref<512x32xf32, #tpu.memory_space<vmem>>) dst(%dma_wait3A_133 : memref<512x32xf32, #tpu.memory_space<hbm>>)
    return
  }
}

#map = affine_map<(d0, d1) -> (0, 0)>
module attributes {stable_mosaic.version = 14 : i64} {
  func.func @_sc_gather_body(%arg0: i32, %arg1: i32, %arg2: memref<10000x64xf32, #tpu.memory_space<hbm>>, %arg3: memref<10000x32xf32, #tpu.memory_space<hbm>>, %arg4: memref<1312x128xi32, #tpu.memory_space<hbm>>, %arg5: memref<1312x128xi32, #tpu.memory_space<hbm>>, %arg6: memref<163840x128xf32, #tpu.memory_space<hbm>>, %arg7: memref<56x128xi32, #tpu.memory_space<vmem>>, %arg8: memref<56x128xi32, #tpu.memory_space<vmem>>, %arg9: memref<512x64xf32, #tpu.memory_space<vmem>>, %arg10: memref<512x64xf32, #tpu.memory_space<vmem>>, %arg11: memref<512x32xf32, #tpu.memory_space<vmem>>, %arg12: memref<512x32xf32, #tpu.memory_space<vmem>>, %arg13: memref<!tpu.dma_semaphore, #tpu.memory_space<semaphore_mem>>, %arg14: memref<!tpu.dma_semaphore, #tpu.memory_space<semaphore_mem>>, %arg15: memref<!tpu.dma_semaphore, #tpu.memory_space<semaphore_mem>>, %arg16: memref<!tpu.dma_semaphore, #tpu.memory_space<semaphore_mem>>, %arg17: memref<!tpu.dma_semaphore, #tpu.memory_space<semaphore_mem>>) attributes {dimension_semantics = [#tpu.dimension_semantics<core_parallel>, #tpu.dimension_semantics<subcore_parallel>], iteration_bounds = array<i64: 2, 16>, scalar_prefetch = 0 : i64, scratch_operands = 11 : i64, tpu.core_type = #tpu.core_type<sc_vector_subcore>, window_params = [{transform_indices = #map}, {transform_indices = #map}, {transform_indices = #map}, {transform_indices = #map}, {transform_indices = #map}]} {
    %eq3A = arith.constant 1 : i32
    %eq3A_0 = arith.cmpi eq, %arg0, %eq3A : i32
    %mul3A = arith.constant 56 : i32
    %mul3A_1 = arith.muli %arg1, %mul3A : i32
    %mul3A_2 = arith.constant 24 : i32
    %mul3A_3 = arith.muli %arg1, %mul3A_2 : i32
    %add3A = arith.constant 896 : i32
    %add3A_4 = arith.addi %add3A, %mul3A_3 : i32
    %select_n3A = arith.select %eq3A_0, %mul3A_1, %add3A_4 : i32
    %eq3A_5 = arith.constant 1 : i32
    %eq3A_6 = arith.cmpi eq, %arg0, %eq3A_5 : i32
    %jit3A = arith.constant 7 : i32
    %jit3A_7 = arith.constant 3 : i32
    %select_n3A_8 = arith.select %eq3A_6, %jit3A, %jit3A_7 : i32
    %mul3A_9 = arith.constant 128 : i32
    %mul3A_10 = arith.muli %select_n3A, %mul3A_9 : i32
    %dma_start3A = arith.constant 0 : i32
    %dma_start3A_11 = tpu.memref_slice %arg4[%select_n3A, %dma_start3A] : memref<1312x128xi32, #tpu.memory_space<hbm>> -> memref<56x128xi32, #tpu.memory_space<hbm>>
    %dma_start3A_12 = arith.constant 0 : i32
    %dma_start3A_13 = tpu.memref_slice %arg4[%select_n3A, %dma_start3A_12] : memref<1312x128xi32, #tpu.memory_space<hbm>> -> memref<56x128xi32, #tpu.memory_space<hbm>>
    tpu.enqueue_dma source(%dma_start3A_13 : memref<56x128xi32, #tpu.memory_space<hbm>>) target(%arg7 : memref<56x128xi32, #tpu.memory_space<vmem>>) target_semaphore(%arg13 : memref<!tpu.dma_semaphore, #tpu.memory_space<semaphore_mem>>)
    %dma_start3A_14 = arith.constant 0 : i32
    %dma_start3A_15 = tpu.memref_slice %arg5[%select_n3A, %dma_start3A_14] : memref<1312x128xi32, #tpu.memory_space<hbm>> -> memref<56x128xi32, #tpu.memory_space<hbm>>
    %dma_start3A_16 = arith.constant 0 : i32
    %dma_start3A_17 = tpu.memref_slice %arg5[%select_n3A, %dma_start3A_16] : memref<1312x128xi32, #tpu.memory_space<hbm>> -> memref<56x128xi32, #tpu.memory_space<hbm>>
    tpu.enqueue_dma source(%dma_start3A_17 : memref<56x128xi32, #tpu.memory_space<hbm>>) target(%arg8 : memref<56x128xi32, #tpu.memory_space<vmem>>) target_semaphore(%arg13 : memref<!tpu.dma_semaphore, #tpu.memory_space<semaphore_mem>>)
    %dma_wait3A = arith.constant 0 : i32
    %dma_wait3A_18 = tpu.memref_slice %arg4[%select_n3A, %dma_wait3A] : memref<1312x128xi32, #tpu.memory_space<hbm>> -> memref<56x128xi32, #tpu.memory_space<hbm>>
    %dma_wait3A_19 = arith.constant 0 : i32
    %dma_wait3A_20 = tpu.memref_slice %arg4[%select_n3A, %dma_wait3A_19] : memref<1312x128xi32, #tpu.memory_space<hbm>> -> memref<56x128xi32, #tpu.memory_space<hbm>>
    tpu.wait_dma2 semaphore(%arg13 : memref<!tpu.dma_semaphore, #tpu.memory_space<semaphore_mem>>) src(%dma_wait3A_20 : memref<56x128xi32, #tpu.memory_space<hbm>>) dst(%arg7 : memref<56x128xi32, #tpu.memory_space<vmem>>)
    %dma_wait3A_21 = arith.constant 0 : i32
    %dma_wait3A_22 = tpu.memref_slice %arg5[%select_n3A, %dma_wait3A_21] : memref<1312x128xi32, #tpu.memory_space<hbm>> -> memref<56x128xi32, #tpu.memory_space<hbm>>
    %dma_wait3A_23 = arith.constant 0 : i32
    %dma_wait3A_24 = tpu.memref_slice %arg5[%select_n3A, %dma_wait3A_23] : memref<1312x128xi32, #tpu.memory_space<hbm>> -> memref<56x128xi32, #tpu.memory_space<hbm>>
    tpu.wait_dma2 semaphore(%arg13 : memref<!tpu.dma_semaphore, #tpu.memory_space<semaphore_mem>>) src(%dma_wait3A_24 : memref<56x128xi32, #tpu.memory_space<hbm>>) dst(%arg8 : memref<56x128xi32, #tpu.memory_space<vmem>>)
    %dma_start3A_25 = arith.constant 0 : i32
    %dma_start3A_26 = arith.constant 0 : i32
    %dma_start3A_27 = arith.constant 0 : i32
    %dma_start3A_28 = tpu.memref_slice %arg9[%dma_start3A_26, %dma_start3A_27] : memref<512x64xf32, #tpu.memory_space<vmem>> -> memref<128x64xf32, #tpu.memory_space<vmem>>
    %dma_start3A_29 = arith.constant 0 : i32
    %dma_start3A_30 = tpu.memref_slice %arg7[%dma_start3A_25, %dma_start3A_29] : memref<56x128xi32, #tpu.memory_space<vmem>> -> memref<1x128xi32, #tpu.memory_space<vmem>>
    %dma_start3A_31 = tpu.memref_squeeze %dma_start3A_30 : memref<1x128xi32, #tpu.memory_space<vmem>> -> memref<128xi32, #tpu.memory_space<vmem>>
    %dma_start3A_32 = arith.constant 0 : i32
    %dma_start3A_33 = arith.constant 0 : i32
    %dma_start3A_34 = tpu.memref_slice %arg2[%dma_start3A_32, %dma_start3A_33] : memref<10000x64xf32, #tpu.memory_space<hbm>> -> memref<10000x64xf32, #tpu.memory_space<hbm>>
    tpu.enqueue_indirect_dma source(%dma_start3A_34 : memref<10000x64xf32, #tpu.memory_space<hbm>>) target(%dma_start3A_28 : memref<128x64xf32, #tpu.memory_space<vmem>>) offsets(%dma_start3A_31 : memref<128xi32, #tpu.memory_space<vmem>>) semaphore(%arg14 : memref<!tpu.dma_semaphore, #tpu.memory_space<semaphore_mem>>)
    %dma_start3A_35 = arith.constant 0 : i32
    %dma_start3A_36 = arith.constant 0 : i32
    %dma_start3A_37 = arith.constant 0 : i32
    %dma_start3A_38 = tpu.memref_slice %arg11[%dma_start3A_36, %dma_start3A_37] : memref<512x32xf32, #tpu.memory_space<vmem>> -> memref<128x32xf32, #tpu.memory_space<vmem>>
    %dma_start3A_39 = arith.constant 0 : i32
    %dma_start3A_40 = tpu.memref_slice %arg8[%dma_start3A_35, %dma_start3A_39] : memref<56x128xi32, #tpu.memory_space<vmem>> -> memref<1x128xi32, #tpu.memory_space<vmem>>
    %dma_start3A_41 = tpu.memref_squeeze %dma_start3A_40 : memref<1x128xi32, #tpu.memory_space<vmem>> -> memref<128xi32, #tpu.memory_space<vmem>>
    %dma_start3A_42 = arith.constant 0 : i32
    %dma_start3A_43 = arith.constant 0 : i32
    %dma_start3A_44 = tpu.memref_slice %arg3[%dma_start3A_42, %dma_start3A_43] : memref<10000x32xf32, #tpu.memory_space<hbm>> -> memref<10000x32xf32, #tpu.memory_space<hbm>>
    tpu.enqueue_indirect_dma source(%dma_start3A_44 : memref<10000x32xf32, #tpu.memory_space<hbm>>) target(%dma_start3A_38 : memref<128x32xf32, #tpu.memory_space<vmem>>) offsets(%dma_start3A_41 : memref<128xi32, #tpu.memory_space<vmem>>) semaphore(%arg14 : memref<!tpu.dma_semaphore, #tpu.memory_space<semaphore_mem>>)
    %dma_start3A_45 = arith.constant 1 : i32
    %dma_start3A_46 = arith.constant 128 : i32
    %dma_start3A_47 = arith.constant 0 : i32
    %dma_start3A_48 = tpu.memref_slice %arg9[%dma_start3A_46, %dma_start3A_47] : memref<512x64xf32, #tpu.memory_space<vmem>> -> memref<128x64xf32, #tpu.memory_space<vmem>>
    %dma_start3A_49 = arith.constant 0 : i32
    %dma_start3A_50 = tpu.memref_slice %arg7[%dma_start3A_45, %dma_start3A_49] : memref<56x128xi32, #tpu.memory_space<vmem>> -> memref<1x128xi32, #tpu.memory_space<vmem>>
    %dma_start3A_51 = tpu.memref_squeeze %dma_start3A_50 : memref<1x128xi32, #tpu.memory_space<vmem>> -> memref<128xi32, #tpu.memory_space<vmem>>
    %dma_start3A_52 = arith.constant 0 : i32
    %dma_start3A_53 = arith.constant 0 : i32
    %dma_start3A_54 = tpu.memref_slice %arg2[%dma_start3A_52, %dma_start3A_53] : memref<10000x64xf32, #tpu.memory_space<hbm>> -> memref<10000x64xf32, #tpu.memory_space<hbm>>
    tpu.enqueue_indirect_dma source(%dma_start3A_54 : memref<10000x64xf32, #tpu.memory_space<hbm>>) target(%dma_start3A_48 : memref<128x64xf32, #tpu.memory_space<vmem>>) offsets(%dma_start3A_51 : memref<128xi32, #tpu.memory_space<vmem>>) semaphore(%arg14 : memref<!tpu.dma_semaphore, #tpu.memory_space<semaphore_mem>>)
    %dma_start3A_55 = arith.constant 1 : i32
    %dma_start3A_56 = arith.constant 128 : i32
    %dma_start3A_57 = arith.constant 0 : i32
    %dma_start3A_58 = tpu.memref_slice %arg11[%dma_start3A_56, %dma_start3A_57] : memref<512x32xf32, #tpu.memory_space<vmem>> -> memref<128x32xf32, #tpu.memory_space<vmem>>
    %dma_start3A_59 = arith.constant 0 : i32
    %dma_start3A_60 = tpu.memref_slice %arg8[%dma_start3A_55, %dma_start3A_59] : memref<56x128xi32, #tpu.memory_space<vmem>> -> memref<1x128xi32, #tpu.memory_space<vmem>>
    %dma_start3A_61 = tpu.memref_squeeze %dma_start3A_60 : memref<1x128xi32, #tpu.memory_space<vmem>> -> memref<128xi32, #tpu.memory_space<vmem>>
    %dma_start3A_62 = arith.constant 0 : i32
    %dma_start3A_63 = arith.constant 0 : i32
    %dma_start3A_64 = tpu.memref_slice %arg3[%dma_start3A_62, %dma_start3A_63] : memref<10000x32xf32, #tpu.memory_space<hbm>> -> memref<10000x32xf32, #tpu.memory_space<hbm>>
    tpu.enqueue_indirect_dma source(%dma_start3A_64 : memref<10000x32xf32, #tpu.memory_space<hbm>>) target(%dma_start3A_58 : memref<128x32xf32, #tpu.memory_space<vmem>>) offsets(%dma_start3A_61 : memref<128xi32, #tpu.memory_space<vmem>>) semaphore(%arg14 : memref<!tpu.dma_semaphore, #tpu.memory_space<semaphore_mem>>)
    %dma_start3A_65 = arith.constant 2 : i32
    %dma_start3A_66 = arith.constant 256 : i32
    %dma_start3A_67 = arith.constant 0 : i32
    %dma_start3A_68 = tpu.memref_slice %arg9[%dma_start3A_66, %dma_start3A_67] : memref<512x64xf32, #tpu.memory_space<vmem>> -> memref<128x64xf32, #tpu.memory_space<vmem>>
    %dma_start3A_69 = arith.constant 0 : i32
    %dma_start3A_70 = tpu.memref_slice %arg7[%dma_start3A_65, %dma_start3A_69] : memref<56x128xi32, #tpu.memory_space<vmem>> -> memref<1x128xi32, #tpu.memory_space<vmem>>
    %dma_start3A_71 = tpu.memref_squeeze %dma_start3A_70 : memref<1x128xi32, #tpu.memory_space<vmem>> -> memref<128xi32, #tpu.memory_space<vmem>>
    %dma_start3A_72 = arith.constant 0 : i32
    %dma_start3A_73 = arith.constant 0 : i32
    %dma_start3A_74 = tpu.memref_slice %arg2[%dma_start3A_72, %dma_start3A_73] : memref<10000x64xf32, #tpu.memory_space<hbm>> -> memref<10000x64xf32, #tpu.memory_space<hbm>>
    tpu.enqueue_indirect_dma source(%dma_start3A_74 : memref<10000x64xf32, #tpu.memory_space<hbm>>) target(%dma_start3A_68 : memref<128x64xf32, #tpu.memory_space<vmem>>) offsets(%dma_start3A_71 : memref<128xi32, #tpu.memory_space<vmem>>) semaphore(%arg14 : memref<!tpu.dma_semaphore, #tpu.memory_space<semaphore_mem>>)
    %dma_start3A_75 = arith.constant 2 : i32
    %dma_start3A_76 = arith.constant 256 : i32
    %dma_start3A_77 = arith.constant 0 : i32
    %dma_start3A_78 = tpu.memref_slice %arg11[%dma_start3A_76, %dma_start3A_77] : memref<512x32xf32, #tpu.memory_space<vmem>> -> memref<128x32xf32, #tpu.memory_space<vmem>>
    %dma_start3A_79 = arith.constant 0 : i32
    %dma_start3A_80 = tpu.memref_slice %arg8[%dma_start3A_75, %dma_start3A_79] : memref<56x128xi32, #tpu.memory_space<vmem>> -> memref<1x128xi32, #tpu.memory_space<vmem>>
    %dma_start3A_81 = tpu.memref_squeeze %dma_start3A_80 : memref<1x128xi32, #tpu.memory_space<vmem>> -> memref<128xi32, #tpu.memory_space<vmem>>
    %dma_start3A_82 = arith.constant 0 : i32
    %dma_start3A_83 = arith.constant 0 : i32
    %dma_start3A_84 = tpu.memref_slice %arg3[%dma_start3A_82, %dma_start3A_83] : memref<10000x32xf32, #tpu.memory_space<hbm>> -> memref<10000x32xf32, #tpu.memory_space<hbm>>
    tpu.enqueue_indirect_dma source(%dma_start3A_84 : memref<10000x32xf32, #tpu.memory_space<hbm>>) target(%dma_start3A_78 : memref<128x32xf32, #tpu.memory_space<vmem>>) offsets(%dma_start3A_81 : memref<128xi32, #tpu.memory_space<vmem>>) semaphore(%arg14 : memref<!tpu.dma_semaphore, #tpu.memory_space<semaphore_mem>>)
    %dma_start3A_85 = arith.constant 3 : i32
    %dma_start3A_86 = arith.constant 384 : i32
    %dma_start3A_87 = arith.constant 0 : i32
    %dma_start3A_88 = tpu.memref_slice %arg9[%dma_start3A_86, %dma_start3A_87] : memref<512x64xf32, #tpu.memory_space<vmem>> -> memref<128x64xf32, #tpu.memory_space<vmem>>
    %dma_start3A_89 = arith.constant 0 : i32
    %dma_start3A_90 = tpu.memref_slice %arg7[%dma_start3A_85, %dma_start3A_89] : memref<56x128xi32, #tpu.memory_space<vmem>> -> memref<1x128xi32, #tpu.memory_space<vmem>>
    %dma_start3A_91 = tpu.memref_squeeze %dma_start3A_90 : memref<1x128xi32, #tpu.memory_space<vmem>> -> memref<128xi32, #tpu.memory_space<vmem>>
    %dma_start3A_92 = arith.constant 0 : i32
    %dma_start3A_93 = arith.constant 0 : i32
    %dma_start3A_94 = tpu.memref_slice %arg2[%dma_start3A_92, %dma_start3A_93] : memref<10000x64xf32, #tpu.memory_space<hbm>> -> memref<10000x64xf32, #tpu.memory_space<hbm>>
    tpu.enqueue_indirect_dma source(%dma_start3A_94 : memref<10000x64xf32, #tpu.memory_space<hbm>>) target(%dma_start3A_88 : memref<128x64xf32, #tpu.memory_space<vmem>>) offsets(%dma_start3A_91 : memref<128xi32, #tpu.memory_space<vmem>>) semaphore(%arg14 : memref<!tpu.dma_semaphore, #tpu.memory_space<semaphore_mem>>)
    %dma_start3A_95 = arith.constant 3 : i32
    %dma_start3A_96 = arith.constant 384 : i32
    %dma_start3A_97 = arith.constant 0 : i32
    %dma_start3A_98 = tpu.memref_slice %arg11[%dma_start3A_96, %dma_start3A_97] : memref<512x32xf32, #tpu.memory_space<vmem>> -> memref<128x32xf32, #tpu.memory_space<vmem>>
    %dma_start3A_99 = arith.constant 0 : i32
    %dma_start3A_100 = tpu.memref_slice %arg8[%dma_start3A_95, %dma_start3A_99] : memref<56x128xi32, #tpu.memory_space<vmem>> -> memref<1x128xi32, #tpu.memory_space<vmem>>
    %dma_start3A_101 = tpu.memref_squeeze %dma_start3A_100 : memref<1x128xi32, #tpu.memory_space<vmem>> -> memref<128xi32, #tpu.memory_space<vmem>>
    %dma_start3A_102 = arith.constant 0 : i32
    %dma_start3A_103 = arith.constant 0 : i32
    %dma_start3A_104 = tpu.memref_slice %arg3[%dma_start3A_102, %dma_start3A_103] : memref<10000x32xf32, #tpu.memory_space<hbm>> -> memref<10000x32xf32, #tpu.memory_space<hbm>>
    tpu.enqueue_indirect_dma source(%dma_start3A_104 : memref<10000x32xf32, #tpu.memory_space<hbm>>) target(%dma_start3A_98 : memref<128x32xf32, #tpu.memory_space<vmem>>) offsets(%dma_start3A_101 : memref<128xi32, #tpu.memory_space<vmem>>) semaphore(%arg14 : memref<!tpu.dma_semaphore, #tpu.memory_space<semaphore_mem>>)
    %while3A = arith.constant 0 : i32
    %while3A_105 = arith.constant 0 : i32
    %while3A_106 = arith.subi %select_n3A_8, %while3A_105 : i32
    %while3A_107 = arith.addi %while3A_105, %while3A_106 : i32
    %while3A_108 = arith.constant 1 : i32
    %while3A_109 = arith.divsi %while3A_106, %while3A_108 : i32
    %while3A_110 = arith.muli %while3A_109, %while3A_108 : i32
    %while3A_111 = arith.addi %while3A_105, %while3A_110 : i32
    %while3A_112 = arith.constant 1 : i32
    scf.for %while3A_134 = %while3A_105 to %while3A_111 step %while3A_112  : i32 {
      %mul3A_135 = arith.constant 2 : i32
      %mul3A_136 = arith.muli %mul3A_135, %while3A_134 : i32
      %mul3A_137 = arith.constant 2 : i32
      %mul3A_138 = arith.muli %mul3A_137, %while3A_134 : i32
      %add3A_139 = arith.constant 1 : i32
      %add3A_140 = arith.addi %mul3A_138, %add3A_139 : i32
      %gt3A = arith.constant 0 : i32
      %gt3A_141 = arith.cmpi sgt, %while3A_134, %gt3A : i32
      %convert_element_type3A = arith.extui %gt3A_141 : i1 to i32
      %cond3A = arith.constant 0 : i32
      %cond3A_142 = arith.cmpi ne, %convert_element_type3A, %cond3A : i32
      scf.if %cond3A_142 {
        %mul3A_443 = arith.constant 4 : i32
        %mul3A_444 = arith.muli %add3A_140, %mul3A_443 : i32
        %mul3A_445 = arith.constant 128 : i32
        %mul3A_446 = arith.muli %mul3A_444, %mul3A_445 : i32
        %add3A_447 = arith.addi %mul3A_10, %mul3A_446 : i32
        %dma_wait3A_448 = arith.constant 0 : i32
        %dma_wait3A_449 = tpu.memref_slice %arg6[%add3A_447, %dma_wait3A_448] : memref<163840x128xf32, #tpu.memory_space<hbm>> -> memref<512x64xf32, #tpu.memory_space<hbm>>
        %dma_wait3A_450 = arith.constant 0 : i32
        %dma_wait3A_451 = tpu.memref_slice %arg6[%add3A_447, %dma_wait3A_450] : memref<163840x128xf32, #tpu.memory_space<hbm>> -> memref<512x64xf32, #tpu.memory_space<hbm>>
        tpu.wait_dma2 semaphore(%arg17 : memref<!tpu.dma_semaphore, #tpu.memory_space<semaphore_mem>>) src(%arg10 : memref<512x64xf32, #tpu.memory_space<vmem>>) dst(%dma_wait3A_451 : memref<512x64xf32, #tpu.memory_space<hbm>>)
        %dma_wait3A_452 = arith.constant 64 : i32
        %dma_wait3A_453 = tpu.memref_slice %arg6[%add3A_447, %dma_wait3A_452] : memref<163840x128xf32, #tpu.memory_space<hbm>> -> memref<512x32xf32, #tpu.memory_space<hbm>>
        %dma_wait3A_454 = arith.constant 64 : i32
        %dma_wait3A_455 = tpu.memref_slice %arg6[%add3A_447, %dma_wait3A_454] : memref<163840x128xf32, #tpu.memory_space<hbm>> -> memref<512x32xf32, #tpu.memory_space<hbm>>
        tpu.wait_dma2 semaphore(%arg17 : memref<!tpu.dma_semaphore, #tpu.memory_space<semaphore_mem>>) src(%arg12 : memref<512x32xf32, #tpu.memory_space<vmem>>) dst(%dma_wait3A_455 : memref<512x32xf32, #tpu.memory_space<hbm>>)
      } else {
      }
      %mul3A_143 = arith.constant 4 : i32
      %mul3A_144 = arith.muli %add3A_140, %mul3A_143 : i32
      %add3A_145 = arith.constant 0 : i32
      %add3A_146 = arith.addi %mul3A_144, %add3A_145 : i32
      %add3A_147 = arith.constant 0 : i32
      %add3A_148 = arith.addi %mul3A_144, %add3A_147 : i32
      %add3A_149 = arith.constant 1 : i32
      %add3A_150 = arith.addi %mul3A_144, %add3A_149 : i32
      %add3A_151 = arith.constant 1 : i32
      %add3A_152 = arith.addi %mul3A_144, %add3A_151 : i32
      %add3A_153 = arith.constant 2 : i32
      %add3A_154 = arith.addi %mul3A_144, %add3A_153 : i32
      %add3A_155 = arith.constant 2 : i32
      %add3A_156 = arith.addi %mul3A_144, %add3A_155 : i32
      %add3A_157 = arith.constant 3 : i32
      %add3A_158 = arith.addi %mul3A_144, %add3A_157 : i32
      %add3A_159 = arith.constant 3 : i32
      %add3A_160 = arith.addi %mul3A_144, %add3A_159 : i32
      %dma_start3A_161 = arith.constant 0 : i32
      %dma_start3A_162 = arith.constant 0 : i32
      %dma_start3A_163 = tpu.memref_slice %arg10[%dma_start3A_161, %dma_start3A_162] : memref<512x64xf32, #tpu.memory_space<vmem>> -> memref<128x64xf32, #tpu.memory_space<vmem>>
      %dma_start3A_164 = arith.constant 0 : i32
      %dma_start3A_165 = tpu.memref_slice %arg7[%add3A_146, %dma_start3A_164] : memref<56x128xi32, #tpu.memory_space<vmem>> -> memref<1x128xi32, #tpu.memory_space<vmem>>
      %dma_start3A_166 = tpu.memref_squeeze %dma_start3A_165 : memref<1x128xi32, #tpu.memory_space<vmem>> -> memref<128xi32, #tpu.memory_space<vmem>>
      %dma_start3A_167 = arith.constant 0 : i32
      %dma_start3A_168 = arith.constant 0 : i32
      %dma_start3A_169 = tpu.memref_slice %arg2[%dma_start3A_167, %dma_start3A_168] : memref<10000x64xf32, #tpu.memory_space<hbm>> -> memref<10000x64xf32, #tpu.memory_space<hbm>>
      tpu.enqueue_indirect_dma source(%dma_start3A_169 : memref<10000x64xf32, #tpu.memory_space<hbm>>) target(%dma_start3A_163 : memref<128x64xf32, #tpu.memory_space<vmem>>) offsets(%dma_start3A_166 : memref<128xi32, #tpu.memory_space<vmem>>) semaphore(%arg15 : memref<!tpu.dma_semaphore, #tpu.memory_space<semaphore_mem>>)
      %dma_start3A_170 = arith.constant 0 : i32
      %dma_start3A_171 = arith.constant 0 : i32
      %dma_start3A_172 = tpu.memref_slice %arg12[%dma_start3A_170, %dma_start3A_171] : memref<512x32xf32, #tpu.memory_space<vmem>> -> memref<128x32xf32, #tpu.memory_space<vmem>>
      %dma_start3A_173 = arith.constant 0 : i32
      %dma_start3A_174 = tpu.memref_slice %arg8[%add3A_148, %dma_start3A_173] : memref<56x128xi32, #tpu.memory_space<vmem>> -> memref<1x128xi32, #tpu.memory_space<vmem>>
      %dma_start3A_175 = tpu.memref_squeeze %dma_start3A_174 : memref<1x128xi32, #tpu.memory_space<vmem>> -> memref<128xi32, #tpu.memory_space<vmem>>
      %dma_start3A_176 = arith.constant 0 : i32
      %dma_start3A_177 = arith.constant 0 : i32
      %dma_start3A_178 = tpu.memref_slice %arg3[%dma_start3A_176, %dma_start3A_177] : memref<10000x32xf32, #tpu.memory_space<hbm>> -> memref<10000x32xf32, #tpu.memory_space<hbm>>
      tpu.enqueue_indirect_dma source(%dma_start3A_178 : memref<10000x32xf32, #tpu.memory_space<hbm>>) target(%dma_start3A_172 : memref<128x32xf32, #tpu.memory_space<vmem>>) offsets(%dma_start3A_175 : memref<128xi32, #tpu.memory_space<vmem>>) semaphore(%arg15 : memref<!tpu.dma_semaphore, #tpu.memory_space<semaphore_mem>>)
      %dma_start3A_179 = arith.constant 128 : i32
      %dma_start3A_180 = arith.constant 0 : i32
      %dma_start3A_181 = tpu.memref_slice %arg10[%dma_start3A_179, %dma_start3A_180] : memref<512x64xf32, #tpu.memory_space<vmem>> -> memref<128x64xf32, #tpu.memory_space<vmem>>
      %dma_start3A_182 = arith.constant 0 : i32
      %dma_start3A_183 = tpu.memref_slice %arg7[%add3A_150, %dma_start3A_182] : memref<56x128xi32, #tpu.memory_space<vmem>> -> memref<1x128xi32, #tpu.memory_space<vmem>>
      %dma_start3A_184 = tpu.memref_squeeze %dma_start3A_183 : memref<1x128xi32, #tpu.memory_space<vmem>> -> memref<128xi32, #tpu.memory_space<vmem>>
      %dma_start3A_185 = arith.constant 0 : i32
      %dma_start3A_186 = arith.constant 0 : i32
      %dma_start3A_187 = tpu.memref_slice %arg2[%dma_start3A_185, %dma_start3A_186] : memref<10000x64xf32, #tpu.memory_space<hbm>> -> memref<10000x64xf32, #tpu.memory_space<hbm>>
      tpu.enqueue_indirect_dma source(%dma_start3A_187 : memref<10000x64xf32, #tpu.memory_space<hbm>>) target(%dma_start3A_181 : memref<128x64xf32, #tpu.memory_space<vmem>>) offsets(%dma_start3A_184 : memref<128xi32, #tpu.memory_space<vmem>>) semaphore(%arg15 : memref<!tpu.dma_semaphore, #tpu.memory_space<semaphore_mem>>)
      %dma_start3A_188 = arith.constant 128 : i32
      %dma_start3A_189 = arith.constant 0 : i32
      %dma_start3A_190 = tpu.memref_slice %arg12[%dma_start3A_188, %dma_start3A_189] : memref<512x32xf32, #tpu.memory_space<vmem>> -> memref<128x32xf32, #tpu.memory_space<vmem>>
      %dma_start3A_191 = arith.constant 0 : i32
      %dma_start3A_192 = tpu.memref_slice %arg8[%add3A_152, %dma_start3A_191] : memref<56x128xi32, #tpu.memory_space<vmem>> -> memref<1x128xi32, #tpu.memory_space<vmem>>
      %dma_start3A_193 = tpu.memref_squeeze %dma_start3A_192 : memref<1x128xi32, #tpu.memory_space<vmem>> -> memref<128xi32, #tpu.memory_space<vmem>>
      %dma_start3A_194 = arith.constant 0 : i32
      %dma_start3A_195 = arith.constant 0 : i32
      %dma_start3A_196 = tpu.memref_slice %arg3[%dma_start3A_194, %dma_start3A_195] : memref<10000x32xf32, #tpu.memory_space<hbm>> -> memref<10000x32xf32, #tpu.memory_space<hbm>>
      tpu.enqueue_indirect_dma source(%dma_start3A_196 : memref<10000x32xf32, #tpu.memory_space<hbm>>) target(%dma_start3A_190 : memref<128x32xf32, #tpu.memory_space<vmem>>) offsets(%dma_start3A_193 : memref<128xi32, #tpu.memory_space<vmem>>) semaphore(%arg15 : memref<!tpu.dma_semaphore, #tpu.memory_space<semaphore_mem>>)
      %dma_start3A_197 = arith.constant 256 : i32
      %dma_start3A_198 = arith.constant 0 : i32
      %dma_start3A_199 = tpu.memref_slice %arg10[%dma_start3A_197, %dma_start3A_198] : memref<512x64xf32, #tpu.memory_space<vmem>> -> memref<128x64xf32, #tpu.memory_space<vmem>>
      %dma_start3A_200 = arith.constant 0 : i32
      %dma_start3A_201 = tpu.memref_slice %arg7[%add3A_154, %dma_start3A_200] : memref<56x128xi32, #tpu.memory_space<vmem>> -> memref<1x128xi32, #tpu.memory_space<vmem>>
      %dma_start3A_202 = tpu.memref_squeeze %dma_start3A_201 : memref<1x128xi32, #tpu.memory_space<vmem>> -> memref<128xi32, #tpu.memory_space<vmem>>
      %dma_start3A_203 = arith.constant 0 : i32
      %dma_start3A_204 = arith.constant 0 : i32
      %dma_start3A_205 = tpu.memref_slice %arg2[%dma_start3A_203, %dma_start3A_204] : memref<10000x64xf32, #tpu.memory_space<hbm>> -> memref<10000x64xf32, #tpu.memory_space<hbm>>
      tpu.enqueue_indirect_dma source(%dma_start3A_205 : memref<10000x64xf32, #tpu.memory_space<hbm>>) target(%dma_start3A_199 : memref<128x64xf32, #tpu.memory_space<vmem>>) offsets(%dma_start3A_202 : memref<128xi32, #tpu.memory_space<vmem>>) semaphore(%arg15 : memref<!tpu.dma_semaphore, #tpu.memory_space<semaphore_mem>>)
      %dma_start3A_206 = arith.constant 256 : i32
      %dma_start3A_207 = arith.constant 0 : i32
      %dma_start3A_208 = tpu.memref_slice %arg12[%dma_start3A_206, %dma_start3A_207] : memref<512x32xf32, #tpu.memory_space<vmem>> -> memref<128x32xf32, #tpu.memory_space<vmem>>
      %dma_start3A_209 = arith.constant 0 : i32
      %dma_start3A_210 = tpu.memref_slice %arg8[%add3A_156, %dma_start3A_209] : memref<56x128xi32, #tpu.memory_space<vmem>> -> memref<1x128xi32, #tpu.memory_space<vmem>>
      %dma_start3A_211 = tpu.memref_squeeze %dma_start3A_210 : memref<1x128xi32, #tpu.memory_space<vmem>> -> memref<128xi32, #tpu.memory_space<vmem>>
      %dma_start3A_212 = arith.constant 0 : i32
      %dma_start3A_213 = arith.constant 0 : i32
      %dma_start3A_214 = tpu.memref_slice %arg3[%dma_start3A_212, %dma_start3A_213] : memref<10000x32xf32, #tpu.memory_space<hbm>> -> memref<10000x32xf32, #tpu.memory_space<hbm>>
      tpu.enqueue_indirect_dma source(%dma_start3A_214 : memref<10000x32xf32, #tpu.memory_space<hbm>>) target(%dma_start3A_208 : memref<128x32xf32, #tpu.memory_space<vmem>>) offsets(%dma_start3A_211 : memref<128xi32, #tpu.memory_space<vmem>>) semaphore(%arg15 : memref<!tpu.dma_semaphore, #tpu.memory_space<semaphore_mem>>)
      %dma_start3A_215 = arith.constant 384 : i32
      %dma_start3A_216 = arith.constant 0 : i32
      %dma_start3A_217 = tpu.memref_slice %arg10[%dma_start3A_215, %dma_start3A_216] : memref<512x64xf32, #tpu.memory_space<vmem>> -> memref<128x64xf32, #tpu.memory_space<vmem>>
      %dma_start3A_218 = arith.constant 0 : i32
      %dma_start3A_219 = tpu.memref_slice %arg7[%add3A_158, %dma_start3A_218] : memref<56x128xi32, #tpu.memory_space<vmem>> -> memref<1x128xi32, #tpu.memory_space<vmem>>
      %dma_start3A_220 = tpu.memref_squeeze %dma_start3A_219 : memref<1x128xi32, #tpu.memory_space<vmem>> -> memref<128xi32, #tpu.memory_space<vmem>>
      %dma_start3A_221 = arith.constant 0 : i32
      %dma_start3A_222 = arith.constant 0 : i32
      %dma_start3A_223 = tpu.memref_slice %arg2[%dma_start3A_221, %dma_start3A_222] : memref<10000x64xf32, #tpu.memory_space<hbm>> -> memref<10000x64xf32, #tpu.memory_space<hbm>>
      tpu.enqueue_indirect_dma source(%dma_start3A_223 : memref<10000x64xf32, #tpu.memory_space<hbm>>) target(%dma_start3A_217 : memref<128x64xf32, #tpu.memory_space<vmem>>) offsets(%dma_start3A_220 : memref<128xi32, #tpu.memory_space<vmem>>) semaphore(%arg15 : memref<!tpu.dma_semaphore, #tpu.memory_space<semaphore_mem>>)
      %dma_start3A_224 = arith.constant 384 : i32
      %dma_start3A_225 = arith.constant 0 : i32
      %dma_start3A_226 = tpu.memref_slice %arg12[%dma_start3A_224, %dma_start3A_225] : memref<512x32xf32, #tpu.memory_space<vmem>> -> memref<128x32xf32, #tpu.memory_space<vmem>>
      %dma_start3A_227 = arith.constant 0 : i32
      %dma_start3A_228 = tpu.memref_slice %arg8[%add3A_160, %dma_start3A_227] : memref<56x128xi32, #tpu.memory_space<vmem>> -> memref<1x128xi32, #tpu.memory_space<vmem>>
      %dma_start3A_229 = tpu.memref_squeeze %dma_start3A_228 : memref<1x128xi32, #tpu.memory_space<vmem>> -> memref<128xi32, #tpu.memory_space<vmem>>
      %dma_start3A_230 = arith.constant 0 : i32
      %dma_start3A_231 = arith.constant 0 : i32
      %dma_start3A_232 = tpu.memref_slice %arg3[%dma_start3A_230, %dma_start3A_231] : memref<10000x32xf32, #tpu.memory_space<hbm>> -> memref<10000x32xf32, #tpu.memory_space<hbm>>
      tpu.enqueue_indirect_dma source(%dma_start3A_232 : memref<10000x32xf32, #tpu.memory_space<hbm>>) target(%dma_start3A_226 : memref<128x32xf32, #tpu.memory_space<vmem>>) offsets(%dma_start3A_229 : memref<128xi32, #tpu.memory_space<vmem>>) semaphore(%arg15 : memref<!tpu.dma_semaphore, #tpu.memory_space<semaphore_mem>>)
      %mul3A_233 = arith.constant 4 : i32
      %mul3A_234 = arith.muli %mul3A_136, %mul3A_233 : i32
      %add3A_235 = arith.constant 0 : i32
      %add3A_236 = arith.addi %mul3A_234, %add3A_235 : i32
      %add3A_237 = arith.constant 0 : i32
      %add3A_238 = arith.addi %mul3A_234, %add3A_237 : i32
      %add3A_239 = arith.constant 1 : i32
      %add3A_240 = arith.addi %mul3A_234, %add3A_239 : i32
      %add3A_241 = arith.constant 1 : i32
      %add3A_242 = arith.addi %mul3A_234, %add3A_241 : i32
      %add3A_243 = arith.constant 2 : i32
      %add3A_244 = arith.addi %mul3A_234, %add3A_243 : i32
      %add3A_245 = arith.constant 2 : i32
      %add3A_246 = arith.addi %mul3A_234, %add3A_245 : i32
      %add3A_247 = arith.constant 3 : i32
      %add3A_248 = arith.addi %mul3A_234, %add3A_247 : i32
      %add3A_249 = arith.constant 3 : i32
      %add3A_250 = arith.addi %mul3A_234, %add3A_249 : i32
      %dma_wait3A_251 = arith.constant 0 : i32
      %dma_wait3A_252 = arith.constant 0 : i32
      %dma_wait3A_253 = tpu.memref_slice %arg9[%dma_wait3A_251, %dma_wait3A_252] : memref<512x64xf32, #tpu.memory_space<vmem>> -> memref<128x64xf32, #tpu.memory_space<vmem>>
      %dma_wait3A_254 = arith.constant 0 : i32
      %dma_wait3A_255 = tpu.memref_slice %arg7[%add3A_236, %dma_wait3A_254] : memref<56x128xi32, #tpu.memory_space<vmem>> -> memref<1x128xi32, #tpu.memory_space<vmem>>
      %dma_wait3A_256 = tpu.memref_squeeze %dma_wait3A_255 : memref<1x128xi32, #tpu.memory_space<vmem>> -> memref<128xi32, #tpu.memory_space<vmem>>
      %dma_wait3A_257 = arith.constant 0 : i32
      %dma_wait3A_258 = arith.constant 0 : i32
      %dma_wait3A_259 = tpu.memref_slice %arg2[%dma_wait3A_257, %dma_wait3A_258] : memref<10000x64xf32, #tpu.memory_space<hbm>> -> memref<10000x64xf32, #tpu.memory_space<hbm>>
      tpu.wait_indirect_dma semaphore(%arg14 : memref<!tpu.dma_semaphore, #tpu.memory_space<semaphore_mem>>) src(%dma_wait3A_259 : memref<10000x64xf32, #tpu.memory_space<hbm>>) dst(%dma_wait3A_253 : memref<128x64xf32, #tpu.memory_space<vmem>>)
      %dma_wait3A_260 = arith.constant 0 : i32
      %dma_wait3A_261 = arith.constant 0 : i32
      %dma_wait3A_262 = tpu.memref_slice %arg11[%dma_wait3A_260, %dma_wait3A_261] : memref<512x32xf32, #tpu.memory_space<vmem>> -> memref<128x32xf32, #tpu.memory_space<vmem>>
      %dma_wait3A_263 = arith.constant 0 : i32
      %dma_wait3A_264 = tpu.memref_slice %arg8[%add3A_238, %dma_wait3A_263] : memref<56x128xi32, #tpu.memory_space<vmem>> -> memref<1x128xi32, #tpu.memory_space<vmem>>
      %dma_wait3A_265 = tpu.memref_squeeze %dma_wait3A_264 : memref<1x128xi32, #tpu.memory_space<vmem>> -> memref<128xi32, #tpu.memory_space<vmem>>
      %dma_wait3A_266 = arith.constant 0 : i32
      %dma_wait3A_267 = arith.constant 0 : i32
      %dma_wait3A_268 = tpu.memref_slice %arg3[%dma_wait3A_266, %dma_wait3A_267] : memref<10000x32xf32, #tpu.memory_space<hbm>> -> memref<10000x32xf32, #tpu.memory_space<hbm>>
      tpu.wait_indirect_dma semaphore(%arg14 : memref<!tpu.dma_semaphore, #tpu.memory_space<semaphore_mem>>) src(%dma_wait3A_268 : memref<10000x32xf32, #tpu.memory_space<hbm>>) dst(%dma_wait3A_262 : memref<128x32xf32, #tpu.memory_space<vmem>>)
      %dma_wait3A_269 = arith.constant 128 : i32
      %dma_wait3A_270 = arith.constant 0 : i32
      %dma_wait3A_271 = tpu.memref_slice %arg9[%dma_wait3A_269, %dma_wait3A_270] : memref<512x64xf32, #tpu.memory_space<vmem>> -> memref<128x64xf32, #tpu.memory_space<vmem>>
      %dma_wait3A_272 = arith.constant 0 : i32
      %dma_wait3A_273 = tpu.memref_slice %arg7[%add3A_240, %dma_wait3A_272] : memref<56x128xi32, #tpu.memory_space<vmem>> -> memref<1x128xi32, #tpu.memory_space<vmem>>
      %dma_wait3A_274 = tpu.memref_squeeze %dma_wait3A_273 : memref<1x128xi32, #tpu.memory_space<vmem>> -> memref<128xi32, #tpu.memory_space<vmem>>
      %dma_wait3A_275 = arith.constant 0 : i32
      %dma_wait3A_276 = arith.constant 0 : i32
      %dma_wait3A_277 = tpu.memref_slice %arg2[%dma_wait3A_275, %dma_wait3A_276] : memref<10000x64xf32, #tpu.memory_space<hbm>> -> memref<10000x64xf32, #tpu.memory_space<hbm>>
      tpu.wait_indirect_dma semaphore(%arg14 : memref<!tpu.dma_semaphore, #tpu.memory_space<semaphore_mem>>) src(%dma_wait3A_277 : memref<10000x64xf32, #tpu.memory_space<hbm>>) dst(%dma_wait3A_271 : memref<128x64xf32, #tpu.memory_space<vmem>>)
      %dma_wait3A_278 = arith.constant 128 : i32
      %dma_wait3A_279 = arith.constant 0 : i32
      %dma_wait3A_280 = tpu.memref_slice %arg11[%dma_wait3A_278, %dma_wait3A_279] : memref<512x32xf32, #tpu.memory_space<vmem>> -> memref<128x32xf32, #tpu.memory_space<vmem>>
      %dma_wait3A_281 = arith.constant 0 : i32
      %dma_wait3A_282 = tpu.memref_slice %arg8[%add3A_242, %dma_wait3A_281] : memref<56x128xi32, #tpu.memory_space<vmem>> -> memref<1x128xi32, #tpu.memory_space<vmem>>
      %dma_wait3A_283 = tpu.memref_squeeze %dma_wait3A_282 : memref<1x128xi32, #tpu.memory_space<vmem>> -> memref<128xi32, #tpu.memory_space<vmem>>
      %dma_wait3A_284 = arith.constant 0 : i32
      %dma_wait3A_285 = arith.constant 0 : i32
      %dma_wait3A_286 = tpu.memref_slice %arg3[%dma_wait3A_284, %dma_wait3A_285] : memref<10000x32xf32, #tpu.memory_space<hbm>> -> memref<10000x32xf32, #tpu.memory_space<hbm>>
      tpu.wait_indirect_dma semaphore(%arg14 : memref<!tpu.dma_semaphore, #tpu.memory_space<semaphore_mem>>) src(%dma_wait3A_286 : memref<10000x32xf32, #tpu.memory_space<hbm>>) dst(%dma_wait3A_280 : memref<128x32xf32, #tpu.memory_space<vmem>>)
      %dma_wait3A_287 = arith.constant 256 : i32
      %dma_wait3A_288 = arith.constant 0 : i32
      %dma_wait3A_289 = tpu.memref_slice %arg9[%dma_wait3A_287, %dma_wait3A_288] : memref<512x64xf32, #tpu.memory_space<vmem>> -> memref<128x64xf32, #tpu.memory_space<vmem>>
      %dma_wait3A_290 = arith.constant 0 : i32
      %dma_wait3A_291 = tpu.memref_slice %arg7[%add3A_244, %dma_wait3A_290] : memref<56x128xi32, #tpu.memory_space<vmem>> -> memref<1x128xi32, #tpu.memory_space<vmem>>
      %dma_wait3A_292 = tpu.memref_squeeze %dma_wait3A_291 : memref<1x128xi32, #tpu.memory_space<vmem>> -> memref<128xi32, #tpu.memory_space<vmem>>
      %dma_wait3A_293 = arith.constant 0 : i32
      %dma_wait3A_294 = arith.constant 0 : i32
      %dma_wait3A_295 = tpu.memref_slice %arg2[%dma_wait3A_293, %dma_wait3A_294] : memref<10000x64xf32, #tpu.memory_space<hbm>> -> memref<10000x64xf32, #tpu.memory_space<hbm>>
      tpu.wait_indirect_dma semaphore(%arg14 : memref<!tpu.dma_semaphore, #tpu.memory_space<semaphore_mem>>) src(%dma_wait3A_295 : memref<10000x64xf32, #tpu.memory_space<hbm>>) dst(%dma_wait3A_289 : memref<128x64xf32, #tpu.memory_space<vmem>>)
      %dma_wait3A_296 = arith.constant 256 : i32
      %dma_wait3A_297 = arith.constant 0 : i32
      %dma_wait3A_298 = tpu.memref_slice %arg11[%dma_wait3A_296, %dma_wait3A_297] : memref<512x32xf32, #tpu.memory_space<vmem>> -> memref<128x32xf32, #tpu.memory_space<vmem>>
      %dma_wait3A_299 = arith.constant 0 : i32
      %dma_wait3A_300 = tpu.memref_slice %arg8[%add3A_246, %dma_wait3A_299] : memref<56x128xi32, #tpu.memory_space<vmem>> -> memref<1x128xi32, #tpu.memory_space<vmem>>
      %dma_wait3A_301 = tpu.memref_squeeze %dma_wait3A_300 : memref<1x128xi32, #tpu.memory_space<vmem>> -> memref<128xi32, #tpu.memory_space<vmem>>
      %dma_wait3A_302 = arith.constant 0 : i32
      %dma_wait3A_303 = arith.constant 0 : i32
      %dma_wait3A_304 = tpu.memref_slice %arg3[%dma_wait3A_302, %dma_wait3A_303] : memref<10000x32xf32, #tpu.memory_space<hbm>> -> memref<10000x32xf32, #tpu.memory_space<hbm>>
      tpu.wait_indirect_dma semaphore(%arg14 : memref<!tpu.dma_semaphore, #tpu.memory_space<semaphore_mem>>) src(%dma_wait3A_304 : memref<10000x32xf32, #tpu.memory_space<hbm>>) dst(%dma_wait3A_298 : memref<128x32xf32, #tpu.memory_space<vmem>>)
      %dma_wait3A_305 = arith.constant 384 : i32
      %dma_wait3A_306 = arith.constant 0 : i32
      %dma_wait3A_307 = tpu.memref_slice %arg9[%dma_wait3A_305, %dma_wait3A_306] : memref<512x64xf32, #tpu.memory_space<vmem>> -> memref<128x64xf32, #tpu.memory_space<vmem>>
      %dma_wait3A_308 = arith.constant 0 : i32
      %dma_wait3A_309 = tpu.memref_slice %arg7[%add3A_248, %dma_wait3A_308] : memref<56x128xi32, #tpu.memory_space<vmem>> -> memref<1x128xi32, #tpu.memory_space<vmem>>
      %dma_wait3A_310 = tpu.memref_squeeze %dma_wait3A_309 : memref<1x128xi32, #tpu.memory_space<vmem>> -> memref<128xi32, #tpu.memory_space<vmem>>
      %dma_wait3A_311 = arith.constant 0 : i32
      %dma_wait3A_312 = arith.constant 0 : i32
      %dma_wait3A_313 = tpu.memref_slice %arg2[%dma_wait3A_311, %dma_wait3A_312] : memref<10000x64xf32, #tpu.memory_space<hbm>> -> memref<10000x64xf32, #tpu.memory_space<hbm>>
      tpu.wait_indirect_dma semaphore(%arg14 : memref<!tpu.dma_semaphore, #tpu.memory_space<semaphore_mem>>) src(%dma_wait3A_313 : memref<10000x64xf32, #tpu.memory_space<hbm>>) dst(%dma_wait3A_307 : memref<128x64xf32, #tpu.memory_space<vmem>>)
      %dma_wait3A_314 = arith.constant 384 : i32
      %dma_wait3A_315 = arith.constant 0 : i32
      %dma_wait3A_316 = tpu.memref_slice %arg11[%dma_wait3A_314, %dma_wait3A_315] : memref<512x32xf32, #tpu.memory_space<vmem>> -> memref<128x32xf32, #tpu.memory_space<vmem>>
      %dma_wait3A_317 = arith.constant 0 : i32
      %dma_wait3A_318 = tpu.memref_slice %arg8[%add3A_250, %dma_wait3A_317] : memref<56x128xi32, #tpu.memory_space<vmem>> -> memref<1x128xi32, #tpu.memory_space<vmem>>
      %dma_wait3A_319 = tpu.memref_squeeze %dma_wait3A_318 : memref<1x128xi32, #tpu.memory_space<vmem>> -> memref<128xi32, #tpu.memory_space<vmem>>
      %dma_wait3A_320 = arith.constant 0 : i32
      %dma_wait3A_321 = arith.constant 0 : i32
      %dma_wait3A_322 = tpu.memref_slice %arg3[%dma_wait3A_320, %dma_wait3A_321] : memref<10000x32xf32, #tpu.memory_space<hbm>> -> memref<10000x32xf32, #tpu.memory_space<hbm>>
      tpu.wait_indirect_dma semaphore(%arg14 : memref<!tpu.dma_semaphore, #tpu.memory_space<semaphore_mem>>) src(%dma_wait3A_322 : memref<10000x32xf32, #tpu.memory_space<hbm>>) dst(%dma_wait3A_316 : memref<128x32xf32, #tpu.memory_space<vmem>>)
      %mul3A_323 = arith.constant 4 : i32
      %mul3A_324 = arith.muli %mul3A_136, %mul3A_323 : i32
      %mul3A_325 = arith.constant 128 : i32
      %mul3A_326 = arith.muli %mul3A_324, %mul3A_325 : i32
      %add3A_327 = arith.addi %mul3A_10, %mul3A_326 : i32
      %dma_start3A_328 = arith.constant 0 : i32
      %dma_start3A_329 = tpu.memref_slice %arg6[%add3A_327, %dma_start3A_328] : memref<163840x128xf32, #tpu.memory_space<hbm>> -> memref<512x64xf32, #tpu.memory_space<hbm>>
      %dma_start3A_330 = arith.constant 0 : i32
      %dma_start3A_331 = tpu.memref_slice %arg6[%add3A_327, %dma_start3A_330] : memref<163840x128xf32, #tpu.memory_space<hbm>> -> memref<512x64xf32, #tpu.memory_space<hbm>>
      tpu.enqueue_dma source(%arg9 : memref<512x64xf32, #tpu.memory_space<vmem>>) target(%dma_start3A_331 : memref<512x64xf32, #tpu.memory_space<hbm>>) target_semaphore(%arg16 : memref<!tpu.dma_semaphore, #tpu.memory_space<semaphore_mem>>)
      %dma_start3A_332 = arith.constant 64 : i32
      %dma_start3A_333 = tpu.memref_slice %arg6[%add3A_327, %dma_start3A_332] : memref<163840x128xf32, #tpu.memory_space<hbm>> -> memref<512x32xf32, #tpu.memory_space<hbm>>
      %dma_start3A_334 = arith.constant 64 : i32
      %dma_start3A_335 = tpu.memref_slice %arg6[%add3A_327, %dma_start3A_334] : memref<163840x128xf32, #tpu.memory_space<hbm>> -> memref<512x32xf32, #tpu.memory_space<hbm>>
      tpu.enqueue_dma source(%arg11 : memref<512x32xf32, #tpu.memory_space<vmem>>) target(%dma_start3A_335 : memref<512x32xf32, #tpu.memory_space<hbm>>) target_semaphore(%arg16 : memref<!tpu.dma_semaphore, #tpu.memory_space<semaphore_mem>>)
      %mul3A_336 = arith.constant 4 : i32
      %mul3A_337 = arith.muli %add3A_140, %mul3A_336 : i32
      %add3A_338 = arith.constant 0 : i32
      %add3A_339 = arith.addi %mul3A_337, %add3A_338 : i32
      %add3A_340 = arith.constant 0 : i32
      %add3A_341 = arith.addi %mul3A_337, %add3A_340 : i32
      %add3A_342 = arith.constant 1 : i32
      %add3A_343 = arith.addi %mul3A_337, %add3A_342 : i32
      %add3A_344 = arith.constant 1 : i32
      %add3A_345 = arith.addi %mul3A_337, %add3A_344 : i32
      %add3A_346 = arith.constant 2 : i32
      %add3A_347 = arith.addi %mul3A_337, %add3A_346 : i32
      %add3A_348 = arith.constant 2 : i32
      %add3A_349 = arith.addi %mul3A_337, %add3A_348 : i32
      %add3A_350 = arith.constant 3 : i32
      %add3A_351 = arith.addi %mul3A_337, %add3A_350 : i32
      %add3A_352 = arith.constant 3 : i32
      %add3A_353 = arith.addi %mul3A_337, %add3A_352 : i32
      %dma_wait3A_354 = arith.constant 0 : i32
      %dma_wait3A_355 = arith.constant 0 : i32
      %dma_wait3A_356 = tpu.memref_slice %arg10[%dma_wait3A_354, %dma_wait3A_355] : memref<512x64xf32, #tpu.memory_space<vmem>> -> memref<128x64xf32, #tpu.memory_space<vmem>>
      %dma_wait3A_357 = arith.constant 0 : i32
      %dma_wait3A_358 = tpu.memref_slice %arg7[%add3A_339, %dma_wait3A_357] : memref<56x128xi32, #tpu.memory_space<vmem>> -> memref<1x128xi32, #tpu.memory_space<vmem>>
      %dma_wait3A_359 = tpu.memref_squeeze %dma_wait3A_358 : memref<1x128xi32, #tpu.memory_space<vmem>> -> memref<128xi32, #tpu.memory_space<vmem>>
      %dma_wait3A_360 = arith.constant 0 : i32
      %dma_wait3A_361 = arith.constant 0 : i32
      %dma_wait3A_362 = tpu.memref_slice %arg2[%dma_wait3A_360, %dma_wait3A_361] : memref<10000x64xf32, #tpu.memory_space<hbm>> -> memref<10000x64xf32, #tpu.memory_space<hbm>>
      tpu.wait_indirect_dma semaphore(%arg15 : memref<!tpu.dma_semaphore, #tpu.memory_space<semaphore_mem>>) src(%dma_wait3A_362 : memref<10000x64xf32, #tpu.memory_space<hbm>>) dst(%dma_wait3A_356 : memref<128x64xf32, #tpu.memory_space<vmem>>)
      %dma_wait3A_363 = arith.constant 0 : i32
      %dma_wait3A_364 = arith.constant 0 : i32
      %dma_wait3A_365 = tpu.memref_slice %arg12[%dma_wait3A_363, %dma_wait3A_364] : memref<512x32xf32, #tpu.memory_space<vmem>> -> memref<128x32xf32, #tpu.memory_space<vmem>>
      %dma_wait3A_366 = arith.constant 0 : i32
      %dma_wait3A_367 = tpu.memref_slice %arg8[%add3A_341, %dma_wait3A_366] : memref<56x128xi32, #tpu.memory_space<vmem>> -> memref<1x128xi32, #tpu.memory_space<vmem>>
      %dma_wait3A_368 = tpu.memref_squeeze %dma_wait3A_367 : memref<1x128xi32, #tpu.memory_space<vmem>> -> memref<128xi32, #tpu.memory_space<vmem>>
      %dma_wait3A_369 = arith.constant 0 : i32
      %dma_wait3A_370 = arith.constant 0 : i32
      %dma_wait3A_371 = tpu.memref_slice %arg3[%dma_wait3A_369, %dma_wait3A_370] : memref<10000x32xf32, #tpu.memory_space<hbm>> -> memref<10000x32xf32, #tpu.memory_space<hbm>>
      tpu.wait_indirect_dma semaphore(%arg15 : memref<!tpu.dma_semaphore, #tpu.memory_space<semaphore_mem>>) src(%dma_wait3A_371 : memref<10000x32xf32, #tpu.memory_space<hbm>>) dst(%dma_wait3A_365 : memref<128x32xf32, #tpu.memory_space<vmem>>)
      %dma_wait3A_372 = arith.constant 128 : i32
      %dma_wait3A_373 = arith.constant 0 : i32
      %dma_wait3A_374 = tpu.memref_slice %arg10[%dma_wait3A_372, %dma_wait3A_373] : memref<512x64xf32, #tpu.memory_space<vmem>> -> memref<128x64xf32, #tpu.memory_space<vmem>>
      %dma_wait3A_375 = arith.constant 0 : i32
      %dma_wait3A_376 = tpu.memref_slice %arg7[%add3A_343, %dma_wait3A_375] : memref<56x128xi32, #tpu.memory_space<vmem>> -> memref<1x128xi32, #tpu.memory_space<vmem>>
      %dma_wait3A_377 = tpu.memref_squeeze %dma_wait3A_376 : memref<1x128xi32, #tpu.memory_space<vmem>> -> memref<128xi32, #tpu.memory_space<vmem>>
      %dma_wait3A_378 = arith.constant 0 : i32
      %dma_wait3A_379 = arith.constant 0 : i32
      %dma_wait3A_380 = tpu.memref_slice %arg2[%dma_wait3A_378, %dma_wait3A_379] : memref<10000x64xf32, #tpu.memory_space<hbm>> -> memref<10000x64xf32, #tpu.memory_space<hbm>>
      tpu.wait_indirect_dma semaphore(%arg15 : memref<!tpu.dma_semaphore, #tpu.memory_space<semaphore_mem>>) src(%dma_wait3A_380 : memref<10000x64xf32, #tpu.memory_space<hbm>>) dst(%dma_wait3A_374 : memref<128x64xf32, #tpu.memory_space<vmem>>)
      %dma_wait3A_381 = arith.constant 128 : i32
      %dma_wait3A_382 = arith.constant 0 : i32
      %dma_wait3A_383 = tpu.memref_slice %arg12[%dma_wait3A_381, %dma_wait3A_382] : memref<512x32xf32, #tpu.memory_space<vmem>> -> memref<128x32xf32, #tpu.memory_space<vmem>>
      %dma_wait3A_384 = arith.constant 0 : i32
      %dma_wait3A_385 = tpu.memref_slice %arg8[%add3A_345, %dma_wait3A_384] : memref<56x128xi32, #tpu.memory_space<vmem>> -> memref<1x128xi32, #tpu.memory_space<vmem>>
      %dma_wait3A_386 = tpu.memref_squeeze %dma_wait3A_385 : memref<1x128xi32, #tpu.memory_space<vmem>> -> memref<128xi32, #tpu.memory_space<vmem>>
      %dma_wait3A_387 = arith.constant 0 : i32
      %dma_wait3A_388 = arith.constant 0 : i32
      %dma_wait3A_389 = tpu.memref_slice %arg3[%dma_wait3A_387, %dma_wait3A_388] : memref<10000x32xf32, #tpu.memory_space<hbm>> -> memref<10000x32xf32, #tpu.memory_space<hbm>>
      tpu.wait_indirect_dma semaphore(%arg15 : memref<!tpu.dma_semaphore, #tpu.memory_space<semaphore_mem>>) src(%dma_wait3A_389 : memref<10000x32xf32, #tpu.memory_space<hbm>>) dst(%dma_wait3A_383 : memref<128x32xf32, #tpu.memory_space<vmem>>)
      %dma_wait3A_390 = arith.constant 256 : i32
      %dma_wait3A_391 = arith.constant 0 : i32
      %dma_wait3A_392 = tpu.memref_slice %arg10[%dma_wait3A_390, %dma_wait3A_391] : memref<512x64xf32, #tpu.memory_space<vmem>> -> memref<128x64xf32, #tpu.memory_space<vmem>>
      %dma_wait3A_393 = arith.constant 0 : i32
      %dma_wait3A_394 = tpu.memref_slice %arg7[%add3A_347, %dma_wait3A_393] : memref<56x128xi32, #tpu.memory_space<vmem>> -> memref<1x128xi32, #tpu.memory_space<vmem>>
      %dma_wait3A_395 = tpu.memref_squeeze %dma_wait3A_394 : memref<1x128xi32, #tpu.memory_space<vmem>> -> memref<128xi32, #tpu.memory_space<vmem>>
      %dma_wait3A_396 = arith.constant 0 : i32
      %dma_wait3A_397 = arith.constant 0 : i32
      %dma_wait3A_398 = tpu.memref_slice %arg2[%dma_wait3A_396, %dma_wait3A_397] : memref<10000x64xf32, #tpu.memory_space<hbm>> -> memref<10000x64xf32, #tpu.memory_space<hbm>>
      tpu.wait_indirect_dma semaphore(%arg15 : memref<!tpu.dma_semaphore, #tpu.memory_space<semaphore_mem>>) src(%dma_wait3A_398 : memref<10000x64xf32, #tpu.memory_space<hbm>>) dst(%dma_wait3A_392 : memref<128x64xf32, #tpu.memory_space<vmem>>)
      %dma_wait3A_399 = arith.constant 256 : i32
      %dma_wait3A_400 = arith.constant 0 : i32
      %dma_wait3A_401 = tpu.memref_slice %arg12[%dma_wait3A_399, %dma_wait3A_400] : memref<512x32xf32, #tpu.memory_space<vmem>> -> memref<128x32xf32, #tpu.memory_space<vmem>>
      %dma_wait3A_402 = arith.constant 0 : i32
      %dma_wait3A_403 = tpu.memref_slice %arg8[%add3A_349, %dma_wait3A_402] : memref<56x128xi32, #tpu.memory_space<vmem>> -> memref<1x128xi32, #tpu.memory_space<vmem>>
      %dma_wait3A_404 = tpu.memref_squeeze %dma_wait3A_403 : memref<1x128xi32, #tpu.memory_space<vmem>> -> memref<128xi32, #tpu.memory_space<vmem>>
      %dma_wait3A_405 = arith.constant 0 : i32
      %dma_wait3A_406 = arith.constant 0 : i32
      %dma_wait3A_407 = tpu.memref_slice %arg3[%dma_wait3A_405, %dma_wait3A_406] : memref<10000x32xf32, #tpu.memory_space<hbm>> -> memref<10000x32xf32, #tpu.memory_space<hbm>>
      tpu.wait_indirect_dma semaphore(%arg15 : memref<!tpu.dma_semaphore, #tpu.memory_space<semaphore_mem>>) src(%dma_wait3A_407 : memref<10000x32xf32, #tpu.memory_space<hbm>>) dst(%dma_wait3A_401 : memref<128x32xf32, #tpu.memory_space<vmem>>)
      %dma_wait3A_408 = arith.constant 384 : i32
      %dma_wait3A_409 = arith.constant 0 : i32
      %dma_wait3A_410 = tpu.memref_slice %arg10[%dma_wait3A_408, %dma_wait3A_409] : memref<512x64xf32, #tpu.memory_space<vmem>> -> memref<128x64xf32, #tpu.memory_space<vmem>>
      %dma_wait3A_411 = arith.constant 0 : i32
      %dma_wait3A_412 = tpu.memref_slice %arg7[%add3A_351, %dma_wait3A_411] : memref<56x128xi32, #tpu.memory_space<vmem>> -> memref<1x128xi32, #tpu.memory_space<vmem>>
      %dma_wait3A_413 = tpu.memref_squeeze %dma_wait3A_412 : memref<1x128xi32, #tpu.memory_space<vmem>> -> memref<128xi32, #tpu.memory_space<vmem>>
      %dma_wait3A_414 = arith.constant 0 : i32
      %dma_wait3A_415 = arith.constant 0 : i32
      %dma_wait3A_416 = tpu.memref_slice %arg2[%dma_wait3A_414, %dma_wait3A_415] : memref<10000x64xf32, #tpu.memory_space<hbm>> -> memref<10000x64xf32, #tpu.memory_space<hbm>>
      tpu.wait_indirect_dma semaphore(%arg15 : memref<!tpu.dma_semaphore, #tpu.memory_space<semaphore_mem>>) src(%dma_wait3A_416 : memref<10000x64xf32, #tpu.memory_space<hbm>>) dst(%dma_wait3A_410 : memref<128x64xf32, #tpu.memory_space<vmem>>)
      %dma_wait3A_417 = arith.constant 384 : i32
      %dma_wait3A_418 = arith.constant 0 : i32
      %dma_wait3A_419 = tpu.memref_slice %arg12[%dma_wait3A_417, %dma_wait3A_418] : memref<512x32xf32, #tpu.memory_space<vmem>> -> memref<128x32xf32, #tpu.memory_space<vmem>>
      %dma_wait3A_420 = arith.constant 0 : i32
      %dma_wait3A_421 = tpu.memref_slice %arg8[%add3A_353, %dma_wait3A_420] : memref<56x128xi32, #tpu.memory_space<vmem>> -> memref<1x128xi32, #tpu.memory_space<vmem>>
      %dma_wait3A_422 = tpu.memref_squeeze %dma_wait3A_421 : memref<1x128xi32, #tpu.memory_space<vmem>> -> memref<128xi32, #tpu.memory_space<vmem>>
      %dma_wait3A_423 = arith.constant 0 : i32
      %dma_wait3A_424 = arith.constant 0 : i32
      %dma_wait3A_425 = tpu.memref_slice %arg3[%dma_wait3A_423, %dma_wait3A_424] : memref<10000x32xf32, #tpu.memory_space<hbm>> -> memref<10000x32xf32, #tpu.memory_space<hbm>>
      tpu.wait_indirect_dma semaphore(%arg15 : memref<!tpu.dma_semaphore, #tpu.memory_space<semaphore_mem>>) src(%dma_wait3A_425 : memref<10000x32xf32, #tpu.memory_space<hbm>>) dst(%dma_wait3A_419 : memref<128x32xf32, #tpu.memory_space<vmem>>)
      %mul3A_426 = arith.constant 4 : i32
      %mul3A_427 = arith.muli %add3A_140, %mul3A_426 : i32
      %mul3A_428 = arith.constant 128 : i32
      %mul3A_429 = arith.muli %mul3A_427, %mul3A_428 : i32
      %add3A_430 = arith.addi %mul3A_10, %mul3A_429 : i32
      %dma_start3A_431 = arith.constant 0 : i32
      %dma_start3A_432 = tpu.memref_slice %arg6[%add3A_430, %dma_start3A_431] : memref<163840x128xf32, #tpu.memory_space<hbm>> -> memref<512x64xf32, #tpu.memory_space<hbm>>
      %dma_start3A_433 = arith.constant 0 : i32
      %dma_start3A_434 = tpu.memref_slice %arg6[%add3A_430, %dma_start3A_433] : memref<163840x128xf32, #tpu.memory_space<hbm>> -> memref<512x64xf32, #tpu.memory_space<hbm>>
      tpu.enqueue_dma source(%arg10 : memref<512x64xf32, #tpu.memory_space<vmem>>) target(%dma_start3A_434 : memref<512x64xf32, #tpu.memory_space<hbm>>) target_semaphore(%arg17 : memref<!tpu.dma_semaphore, #tpu.memory_space<semaphore_mem>>)
      %dma_start3A_435 = arith.constant 64 : i32
      %dma_start3A_436 = tpu.memref_slice %arg6[%add3A_430, %dma_start3A_435] : memref<163840x128xf32, #tpu.memory_space<hbm>> -> memref<512x32xf32, #tpu.memory_space<hbm>>
      %dma_start3A_437 = arith.constant 64 : i32
      %dma_start3A_438 = tpu.memref_slice %arg6[%add3A_430, %dma_start3A_437] : memref<163840x128xf32, #tpu.memory_space<hbm>> -> memref<512x32xf32, #tpu.memory_space<hbm>>
      tpu.enqueue_dma source(%arg12 : memref<512x32xf32, #tpu.memory_space<vmem>>) target(%dma_start3A_438 : memref<512x32xf32, #tpu.memory_space<hbm>>) target_semaphore(%arg17 : memref<!tpu.dma_semaphore, #tpu.memory_space<semaphore_mem>>)
      %sub3A = arith.constant 1 : i32
      %sub3A_439 = arith.subi %select_n3A_8, %sub3A : i32
      %lt3A = arith.cmpi slt, %while3A_134, %sub3A_439 : i32
      %convert_element_type3A_440 = arith.extui %lt3A : i1 to i32
      %cond3A_441 = arith.constant 0 : i32
      %cond3A_442 = arith.cmpi ne, %convert_element_type3A_440, %cond3A_441 : i32
      scf.if %cond3A_442 {
        %mul3A_443 = arith.constant 4 : i32
        %mul3A_444 = arith.muli %mul3A_136, %mul3A_443 : i32
        %mul3A_445 = arith.constant 128 : i32
        %mul3A_446 = arith.muli %mul3A_444, %mul3A_445 : i32
        %add3A_447 = arith.addi %mul3A_10, %mul3A_446 : i32
        %dma_wait3A_448 = arith.constant 0 : i32
        %dma_wait3A_449 = tpu.memref_slice %arg6[%add3A_447, %dma_wait3A_448] : memref<163840x128xf32, #tpu.memory_space<hbm>> -> memref<512x64xf32, #tpu.memory_space<hbm>>
        %dma_wait3A_450 = arith.constant 0 : i32
        %dma_wait3A_451 = tpu.memref_slice %arg6[%add3A_447, %dma_wait3A_450] : memref<163840x128xf32, #tpu.memory_space<hbm>> -> memref<512x64xf32, #tpu.memory_space<hbm>>
        tpu.wait_dma2 semaphore(%arg16 : memref<!tpu.dma_semaphore, #tpu.memory_space<semaphore_mem>>) src(%arg9 : memref<512x64xf32, #tpu.memory_space<vmem>>) dst(%dma_wait3A_451 : memref<512x64xf32, #tpu.memory_space<hbm>>)
        %dma_wait3A_452 = arith.constant 64 : i32
        %dma_wait3A_453 = tpu.memref_slice %arg6[%add3A_447, %dma_wait3A_452] : memref<163840x128xf32, #tpu.memory_space<hbm>> -> memref<512x32xf32, #tpu.memory_space<hbm>>
        %dma_wait3A_454 = arith.constant 64 : i32
        %dma_wait3A_455 = tpu.memref_slice %arg6[%add3A_447, %dma_wait3A_454] : memref<163840x128xf32, #tpu.memory_space<hbm>> -> memref<512x32xf32, #tpu.memory_space<hbm>>
        tpu.wait_dma2 semaphore(%arg16 : memref<!tpu.dma_semaphore, #tpu.memory_space<semaphore_mem>>) src(%arg11 : memref<512x32xf32, #tpu.memory_space<vmem>>) dst(%dma_wait3A_455 : memref<512x32xf32, #tpu.memory_space<hbm>>)
        %add3A_456 = arith.constant 2 : i32
        %add3A_457 = arith.addi %mul3A_136, %add3A_456 : i32
        %mul3A_458 = arith.constant 4 : i32
        %mul3A_459 = arith.muli %add3A_457, %mul3A_458 : i32
        %add3A_460 = arith.constant 0 : i32
        %add3A_461 = arith.addi %mul3A_459, %add3A_460 : i32
        %add3A_462 = arith.constant 0 : i32
        %add3A_463 = arith.addi %mul3A_459, %add3A_462 : i32
        %add3A_464 = arith.constant 1 : i32
        %add3A_465 = arith.addi %mul3A_459, %add3A_464 : i32
        %add3A_466 = arith.constant 1 : i32
        %add3A_467 = arith.addi %mul3A_459, %add3A_466 : i32
        %add3A_468 = arith.constant 2 : i32
        %add3A_469 = arith.addi %mul3A_459, %add3A_468 : i32
        %add3A_470 = arith.constant 2 : i32
        %add3A_471 = arith.addi %mul3A_459, %add3A_470 : i32
        %add3A_472 = arith.constant 3 : i32
        %add3A_473 = arith.addi %mul3A_459, %add3A_472 : i32
        %add3A_474 = arith.constant 3 : i32
        %add3A_475 = arith.addi %mul3A_459, %add3A_474 : i32
        %dma_start3A_476 = arith.constant 0 : i32
        %dma_start3A_477 = arith.constant 0 : i32
        %dma_start3A_478 = tpu.memref_slice %arg9[%dma_start3A_476, %dma_start3A_477] : memref<512x64xf32, #tpu.memory_space<vmem>> -> memref<128x64xf32, #tpu.memory_space<vmem>>
        %dma_start3A_479 = arith.constant 0 : i32
        %dma_start3A_480 = tpu.memref_slice %arg7[%add3A_461, %dma_start3A_479] : memref<56x128xi32, #tpu.memory_space<vmem>> -> memref<1x128xi32, #tpu.memory_space<vmem>>
        %dma_start3A_481 = tpu.memref_squeeze %dma_start3A_480 : memref<1x128xi32, #tpu.memory_space<vmem>> -> memref<128xi32, #tpu.memory_space<vmem>>
        %dma_start3A_482 = arith.constant 0 : i32
        %dma_start3A_483 = arith.constant 0 : i32
        %dma_start3A_484 = tpu.memref_slice %arg2[%dma_start3A_482, %dma_start3A_483] : memref<10000x64xf32, #tpu.memory_space<hbm>> -> memref<10000x64xf32, #tpu.memory_space<hbm>>
        tpu.enqueue_indirect_dma source(%dma_start3A_484 : memref<10000x64xf32, #tpu.memory_space<hbm>>) target(%dma_start3A_478 : memref<128x64xf32, #tpu.memory_space<vmem>>) offsets(%dma_start3A_481 : memref<128xi32, #tpu.memory_space<vmem>>) semaphore(%arg14 : memref<!tpu.dma_semaphore, #tpu.memory_space<semaphore_mem>>)
        %dma_start3A_485 = arith.constant 0 : i32
        %dma_start3A_486 = arith.constant 0 : i32
        %dma_start3A_487 = tpu.memref_slice %arg11[%dma_start3A_485, %dma_start3A_486] : memref<512x32xf32, #tpu.memory_space<vmem>> -> memref<128x32xf32, #tpu.memory_space<vmem>>
        %dma_start3A_488 = arith.constant 0 : i32
        %dma_start3A_489 = tpu.memref_slice %arg8[%add3A_463, %dma_start3A_488] : memref<56x128xi32, #tpu.memory_space<vmem>> -> memref<1x128xi32, #tpu.memory_space<vmem>>
        %dma_start3A_490 = tpu.memref_squeeze %dma_start3A_489 : memref<1x128xi32, #tpu.memory_space<vmem>> -> memref<128xi32, #tpu.memory_space<vmem>>
        %dma_start3A_491 = arith.constant 0 : i32
        %dma_start3A_492 = arith.constant 0 : i32
        %dma_start3A_493 = tpu.memref_slice %arg3[%dma_start3A_491, %dma_start3A_492] : memref<10000x32xf32, #tpu.memory_space<hbm>> -> memref<10000x32xf32, #tpu.memory_space<hbm>>
        tpu.enqueue_indirect_dma source(%dma_start3A_493 : memref<10000x32xf32, #tpu.memory_space<hbm>>) target(%dma_start3A_487 : memref<128x32xf32, #tpu.memory_space<vmem>>) offsets(%dma_start3A_490 : memref<128xi32, #tpu.memory_space<vmem>>) semaphore(%arg14 : memref<!tpu.dma_semaphore, #tpu.memory_space<semaphore_mem>>)
        %dma_start3A_494 = arith.constant 128 : i32
        %dma_start3A_495 = arith.constant 0 : i32
        %dma_start3A_496 = tpu.memref_slice %arg9[%dma_start3A_494, %dma_start3A_495] : memref<512x64xf32, #tpu.memory_space<vmem>> -> memref<128x64xf32, #tpu.memory_space<vmem>>
        %dma_start3A_497 = arith.constant 0 : i32
        %dma_start3A_498 = tpu.memref_slice %arg7[%add3A_465, %dma_start3A_497] : memref<56x128xi32, #tpu.memory_space<vmem>> -> memref<1x128xi32, #tpu.memory_space<vmem>>
        %dma_start3A_499 = tpu.memref_squeeze %dma_start3A_498 : memref<1x128xi32, #tpu.memory_space<vmem>> -> memref<128xi32, #tpu.memory_space<vmem>>
        %dma_start3A_500 = arith.constant 0 : i32
        %dma_start3A_501 = arith.constant 0 : i32
        %dma_start3A_502 = tpu.memref_slice %arg2[%dma_start3A_500, %dma_start3A_501] : memref<10000x64xf32, #tpu.memory_space<hbm>> -> memref<10000x64xf32, #tpu.memory_space<hbm>>
        tpu.enqueue_indirect_dma source(%dma_start3A_502 : memref<10000x64xf32, #tpu.memory_space<hbm>>) target(%dma_start3A_496 : memref<128x64xf32, #tpu.memory_space<vmem>>) offsets(%dma_start3A_499 : memref<128xi32, #tpu.memory_space<vmem>>) semaphore(%arg14 : memref<!tpu.dma_semaphore, #tpu.memory_space<semaphore_mem>>)
        %dma_start3A_503 = arith.constant 128 : i32
        %dma_start3A_504 = arith.constant 0 : i32
        %dma_start3A_505 = tpu.memref_slice %arg11[%dma_start3A_503, %dma_start3A_504] : memref<512x32xf32, #tpu.memory_space<vmem>> -> memref<128x32xf32, #tpu.memory_space<vmem>>
        %dma_start3A_506 = arith.constant 0 : i32
        %dma_start3A_507 = tpu.memref_slice %arg8[%add3A_467, %dma_start3A_506] : memref<56x128xi32, #tpu.memory_space<vmem>> -> memref<1x128xi32, #tpu.memory_space<vmem>>
        %dma_start3A_508 = tpu.memref_squeeze %dma_start3A_507 : memref<1x128xi32, #tpu.memory_space<vmem>> -> memref<128xi32, #tpu.memory_space<vmem>>
        %dma_start3A_509 = arith.constant 0 : i32
        %dma_start3A_510 = arith.constant 0 : i32
        %dma_start3A_511 = tpu.memref_slice %arg3[%dma_start3A_509, %dma_start3A_510] : memref<10000x32xf32, #tpu.memory_space<hbm>> -> memref<10000x32xf32, #tpu.memory_space<hbm>>
        tpu.enqueue_indirect_dma source(%dma_start3A_511 : memref<10000x32xf32, #tpu.memory_space<hbm>>) target(%dma_start3A_505 : memref<128x32xf32, #tpu.memory_space<vmem>>) offsets(%dma_start3A_508 : memref<128xi32, #tpu.memory_space<vmem>>) semaphore(%arg14 : memref<!tpu.dma_semaphore, #tpu.memory_space<semaphore_mem>>)
        %dma_start3A_512 = arith.constant 256 : i32
        %dma_start3A_513 = arith.constant 0 : i32
        %dma_start3A_514 = tpu.memref_slice %arg9[%dma_start3A_512, %dma_start3A_513] : memref<512x64xf32, #tpu.memory_space<vmem>> -> memref<128x64xf32, #tpu.memory_space<vmem>>
        %dma_start3A_515 = arith.constant 0 : i32
        %dma_start3A_516 = tpu.memref_slice %arg7[%add3A_469, %dma_start3A_515] : memref<56x128xi32, #tpu.memory_space<vmem>> -> memref<1x128xi32, #tpu.memory_space<vmem>>
        %dma_start3A_517 = tpu.memref_squeeze %dma_start3A_516 : memref<1x128xi32, #tpu.memory_space<vmem>> -> memref<128xi32, #tpu.memory_space<vmem>>
        %dma_start3A_518 = arith.constant 0 : i32
        %dma_start3A_519 = arith.constant 0 : i32
        %dma_start3A_520 = tpu.memref_slice %arg2[%dma_start3A_518, %dma_start3A_519] : memref<10000x64xf32, #tpu.memory_space<hbm>> -> memref<10000x64xf32, #tpu.memory_space<hbm>>
        tpu.enqueue_indirect_dma source(%dma_start3A_520 : memref<10000x64xf32, #tpu.memory_space<hbm>>) target(%dma_start3A_514 : memref<128x64xf32, #tpu.memory_space<vmem>>) offsets(%dma_start3A_517 : memref<128xi32, #tpu.memory_space<vmem>>) semaphore(%arg14 : memref<!tpu.dma_semaphore, #tpu.memory_space<semaphore_mem>>)
        %dma_start3A_521 = arith.constant 256 : i32
        %dma_start3A_522 = arith.constant 0 : i32
        %dma_start3A_523 = tpu.memref_slice %arg11[%dma_start3A_521, %dma_start3A_522] : memref<512x32xf32, #tpu.memory_space<vmem>> -> memref<128x32xf32, #tpu.memory_space<vmem>>
        %dma_start3A_524 = arith.constant 0 : i32
        %dma_start3A_525 = tpu.memref_slice %arg8[%add3A_471, %dma_start3A_524] : memref<56x128xi32, #tpu.memory_space<vmem>> -> memref<1x128xi32, #tpu.memory_space<vmem>>
        %dma_start3A_526 = tpu.memref_squeeze %dma_start3A_525 : memref<1x128xi32, #tpu.memory_space<vmem>> -> memref<128xi32, #tpu.memory_space<vmem>>
        %dma_start3A_527 = arith.constant 0 : i32
        %dma_start3A_528 = arith.constant 0 : i32
        %dma_start3A_529 = tpu.memref_slice %arg3[%dma_start3A_527, %dma_start3A_528] : memref<10000x32xf32, #tpu.memory_space<hbm>> -> memref<10000x32xf32, #tpu.memory_space<hbm>>
        tpu.enqueue_indirect_dma source(%dma_start3A_529 : memref<10000x32xf32, #tpu.memory_space<hbm>>) target(%dma_start3A_523 : memref<128x32xf32, #tpu.memory_space<vmem>>) offsets(%dma_start3A_526 : memref<128xi32, #tpu.memory_space<vmem>>) semaphore(%arg14 : memref<!tpu.dma_semaphore, #tpu.memory_space<semaphore_mem>>)
        %dma_start3A_530 = arith.constant 384 : i32
        %dma_start3A_531 = arith.constant 0 : i32
        %dma_start3A_532 = tpu.memref_slice %arg9[%dma_start3A_530, %dma_start3A_531] : memref<512x64xf32, #tpu.memory_space<vmem>> -> memref<128x64xf32, #tpu.memory_space<vmem>>
        %dma_start3A_533 = arith.constant 0 : i32
        %dma_start3A_534 = tpu.memref_slice %arg7[%add3A_473, %dma_start3A_533] : memref<56x128xi32, #tpu.memory_space<vmem>> -> memref<1x128xi32, #tpu.memory_space<vmem>>
        %dma_start3A_535 = tpu.memref_squeeze %dma_start3A_534 : memref<1x128xi32, #tpu.memory_space<vmem>> -> memref<128xi32, #tpu.memory_space<vmem>>
        %dma_start3A_536 = arith.constant 0 : i32
        %dma_start3A_537 = arith.constant 0 : i32
        %dma_start3A_538 = tpu.memref_slice %arg2[%dma_start3A_536, %dma_start3A_537] : memref<10000x64xf32, #tpu.memory_space<hbm>> -> memref<10000x64xf32, #tpu.memory_space<hbm>>
        tpu.enqueue_indirect_dma source(%dma_start3A_538 : memref<10000x64xf32, #tpu.memory_space<hbm>>) target(%dma_start3A_532 : memref<128x64xf32, #tpu.memory_space<vmem>>) offsets(%dma_start3A_535 : memref<128xi32, #tpu.memory_space<vmem>>) semaphore(%arg14 : memref<!tpu.dma_semaphore, #tpu.memory_space<semaphore_mem>>)
        %dma_start3A_539 = arith.constant 384 : i32
        %dma_start3A_540 = arith.constant 0 : i32
        %dma_start3A_541 = tpu.memref_slice %arg11[%dma_start3A_539, %dma_start3A_540] : memref<512x32xf32, #tpu.memory_space<vmem>> -> memref<128x32xf32, #tpu.memory_space<vmem>>
        %dma_start3A_542 = arith.constant 0 : i32
        %dma_start3A_543 = tpu.memref_slice %arg8[%add3A_475, %dma_start3A_542] : memref<56x128xi32, #tpu.memory_space<vmem>> -> memref<1x128xi32, #tpu.memory_space<vmem>>
        %dma_start3A_544 = tpu.memref_squeeze %dma_start3A_543 : memref<1x128xi32, #tpu.memory_space<vmem>> -> memref<128xi32, #tpu.memory_space<vmem>>
        %dma_start3A_545 = arith.constant 0 : i32
        %dma_start3A_546 = arith.constant 0 : i32
        %dma_start3A_547 = tpu.memref_slice %arg3[%dma_start3A_545, %dma_start3A_546] : memref<10000x32xf32, #tpu.memory_space<hbm>> -> memref<10000x32xf32, #tpu.memory_space<hbm>>
        tpu.enqueue_indirect_dma source(%dma_start3A_547 : memref<10000x32xf32, #tpu.memory_space<hbm>>) target(%dma_start3A_541 : memref<128x32xf32, #tpu.memory_space<vmem>>) offsets(%dma_start3A_544 : memref<128xi32, #tpu.memory_space<vmem>>) semaphore(%arg14 : memref<!tpu.dma_semaphore, #tpu.memory_space<semaphore_mem>>)
      } else {
      }
    }
    %while3A_113 = arith.constant 1 : i32
    scf.for %while3A_134 = %while3A_111 to %while3A_107 step %while3A_113  : i32 {
      %mul3A_135 = arith.constant 2 : i32
      %mul3A_136 = arith.muli %mul3A_135, %while3A_134 : i32
      %mul3A_137 = arith.constant 2 : i32
      %mul3A_138 = arith.muli %mul3A_137, %while3A_134 : i32
      %add3A_139 = arith.constant 1 : i32
      %add3A_140 = arith.addi %mul3A_138, %add3A_139 : i32
      %gt3A = arith.constant 0 : i32
      %gt3A_141 = arith.cmpi sgt, %while3A_134, %gt3A : i32
      %convert_element_type3A = arith.extui %gt3A_141 : i1 to i32
      %cond3A = arith.constant 0 : i32
      %cond3A_142 = arith.cmpi ne, %convert_element_type3A, %cond3A : i32
      scf.if %cond3A_142 {
        %mul3A_443 = arith.constant 4 : i32
        %mul3A_444 = arith.muli %add3A_140, %mul3A_443 : i32
        %mul3A_445 = arith.constant 128 : i32
        %mul3A_446 = arith.muli %mul3A_444, %mul3A_445 : i32
        %add3A_447 = arith.addi %mul3A_10, %mul3A_446 : i32
        %dma_wait3A_448 = arith.constant 0 : i32
        %dma_wait3A_449 = tpu.memref_slice %arg6[%add3A_447, %dma_wait3A_448] : memref<163840x128xf32, #tpu.memory_space<hbm>> -> memref<512x64xf32, #tpu.memory_space<hbm>>
        %dma_wait3A_450 = arith.constant 0 : i32
        %dma_wait3A_451 = tpu.memref_slice %arg6[%add3A_447, %dma_wait3A_450] : memref<163840x128xf32, #tpu.memory_space<hbm>> -> memref<512x64xf32, #tpu.memory_space<hbm>>
        tpu.wait_dma2 semaphore(%arg17 : memref<!tpu.dma_semaphore, #tpu.memory_space<semaphore_mem>>) src(%arg10 : memref<512x64xf32, #tpu.memory_space<vmem>>) dst(%dma_wait3A_451 : memref<512x64xf32, #tpu.memory_space<hbm>>)
        %dma_wait3A_452 = arith.constant 64 : i32
        %dma_wait3A_453 = tpu.memref_slice %arg6[%add3A_447, %dma_wait3A_452] : memref<163840x128xf32, #tpu.memory_space<hbm>> -> memref<512x32xf32, #tpu.memory_space<hbm>>
        %dma_wait3A_454 = arith.constant 64 : i32
        %dma_wait3A_455 = tpu.memref_slice %arg6[%add3A_447, %dma_wait3A_454] : memref<163840x128xf32, #tpu.memory_space<hbm>> -> memref<512x32xf32, #tpu.memory_space<hbm>>
        tpu.wait_dma2 semaphore(%arg17 : memref<!tpu.dma_semaphore, #tpu.memory_space<semaphore_mem>>) src(%arg12 : memref<512x32xf32, #tpu.memory_space<vmem>>) dst(%dma_wait3A_455 : memref<512x32xf32, #tpu.memory_space<hbm>>)
      } else {
      }
      %mul3A_143 = arith.constant 4 : i32
      %mul3A_144 = arith.muli %add3A_140, %mul3A_143 : i32
      %add3A_145 = arith.constant 0 : i32
      %add3A_146 = arith.addi %mul3A_144, %add3A_145 : i32
      %add3A_147 = arith.constant 0 : i32
      %add3A_148 = arith.addi %mul3A_144, %add3A_147 : i32
      %add3A_149 = arith.constant 1 : i32
      %add3A_150 = arith.addi %mul3A_144, %add3A_149 : i32
      %add3A_151 = arith.constant 1 : i32
      %add3A_152 = arith.addi %mul3A_144, %add3A_151 : i32
      %add3A_153 = arith.constant 2 : i32
      %add3A_154 = arith.addi %mul3A_144, %add3A_153 : i32
      %add3A_155 = arith.constant 2 : i32
      %add3A_156 = arith.addi %mul3A_144, %add3A_155 : i32
      %add3A_157 = arith.constant 3 : i32
      %add3A_158 = arith.addi %mul3A_144, %add3A_157 : i32
      %add3A_159 = arith.constant 3 : i32
      %add3A_160 = arith.addi %mul3A_144, %add3A_159 : i32
      %dma_start3A_161 = arith.constant 0 : i32
      %dma_start3A_162 = arith.constant 0 : i32
      %dma_start3A_163 = tpu.memref_slice %arg10[%dma_start3A_161, %dma_start3A_162] : memref<512x64xf32, #tpu.memory_space<vmem>> -> memref<128x64xf32, #tpu.memory_space<vmem>>
      %dma_start3A_164 = arith.constant 0 : i32
      %dma_start3A_165 = tpu.memref_slice %arg7[%add3A_146, %dma_start3A_164] : memref<56x128xi32, #tpu.memory_space<vmem>> -> memref<1x128xi32, #tpu.memory_space<vmem>>
      %dma_start3A_166 = tpu.memref_squeeze %dma_start3A_165 : memref<1x128xi32, #tpu.memory_space<vmem>> -> memref<128xi32, #tpu.memory_space<vmem>>
      %dma_start3A_167 = arith.constant 0 : i32
      %dma_start3A_168 = arith.constant 0 : i32
      %dma_start3A_169 = tpu.memref_slice %arg2[%dma_start3A_167, %dma_start3A_168] : memref<10000x64xf32, #tpu.memory_space<hbm>> -> memref<10000x64xf32, #tpu.memory_space<hbm>>
      tpu.enqueue_indirect_dma source(%dma_start3A_169 : memref<10000x64xf32, #tpu.memory_space<hbm>>) target(%dma_start3A_163 : memref<128x64xf32, #tpu.memory_space<vmem>>) offsets(%dma_start3A_166 : memref<128xi32, #tpu.memory_space<vmem>>) semaphore(%arg15 : memref<!tpu.dma_semaphore, #tpu.memory_space<semaphore_mem>>)
      %dma_start3A_170 = arith.constant 0 : i32
      %dma_start3A_171 = arith.constant 0 : i32
      %dma_start3A_172 = tpu.memref_slice %arg12[%dma_start3A_170, %dma_start3A_171] : memref<512x32xf32, #tpu.memory_space<vmem>> -> memref<128x32xf32, #tpu.memory_space<vmem>>
      %dma_start3A_173 = arith.constant 0 : i32
      %dma_start3A_174 = tpu.memref_slice %arg8[%add3A_148, %dma_start3A_173] : memref<56x128xi32, #tpu.memory_space<vmem>> -> memref<1x128xi32, #tpu.memory_space<vmem>>
      %dma_start3A_175 = tpu.memref_squeeze %dma_start3A_174 : memref<1x128xi32, #tpu.memory_space<vmem>> -> memref<128xi32, #tpu.memory_space<vmem>>
      %dma_start3A_176 = arith.constant 0 : i32
      %dma_start3A_177 = arith.constant 0 : i32
      %dma_start3A_178 = tpu.memref_slice %arg3[%dma_start3A_176, %dma_start3A_177] : memref<10000x32xf32, #tpu.memory_space<hbm>> -> memref<10000x32xf32, #tpu.memory_space<hbm>>
      tpu.enqueue_indirect_dma source(%dma_start3A_178 : memref<10000x32xf32, #tpu.memory_space<hbm>>) target(%dma_start3A_172 : memref<128x32xf32, #tpu.memory_space<vmem>>) offsets(%dma_start3A_175 : memref<128xi32, #tpu.memory_space<vmem>>) semaphore(%arg15 : memref<!tpu.dma_semaphore, #tpu.memory_space<semaphore_mem>>)
      %dma_start3A_179 = arith.constant 128 : i32
      %dma_start3A_180 = arith.constant 0 : i32
      %dma_start3A_181 = tpu.memref_slice %arg10[%dma_start3A_179, %dma_start3A_180] : memref<512x64xf32, #tpu.memory_space<vmem>> -> memref<128x64xf32, #tpu.memory_space<vmem>>
      %dma_start3A_182 = arith.constant 0 : i32
      %dma_start3A_183 = tpu.memref_slice %arg7[%add3A_150, %dma_start3A_182] : memref<56x128xi32, #tpu.memory_space<vmem>> -> memref<1x128xi32, #tpu.memory_space<vmem>>
      %dma_start3A_184 = tpu.memref_squeeze %dma_start3A_183 : memref<1x128xi32, #tpu.memory_space<vmem>> -> memref<128xi32, #tpu.memory_space<vmem>>
      %dma_start3A_185 = arith.constant 0 : i32
      %dma_start3A_186 = arith.constant 0 : i32
      %dma_start3A_187 = tpu.memref_slice %arg2[%dma_start3A_185, %dma_start3A_186] : memref<10000x64xf32, #tpu.memory_space<hbm>> -> memref<10000x64xf32, #tpu.memory_space<hbm>>
      tpu.enqueue_indirect_dma source(%dma_start3A_187 : memref<10000x64xf32, #tpu.memory_space<hbm>>) target(%dma_start3A_181 : memref<128x64xf32, #tpu.memory_space<vmem>>) offsets(%dma_start3A_184 : memref<128xi32, #tpu.memory_space<vmem>>) semaphore(%arg15 : memref<!tpu.dma_semaphore, #tpu.memory_space<semaphore_mem>>)
      %dma_start3A_188 = arith.constant 128 : i32
      %dma_start3A_189 = arith.constant 0 : i32
      %dma_start3A_190 = tpu.memref_slice %arg12[%dma_start3A_188, %dma_start3A_189] : memref<512x32xf32, #tpu.memory_space<vmem>> -> memref<128x32xf32, #tpu.memory_space<vmem>>
      %dma_start3A_191 = arith.constant 0 : i32
      %dma_start3A_192 = tpu.memref_slice %arg8[%add3A_152, %dma_start3A_191] : memref<56x128xi32, #tpu.memory_space<vmem>> -> memref<1x128xi32, #tpu.memory_space<vmem>>
      %dma_start3A_193 = tpu.memref_squeeze %dma_start3A_192 : memref<1x128xi32, #tpu.memory_space<vmem>> -> memref<128xi32, #tpu.memory_space<vmem>>
      %dma_start3A_194 = arith.constant 0 : i32
      %dma_start3A_195 = arith.constant 0 : i32
      %dma_start3A_196 = tpu.memref_slice %arg3[%dma_start3A_194, %dma_start3A_195] : memref<10000x32xf32, #tpu.memory_space<hbm>> -> memref<10000x32xf32, #tpu.memory_space<hbm>>
      tpu.enqueue_indirect_dma source(%dma_start3A_196 : memref<10000x32xf32, #tpu.memory_space<hbm>>) target(%dma_start3A_190 : memref<128x32xf32, #tpu.memory_space<vmem>>) offsets(%dma_start3A_193 : memref<128xi32, #tpu.memory_space<vmem>>) semaphore(%arg15 : memref<!tpu.dma_semaphore, #tpu.memory_space<semaphore_mem>>)
      %dma_start3A_197 = arith.constant 256 : i32
      %dma_start3A_198 = arith.constant 0 : i32
      %dma_start3A_199 = tpu.memref_slice %arg10[%dma_start3A_197, %dma_start3A_198] : memref<512x64xf32, #tpu.memory_space<vmem>> -> memref<128x64xf32, #tpu.memory_space<vmem>>
      %dma_start3A_200 = arith.constant 0 : i32
      %dma_start3A_201 = tpu.memref_slice %arg7[%add3A_154, %dma_start3A_200] : memref<56x128xi32, #tpu.memory_space<vmem>> -> memref<1x128xi32, #tpu.memory_space<vmem>>
      %dma_start3A_202 = tpu.memref_squeeze %dma_start3A_201 : memref<1x128xi32, #tpu.memory_space<vmem>> -> memref<128xi32, #tpu.memory_space<vmem>>
      %dma_start3A_203 = arith.constant 0 : i32
      %dma_start3A_204 = arith.constant 0 : i32
      %dma_start3A_205 = tpu.memref_slice %arg2[%dma_start3A_203, %dma_start3A_204] : memref<10000x64xf32, #tpu.memory_space<hbm>> -> memref<10000x64xf32, #tpu.memory_space<hbm>>
      tpu.enqueue_indirect_dma source(%dma_start3A_205 : memref<10000x64xf32, #tpu.memory_space<hbm>>) target(%dma_start3A_199 : memref<128x64xf32, #tpu.memory_space<vmem>>) offsets(%dma_start3A_202 : memref<128xi32, #tpu.memory_space<vmem>>) semaphore(%arg15 : memref<!tpu.dma_semaphore, #tpu.memory_space<semaphore_mem>>)
      %dma_start3A_206 = arith.constant 256 : i32
      %dma_start3A_207 = arith.constant 0 : i32
      %dma_start3A_208 = tpu.memref_slice %arg12[%dma_start3A_206, %dma_start3A_207] : memref<512x32xf32, #tpu.memory_space<vmem>> -> memref<128x32xf32, #tpu.memory_space<vmem>>
      %dma_start3A_209 = arith.constant 0 : i32
      %dma_start3A_210 = tpu.memref_slice %arg8[%add3A_156, %dma_start3A_209] : memref<56x128xi32, #tpu.memory_space<vmem>> -> memref<1x128xi32, #tpu.memory_space<vmem>>
      %dma_start3A_211 = tpu.memref_squeeze %dma_start3A_210 : memref<1x128xi32, #tpu.memory_space<vmem>> -> memref<128xi32, #tpu.memory_space<vmem>>
      %dma_start3A_212 = arith.constant 0 : i32
      %dma_start3A_213 = arith.constant 0 : i32
      %dma_start3A_214 = tpu.memref_slice %arg3[%dma_start3A_212, %dma_start3A_213] : memref<10000x32xf32, #tpu.memory_space<hbm>> -> memref<10000x32xf32, #tpu.memory_space<hbm>>
      tpu.enqueue_indirect_dma source(%dma_start3A_214 : memref<10000x32xf32, #tpu.memory_space<hbm>>) target(%dma_start3A_208 : memref<128x32xf32, #tpu.memory_space<vmem>>) offsets(%dma_start3A_211 : memref<128xi32, #tpu.memory_space<vmem>>) semaphore(%arg15 : memref<!tpu.dma_semaphore, #tpu.memory_space<semaphore_mem>>)
      %dma_start3A_215 = arith.constant 384 : i32
      %dma_start3A_216 = arith.constant 0 : i32
      %dma_start3A_217 = tpu.memref_slice %arg10[%dma_start3A_215, %dma_start3A_216] : memref<512x64xf32, #tpu.memory_space<vmem>> -> memref<128x64xf32, #tpu.memory_space<vmem>>
      %dma_start3A_218 = arith.constant 0 : i32
      %dma_start3A_219 = tpu.memref_slice %arg7[%add3A_158, %dma_start3A_218] : memref<56x128xi32, #tpu.memory_space<vmem>> -> memref<1x128xi32, #tpu.memory_space<vmem>>
      %dma_start3A_220 = tpu.memref_squeeze %dma_start3A_219 : memref<1x128xi32, #tpu.memory_space<vmem>> -> memref<128xi32, #tpu.memory_space<vmem>>
      %dma_start3A_221 = arith.constant 0 : i32
      %dma_start3A_222 = arith.constant 0 : i32
      %dma_start3A_223 = tpu.memref_slice %arg2[%dma_start3A_221, %dma_start3A_222] : memref<10000x64xf32, #tpu.memory_space<hbm>> -> memref<10000x64xf32, #tpu.memory_space<hbm>>
      tpu.enqueue_indirect_dma source(%dma_start3A_223 : memref<10000x64xf32, #tpu.memory_space<hbm>>) target(%dma_start3A_217 : memref<128x64xf32, #tpu.memory_space<vmem>>) offsets(%dma_start3A_220 : memref<128xi32, #tpu.memory_space<vmem>>) semaphore(%arg15 : memref<!tpu.dma_semaphore, #tpu.memory_space<semaphore_mem>>)
      %dma_start3A_224 = arith.constant 384 : i32
      %dma_start3A_225 = arith.constant 0 : i32
      %dma_start3A_226 = tpu.memref_slice %arg12[%dma_start3A_224, %dma_start3A_225] : memref<512x32xf32, #tpu.memory_space<vmem>> -> memref<128x32xf32, #tpu.memory_space<vmem>>
      %dma_start3A_227 = arith.constant 0 : i32
      %dma_start3A_228 = tpu.memref_slice %arg8[%add3A_160, %dma_start3A_227] : memref<56x128xi32, #tpu.memory_space<vmem>> -> memref<1x128xi32, #tpu.memory_space<vmem>>
      %dma_start3A_229 = tpu.memref_squeeze %dma_start3A_228 : memref<1x128xi32, #tpu.memory_space<vmem>> -> memref<128xi32, #tpu.memory_space<vmem>>
      %dma_start3A_230 = arith.constant 0 : i32
      %dma_start3A_231 = arith.constant 0 : i32
      %dma_start3A_232 = tpu.memref_slice %arg3[%dma_start3A_230, %dma_start3A_231] : memref<10000x32xf32, #tpu.memory_space<hbm>> -> memref<10000x32xf32, #tpu.memory_space<hbm>>
      tpu.enqueue_indirect_dma source(%dma_start3A_232 : memref<10000x32xf32, #tpu.memory_space<hbm>>) target(%dma_start3A_226 : memref<128x32xf32, #tpu.memory_space<vmem>>) offsets(%dma_start3A_229 : memref<128xi32, #tpu.memory_space<vmem>>) semaphore(%arg15 : memref<!tpu.dma_semaphore, #tpu.memory_space<semaphore_mem>>)
      %mul3A_233 = arith.constant 4 : i32
      %mul3A_234 = arith.muli %mul3A_136, %mul3A_233 : i32
      %add3A_235 = arith.constant 0 : i32
      %add3A_236 = arith.addi %mul3A_234, %add3A_235 : i32
      %add3A_237 = arith.constant 0 : i32
      %add3A_238 = arith.addi %mul3A_234, %add3A_237 : i32
      %add3A_239 = arith.constant 1 : i32
      %add3A_240 = arith.addi %mul3A_234, %add3A_239 : i32
      %add3A_241 = arith.constant 1 : i32
      %add3A_242 = arith.addi %mul3A_234, %add3A_241 : i32
      %add3A_243 = arith.constant 2 : i32
      %add3A_244 = arith.addi %mul3A_234, %add3A_243 : i32
      %add3A_245 = arith.constant 2 : i32
      %add3A_246 = arith.addi %mul3A_234, %add3A_245 : i32
      %add3A_247 = arith.constant 3 : i32
      %add3A_248 = arith.addi %mul3A_234, %add3A_247 : i32
      %add3A_249 = arith.constant 3 : i32
      %add3A_250 = arith.addi %mul3A_234, %add3A_249 : i32
      %dma_wait3A_251 = arith.constant 0 : i32
      %dma_wait3A_252 = arith.constant 0 : i32
      %dma_wait3A_253 = tpu.memref_slice %arg9[%dma_wait3A_251, %dma_wait3A_252] : memref<512x64xf32, #tpu.memory_space<vmem>> -> memref<128x64xf32, #tpu.memory_space<vmem>>
      %dma_wait3A_254 = arith.constant 0 : i32
      %dma_wait3A_255 = tpu.memref_slice %arg7[%add3A_236, %dma_wait3A_254] : memref<56x128xi32, #tpu.memory_space<vmem>> -> memref<1x128xi32, #tpu.memory_space<vmem>>
      %dma_wait3A_256 = tpu.memref_squeeze %dma_wait3A_255 : memref<1x128xi32, #tpu.memory_space<vmem>> -> memref<128xi32, #tpu.memory_space<vmem>>
      %dma_wait3A_257 = arith.constant 0 : i32
      %dma_wait3A_258 = arith.constant 0 : i32
      %dma_wait3A_259 = tpu.memref_slice %arg2[%dma_wait3A_257, %dma_wait3A_258] : memref<10000x64xf32, #tpu.memory_space<hbm>> -> memref<10000x64xf32, #tpu.memory_space<hbm>>
      tpu.wait_indirect_dma semaphore(%arg14 : memref<!tpu.dma_semaphore, #tpu.memory_space<semaphore_mem>>) src(%dma_wait3A_259 : memref<10000x64xf32, #tpu.memory_space<hbm>>) dst(%dma_wait3A_253 : memref<128x64xf32, #tpu.memory_space<vmem>>)
      %dma_wait3A_260 = arith.constant 0 : i32
      %dma_wait3A_261 = arith.constant 0 : i32
      %dma_wait3A_262 = tpu.memref_slice %arg11[%dma_wait3A_260, %dma_wait3A_261] : memref<512x32xf32, #tpu.memory_space<vmem>> -> memref<128x32xf32, #tpu.memory_space<vmem>>
      %dma_wait3A_263 = arith.constant 0 : i32
      %dma_wait3A_264 = tpu.memref_slice %arg8[%add3A_238, %dma_wait3A_263] : memref<56x128xi32, #tpu.memory_space<vmem>> -> memref<1x128xi32, #tpu.memory_space<vmem>>
      %dma_wait3A_265 = tpu.memref_squeeze %dma_wait3A_264 : memref<1x128xi32, #tpu.memory_space<vmem>> -> memref<128xi32, #tpu.memory_space<vmem>>
      %dma_wait3A_266 = arith.constant 0 : i32
      %dma_wait3A_267 = arith.constant 0 : i32
      %dma_wait3A_268 = tpu.memref_slice %arg3[%dma_wait3A_266, %dma_wait3A_267] : memref<10000x32xf32, #tpu.memory_space<hbm>> -> memref<10000x32xf32, #tpu.memory_space<hbm>>
      tpu.wait_indirect_dma semaphore(%arg14 : memref<!tpu.dma_semaphore, #tpu.memory_space<semaphore_mem>>) src(%dma_wait3A_268 : memref<10000x32xf32, #tpu.memory_space<hbm>>) dst(%dma_wait3A_262 : memref<128x32xf32, #tpu.memory_space<vmem>>)
      %dma_wait3A_269 = arith.constant 128 : i32
      %dma_wait3A_270 = arith.constant 0 : i32
      %dma_wait3A_271 = tpu.memref_slice %arg9[%dma_wait3A_269, %dma_wait3A_270] : memref<512x64xf32, #tpu.memory_space<vmem>> -> memref<128x64xf32, #tpu.memory_space<vmem>>
      %dma_wait3A_272 = arith.constant 0 : i32
      %dma_wait3A_273 = tpu.memref_slice %arg7[%add3A_240, %dma_wait3A_272] : memref<56x128xi32, #tpu.memory_space<vmem>> -> memref<1x128xi32, #tpu.memory_space<vmem>>
      %dma_wait3A_274 = tpu.memref_squeeze %dma_wait3A_273 : memref<1x128xi32, #tpu.memory_space<vmem>> -> memref<128xi32, #tpu.memory_space<vmem>>
      %dma_wait3A_275 = arith.constant 0 : i32
      %dma_wait3A_276 = arith.constant 0 : i32
      %dma_wait3A_277 = tpu.memref_slice %arg2[%dma_wait3A_275, %dma_wait3A_276] : memref<10000x64xf32, #tpu.memory_space<hbm>> -> memref<10000x64xf32, #tpu.memory_space<hbm>>
      tpu.wait_indirect_dma semaphore(%arg14 : memref<!tpu.dma_semaphore, #tpu.memory_space<semaphore_mem>>) src(%dma_wait3A_277 : memref<10000x64xf32, #tpu.memory_space<hbm>>) dst(%dma_wait3A_271 : memref<128x64xf32, #tpu.memory_space<vmem>>)
      %dma_wait3A_278 = arith.constant 128 : i32
      %dma_wait3A_279 = arith.constant 0 : i32
      %dma_wait3A_280 = tpu.memref_slice %arg11[%dma_wait3A_278, %dma_wait3A_279] : memref<512x32xf32, #tpu.memory_space<vmem>> -> memref<128x32xf32, #tpu.memory_space<vmem>>
      %dma_wait3A_281 = arith.constant 0 : i32
      %dma_wait3A_282 = tpu.memref_slice %arg8[%add3A_242, %dma_wait3A_281] : memref<56x128xi32, #tpu.memory_space<vmem>> -> memref<1x128xi32, #tpu.memory_space<vmem>>
      %dma_wait3A_283 = tpu.memref_squeeze %dma_wait3A_282 : memref<1x128xi32, #tpu.memory_space<vmem>> -> memref<128xi32, #tpu.memory_space<vmem>>
      %dma_wait3A_284 = arith.constant 0 : i32
      %dma_wait3A_285 = arith.constant 0 : i32
      %dma_wait3A_286 = tpu.memref_slice %arg3[%dma_wait3A_284, %dma_wait3A_285] : memref<10000x32xf32, #tpu.memory_space<hbm>> -> memref<10000x32xf32, #tpu.memory_space<hbm>>
      tpu.wait_indirect_dma semaphore(%arg14 : memref<!tpu.dma_semaphore, #tpu.memory_space<semaphore_mem>>) src(%dma_wait3A_286 : memref<10000x32xf32, #tpu.memory_space<hbm>>) dst(%dma_wait3A_280 : memref<128x32xf32, #tpu.memory_space<vmem>>)
      %dma_wait3A_287 = arith.constant 256 : i32
      %dma_wait3A_288 = arith.constant 0 : i32
      %dma_wait3A_289 = tpu.memref_slice %arg9[%dma_wait3A_287, %dma_wait3A_288] : memref<512x64xf32, #tpu.memory_space<vmem>> -> memref<128x64xf32, #tpu.memory_space<vmem>>
      %dma_wait3A_290 = arith.constant 0 : i32
      %dma_wait3A_291 = tpu.memref_slice %arg7[%add3A_244, %dma_wait3A_290] : memref<56x128xi32, #tpu.memory_space<vmem>> -> memref<1x128xi32, #tpu.memory_space<vmem>>
      %dma_wait3A_292 = tpu.memref_squeeze %dma_wait3A_291 : memref<1x128xi32, #tpu.memory_space<vmem>> -> memref<128xi32, #tpu.memory_space<vmem>>
      %dma_wait3A_293 = arith.constant 0 : i32
      %dma_wait3A_294 = arith.constant 0 : i32
      %dma_wait3A_295 = tpu.memref_slice %arg2[%dma_wait3A_293, %dma_wait3A_294] : memref<10000x64xf32, #tpu.memory_space<hbm>> -> memref<10000x64xf32, #tpu.memory_space<hbm>>
      tpu.wait_indirect_dma semaphore(%arg14 : memref<!tpu.dma_semaphore, #tpu.memory_space<semaphore_mem>>) src(%dma_wait3A_295 : memref<10000x64xf32, #tpu.memory_space<hbm>>) dst(%dma_wait3A_289 : memref<128x64xf32, #tpu.memory_space<vmem>>)
      %dma_wait3A_296 = arith.constant 256 : i32
      %dma_wait3A_297 = arith.constant 0 : i32
      %dma_wait3A_298 = tpu.memref_slice %arg11[%dma_wait3A_296, %dma_wait3A_297] : memref<512x32xf32, #tpu.memory_space<vmem>> -> memref<128x32xf32, #tpu.memory_space<vmem>>
      %dma_wait3A_299 = arith.constant 0 : i32
      %dma_wait3A_300 = tpu.memref_slice %arg8[%add3A_246, %dma_wait3A_299] : memref<56x128xi32, #tpu.memory_space<vmem>> -> memref<1x128xi32, #tpu.memory_space<vmem>>
      %dma_wait3A_301 = tpu.memref_squeeze %dma_wait3A_300 : memref<1x128xi32, #tpu.memory_space<vmem>> -> memref<128xi32, #tpu.memory_space<vmem>>
      %dma_wait3A_302 = arith.constant 0 : i32
      %dma_wait3A_303 = arith.constant 0 : i32
      %dma_wait3A_304 = tpu.memref_slice %arg3[%dma_wait3A_302, %dma_wait3A_303] : memref<10000x32xf32, #tpu.memory_space<hbm>> -> memref<10000x32xf32, #tpu.memory_space<hbm>>
      tpu.wait_indirect_dma semaphore(%arg14 : memref<!tpu.dma_semaphore, #tpu.memory_space<semaphore_mem>>) src(%dma_wait3A_304 : memref<10000x32xf32, #tpu.memory_space<hbm>>) dst(%dma_wait3A_298 : memref<128x32xf32, #tpu.memory_space<vmem>>)
      %dma_wait3A_305 = arith.constant 384 : i32
      %dma_wait3A_306 = arith.constant 0 : i32
      %dma_wait3A_307 = tpu.memref_slice %arg9[%dma_wait3A_305, %dma_wait3A_306] : memref<512x64xf32, #tpu.memory_space<vmem>> -> memref<128x64xf32, #tpu.memory_space<vmem>>
      %dma_wait3A_308 = arith.constant 0 : i32
      %dma_wait3A_309 = tpu.memref_slice %arg7[%add3A_248, %dma_wait3A_308] : memref<56x128xi32, #tpu.memory_space<vmem>> -> memref<1x128xi32, #tpu.memory_space<vmem>>
      %dma_wait3A_310 = tpu.memref_squeeze %dma_wait3A_309 : memref<1x128xi32, #tpu.memory_space<vmem>> -> memref<128xi32, #tpu.memory_space<vmem>>
      %dma_wait3A_311 = arith.constant 0 : i32
      %dma_wait3A_312 = arith.constant 0 : i32
      %dma_wait3A_313 = tpu.memref_slice %arg2[%dma_wait3A_311, %dma_wait3A_312] : memref<10000x64xf32, #tpu.memory_space<hbm>> -> memref<10000x64xf32, #tpu.memory_space<hbm>>
      tpu.wait_indirect_dma semaphore(%arg14 : memref<!tpu.dma_semaphore, #tpu.memory_space<semaphore_mem>>) src(%dma_wait3A_313 : memref<10000x64xf32, #tpu.memory_space<hbm>>) dst(%dma_wait3A_307 : memref<128x64xf32, #tpu.memory_space<vmem>>)
      %dma_wait3A_314 = arith.constant 384 : i32
      %dma_wait3A_315 = arith.constant 0 : i32
      %dma_wait3A_316 = tpu.memref_slice %arg11[%dma_wait3A_314, %dma_wait3A_315] : memref<512x32xf32, #tpu.memory_space<vmem>> -> memref<128x32xf32, #tpu.memory_space<vmem>>
      %dma_wait3A_317 = arith.constant 0 : i32
      %dma_wait3A_318 = tpu.memref_slice %arg8[%add3A_250, %dma_wait3A_317] : memref<56x128xi32, #tpu.memory_space<vmem>> -> memref<1x128xi32, #tpu.memory_space<vmem>>
      %dma_wait3A_319 = tpu.memref_squeeze %dma_wait3A_318 : memref<1x128xi32, #tpu.memory_space<vmem>> -> memref<128xi32, #tpu.memory_space<vmem>>
      %dma_wait3A_320 = arith.constant 0 : i32
      %dma_wait3A_321 = arith.constant 0 : i32
      %dma_wait3A_322 = tpu.memref_slice %arg3[%dma_wait3A_320, %dma_wait3A_321] : memref<10000x32xf32, #tpu.memory_space<hbm>> -> memref<10000x32xf32, #tpu.memory_space<hbm>>
      tpu.wait_indirect_dma semaphore(%arg14 : memref<!tpu.dma_semaphore, #tpu.memory_space<semaphore_mem>>) src(%dma_wait3A_322 : memref<10000x32xf32, #tpu.memory_space<hbm>>) dst(%dma_wait3A_316 : memref<128x32xf32, #tpu.memory_space<vmem>>)
      %mul3A_323 = arith.constant 4 : i32
      %mul3A_324 = arith.muli %mul3A_136, %mul3A_323 : i32
      %mul3A_325 = arith.constant 128 : i32
      %mul3A_326 = arith.muli %mul3A_324, %mul3A_325 : i32
      %add3A_327 = arith.addi %mul3A_10, %mul3A_326 : i32
      %dma_start3A_328 = arith.constant 0 : i32
      %dma_start3A_329 = tpu.memref_slice %arg6[%add3A_327, %dma_start3A_328] : memref<163840x128xf32, #tpu.memory_space<hbm>> -> memref<512x64xf32, #tpu.memory_space<hbm>>
      %dma_start3A_330 = arith.constant 0 : i32
      %dma_start3A_331 = tpu.memref_slice %arg6[%add3A_327, %dma_start3A_330] : memref<163840x128xf32, #tpu.memory_space<hbm>> -> memref<512x64xf32, #tpu.memory_space<hbm>>
      tpu.enqueue_dma source(%arg9 : memref<512x64xf32, #tpu.memory_space<vmem>>) target(%dma_start3A_331 : memref<512x64xf32, #tpu.memory_space<hbm>>) target_semaphore(%arg16 : memref<!tpu.dma_semaphore, #tpu.memory_space<semaphore_mem>>)
      %dma_start3A_332 = arith.constant 64 : i32
      %dma_start3A_333 = tpu.memref_slice %arg6[%add3A_327, %dma_start3A_332] : memref<163840x128xf32, #tpu.memory_space<hbm>> -> memref<512x32xf32, #tpu.memory_space<hbm>>
      %dma_start3A_334 = arith.constant 64 : i32
      %dma_start3A_335 = tpu.memref_slice %arg6[%add3A_327, %dma_start3A_334] : memref<163840x128xf32, #tpu.memory_space<hbm>> -> memref<512x32xf32, #tpu.memory_space<hbm>>
      tpu.enqueue_dma source(%arg11 : memref<512x32xf32, #tpu.memory_space<vmem>>) target(%dma_start3A_335 : memref<512x32xf32, #tpu.memory_space<hbm>>) target_semaphore(%arg16 : memref<!tpu.dma_semaphore, #tpu.memory_space<semaphore_mem>>)
      %mul3A_336 = arith.constant 4 : i32
      %mul3A_337 = arith.muli %add3A_140, %mul3A_336 : i32
      %add3A_338 = arith.constant 0 : i32
      %add3A_339 = arith.addi %mul3A_337, %add3A_338 : i32
      %add3A_340 = arith.constant 0 : i32
      %add3A_341 = arith.addi %mul3A_337, %add3A_340 : i32
      %add3A_342 = arith.constant 1 : i32
      %add3A_343 = arith.addi %mul3A_337, %add3A_342 : i32
      %add3A_344 = arith.constant 1 : i32
      %add3A_345 = arith.addi %mul3A_337, %add3A_344 : i32
      %add3A_346 = arith.constant 2 : i32
      %add3A_347 = arith.addi %mul3A_337, %add3A_346 : i32
      %add3A_348 = arith.constant 2 : i32
      %add3A_349 = arith.addi %mul3A_337, %add3A_348 : i32
      %add3A_350 = arith.constant 3 : i32
      %add3A_351 = arith.addi %mul3A_337, %add3A_350 : i32
      %add3A_352 = arith.constant 3 : i32
      %add3A_353 = arith.addi %mul3A_337, %add3A_352 : i32
      %dma_wait3A_354 = arith.constant 0 : i32
      %dma_wait3A_355 = arith.constant 0 : i32
      %dma_wait3A_356 = tpu.memref_slice %arg10[%dma_wait3A_354, %dma_wait3A_355] : memref<512x64xf32, #tpu.memory_space<vmem>> -> memref<128x64xf32, #tpu.memory_space<vmem>>
      %dma_wait3A_357 = arith.constant 0 : i32
      %dma_wait3A_358 = tpu.memref_slice %arg7[%add3A_339, %dma_wait3A_357] : memref<56x128xi32, #tpu.memory_space<vmem>> -> memref<1x128xi32, #tpu.memory_space<vmem>>
      %dma_wait3A_359 = tpu.memref_squeeze %dma_wait3A_358 : memref<1x128xi32, #tpu.memory_space<vmem>> -> memref<128xi32, #tpu.memory_space<vmem>>
      %dma_wait3A_360 = arith.constant 0 : i32
      %dma_wait3A_361 = arith.constant 0 : i32
      %dma_wait3A_362 = tpu.memref_slice %arg2[%dma_wait3A_360, %dma_wait3A_361] : memref<10000x64xf32, #tpu.memory_space<hbm>> -> memref<10000x64xf32, #tpu.memory_space<hbm>>
      tpu.wait_indirect_dma semaphore(%arg15 : memref<!tpu.dma_semaphore, #tpu.memory_space<semaphore_mem>>) src(%dma_wait3A_362 : memref<10000x64xf32, #tpu.memory_space<hbm>>) dst(%dma_wait3A_356 : memref<128x64xf32, #tpu.memory_space<vmem>>)
      %dma_wait3A_363 = arith.constant 0 : i32
      %dma_wait3A_364 = arith.constant 0 : i32
      %dma_wait3A_365 = tpu.memref_slice %arg12[%dma_wait3A_363, %dma_wait3A_364] : memref<512x32xf32, #tpu.memory_space<vmem>> -> memref<128x32xf32, #tpu.memory_space<vmem>>
      %dma_wait3A_366 = arith.constant 0 : i32
      %dma_wait3A_367 = tpu.memref_slice %arg8[%add3A_341, %dma_wait3A_366] : memref<56x128xi32, #tpu.memory_space<vmem>> -> memref<1x128xi32, #tpu.memory_space<vmem>>
      %dma_wait3A_368 = tpu.memref_squeeze %dma_wait3A_367 : memref<1x128xi32, #tpu.memory_space<vmem>> -> memref<128xi32, #tpu.memory_space<vmem>>
      %dma_wait3A_369 = arith.constant 0 : i32
      %dma_wait3A_370 = arith.constant 0 : i32
      %dma_wait3A_371 = tpu.memref_slice %arg3[%dma_wait3A_369, %dma_wait3A_370] : memref<10000x32xf32, #tpu.memory_space<hbm>> -> memref<10000x32xf32, #tpu.memory_space<hbm>>
      tpu.wait_indirect_dma semaphore(%arg15 : memref<!tpu.dma_semaphore, #tpu.memory_space<semaphore_mem>>) src(%dma_wait3A_371 : memref<10000x32xf32, #tpu.memory_space<hbm>>) dst(%dma_wait3A_365 : memref<128x32xf32, #tpu.memory_space<vmem>>)
      %dma_wait3A_372 = arith.constant 128 : i32
      %dma_wait3A_373 = arith.constant 0 : i32
      %dma_wait3A_374 = tpu.memref_slice %arg10[%dma_wait3A_372, %dma_wait3A_373] : memref<512x64xf32, #tpu.memory_space<vmem>> -> memref<128x64xf32, #tpu.memory_space<vmem>>
      %dma_wait3A_375 = arith.constant 0 : i32
      %dma_wait3A_376 = tpu.memref_slice %arg7[%add3A_343, %dma_wait3A_375] : memref<56x128xi32, #tpu.memory_space<vmem>> -> memref<1x128xi32, #tpu.memory_space<vmem>>
      %dma_wait3A_377 = tpu.memref_squeeze %dma_wait3A_376 : memref<1x128xi32, #tpu.memory_space<vmem>> -> memref<128xi32, #tpu.memory_space<vmem>>
      %dma_wait3A_378 = arith.constant 0 : i32
      %dma_wait3A_379 = arith.constant 0 : i32
      %dma_wait3A_380 = tpu.memref_slice %arg2[%dma_wait3A_378, %dma_wait3A_379] : memref<10000x64xf32, #tpu.memory_space<hbm>> -> memref<10000x64xf32, #tpu.memory_space<hbm>>
      tpu.wait_indirect_dma semaphore(%arg15 : memref<!tpu.dma_semaphore, #tpu.memory_space<semaphore_mem>>) src(%dma_wait3A_380 : memref<10000x64xf32, #tpu.memory_space<hbm>>) dst(%dma_wait3A_374 : memref<128x64xf32, #tpu.memory_space<vmem>>)
      %dma_wait3A_381 = arith.constant 128 : i32
      %dma_wait3A_382 = arith.constant 0 : i32
      %dma_wait3A_383 = tpu.memref_slice %arg12[%dma_wait3A_381, %dma_wait3A_382] : memref<512x32xf32, #tpu.memory_space<vmem>> -> memref<128x32xf32, #tpu.memory_space<vmem>>
      %dma_wait3A_384 = arith.constant 0 : i32
      %dma_wait3A_385 = tpu.memref_slice %arg8[%add3A_345, %dma_wait3A_384] : memref<56x128xi32, #tpu.memory_space<vmem>> -> memref<1x128xi32, #tpu.memory_space<vmem>>
      %dma_wait3A_386 = tpu.memref_squeeze %dma_wait3A_385 : memref<1x128xi32, #tpu.memory_space<vmem>> -> memref<128xi32, #tpu.memory_space<vmem>>
      %dma_wait3A_387 = arith.constant 0 : i32
      %dma_wait3A_388 = arith.constant 0 : i32
      %dma_wait3A_389 = tpu.memref_slice %arg3[%dma_wait3A_387, %dma_wait3A_388] : memref<10000x32xf32, #tpu.memory_space<hbm>> -> memref<10000x32xf32, #tpu.memory_space<hbm>>
      tpu.wait_indirect_dma semaphore(%arg15 : memref<!tpu.dma_semaphore, #tpu.memory_space<semaphore_mem>>) src(%dma_wait3A_389 : memref<10000x32xf32, #tpu.memory_space<hbm>>) dst(%dma_wait3A_383 : memref<128x32xf32, #tpu.memory_space<vmem>>)
      %dma_wait3A_390 = arith.constant 256 : i32
      %dma_wait3A_391 = arith.constant 0 : i32
      %dma_wait3A_392 = tpu.memref_slice %arg10[%dma_wait3A_390, %dma_wait3A_391] : memref<512x64xf32, #tpu.memory_space<vmem>> -> memref<128x64xf32, #tpu.memory_space<vmem>>
      %dma_wait3A_393 = arith.constant 0 : i32
      %dma_wait3A_394 = tpu.memref_slice %arg7[%add3A_347, %dma_wait3A_393] : memref<56x128xi32, #tpu.memory_space<vmem>> -> memref<1x128xi32, #tpu.memory_space<vmem>>
      %dma_wait3A_395 = tpu.memref_squeeze %dma_wait3A_394 : memref<1x128xi32, #tpu.memory_space<vmem>> -> memref<128xi32, #tpu.memory_space<vmem>>
      %dma_wait3A_396 = arith.constant 0 : i32
      %dma_wait3A_397 = arith.constant 0 : i32
      %dma_wait3A_398 = tpu.memref_slice %arg2[%dma_wait3A_396, %dma_wait3A_397] : memref<10000x64xf32, #tpu.memory_space<hbm>> -> memref<10000x64xf32, #tpu.memory_space<hbm>>
      tpu.wait_indirect_dma semaphore(%arg15 : memref<!tpu.dma_semaphore, #tpu.memory_space<semaphore_mem>>) src(%dma_wait3A_398 : memref<10000x64xf32, #tpu.memory_space<hbm>>) dst(%dma_wait3A_392 : memref<128x64xf32, #tpu.memory_space<vmem>>)
      %dma_wait3A_399 = arith.constant 256 : i32
      %dma_wait3A_400 = arith.constant 0 : i32
      %dma_wait3A_401 = tpu.memref_slice %arg12[%dma_wait3A_399, %dma_wait3A_400] : memref<512x32xf32, #tpu.memory_space<vmem>> -> memref<128x32xf32, #tpu.memory_space<vmem>>
      %dma_wait3A_402 = arith.constant 0 : i32
      %dma_wait3A_403 = tpu.memref_slice %arg8[%add3A_349, %dma_wait3A_402] : memref<56x128xi32, #tpu.memory_space<vmem>> -> memref<1x128xi32, #tpu.memory_space<vmem>>
      %dma_wait3A_404 = tpu.memref_squeeze %dma_wait3A_403 : memref<1x128xi32, #tpu.memory_space<vmem>> -> memref<128xi32, #tpu.memory_space<vmem>>
      %dma_wait3A_405 = arith.constant 0 : i32
      %dma_wait3A_406 = arith.constant 0 : i32
      %dma_wait3A_407 = tpu.memref_slice %arg3[%dma_wait3A_405, %dma_wait3A_406] : memref<10000x32xf32, #tpu.memory_space<hbm>> -> memref<10000x32xf32, #tpu.memory_space<hbm>>
      tpu.wait_indirect_dma semaphore(%arg15 : memref<!tpu.dma_semaphore, #tpu.memory_space<semaphore_mem>>) src(%dma_wait3A_407 : memref<10000x32xf32, #tpu.memory_space<hbm>>) dst(%dma_wait3A_401 : memref<128x32xf32, #tpu.memory_space<vmem>>)
      %dma_wait3A_408 = arith.constant 384 : i32
      %dma_wait3A_409 = arith.constant 0 : i32
      %dma_wait3A_410 = tpu.memref_slice %arg10[%dma_wait3A_408, %dma_wait3A_409] : memref<512x64xf32, #tpu.memory_space<vmem>> -> memref<128x64xf32, #tpu.memory_space<vmem>>
      %dma_wait3A_411 = arith.constant 0 : i32
      %dma_wait3A_412 = tpu.memref_slice %arg7[%add3A_351, %dma_wait3A_411] : memref<56x128xi32, #tpu.memory_space<vmem>> -> memref<1x128xi32, #tpu.memory_space<vmem>>
      %dma_wait3A_413 = tpu.memref_squeeze %dma_wait3A_412 : memref<1x128xi32, #tpu.memory_space<vmem>> -> memref<128xi32, #tpu.memory_space<vmem>>
      %dma_wait3A_414 = arith.constant 0 : i32
      %dma_wait3A_415 = arith.constant 0 : i32
      %dma_wait3A_416 = tpu.memref_slice %arg2[%dma_wait3A_414, %dma_wait3A_415] : memref<10000x64xf32, #tpu.memory_space<hbm>> -> memref<10000x64xf32, #tpu.memory_space<hbm>>
      tpu.wait_indirect_dma semaphore(%arg15 : memref<!tpu.dma_semaphore, #tpu.memory_space<semaphore_mem>>) src(%dma_wait3A_416 : memref<10000x64xf32, #tpu.memory_space<hbm>>) dst(%dma_wait3A_410 : memref<128x64xf32, #tpu.memory_space<vmem>>)
      %dma_wait3A_417 = arith.constant 384 : i32
      %dma_wait3A_418 = arith.constant 0 : i32
      %dma_wait3A_419 = tpu.memref_slice %arg12[%dma_wait3A_417, %dma_wait3A_418] : memref<512x32xf32, #tpu.memory_space<vmem>> -> memref<128x32xf32, #tpu.memory_space<vmem>>
      %dma_wait3A_420 = arith.constant 0 : i32
      %dma_wait3A_421 = tpu.memref_slice %arg8[%add3A_353, %dma_wait3A_420] : memref<56x128xi32, #tpu.memory_space<vmem>> -> memref<1x128xi32, #tpu.memory_space<vmem>>
      %dma_wait3A_422 = tpu.memref_squeeze %dma_wait3A_421 : memref<1x128xi32, #tpu.memory_space<vmem>> -> memref<128xi32, #tpu.memory_space<vmem>>
      %dma_wait3A_423 = arith.constant 0 : i32
      %dma_wait3A_424 = arith.constant 0 : i32
      %dma_wait3A_425 = tpu.memref_slice %arg3[%dma_wait3A_423, %dma_wait3A_424] : memref<10000x32xf32, #tpu.memory_space<hbm>> -> memref<10000x32xf32, #tpu.memory_space<hbm>>
      tpu.wait_indirect_dma semaphore(%arg15 : memref<!tpu.dma_semaphore, #tpu.memory_space<semaphore_mem>>) src(%dma_wait3A_425 : memref<10000x32xf32, #tpu.memory_space<hbm>>) dst(%dma_wait3A_419 : memref<128x32xf32, #tpu.memory_space<vmem>>)
      %mul3A_426 = arith.constant 4 : i32
      %mul3A_427 = arith.muli %add3A_140, %mul3A_426 : i32
      %mul3A_428 = arith.constant 128 : i32
      %mul3A_429 = arith.muli %mul3A_427, %mul3A_428 : i32
      %add3A_430 = arith.addi %mul3A_10, %mul3A_429 : i32
      %dma_start3A_431 = arith.constant 0 : i32
      %dma_start3A_432 = tpu.memref_slice %arg6[%add3A_430, %dma_start3A_431] : memref<163840x128xf32, #tpu.memory_space<hbm>> -> memref<512x64xf32, #tpu.memory_space<hbm>>
      %dma_start3A_433 = arith.constant 0 : i32
      %dma_start3A_434 = tpu.memref_slice %arg6[%add3A_430, %dma_start3A_433] : memref<163840x128xf32, #tpu.memory_space<hbm>> -> memref<512x64xf32, #tpu.memory_space<hbm>>
      tpu.enqueue_dma source(%arg10 : memref<512x64xf32, #tpu.memory_space<vmem>>) target(%dma_start3A_434 : memref<512x64xf32, #tpu.memory_space<hbm>>) target_semaphore(%arg17 : memref<!tpu.dma_semaphore, #tpu.memory_space<semaphore_mem>>)
      %dma_start3A_435 = arith.constant 64 : i32
      %dma_start3A_436 = tpu.memref_slice %arg6[%add3A_430, %dma_start3A_435] : memref<163840x128xf32, #tpu.memory_space<hbm>> -> memref<512x32xf32, #tpu.memory_space<hbm>>
      %dma_start3A_437 = arith.constant 64 : i32
      %dma_start3A_438 = tpu.memref_slice %arg6[%add3A_430, %dma_start3A_437] : memref<163840x128xf32, #tpu.memory_space<hbm>> -> memref<512x32xf32, #tpu.memory_space<hbm>>
      tpu.enqueue_dma source(%arg12 : memref<512x32xf32, #tpu.memory_space<vmem>>) target(%dma_start3A_438 : memref<512x32xf32, #tpu.memory_space<hbm>>) target_semaphore(%arg17 : memref<!tpu.dma_semaphore, #tpu.memory_space<semaphore_mem>>)
      %sub3A = arith.constant 1 : i32
      %sub3A_439 = arith.subi %select_n3A_8, %sub3A : i32
      %lt3A = arith.cmpi slt, %while3A_134, %sub3A_439 : i32
      %convert_element_type3A_440 = arith.extui %lt3A : i1 to i32
      %cond3A_441 = arith.constant 0 : i32
      %cond3A_442 = arith.cmpi ne, %convert_element_type3A_440, %cond3A_441 : i32
      scf.if %cond3A_442 {
        %mul3A_443 = arith.constant 4 : i32
        %mul3A_444 = arith.muli %mul3A_136, %mul3A_443 : i32
        %mul3A_445 = arith.constant 128 : i32
        %mul3A_446 = arith.muli %mul3A_444, %mul3A_445 : i32
        %add3A_447 = arith.addi %mul3A_10, %mul3A_446 : i32
        %dma_wait3A_448 = arith.constant 0 : i32
        %dma_wait3A_449 = tpu.memref_slice %arg6[%add3A_447, %dma_wait3A_448] : memref<163840x128xf32, #tpu.memory_space<hbm>> -> memref<512x64xf32, #tpu.memory_space<hbm>>
        %dma_wait3A_450 = arith.constant 0 : i32
        %dma_wait3A_451 = tpu.memref_slice %arg6[%add3A_447, %dma_wait3A_450] : memref<163840x128xf32, #tpu.memory_space<hbm>> -> memref<512x64xf32, #tpu.memory_space<hbm>>
        tpu.wait_dma2 semaphore(%arg16 : memref<!tpu.dma_semaphore, #tpu.memory_space<semaphore_mem>>) src(%arg9 : memref<512x64xf32, #tpu.memory_space<vmem>>) dst(%dma_wait3A_451 : memref<512x64xf32, #tpu.memory_space<hbm>>)
        %dma_wait3A_452 = arith.constant 64 : i32
        %dma_wait3A_453 = tpu.memref_slice %arg6[%add3A_447, %dma_wait3A_452] : memref<163840x128xf32, #tpu.memory_space<hbm>> -> memref<512x32xf32, #tpu.memory_space<hbm>>
        %dma_wait3A_454 = arith.constant 64 : i32
        %dma_wait3A_455 = tpu.memref_slice %arg6[%add3A_447, %dma_wait3A_454] : memref<163840x128xf32, #tpu.memory_space<hbm>> -> memref<512x32xf32, #tpu.memory_space<hbm>>
        tpu.wait_dma2 semaphore(%arg16 : memref<!tpu.dma_semaphore, #tpu.memory_space<semaphore_mem>>) src(%arg11 : memref<512x32xf32, #tpu.memory_space<vmem>>) dst(%dma_wait3A_455 : memref<512x32xf32, #tpu.memory_space<hbm>>)
        %add3A_456 = arith.constant 2 : i32
        %add3A_457 = arith.addi %mul3A_136, %add3A_456 : i32
        %mul3A_458 = arith.constant 4 : i32
        %mul3A_459 = arith.muli %add3A_457, %mul3A_458 : i32
        %add3A_460 = arith.constant 0 : i32
        %add3A_461 = arith.addi %mul3A_459, %add3A_460 : i32
        %add3A_462 = arith.constant 0 : i32
        %add3A_463 = arith.addi %mul3A_459, %add3A_462 : i32
        %add3A_464 = arith.constant 1 : i32
        %add3A_465 = arith.addi %mul3A_459, %add3A_464 : i32
        %add3A_466 = arith.constant 1 : i32
        %add3A_467 = arith.addi %mul3A_459, %add3A_466 : i32
        %add3A_468 = arith.constant 2 : i32
        %add3A_469 = arith.addi %mul3A_459, %add3A_468 : i32
        %add3A_470 = arith.constant 2 : i32
        %add3A_471 = arith.addi %mul3A_459, %add3A_470 : i32
        %add3A_472 = arith.constant 3 : i32
        %add3A_473 = arith.addi %mul3A_459, %add3A_472 : i32
        %add3A_474 = arith.constant 3 : i32
        %add3A_475 = arith.addi %mul3A_459, %add3A_474 : i32
        %dma_start3A_476 = arith.constant 0 : i32
        %dma_start3A_477 = arith.constant 0 : i32
        %dma_start3A_478 = tpu.memref_slice %arg9[%dma_start3A_476, %dma_start3A_477] : memref<512x64xf32, #tpu.memory_space<vmem>> -> memref<128x64xf32, #tpu.memory_space<vmem>>
        %dma_start3A_479 = arith.constant 0 : i32
        %dma_start3A_480 = tpu.memref_slice %arg7[%add3A_461, %dma_start3A_479] : memref<56x128xi32, #tpu.memory_space<vmem>> -> memref<1x128xi32, #tpu.memory_space<vmem>>
        %dma_start3A_481 = tpu.memref_squeeze %dma_start3A_480 : memref<1x128xi32, #tpu.memory_space<vmem>> -> memref<128xi32, #tpu.memory_space<vmem>>
        %dma_start3A_482 = arith.constant 0 : i32
        %dma_start3A_483 = arith.constant 0 : i32
        %dma_start3A_484 = tpu.memref_slice %arg2[%dma_start3A_482, %dma_start3A_483] : memref<10000x64xf32, #tpu.memory_space<hbm>> -> memref<10000x64xf32, #tpu.memory_space<hbm>>
        tpu.enqueue_indirect_dma source(%dma_start3A_484 : memref<10000x64xf32, #tpu.memory_space<hbm>>) target(%dma_start3A_478 : memref<128x64xf32, #tpu.memory_space<vmem>>) offsets(%dma_start3A_481 : memref<128xi32, #tpu.memory_space<vmem>>) semaphore(%arg14 : memref<!tpu.dma_semaphore, #tpu.memory_space<semaphore_mem>>)
        %dma_start3A_485 = arith.constant 0 : i32
        %dma_start3A_486 = arith.constant 0 : i32
        %dma_start3A_487 = tpu.memref_slice %arg11[%dma_start3A_485, %dma_start3A_486] : memref<512x32xf32, #tpu.memory_space<vmem>> -> memref<128x32xf32, #tpu.memory_space<vmem>>
        %dma_start3A_488 = arith.constant 0 : i32
        %dma_start3A_489 = tpu.memref_slice %arg8[%add3A_463, %dma_start3A_488] : memref<56x128xi32, #tpu.memory_space<vmem>> -> memref<1x128xi32, #tpu.memory_space<vmem>>
        %dma_start3A_490 = tpu.memref_squeeze %dma_start3A_489 : memref<1x128xi32, #tpu.memory_space<vmem>> -> memref<128xi32, #tpu.memory_space<vmem>>
        %dma_start3A_491 = arith.constant 0 : i32
        %dma_start3A_492 = arith.constant 0 : i32
        %dma_start3A_493 = tpu.memref_slice %arg3[%dma_start3A_491, %dma_start3A_492] : memref<10000x32xf32, #tpu.memory_space<hbm>> -> memref<10000x32xf32, #tpu.memory_space<hbm>>
        tpu.enqueue_indirect_dma source(%dma_start3A_493 : memref<10000x32xf32, #tpu.memory_space<hbm>>) target(%dma_start3A_487 : memref<128x32xf32, #tpu.memory_space<vmem>>) offsets(%dma_start3A_490 : memref<128xi32, #tpu.memory_space<vmem>>) semaphore(%arg14 : memref<!tpu.dma_semaphore, #tpu.memory_space<semaphore_mem>>)
        %dma_start3A_494 = arith.constant 128 : i32
        %dma_start3A_495 = arith.constant 0 : i32
        %dma_start3A_496 = tpu.memref_slice %arg9[%dma_start3A_494, %dma_start3A_495] : memref<512x64xf32, #tpu.memory_space<vmem>> -> memref<128x64xf32, #tpu.memory_space<vmem>>
        %dma_start3A_497 = arith.constant 0 : i32
        %dma_start3A_498 = tpu.memref_slice %arg7[%add3A_465, %dma_start3A_497] : memref<56x128xi32, #tpu.memory_space<vmem>> -> memref<1x128xi32, #tpu.memory_space<vmem>>
        %dma_start3A_499 = tpu.memref_squeeze %dma_start3A_498 : memref<1x128xi32, #tpu.memory_space<vmem>> -> memref<128xi32, #tpu.memory_space<vmem>>
        %dma_start3A_500 = arith.constant 0 : i32
        %dma_start3A_501 = arith.constant 0 : i32
        %dma_start3A_502 = tpu.memref_slice %arg2[%dma_start3A_500, %dma_start3A_501] : memref<10000x64xf32, #tpu.memory_space<hbm>> -> memref<10000x64xf32, #tpu.memory_space<hbm>>
        tpu.enqueue_indirect_dma source(%dma_start3A_502 : memref<10000x64xf32, #tpu.memory_space<hbm>>) target(%dma_start3A_496 : memref<128x64xf32, #tpu.memory_space<vmem>>) offsets(%dma_start3A_499 : memref<128xi32, #tpu.memory_space<vmem>>) semaphore(%arg14 : memref<!tpu.dma_semaphore, #tpu.memory_space<semaphore_mem>>)
        %dma_start3A_503 = arith.constant 128 : i32
        %dma_start3A_504 = arith.constant 0 : i32
        %dma_start3A_505 = tpu.memref_slice %arg11[%dma_start3A_503, %dma_start3A_504] : memref<512x32xf32, #tpu.memory_space<vmem>> -> memref<128x32xf32, #tpu.memory_space<vmem>>
        %dma_start3A_506 = arith.constant 0 : i32
        %dma_start3A_507 = tpu.memref_slice %arg8[%add3A_467, %dma_start3A_506] : memref<56x128xi32, #tpu.memory_space<vmem>> -> memref<1x128xi32, #tpu.memory_space<vmem>>
        %dma_start3A_508 = tpu.memref_squeeze %dma_start3A_507 : memref<1x128xi32, #tpu.memory_space<vmem>> -> memref<128xi32, #tpu.memory_space<vmem>>
        %dma_start3A_509 = arith.constant 0 : i32
        %dma_start3A_510 = arith.constant 0 : i32
        %dma_start3A_511 = tpu.memref_slice %arg3[%dma_start3A_509, %dma_start3A_510] : memref<10000x32xf32, #tpu.memory_space<hbm>> -> memref<10000x32xf32, #tpu.memory_space<hbm>>
        tpu.enqueue_indirect_dma source(%dma_start3A_511 : memref<10000x32xf32, #tpu.memory_space<hbm>>) target(%dma_start3A_505 : memref<128x32xf32, #tpu.memory_space<vmem>>) offsets(%dma_start3A_508 : memref<128xi32, #tpu.memory_space<vmem>>) semaphore(%arg14 : memref<!tpu.dma_semaphore, #tpu.memory_space<semaphore_mem>>)
        %dma_start3A_512 = arith.constant 256 : i32
        %dma_start3A_513 = arith.constant 0 : i32
        %dma_start3A_514 = tpu.memref_slice %arg9[%dma_start3A_512, %dma_start3A_513] : memref<512x64xf32, #tpu.memory_space<vmem>> -> memref<128x64xf32, #tpu.memory_space<vmem>>
        %dma_start3A_515 = arith.constant 0 : i32
        %dma_start3A_516 = tpu.memref_slice %arg7[%add3A_469, %dma_start3A_515] : memref<56x128xi32, #tpu.memory_space<vmem>> -> memref<1x128xi32, #tpu.memory_space<vmem>>
        %dma_start3A_517 = tpu.memref_squeeze %dma_start3A_516 : memref<1x128xi32, #tpu.memory_space<vmem>> -> memref<128xi32, #tpu.memory_space<vmem>>
        %dma_start3A_518 = arith.constant 0 : i32
        %dma_start3A_519 = arith.constant 0 : i32
        %dma_start3A_520 = tpu.memref_slice %arg2[%dma_start3A_518, %dma_start3A_519] : memref<10000x64xf32, #tpu.memory_space<hbm>> -> memref<10000x64xf32, #tpu.memory_space<hbm>>
        tpu.enqueue_indirect_dma source(%dma_start3A_520 : memref<10000x64xf32, #tpu.memory_space<hbm>>) target(%dma_start3A_514 : memref<128x64xf32, #tpu.memory_space<vmem>>) offsets(%dma_start3A_517 : memref<128xi32, #tpu.memory_space<vmem>>) semaphore(%arg14 : memref<!tpu.dma_semaphore, #tpu.memory_space<semaphore_mem>>)
        %dma_start3A_521 = arith.constant 256 : i32
        %dma_start3A_522 = arith.constant 0 : i32
        %dma_start3A_523 = tpu.memref_slice %arg11[%dma_start3A_521, %dma_start3A_522] : memref<512x32xf32, #tpu.memory_space<vmem>> -> memref<128x32xf32, #tpu.memory_space<vmem>>
        %dma_start3A_524 = arith.constant 0 : i32
        %dma_start3A_525 = tpu.memref_slice %arg8[%add3A_471, %dma_start3A_524] : memref<56x128xi32, #tpu.memory_space<vmem>> -> memref<1x128xi32, #tpu.memory_space<vmem>>
        %dma_start3A_526 = tpu.memref_squeeze %dma_start3A_525 : memref<1x128xi32, #tpu.memory_space<vmem>> -> memref<128xi32, #tpu.memory_space<vmem>>
        %dma_start3A_527 = arith.constant 0 : i32
        %dma_start3A_528 = arith.constant 0 : i32
        %dma_start3A_529 = tpu.memref_slice %arg3[%dma_start3A_527, %dma_start3A_528] : memref<10000x32xf32, #tpu.memory_space<hbm>> -> memref<10000x32xf32, #tpu.memory_space<hbm>>
        tpu.enqueue_indirect_dma source(%dma_start3A_529 : memref<10000x32xf32, #tpu.memory_space<hbm>>) target(%dma_start3A_523 : memref<128x32xf32, #tpu.memory_space<vmem>>) offsets(%dma_start3A_526 : memref<128xi32, #tpu.memory_space<vmem>>) semaphore(%arg14 : memref<!tpu.dma_semaphore, #tpu.memory_space<semaphore_mem>>)
        %dma_start3A_530 = arith.constant 384 : i32
        %dma_start3A_531 = arith.constant 0 : i32
        %dma_start3A_532 = tpu.memref_slice %arg9[%dma_start3A_530, %dma_start3A_531] : memref<512x64xf32, #tpu.memory_space<vmem>> -> memref<128x64xf32, #tpu.memory_space<vmem>>
        %dma_start3A_533 = arith.constant 0 : i32
        %dma_start3A_534 = tpu.memref_slice %arg7[%add3A_473, %dma_start3A_533] : memref<56x128xi32, #tpu.memory_space<vmem>> -> memref<1x128xi32, #tpu.memory_space<vmem>>
        %dma_start3A_535 = tpu.memref_squeeze %dma_start3A_534 : memref<1x128xi32, #tpu.memory_space<vmem>> -> memref<128xi32, #tpu.memory_space<vmem>>
        %dma_start3A_536 = arith.constant 0 : i32
        %dma_start3A_537 = arith.constant 0 : i32
        %dma_start3A_538 = tpu.memref_slice %arg2[%dma_start3A_536, %dma_start3A_537] : memref<10000x64xf32, #tpu.memory_space<hbm>> -> memref<10000x64xf32, #tpu.memory_space<hbm>>
        tpu.enqueue_indirect_dma source(%dma_start3A_538 : memref<10000x64xf32, #tpu.memory_space<hbm>>) target(%dma_start3A_532 : memref<128x64xf32, #tpu.memory_space<vmem>>) offsets(%dma_start3A_535 : memref<128xi32, #tpu.memory_space<vmem>>) semaphore(%arg14 : memref<!tpu.dma_semaphore, #tpu.memory_space<semaphore_mem>>)
        %dma_start3A_539 = arith.constant 384 : i32
        %dma_start3A_540 = arith.constant 0 : i32
        %dma_start3A_541 = tpu.memref_slice %arg11[%dma_start3A_539, %dma_start3A_540] : memref<512x32xf32, #tpu.memory_space<vmem>> -> memref<128x32xf32, #tpu.memory_space<vmem>>
        %dma_start3A_542 = arith.constant 0 : i32
        %dma_start3A_543 = tpu.memref_slice %arg8[%add3A_475, %dma_start3A_542] : memref<56x128xi32, #tpu.memory_space<vmem>> -> memref<1x128xi32, #tpu.memory_space<vmem>>
        %dma_start3A_544 = tpu.memref_squeeze %dma_start3A_543 : memref<1x128xi32, #tpu.memory_space<vmem>> -> memref<128xi32, #tpu.memory_space<vmem>>
        %dma_start3A_545 = arith.constant 0 : i32
        %dma_start3A_546 = arith.constant 0 : i32
        %dma_start3A_547 = tpu.memref_slice %arg3[%dma_start3A_545, %dma_start3A_546] : memref<10000x32xf32, #tpu.memory_space<hbm>> -> memref<10000x32xf32, #tpu.memory_space<hbm>>
        tpu.enqueue_indirect_dma source(%dma_start3A_547 : memref<10000x32xf32, #tpu.memory_space<hbm>>) target(%dma_start3A_541 : memref<128x32xf32, #tpu.memory_space<vmem>>) offsets(%dma_start3A_544 : memref<128xi32, #tpu.memory_space<vmem>>) semaphore(%arg14 : memref<!tpu.dma_semaphore, #tpu.memory_space<semaphore_mem>>)
      } else {
      }
    }
    %add3A_114 = arith.constant 0 : i32
    %add3A_115 = arith.addi %mul3A_10, %add3A_114 : i32
    %dma_wait3A_116 = arith.constant 0 : i32
    %dma_wait3A_117 = tpu.memref_slice %arg6[%add3A_115, %dma_wait3A_116] : memref<163840x128xf32, #tpu.memory_space<hbm>> -> memref<512x64xf32, #tpu.memory_space<hbm>>
    %dma_wait3A_118 = arith.constant 0 : i32
    %dma_wait3A_119 = tpu.memref_slice %arg6[%add3A_115, %dma_wait3A_118] : memref<163840x128xf32, #tpu.memory_space<hbm>> -> memref<512x64xf32, #tpu.memory_space<hbm>>
    tpu.wait_dma2 semaphore(%arg16 : memref<!tpu.dma_semaphore, #tpu.memory_space<semaphore_mem>>) src(%arg9 : memref<512x64xf32, #tpu.memory_space<vmem>>) dst(%dma_wait3A_119 : memref<512x64xf32, #tpu.memory_space<hbm>>)
    %dma_wait3A_120 = arith.constant 64 : i32
    %dma_wait3A_121 = tpu.memref_slice %arg6[%add3A_115, %dma_wait3A_120] : memref<163840x128xf32, #tpu.memory_space<hbm>> -> memref<512x32xf32, #tpu.memory_space<hbm>>
    %dma_wait3A_122 = arith.constant 64 : i32
    %dma_wait3A_123 = tpu.memref_slice %arg6[%add3A_115, %dma_wait3A_122] : memref<163840x128xf32, #tpu.memory_space<hbm>> -> memref<512x32xf32, #tpu.memory_space<hbm>>
    tpu.wait_dma2 semaphore(%arg16 : memref<!tpu.dma_semaphore, #tpu.memory_space<semaphore_mem>>) src(%arg11 : memref<512x32xf32, #tpu.memory_space<vmem>>) dst(%dma_wait3A_123 : memref<512x32xf32, #tpu.memory_space<hbm>>)
    %add3A_124 = arith.constant 0 : i32
    %add3A_125 = arith.addi %mul3A_10, %add3A_124 : i32
    %dma_wait3A_126 = arith.constant 0 : i32
    %dma_wait3A_127 = tpu.memref_slice %arg6[%add3A_125, %dma_wait3A_126] : memref<163840x128xf32, #tpu.memory_space<hbm>> -> memref<512x64xf32, #tpu.memory_space<hbm>>
    %dma_wait3A_128 = arith.constant 0 : i32
    %dma_wait3A_129 = tpu.memref_slice %arg6[%add3A_125, %dma_wait3A_128] : memref<163840x128xf32, #tpu.memory_space<hbm>> -> memref<512x64xf32, #tpu.memory_space<hbm>>
    tpu.wait_dma2 semaphore(%arg17 : memref<!tpu.dma_semaphore, #tpu.memory_space<semaphore_mem>>) src(%arg10 : memref<512x64xf32, #tpu.memory_space<vmem>>) dst(%dma_wait3A_129 : memref<512x64xf32, #tpu.memory_space<hbm>>)
    %dma_wait3A_130 = arith.constant 64 : i32
    %dma_wait3A_131 = tpu.memref_slice %arg6[%add3A_125, %dma_wait3A_130] : memref<163840x128xf32, #tpu.memory_space<hbm>> -> memref<512x32xf32, #tpu.memory_space<hbm>>
    %dma_wait3A_132 = arith.constant 64 : i32
    %dma_wait3A_133 = tpu.memref_slice %arg6[%add3A_125, %dma_wait3A_132] : memref<163840x128xf32, #tpu.memory_space<hbm>> -> memref<512x32xf32, #tpu.memory_space<hbm>>
    tpu.wait_dma2 semaphore(%arg17 : memref<!tpu.dma_semaphore, #tpu.memory_space<semaphore_mem>>) src(%arg12 : memref<512x32xf32, #tpu.memory_space<vmem>>) dst(%dma_wait3A_133 : memref<512x32xf32, #tpu.memory_space<hbm>>)
    return
  }
}

module attributes {stable_mosaic.version = 14 : i64} {
  func.func @_tc1_body(%arg0: i32, %arg1: memref<1000x128xf32, #tpu.memory_space<vmem>>, %arg2: memref<1x1x1000xi32, #tpu.memory_space<vmem>>, %arg3: memref<16x16xf32, #tpu.memory_space<vmem>>, %arg4: memref<288x32xf32, #tpu.memory_space<vmem>>, %arg5: memref<1x32xf32, #tpu.memory_space<vmem>>, %arg6: memref<144x32xf32, #tpu.memory_space<vmem>>, %arg7: memref<1x32xf32, #tpu.memory_space<vmem>>, %arg8: memref<1000x64xf32, #tpu.memory_space<vmem>>, %arg9: memref<1000x32xf32, #tpu.memory_space<vmem>>) attributes {dimension_semantics = [#tpu.dimension_semantics<arbitrary>], iteration_bounds = array<i64: 10>, scalar_prefetch = 0 : i64, scratch_operands = 0 : i64, tpu.core_type = #tpu.core_type<tc>, window_params = [{transform_indices = @transform_0, window_bounds = array<i64: 1000, 128>}, {transform_indices = @transform_1, window_bounds = array<i64: 1, 1, 1000>}, {pipeline_mode = #tpu.pipeline_mode<synchronous>, transform_indices = @transform_2, window_bounds = array<i64: 16, 16>}, {pipeline_mode = #tpu.pipeline_mode<synchronous>, transform_indices = @transform_3, window_bounds = array<i64: 288, 32>}, {pipeline_mode = #tpu.pipeline_mode<synchronous>, transform_indices = @transform_4, window_bounds = array<i64: 1, 32>}, {pipeline_mode = #tpu.pipeline_mode<synchronous>, transform_indices = @transform_5, window_bounds = array<i64: 144, 32>}, {pipeline_mode = #tpu.pipeline_mode<synchronous>, transform_indices = @transform_6, window_bounds = array<i64: 1, 32>}, {transform_indices = @transform_7, window_bounds = array<i64: 1000, 64>}, {transform_indices = @transform_8, window_bounds = array<i64: 1000, 32>}]} {
    %get3A = arith.constant 0 : index
    %get3A_0 = arith.constant 0 : index
    %get3A_1 = vector.load %arg1[%get3A, %get3A_0] : memref<1000x128xf32, #tpu.memory_space<vmem>>, vector<1000x128xf32>
    %get3A_2 = arith.constant 0 : index
    %get3A_3 = arith.constant 0 : index
    %get3A_4 = arith.constant 0 : index
    %get3A_5 = vector.load %arg2[%get3A_2, %get3A_3, %get3A_4] : memref<1x1x1000xi32, #tpu.memory_space<vmem>>, vector<1x1x1000xi32>
    %get3A_6 = vector.shape_cast %get3A_5 : vector<1x1x1000xi32> to vector<1000xi32>
    %broadcast_in_dim3A = vector.shape_cast %get3A_6 : vector<1000xi32> to vector<1000x1xi32>
    %iota3A = tpu.iota {dimensions = array<i32: 1>} : vector<1000x16xi32>
    %eq3A = vector.broadcast %broadcast_in_dim3A : vector<1000x1xi32> to vector<1000x16xi32>
    %eq3A_7 = arith.cmpi eq, %eq3A, %iota3A : vector<1000x16xi32>
    %convert_element_type3A = arith.extui %eq3A_7 : vector<1000x16xi1> to vector<1000x16xi32>
    %convert_element_type3A_8 = arith.sitofp %convert_element_type3A : vector<1000x16xi32> to vector<1000x16xf32>
    %get3A_9 = arith.constant 0 : index
    %get3A_10 = arith.constant 0 : index
    %get3A_11 = vector.load %arg4[%get3A_9, %get3A_10] : memref<288x32xf32, #tpu.memory_space<vmem>>, vector<288x32xf32>
    %get3A_12 = arith.constant 0 : index
    %get3A_13 = arith.constant 0 : index
    %get3A_14 = vector.load %arg3[%get3A_12, %get3A_13] : memref<16x16xf32, #tpu.memory_space<vmem>>, vector<16x16xf32>
    %slice3A = vector.extract_strided_slice %get3A_11 {offsets = [272, 0], sizes = [16, 32], strides = [1, 1]} : vector<288x32xf32> to vector<16x32xf32>
    %dot_general3A = arith.constant dense<0.000000e+00> : vector<16x32xf32>
    %dot_general3A_15 = tpu.matmul %get3A_14, %slice3A, %dot_general3A {dimension_numbers = #tpu.dot_dimension_numbers<[1], [0], [0], [1], [0, 0, 1, 1], [], []>, transpose_lhs_hint = false} : vector<16x16xf32>, vector<16x32xf32>, vector<16x32xf32> -> vector<16x32xf32>
    %slice3A_16 = vector.extract_strided_slice %get3A_11 {offsets = [0, 0], sizes = [128, 32], strides = [1, 1]} : vector<288x32xf32> to vector<128x32xf32>
    %dot_general3A_17 = arith.constant dense<0.000000e+00> : vector<1000x32xf32>
    %dot_general3A_18 = tpu.matmul %get3A_1, %slice3A_16, %dot_general3A_17 {dimension_numbers = #tpu.dot_dimension_numbers<[1], [0], [0], [1], [0, 0, 1, 1], [], []>, transpose_lhs_hint = false} : vector<1000x128xf32>, vector<128x32xf32>, vector<1000x32xf32> -> vector<1000x32xf32>
    %dot_general3A_19 = arith.constant dense<0.000000e+00> : vector<1000x32xf32>
    %dot_general3A_20 = tpu.matmul %convert_element_type3A_8, %dot_general3A_15, %dot_general3A_19 {dimension_numbers = #tpu.dot_dimension_numbers<[1], [0], [0], [1], [0, 0, 1, 1], [], []>, transpose_lhs_hint = false} : vector<1000x16xf32>, vector<16x32xf32>, vector<1000x32xf32> -> vector<1000x32xf32>
    %add3A = arith.addf %dot_general3A_18, %dot_general3A_20 : vector<1000x32xf32>
    %get3A_21 = arith.constant 0 : index
    %get3A_22 = arith.constant 0 : index
    %get3A_23 = vector.load %arg5[%get3A_21, %get3A_22] : memref<1x32xf32, #tpu.memory_space<vmem>>, vector<1x32xf32>
    %get3A_24 = vector.shape_cast %get3A_23 : vector<1x32xf32> to vector<32xf32>
    %broadcast_in_dim3A_25 = vector.shape_cast %get3A_24 : vector<32xf32> to vector<1x32xf32>
    %add3A_26 = vector.broadcast %broadcast_in_dim3A_25 : vector<1x32xf32> to vector<1000x32xf32>
    %add3A_27 = arith.addf %add3A, %add3A_26 : vector<1000x32xf32>
    %get3A_28 = arith.constant 0 : index
    %get3A_29 = arith.constant 0 : index
    %get3A_30 = vector.load %arg6[%get3A_28, %get3A_29] : memref<144x32xf32, #tpu.memory_space<vmem>>, vector<128x32xf32>
    %dot_general3A_31 = arith.constant dense<0.000000e+00> : vector<1000x32xf32>
    %dot_general3A_32 = tpu.matmul %get3A_1, %get3A_30, %dot_general3A_31 {dimension_numbers = #tpu.dot_dimension_numbers<[1], [0], [0], [1], [0, 0, 1, 1], [], []>, transpose_lhs_hint = false} : vector<1000x128xf32>, vector<128x32xf32>, vector<1000x32xf32> -> vector<1000x32xf32>
    %get3A_33 = arith.constant 0 : index
    %get3A_34 = arith.constant 0 : index
    %get3A_35 = vector.load %arg7[%get3A_33, %get3A_34] : memref<1x32xf32, #tpu.memory_space<vmem>>, vector<1x32xf32>
    %get3A_36 = vector.shape_cast %get3A_35 : vector<1x32xf32> to vector<32xf32>
    %broadcast_in_dim3A_37 = vector.shape_cast %get3A_36 : vector<32xf32> to vector<1x32xf32>
    %add3A_38 = vector.broadcast %broadcast_in_dim3A_37 : vector<1x32xf32> to vector<1000x32xf32>
    %add3A_39 = arith.addf %dot_general3A_32, %add3A_38 : vector<1000x32xf32>
    %swap3A = arith.constant 0 : index
    %swap3A_40 = arith.constant 0 : index
    %swap3A_41 = vector.load %arg8[%swap3A, %swap3A_40] : memref<1000x64xf32, #tpu.memory_space<vmem>>, vector<1000x32xf32>
    tpu.vector_store %arg8[%swap3A, %swap3A_40], %add3A_27 {strides = array<i32>} : memref<1000x64xf32, #tpu.memory_space<vmem>>, vector<1000x32xf32>,
    %swap3A_42 = arith.constant 0 : index
    %swap3A_43 = arith.constant 32 : index
    %swap3A_44 = vector.load %arg8[%swap3A_42, %swap3A_43] : memref<1000x64xf32, #tpu.memory_space<vmem>>, vector<1000x32xf32>
    tpu.vector_store %arg8[%swap3A_42, %swap3A_43], %add3A_39 {strides = array<i32>} : memref<1000x64xf32, #tpu.memory_space<vmem>>, vector<1000x32xf32>,
    %slice3A_45 = vector.extract_strided_slice %get3A_11 {offsets = [128, 0], sizes = [128, 32], strides = [1, 1]} : vector<288x32xf32> to vector<128x32xf32>
    %dot_general3A_46 = arith.constant dense<0.000000e+00> : vector<1000x32xf32>
    %dot_general3A_47 = tpu.matmul %get3A_1, %slice3A_45, %dot_general3A_46 {dimension_numbers = #tpu.dot_dimension_numbers<[1], [0], [0], [1], [0, 0, 1, 1], [], []>, transpose_lhs_hint = false} : vector<1000x128xf32>, vector<128x32xf32>, vector<1000x32xf32> -> vector<1000x32xf32>
    %swap3A_48 = arith.constant 0 : index
    %swap3A_49 = arith.constant 0 : index
    %swap3A_50 = vector.load %arg9[%swap3A_48, %swap3A_49] : memref<1000x32xf32, #tpu.memory_space<vmem>>, vector<1000x32xf32>
    tpu.vector_store %arg9[%swap3A_48, %swap3A_49], %dot_general3A_47 {strides = array<i32>} : memref<1000x32xf32, #tpu.memory_space<vmem>>, vector<1000x32xf32>,
    return
  }
  func.func @transform_0(%arg0: i32) -> (i32, i32) {
    %c0_i32 = arith.constant 0 : i32
    %c0_i32_0 = arith.constant 0 : i32
    return %arg0, %c0_i32 : i32, i32
  }
  func.func @transform_1(%arg0: i32) -> (i32, i32, i32) {
    %c0_i32 = arith.constant 0 : i32
    %c0_i32_0 = arith.constant 0 : i32
    %c0_i32_1 = arith.constant 0 : i32
    return %arg0, %c0_i32, %c0_i32_0 : i32, i32, i32
  }
  func.func @transform_2(%arg0: i32) -> (i32, i32) {
    %c0_i32 = arith.constant 0 : i32
    %c0_i32_0 = arith.constant 0 : i32
    %c0_i32_1 = arith.constant 0 : i32
    return %c0_i32, %c0_i32_0 : i32, i32
  }
  func.func @transform_3(%arg0: i32) -> (i32, i32) {
    %c0_i32 = arith.constant 0 : i32
    %c0_i32_0 = arith.constant 0 : i32
    %c0_i32_1 = arith.constant 0 : i32
    return %c0_i32, %c0_i32_0 : i32, i32
  }
  func.func @transform_4(%arg0: i32) -> (i32, i32) {
    %c0_i32 = arith.constant 0 : i32
    %c0_i32_0 = arith.constant 0 : i32
    %c0_i32_1 = arith.constant 0 : i32
    return %c0_i32, %c0_i32_0 : i32, i32
  }
  func.func @transform_5(%arg0: i32) -> (i32, i32) {
    %c0_i32 = arith.constant 0 : i32
    %c0_i32_0 = arith.constant 0 : i32
    %c0_i32_1 = arith.constant 0 : i32
    return %c0_i32, %c0_i32_0 : i32, i32
  }
  func.func @transform_6(%arg0: i32) -> (i32, i32) {
    %c0_i32 = arith.constant 0 : i32
    %c0_i32_0 = arith.constant 0 : i32
    %c0_i32_1 = arith.constant 0 : i32
    return %c0_i32, %c0_i32_0 : i32, i32
  }
  func.func @transform_7(%arg0: i32) -> (i32, i32) {
    %c0_i32 = arith.constant 0 : i32
    %c0_i32_0 = arith.constant 0 : i32
    return %arg0, %c0_i32 : i32, i32
  }
  func.func @transform_8(%arg0: i32) -> (i32, i32) {
    %c0_i32 = arith.constant 0 : i32
    %c0_i32_0 = arith.constant 0 : i32
    return %arg0, %c0_i32 : i32, i32
  }
}

module attributes {stable_mosaic.version = 14 : i64} {
  func.func @_tc2_body(%arg0: i32, %arg1: memref<3200x128xf32, #tpu.memory_space<vmem>>, %arg2: memref<16x3200xf32, #tpu.memory_space<vmem>>, %arg3: memref<288x32xf32, #tpu.memory_space<vmem>>, %arg4: memref<32x16xf32, #tpu.memory_space<vmem>>, %arg5: memref<16x1xf32, #tpu.memory_space<vmem>>, %arg6: memref<144x32xf32, #tpu.memory_space<vmem>>, %arg7: memref<32x32xf32, #tpu.memory_space<vmem>>, %arg8: memref<1x32xf32, #tpu.memory_space<vmem>>, %arg9: memref<16x3200xf32, #tpu.memory_space<vmem>>, %arg10: memref<3200x128xf32, #tpu.memory_space<vmem>>) attributes {dimension_semantics = [#tpu.dimension_semantics<arbitrary>], iteration_bounds = array<i64: 50>, scalar_prefetch = 0 : i64, scratch_operands = 0 : i64, tpu.core_type = #tpu.core_type<tc>, window_params = [{transform_indices = @transform_0, window_bounds = array<i64: 3200, 128>}, {transform_indices = @transform_1, window_bounds = array<i64: 16, 3200>}, {pipeline_mode = #tpu.pipeline_mode<synchronous>, transform_indices = @transform_2, window_bounds = array<i64: 288, 32>}, {pipeline_mode = #tpu.pipeline_mode<synchronous>, transform_indices = @transform_3, window_bounds = array<i64: 32, 16>}, {pipeline_mode = #tpu.pipeline_mode<synchronous>, transform_indices = @transform_4, window_bounds = array<i64: 16, 1>}, {pipeline_mode = #tpu.pipeline_mode<synchronous>, transform_indices = @transform_5, window_bounds = array<i64: 144, 32>}, {pipeline_mode = #tpu.pipeline_mode<synchronous>, transform_indices = @transform_6, window_bounds = array<i64: 32, 32>}, {pipeline_mode = #tpu.pipeline_mode<synchronous>, transform_indices = @transform_7, window_bounds = array<i64: 1, 32>}, {transform_indices = @transform_8, window_bounds = array<i64: 16, 3200>}, {transform_indices = @transform_9, window_bounds = array<i64: 3200, 128>}]} {
    %get3A = arith.constant 0 : index
    %get3A_0 = arith.constant 0 : index
    %get3A_1 = vector.load %arg1[%get3A, %get3A_0] : memref<3200x128xf32, #tpu.memory_space<vmem>>, vector<3200x128xf32>
    %get3A_2 = arith.constant 0 : index
    %get3A_3 = arith.constant 0 : index
    %get3A_4 = vector.load %arg2[%get3A_2, %get3A_3] : memref<16x3200xf32, #tpu.memory_space<vmem>>, vector<16x3200xf32>
    %get3A_5 = arith.constant 256 : index
    %get3A_6 = arith.constant 0 : index
    %get3A_7 = vector.load %arg3[%get3A_5, %get3A_6] : memref<288x32xf32, #tpu.memory_space<vmem>>, vector<16x32xf32>
    %dot_general3A = arith.constant dense<0.000000e+00> : vector<3200x32xf32>
    %dot_general3A_8 = tpu.matmul %get3A_4, %get3A_7, %dot_general3A {dimension_numbers = #tpu.dot_dimension_numbers<[0], [0], [1], [1], [0, 1, 1, 1], [], []>, transpose_lhs_hint = false} : vector<16x3200xf32>, vector<16x32xf32>, vector<3200x32xf32> -> vector<3200x32xf32>
    %slice3A = vector.extract_strided_slice %get3A_1 {offsets = [0, 0], sizes = [3200, 32], strides = [1, 1]} : vector<3200x128xf32> to vector<3200x32xf32>
    %slice3A_9 = vector.extract_strided_slice %get3A_1 {offsets = [0, 64], sizes = [3200, 32], strides = [1, 1]} : vector<3200x128xf32> to vector<3200x32xf32>
    %add3A = arith.addf %slice3A, %slice3A_9 : vector<3200x32xf32>
    %add3A_10 = arith.addf %add3A, %dot_general3A_8 : vector<3200x32xf32>
    %max3A = arith.constant 0.000000e+00 : f32
    %max3A_11 = vector.broadcast %max3A : f32 to vector<3200x32xf32>
    %max3A_12 = arith.maximumf %add3A_10, %max3A_11 : vector<3200x32xf32>
    %get3A_13 = arith.constant 0 : index
    %get3A_14 = arith.constant 0 : index
    %get3A_15 = vector.load %arg4[%get3A_13, %get3A_14] : memref<32x16xf32, #tpu.memory_space<vmem>>, vector<32x16xf32>
    %dot_general3A_16 = arith.constant dense<0.000000e+00> : vector<16x3200xf32>
    %dot_general3A_17 = tpu.matmul %get3A_15, %max3A_12, %dot_general3A_16 {dimension_numbers = #tpu.dot_dimension_numbers<[0], [1], [1], [0], [0, 1, 1, 0], [], []>, transpose_lhs_hint = false} : vector<32x16xf32>, vector<3200x32xf32>, vector<16x3200xf32> -> vector<16x3200xf32>
    %get3A_18 = arith.constant 0 : index
    %get3A_19 = arith.constant 0 : index
    %get3A_20 = vector.load %arg5[%get3A_18, %get3A_19] : memref<16x1xf32, #tpu.memory_space<vmem>>, vector<16x1xf32>
    %add3A_21 = vector.broadcast %get3A_20 : vector<16x1xf32> to vector<16x3200xf32>
    %add3A_22 = arith.addf %dot_general3A_17, %add3A_21 : vector<16x3200xf32>
    %swap3A = arith.constant 0 : index
    %swap3A_23 = arith.constant 0 : index
    %swap3A_24 = vector.load %arg9[%swap3A, %swap3A_23] : memref<16x3200xf32, #tpu.memory_space<vmem>>, vector<16x3200xf32>
    tpu.vector_store %arg9[%swap3A, %swap3A_23], %add3A_22 {strides = array<i32>} : memref<16x3200xf32, #tpu.memory_space<vmem>>, vector<16x3200xf32>,
    %slice3A_25 = vector.extract_strided_slice %get3A_1 {offsets = [0, 32], sizes = [3200, 32], strides = [1, 1]} : vector<3200x128xf32> to vector<3200x32xf32>
    %get3A_26 = arith.constant 128 : index
    %get3A_27 = arith.constant 0 : index
    %get3A_28 = vector.load %arg6[%get3A_26, %get3A_27] : memref<144x32xf32, #tpu.memory_space<vmem>>, vector<16x32xf32>
    %dot_general3A_29 = arith.constant dense<0.000000e+00> : vector<3200x32xf32>
    %dot_general3A_30 = tpu.matmul %add3A_22, %get3A_28, %dot_general3A_29 {dimension_numbers = #tpu.dot_dimension_numbers<[0], [0], [1], [1], [0, 1, 1, 1], [], []>, transpose_lhs_hint = false} : vector<16x3200xf32>, vector<16x32xf32>, vector<3200x32xf32> -> vector<3200x32xf32>
    %add3A_31 = arith.addf %slice3A_25, %dot_general3A_30 : vector<3200x32xf32>
    %max3A_32 = arith.constant 0.000000e+00 : f32
    %max3A_33 = vector.broadcast %max3A_32 : f32 to vector<3200x32xf32>
    %max3A_34 = arith.maximumf %add3A_31, %max3A_33 : vector<3200x32xf32>
    %get3A_35 = arith.constant 0 : index
    %get3A_36 = arith.constant 0 : index
    %get3A_37 = vector.load %arg7[%get3A_35, %get3A_36] : memref<32x32xf32, #tpu.memory_space<vmem>>, vector<32x32xf32>
    %dot_general3A_38 = arith.constant dense<0.000000e+00> : vector<3200x32xf32>
    %dot_general3A_39 = tpu.matmul %max3A_34, %get3A_37, %dot_general3A_38 {dimension_numbers = #tpu.dot_dimension_numbers<[1], [0], [0], [1], [0, 0, 1, 1], [], []>, transpose_lhs_hint = false} : vector<3200x32xf32>, vector<32x32xf32>, vector<3200x32xf32> -> vector<3200x32xf32>
    %get3A_40 = arith.constant 0 : index
    %get3A_41 = arith.constant 0 : index
    %get3A_42 = vector.load %arg8[%get3A_40, %get3A_41] : memref<1x32xf32, #tpu.memory_space<vmem>>, vector<1x32xf32>
    %get3A_43 = vector.shape_cast %get3A_42 : vector<1x32xf32> to vector<32xf32>
    %broadcast_in_dim3A = vector.shape_cast %get3A_43 : vector<32xf32> to vector<1x32xf32>
    %add3A_44 = vector.broadcast %broadcast_in_dim3A : vector<1x32xf32> to vector<3200x32xf32>
    %add3A_45 = arith.addf %dot_general3A_39, %add3A_44 : vector<3200x32xf32>
    %swap3A_46 = arith.constant 0 : index
    %swap3A_47 = arith.constant 0 : index
    %swap3A_48 = vector.load %arg10[%swap3A_46, %swap3A_47] : memref<3200x128xf32, #tpu.memory_space<vmem>>, vector<3200x32xf32>
    tpu.vector_store %arg10[%swap3A_46, %swap3A_47], %add3A_45 {strides = array<i32>} : memref<3200x128xf32, #tpu.memory_space<vmem>>, vector<3200x32xf32>,
    %broadcast_in_dim3A_49 = arith.constant 0.000000e+00 : f32
    %broadcast_in_dim3A_50 = vector.broadcast %broadcast_in_dim3A_49 : f32 to vector<3200x96xf32>
    %swap3A_51 = arith.constant 0 : index
    %swap3A_52 = arith.constant 32 : index
    %swap3A_53 = vector.load %arg10[%swap3A_51, %swap3A_52] : memref<3200x128xf32, #tpu.memory_space<vmem>>, vector<3200x96xf32>
    tpu.vector_store %arg10[%swap3A_51, %swap3A_52], %broadcast_in_dim3A_50 {strides = array<i32>} : memref<3200x128xf32, #tpu.memory_space<vmem>>, vector<3200x96xf32>,
    return
  }
  func.func @transform_0(%arg0: i32) -> (i32, i32) {
    %c0_i32 = arith.constant 0 : i32
    %c0_i32_0 = arith.constant 0 : i32
    return %arg0, %c0_i32 : i32, i32
  }
  func.func @transform_1(%arg0: i32) -> (i32, i32) {
    %add3A = arith.constant 0 : i32
    %add3A_0 = arith.addi %arg0, %add3A : i32
    %c0_i32 = arith.constant 0 : i32
    %c0_i32_1 = arith.constant 0 : i32
    return %c0_i32, %add3A_0 : i32, i32
  }
  func.func @transform_2(%arg0: i32) -> (i32, i32) {
    %c0_i32 = arith.constant 0 : i32
    %c0_i32_0 = arith.constant 0 : i32
    %c0_i32_1 = arith.constant 0 : i32
    return %c0_i32, %c0_i32_0 : i32, i32
  }
  func.func @transform_3(%arg0: i32) -> (i32, i32) {
    %c0_i32 = arith.constant 0 : i32
    %c0_i32_0 = arith.constant 0 : i32
    %c0_i32_1 = arith.constant 0 : i32
    return %c0_i32, %c0_i32_0 : i32, i32
  }
  func.func @transform_4(%arg0: i32) -> (i32, i32) {
    %c0_i32 = arith.constant 0 : i32
    %c0_i32_0 = arith.constant 0 : i32
    %c0_i32_1 = arith.constant 0 : i32
    return %c0_i32, %c0_i32_0 : i32, i32
  }
  func.func @transform_5(%arg0: i32) -> (i32, i32) {
    %c0_i32 = arith.constant 0 : i32
    %c0_i32_0 = arith.constant 0 : i32
    %c0_i32_1 = arith.constant 0 : i32
    return %c0_i32, %c0_i32_0 : i32, i32
  }
  func.func @transform_6(%arg0: i32) -> (i32, i32) {
    %c0_i32 = arith.constant 0 : i32
    %c0_i32_0 = arith.constant 0 : i32
    %c0_i32_1 = arith.constant 0 : i32
    return %c0_i32, %c0_i32_0 : i32, i32
  }
  func.func @transform_7(%arg0: i32) -> (i32, i32) {
    %c0_i32 = arith.constant 0 : i32
    %c0_i32_0 = arith.constant 0 : i32
    %c0_i32_1 = arith.constant 0 : i32
    return %c0_i32, %c0_i32_0 : i32, i32
  }
  func.func @transform_8(%arg0: i32) -> (i32, i32) {
    %add3A = arith.constant 0 : i32
    %add3A_0 = arith.addi %arg0, %add3A : i32
    %c0_i32 = arith.constant 0 : i32
    %c0_i32_1 = arith.constant 0 : i32
    return %c0_i32, %add3A_0 : i32, i32
  }
  func.func @transform_9(%arg0: i32) -> (i32, i32) {
    %c0_i32 = arith.constant 0 : i32
    %c0_i32_0 = arith.constant 0 : i32
    return %arg0, %c0_i32 : i32, i32
  }
}

module attributes {stable_mosaic.version = 14 : i64} {
  func.func @_tc2_body(%arg0: i32, %arg1: memref<3200x128xf32, #tpu.memory_space<vmem>>, %arg2: memref<16x3200xf32, #tpu.memory_space<vmem>>, %arg3: memref<288x32xf32, #tpu.memory_space<vmem>>, %arg4: memref<32x16xf32, #tpu.memory_space<vmem>>, %arg5: memref<16x1xf32, #tpu.memory_space<vmem>>, %arg6: memref<144x32xf32, #tpu.memory_space<vmem>>, %arg7: memref<32x32xf32, #tpu.memory_space<vmem>>, %arg8: memref<1x32xf32, #tpu.memory_space<vmem>>, %arg9: memref<16x320000xf32, #tpu.memory_space<any>>, %arg10: memref<16x3200xf32, #tpu.memory_space<vmem>>, %arg11: memref<3200x128xf32, #tpu.memory_space<vmem>>) attributes {dimension_semantics = [#tpu.dimension_semantics<arbitrary>], iteration_bounds = array<i64: 50>, scalar_prefetch = 0 : i64, scratch_operands = 0 : i64, tpu.core_type = #tpu.core_type<tc>, window_params = [{transform_indices = @transform_0, window_bounds = array<i64: 3200, 128>}, {transform_indices = @transform_1, window_bounds = array<i64: 16, 3200>}, {pipeline_mode = #tpu.pipeline_mode<synchronous>, transform_indices = @transform_2, window_bounds = array<i64: 288, 32>}, {pipeline_mode = #tpu.pipeline_mode<synchronous>, transform_indices = @transform_3, window_bounds = array<i64: 32, 16>}, {pipeline_mode = #tpu.pipeline_mode<synchronous>, transform_indices = @transform_4, window_bounds = array<i64: 16, 1>}, {pipeline_mode = #tpu.pipeline_mode<synchronous>, transform_indices = @transform_5, window_bounds = array<i64: 144, 32>}, {pipeline_mode = #tpu.pipeline_mode<synchronous>, transform_indices = @transform_6, window_bounds = array<i64: 32, 32>}, {pipeline_mode = #tpu.pipeline_mode<synchronous>, transform_indices = @transform_7, window_bounds = array<i64: 1, 32>}, {}, {transform_indices = @transform_9, window_bounds = array<i64: 16, 3200>}, {transform_indices = @transform_10, window_bounds = array<i64: 3200, 128>}]} {
    %get3A = arith.constant 0 : index
    %get3A_0 = arith.constant 0 : index
    %get3A_1 = vector.load %arg1[%get3A, %get3A_0] : memref<3200x128xf32, #tpu.memory_space<vmem>>, vector<3200x128xf32>
    %get3A_2 = arith.constant 0 : index
    %get3A_3 = arith.constant 0 : index
    %get3A_4 = vector.load %arg2[%get3A_2, %get3A_3] : memref<16x3200xf32, #tpu.memory_space<vmem>>, vector<16x3200xf32>
    %get3A_5 = arith.constant 256 : index
    %get3A_6 = arith.constant 0 : index
    %get3A_7 = vector.load %arg3[%get3A_5, %get3A_6] : memref<288x32xf32, #tpu.memory_space<vmem>>, vector<16x32xf32>
    %dot_general3A = arith.constant dense<0.000000e+00> : vector<3200x32xf32>
    %dot_general3A_8 = tpu.matmul %get3A_4, %get3A_7, %dot_general3A {dimension_numbers = #tpu.dot_dimension_numbers<[0], [0], [1], [1], [0, 1, 1, 1], [], []>, transpose_lhs_hint = false} : vector<16x3200xf32>, vector<16x32xf32>, vector<3200x32xf32> -> vector<3200x32xf32>
    %slice3A = vector.extract_strided_slice %get3A_1 {offsets = [0, 0], sizes = [3200, 32], strides = [1, 1]} : vector<3200x128xf32> to vector<3200x32xf32>
    %slice3A_9 = vector.extract_strided_slice %get3A_1 {offsets = [0, 64], sizes = [3200, 32], strides = [1, 1]} : vector<3200x128xf32> to vector<3200x32xf32>
    %add3A = arith.addf %slice3A, %slice3A_9 : vector<3200x32xf32>
    %add3A_10 = arith.addf %add3A, %dot_general3A_8 : vector<3200x32xf32>
    %max3A = arith.constant 0.000000e+00 : f32
    %max3A_11 = vector.broadcast %max3A : f32 to vector<3200x32xf32>
    %max3A_12 = arith.maximumf %add3A_10, %max3A_11 : vector<3200x32xf32>
    %get3A_13 = arith.constant 0 : index
    %get3A_14 = arith.constant 0 : index
    %get3A_15 = vector.load %arg4[%get3A_13, %get3A_14] : memref<32x16xf32, #tpu.memory_space<vmem>>, vector<32x16xf32>
    %dot_general3A_16 = arith.constant dense<0.000000e+00> : vector<16x3200xf32>
    %dot_general3A_17 = tpu.matmul %get3A_15, %max3A_12, %dot_general3A_16 {dimension_numbers = #tpu.dot_dimension_numbers<[0], [1], [1], [0], [0, 1, 1, 0], [], []>, transpose_lhs_hint = false} : vector<32x16xf32>, vector<3200x32xf32>, vector<16x3200xf32> -> vector<16x3200xf32>
    %get3A_18 = arith.constant 0 : index
    %get3A_19 = arith.constant 0 : index
    %get3A_20 = vector.load %arg5[%get3A_18, %get3A_19] : memref<16x1xf32, #tpu.memory_space<vmem>>, vector<16x1xf32>
    %add3A_21 = vector.broadcast %get3A_20 : vector<16x1xf32> to vector<16x3200xf32>
    %add3A_22 = arith.addf %dot_general3A_17, %add3A_21 : vector<16x3200xf32>
    %swap3A = arith.constant 0 : index
    %swap3A_23 = arith.constant 0 : index
    %swap3A_24 = vector.load %arg10[%swap3A, %swap3A_23] : memref<16x3200xf32, #tpu.memory_space<vmem>>, vector<16x3200xf32>
    tpu.vector_store %arg10[%swap3A, %swap3A_23], %add3A_22 {strides = array<i32>} : memref<16x3200xf32, #tpu.memory_space<vmem>>, vector<16x3200xf32>,
    %slice3A_25 = vector.extract_strided_slice %get3A_1 {offsets = [0, 32], sizes = [3200, 32], strides = [1, 1]} : vector<3200x128xf32> to vector<3200x32xf32>
    %get3A_26 = arith.constant 128 : index
    %get3A_27 = arith.constant 0 : index
    %get3A_28 = vector.load %arg6[%get3A_26, %get3A_27] : memref<144x32xf32, #tpu.memory_space<vmem>>, vector<16x32xf32>
    %dot_general3A_29 = arith.constant dense<0.000000e+00> : vector<3200x32xf32>
    %dot_general3A_30 = tpu.matmul %add3A_22, %get3A_28, %dot_general3A_29 {dimension_numbers = #tpu.dot_dimension_numbers<[0], [0], [1], [1], [0, 1, 1, 1], [], []>, transpose_lhs_hint = false} : vector<16x3200xf32>, vector<16x32xf32>, vector<3200x32xf32> -> vector<3200x32xf32>
    %add3A_31 = arith.addf %slice3A_25, %dot_general3A_30 : vector<3200x32xf32>
    %max3A_32 = arith.constant 0.000000e+00 : f32
    %max3A_33 = vector.broadcast %max3A_32 : f32 to vector<3200x32xf32>
    %max3A_34 = arith.maximumf %add3A_31, %max3A_33 : vector<3200x32xf32>
    %get3A_35 = arith.constant 0 : index
    %get3A_36 = arith.constant 0 : index
    %get3A_37 = vector.load %arg7[%get3A_35, %get3A_36] : memref<32x32xf32, #tpu.memory_space<vmem>>, vector<32x32xf32>
    %dot_general3A_38 = arith.constant dense<0.000000e+00> : vector<3200x32xf32>
    %dot_general3A_39 = tpu.matmul %max3A_34, %get3A_37, %dot_general3A_38 {dimension_numbers = #tpu.dot_dimension_numbers<[1], [0], [0], [1], [0, 0, 1, 1], [], []>, transpose_lhs_hint = false} : vector<3200x32xf32>, vector<32x32xf32>, vector<3200x32xf32> -> vector<3200x32xf32>
    %get3A_40 = arith.constant 0 : index
    %get3A_41 = arith.constant 0 : index
    %get3A_42 = vector.load %arg8[%get3A_40, %get3A_41] : memref<1x32xf32, #tpu.memory_space<vmem>>, vector<1x32xf32>
    %get3A_43 = vector.shape_cast %get3A_42 : vector<1x32xf32> to vector<32xf32>
    %broadcast_in_dim3A = vector.shape_cast %get3A_43 : vector<32xf32> to vector<1x32xf32>
    %add3A_44 = vector.broadcast %broadcast_in_dim3A : vector<1x32xf32> to vector<3200x32xf32>
    %add3A_45 = arith.addf %dot_general3A_39, %add3A_44 : vector<3200x32xf32>
    %swap3A_46 = arith.constant 0 : index
    %swap3A_47 = arith.constant 0 : index
    %swap3A_48 = vector.load %arg11[%swap3A_46, %swap3A_47] : memref<3200x128xf32, #tpu.memory_space<vmem>>, vector<3200x32xf32>
    tpu.vector_store %arg11[%swap3A_46, %swap3A_47], %add3A_45 {strides = array<i32>} : memref<3200x128xf32, #tpu.memory_space<vmem>>, vector<3200x32xf32>,
    %broadcast_in_dim3A_49 = arith.constant 0.000000e+00 : f32
    %broadcast_in_dim3A_50 = vector.broadcast %broadcast_in_dim3A_49 : f32 to vector<3200x96xf32>
    %swap3A_51 = arith.constant 0 : index
    %swap3A_52 = arith.constant 32 : index
    %swap3A_53 = vector.load %arg11[%swap3A_51, %swap3A_52] : memref<3200x128xf32, #tpu.memory_space<vmem>>, vector<3200x96xf32>
    tpu.vector_store %arg11[%swap3A_51, %swap3A_52], %broadcast_in_dim3A_50 {strides = array<i32>} : memref<3200x128xf32, #tpu.memory_space<vmem>>, vector<3200x96xf32>,
    return
  }
  func.func @transform_0(%arg0: i32) -> (i32, i32) {
    %c0_i32 = arith.constant 0 : i32
    %c0_i32_0 = arith.constant 0 : i32
    return %arg0, %c0_i32 : i32, i32
  }
  func.func @transform_1(%arg0: i32) -> (i32, i32) {
    %add3A = arith.constant 50 : i32
    %add3A_0 = arith.addi %arg0, %add3A : i32
    %c0_i32 = arith.constant 0 : i32
    %c0_i32_1 = arith.constant 0 : i32
    return %c0_i32, %add3A_0 : i32, i32
  }
  func.func @transform_2(%arg0: i32) -> (i32, i32) {
    %c0_i32 = arith.constant 0 : i32
    %c0_i32_0 = arith.constant 0 : i32
    %c0_i32_1 = arith.constant 0 : i32
    return %c0_i32, %c0_i32_0 : i32, i32
  }
  func.func @transform_3(%arg0: i32) -> (i32, i32) {
    %c0_i32 = arith.constant 0 : i32
    %c0_i32_0 = arith.constant 0 : i32
    %c0_i32_1 = arith.constant 0 : i32
    return %c0_i32, %c0_i32_0 : i32, i32
  }
  func.func @transform_4(%arg0: i32) -> (i32, i32) {
    %c0_i32 = arith.constant 0 : i32
    %c0_i32_0 = arith.constant 0 : i32
    %c0_i32_1 = arith.constant 0 : i32
    return %c0_i32, %c0_i32_0 : i32, i32
  }
  func.func @transform_5(%arg0: i32) -> (i32, i32) {
    %c0_i32 = arith.constant 0 : i32
    %c0_i32_0 = arith.constant 0 : i32
    %c0_i32_1 = arith.constant 0 : i32
    return %c0_i32, %c0_i32_0 : i32, i32
  }
  func.func @transform_6(%arg0: i32) -> (i32, i32) {
    %c0_i32 = arith.constant 0 : i32
    %c0_i32_0 = arith.constant 0 : i32
    %c0_i32_1 = arith.constant 0 : i32
    return %c0_i32, %c0_i32_0 : i32, i32
  }
  func.func @transform_7(%arg0: i32) -> (i32, i32) {
    %c0_i32 = arith.constant 0 : i32
    %c0_i32_0 = arith.constant 0 : i32
    %c0_i32_1 = arith.constant 0 : i32
    return %c0_i32, %c0_i32_0 : i32, i32
  }
  func.func @transform_9(%arg0: i32) -> (i32, i32) {
    %add3A = arith.constant 50 : i32
    %add3A_0 = arith.addi %arg0, %add3A : i32
    %c0_i32 = arith.constant 0 : i32
    %c0_i32_1 = arith.constant 0 : i32
    return %c0_i32, %add3A_0 : i32, i32
  }
  func.func @transform_10(%arg0: i32) -> (i32, i32) {
    %c0_i32 = arith.constant 0 : i32
    %c0_i32_0 = arith.constant 0 : i32
    return %arg0, %c0_i32 : i32, i32
  }
}

module attributes {stable_mosaic.version = 14 : i64} {
  func.func @_tc3_body(%arg0: i32, %arg1: memref<1000x128xf32, #tpu.memory_space<vmem>>, %arg2: memref<2x1000x48xf32, #tpu.memory_space<vmem>>, %arg3: memref<1x1x1000xi32, #tpu.memory_space<vmem>>, %arg4: memref<16x16xf32, #tpu.memory_space<vmem>>, %arg5: memref<176x32xf32, #tpu.memory_space<vmem>>, %arg6: memref<1x32xf32, #tpu.memory_space<vmem>>, %arg7: memref<32x128xf32, #tpu.memory_space<vmem>>, %arg8: memref<1x128xf32, #tpu.memory_space<vmem>>, %arg9: memref<144x32xf32, #tpu.memory_space<vmem>>, %arg10: memref<1x32xf32, #tpu.memory_space<vmem>>, %arg11: memref<32x16xf32, #tpu.memory_space<vmem>>, %arg12: memref<1x16xf32, #tpu.memory_space<vmem>>, %arg13: memref<1000x128xf32, #tpu.memory_space<vmem>>, %arg14: memref<16x16xf32, #tpu.memory_space<vmem>>, %arg15: memref<16x128xf32, #tpu.memory_space<vmem>>, %arg16: memref<16x128xf32, #tpu.memory_space<vmem>>) attributes {dimension_semantics = [#tpu.dimension_semantics<arbitrary>], iteration_bounds = array<i64: 10>, scalar_prefetch = 0 : i64, scratch_operands = 2 : i64, tpu.core_type = #tpu.core_type<tc>, window_params = [{transform_indices = @transform_0, window_bounds = array<i64: 1000, 128>}, {transform_indices = @transform_1, window_bounds = array<i64: 2, 1000, 48>}, {transform_indices = @transform_2, window_bounds = array<i64: 1, 1, 1000>}, {pipeline_mode = #tpu.pipeline_mode<synchronous>, transform_indices = @transform_3, window_bounds = array<i64: 16, 16>}, {pipeline_mode = #tpu.pipeline_mode<synchronous>, transform_indices = @transform_4, window_bounds = array<i64: 176, 32>}, {pipeline_mode = #tpu.pipeline_mode<synchronous>, transform_indices = @transform_5, window_bounds = array<i64: 1, 32>}, {pipeline_mode = #tpu.pipeline_mode<synchronous>, transform_indices = @transform_6, window_bounds = array<i64: 32, 128>}, {pipeline_mode = #tpu.pipeline_mode<synchronous>, transform_indices = @transform_7, window_bounds = array<i64: 1, 128>}, {pipeline_mode = #tpu.pipeline_mode<synchronous>, transform_indices = @transform_8, window_bounds = array<i64: 144, 32>}, {pipeline_mode = #tpu.pipeline_mode<synchronous>, transform_indices = @transform_9, window_bounds = array<i64: 1, 32>}, {pipeline_mode = #tpu.pipeline_mode<synchronous>, transform_indices = @transform_10, window_bounds = array<i64: 32, 16>}, {pipeline_mode = #tpu.pipeline_mode<synchronous>, transform_indices = @transform_11, window_bounds = array<i64: 1, 16>}, {transform_indices = @transform_12, window_bounds = array<i64: 1000, 128>}, {pipeline_mode = #tpu.pipeline_mode<synchronous>, transform_indices = @transform_13, window_bounds = array<i64: 16, 16>}]} {
    %get3A = arith.constant 0 : index
    %get3A_0 = arith.constant 0 : index
    %get3A_1 = arith.constant 0 : index
    %get3A_2 = vector.load %arg2[%get3A, %get3A_0, %get3A_1] : memref<2x1000x48xf32, #tpu.memory_space<vmem>>, vector<2x1000x48xf32>
    %slice3A = vector.extract_strided_slice %get3A_2 {offsets = [0, 0, 0], sizes = [1, 1000, 48], strides = [1, 1, 1]} : vector<2x1000x48xf32> to vector<1x1000x48xf32>
    %squeeze3A = vector.shape_cast %slice3A : vector<1x1000x48xf32> to vector<1000x48xf32>
    %slice3A_3 = vector.extract_strided_slice %get3A_2 {offsets = [1, 0, 0], sizes = [1, 1000, 48], strides = [1, 1, 1]} : vector<2x1000x48xf32> to vector<1x1000x48xf32>
    %squeeze3A_4 = vector.shape_cast %slice3A_3 : vector<1x1000x48xf32> to vector<1000x48xf32>
    %add3A = arith.addf %squeeze3A, %squeeze3A_4 : vector<1000x48xf32>
    %slice3A_5 = vector.extract_strided_slice %add3A {offsets = [0, 0], sizes = [1000, 32], strides = [1, 1]} : vector<1000x48xf32> to vector<1000x32xf32>
    %slice3A_6 = vector.extract_strided_slice %add3A {offsets = [0, 32], sizes = [1000, 1], strides = [1, 1]} : vector<1000x48xf32> to vector<1000x1xf32>
    %max3A = arith.constant 1.000000e+00 : f32
    %max3A_7 = vector.broadcast %max3A : f32 to vector<1000x1xf32>
    %max3A_8 = arith.maximumf %slice3A_6, %max3A_7 : vector<1000x1xf32>
    %div3A = vector.broadcast %max3A_8 : vector<1000x1xf32> to vector<1000x32xf32>
    %div3A_9 = arith.divf %slice3A_5, %div3A : vector<1000x32xf32>
    %get3A_10 = arith.constant 0 : index
    %get3A_11 = arith.constant 0 : index
    %get3A_12 = arith.constant 0 : index
    %get3A_13 = vector.load %arg3[%get3A_10, %get3A_11, %get3A_12] : memref<1x1x1000xi32, #tpu.memory_space<vmem>>, vector<1x1x1000xi32>
    %get3A_14 = vector.shape_cast %get3A_13 : vector<1x1x1000xi32> to vector<1000xi32>
    %broadcast_in_dim3A = vector.shape_cast %get3A_14 : vector<1000xi32> to vector<1000x1xi32>
    %iota3A = tpu.iota {dimensions = array<i32: 1>} : vector<1000x16xi32>
    %eq3A = vector.broadcast %broadcast_in_dim3A : vector<1000x1xi32> to vector<1000x16xi32>
    %eq3A_15 = arith.cmpi eq, %eq3A, %iota3A : vector<1000x16xi32>
    %convert_element_type3A = arith.extui %eq3A_15 : vector<1000x16xi1> to vector<1000x16xi32>
    %convert_element_type3A_16 = arith.sitofp %convert_element_type3A : vector<1000x16xi32> to vector<1000x16xf32>
    %get3A_17 = arith.constant 0 : index
    %get3A_18 = arith.constant 0 : index
    %get3A_19 = vector.load %arg5[%get3A_17, %get3A_18] : memref<176x32xf32, #tpu.memory_space<vmem>>, vector<176x32xf32>
    %get3A_20 = arith.constant 0 : index
    %get3A_21 = arith.constant 0 : index
    %get3A_22 = vector.load %arg4[%get3A_20, %get3A_21] : memref<16x16xf32, #tpu.memory_space<vmem>>, vector<16x16xf32>
    %slice3A_23 = vector.extract_strided_slice %get3A_19 {offsets = [160, 0], sizes = [16, 32], strides = [1, 1]} : vector<176x32xf32> to vector<16x32xf32>
    %dot_general3A = arith.constant dense<0.000000e+00> : vector<16x32xf32>
    %dot_general3A_24 = tpu.matmul %get3A_22, %slice3A_23, %dot_general3A {dimension_numbers = #tpu.dot_dimension_numbers<[1], [0], [0], [1], [0, 0, 1, 1], [], []>, transpose_lhs_hint = false} : vector<16x16xf32>, vector<16x32xf32>, vector<16x32xf32> -> vector<16x32xf32>
    %get3A_25 = arith.constant 0 : index
    %get3A_26 = arith.constant 0 : index
    %get3A_27 = vector.load %arg1[%get3A_25, %get3A_26] : memref<1000x128xf32, #tpu.memory_space<vmem>>, vector<1000x128xf32>
    %slice3A_28 = vector.extract_strided_slice %get3A_19 {offsets = [0, 0], sizes = [128, 32], strides = [1, 1]} : vector<176x32xf32> to vector<128x32xf32>
    %dot_general3A_29 = arith.constant dense<0.000000e+00> : vector<1000x32xf32>
    %dot_general3A_30 = tpu.matmul %get3A_27, %slice3A_28, %dot_general3A_29 {dimension_numbers = #tpu.dot_dimension_numbers<[1], [0], [0], [1], [0, 0, 1, 1], [], []>, transpose_lhs_hint = false} : vector<1000x128xf32>, vector<128x32xf32>, vector<1000x32xf32> -> vector<1000x32xf32>
    %slice3A_31 = vector.extract_strided_slice %get3A_19 {offsets = [128, 0], sizes = [32, 32], strides = [1, 1]} : vector<176x32xf32> to vector<32x32xf32>
    %dot_general3A_32 = arith.constant dense<0.000000e+00> : vector<1000x32xf32>
    %dot_general3A_33 = tpu.matmul %div3A_9, %slice3A_31, %dot_general3A_32 {dimension_numbers = #tpu.dot_dimension_numbers<[1], [0], [0], [1], [0, 0, 1, 1], [], []>, transpose_lhs_hint = false} : vector<1000x32xf32>, vector<32x32xf32>, vector<1000x32xf32> -> vector<1000x32xf32>
    %add3A_34 = arith.addf %dot_general3A_30, %dot_general3A_33 : vector<1000x32xf32>
    %dot_general3A_35 = arith.constant dense<0.000000e+00> : vector<1000x32xf32>
    %dot_general3A_36 = tpu.matmul %convert_element_type3A_16, %dot_general3A_24, %dot_general3A_35 {dimension_numbers = #tpu.dot_dimension_numbers<[1], [0], [0], [1], [0, 0, 1, 1], [], []>, transpose_lhs_hint = false} : vector<1000x16xf32>, vector<16x32xf32>, vector<1000x32xf32> -> vector<1000x32xf32>
    %add3A_37 = arith.addf %add3A_34, %dot_general3A_36 : vector<1000x32xf32>
    %get3A_38 = arith.constant 0 : index
    %get3A_39 = arith.constant 0 : index
    %get3A_40 = vector.load %arg6[%get3A_38, %get3A_39] : memref<1x32xf32, #tpu.memory_space<vmem>>, vector<1x32xf32>
    %get3A_41 = vector.shape_cast %get3A_40 : vector<1x32xf32> to vector<32xf32>
    %broadcast_in_dim3A_42 = vector.shape_cast %get3A_41 : vector<32xf32> to vector<1x32xf32>
    %add3A_43 = vector.broadcast %broadcast_in_dim3A_42 : vector<1x32xf32> to vector<1000x32xf32>
    %add3A_44 = arith.addf %add3A_37, %add3A_43 : vector<1000x32xf32>
    %max3A_45 = arith.constant 0.000000e+00 : f32
    %max3A_46 = vector.broadcast %max3A_45 : f32 to vector<1000x32xf32>
    %max3A_47 = arith.maximumf %add3A_44, %max3A_46 : vector<1000x32xf32>
    %get3A_48 = arith.constant 0 : index
    %get3A_49 = arith.constant 0 : index
    %get3A_50 = vector.load %arg7[%get3A_48, %get3A_49] : memref<32x128xf32, #tpu.memory_space<vmem>>, vector<32x128xf32>
    %dot_general3A_51 = arith.constant dense<0.000000e+00> : vector<1000x128xf32>
    %dot_general3A_52 = tpu.matmul %max3A_47, %get3A_50, %dot_general3A_51 {dimension_numbers = #tpu.dot_dimension_numbers<[1], [0], [0], [1], [0, 0, 1, 1], [], []>, transpose_lhs_hint = false} : vector<1000x32xf32>, vector<32x128xf32>, vector<1000x128xf32> -> vector<1000x128xf32>
    %get3A_53 = arith.constant 0 : index
    %get3A_54 = arith.constant 0 : index
    %get3A_55 = vector.load %arg8[%get3A_53, %get3A_54] : memref<1x128xf32, #tpu.memory_space<vmem>>, vector<1x128xf32>
    %get3A_56 = vector.shape_cast %get3A_55 : vector<1x128xf32> to vector<128xf32>
    %broadcast_in_dim3A_57 = vector.shape_cast %get3A_56 : vector<128xf32> to vector<1x128xf32>
    %add3A_58 = vector.broadcast %broadcast_in_dim3A_57 : vector<1x128xf32> to vector<1000x128xf32>
    %add3A_59 = arith.addf %dot_general3A_52, %add3A_58 : vector<1000x128xf32>
    %swap3A = arith.constant 0 : index
    %swap3A_60 = arith.constant 0 : index
    %swap3A_61 = vector.load %arg13[%swap3A, %swap3A_60] : memref<1000x128xf32, #tpu.memory_space<vmem>>, vector<1000x128xf32>
    tpu.vector_store %arg13[%swap3A, %swap3A_60], %add3A_59 {strides = array<i32>} : memref<1000x128xf32, #tpu.memory_space<vmem>>, vector<1000x128xf32>,
    %eq3A_62 = arith.constant 0 : i32
    %eq3A_63 = arith.cmpi eq, %arg0, %eq3A_62 : i32
    %convert_element_type3A_64 = arith.extui %eq3A_63 : i1 to i32
    %cond3A = arith.constant 0 : i32
    %cond3A_65 = arith.cmpi ne, %convert_element_type3A_64, %cond3A : i32
    scf.if %cond3A_65 {
      %broadcast_in_dim3A_91 = arith.constant 0.000000e+00 : f32
      %broadcast_in_dim3A_92 = vector.broadcast %broadcast_in_dim3A_91 : f32 to vector<16x128xf32>
      %swap3A_93 = arith.constant 0 : index
      %swap3A_94 = arith.constant 0 : index
      %swap3A_95 = vector.load %arg15[%swap3A_93, %swap3A_94] : memref<16x128xf32, #tpu.memory_space<vmem>>, vector<16x128xf32>
      tpu.vector_store %arg15[%swap3A_93, %swap3A_94], %broadcast_in_dim3A_92 {strides = array<i32>} : memref<16x128xf32, #tpu.memory_space<vmem>>, vector<16x128xf32>,
      %broadcast_in_dim3A_96 = arith.constant 0.000000e+00 : f32
      %broadcast_in_dim3A_97 = vector.broadcast %broadcast_in_dim3A_96 : f32 to vector<16x128xf32>
      %swap3A_98 = arith.constant 0 : index
      %swap3A_99 = arith.constant 0 : index
      %swap3A_100 = vector.load %arg16[%swap3A_98, %swap3A_99] : memref<16x128xf32, #tpu.memory_space<vmem>>, vector<16x128xf32>
      tpu.vector_store %arg16[%swap3A_98, %swap3A_99], %broadcast_in_dim3A_97 {strides = array<i32>} : memref<16x128xf32, #tpu.memory_space<vmem>>, vector<16x128xf32>,
    } else {
    }
    %get3A_66 = arith.constant 0 : index
    %get3A_67 = arith.constant 0 : index
    %get3A_68 = vector.load %arg15[%get3A_66, %get3A_67] : memref<16x128xf32, #tpu.memory_space<vmem>>, vector<16x128xf32>
    %dot_general3A_69 = arith.constant dense<0.000000e+00> : vector<16x128xf32>
    %dot_general3A_70 = tpu.matmul %convert_element_type3A_16, %add3A_59, %dot_general3A_69 {dimension_numbers = #tpu.dot_dimension_numbers<[0], [0], [1], [1], [0, 1, 1, 1], [], []>, transpose_lhs_hint = false} : vector<1000x16xf32>, vector<1000x128xf32>, vector<16x128xf32> -> vector<16x128xf32>
    %add3A_71 = arith.addf %get3A_68, %dot_general3A_70 : vector<16x128xf32>
    %swap3A_72 = arith.constant 0 : index
    %swap3A_73 = arith.constant 0 : index
    %swap3A_74 = vector.load %arg15[%swap3A_72, %swap3A_73] : memref<16x128xf32, #tpu.memory_space<vmem>>, vector<16x128xf32>
    tpu.vector_store %arg15[%swap3A_72, %swap3A_73], %add3A_71 {strides = array<i32>} : memref<16x128xf32, #tpu.memory_space<vmem>>, vector<16x128xf32>,
    %get3A_75 = arith.constant 0 : index
    %get3A_76 = arith.constant 0 : index
    %get3A_77 = vector.load %arg16[%get3A_75, %get3A_76] : memref<16x128xf32, #tpu.memory_space<vmem>>, vector<16x128xf32>
    %broadcast_in_dim3A_78 = arith.constant 1.000000e+00 : f32
    %broadcast_in_dim3A_79 = vector.broadcast %broadcast_in_dim3A_78 : f32 to vector<1000x128xf32>
    %dot_general3A_80 = arith.constant dense<0.000000e+00> : vector<16x128xf32>
    %dot_general3A_81 = tpu.matmul %convert_element_type3A_16, %broadcast_in_dim3A_79, %dot_general3A_80 {dimension_numbers = #tpu.dot_dimension_numbers<[0], [0], [1], [1], [0, 1, 1, 1], [], []>, transpose_lhs_hint = false} : vector<1000x16xf32>, vector<1000x128xf32>, vector<16x128xf32> -> vector<16x128xf32>
    %add3A_82 = arith.addf %get3A_77, %dot_general3A_81 : vector<16x128xf32>
    %swap3A_83 = arith.constant 0 : index
    %swap3A_84 = arith.constant 0 : index
    %swap3A_85 = vector.load %arg16[%swap3A_83, %swap3A_84] : memref<16x128xf32, #tpu.memory_space<vmem>>, vector<16x128xf32>
    tpu.vector_store %arg16[%swap3A_83, %swap3A_84], %add3A_82 {strides = array<i32>} : memref<16x128xf32, #tpu.memory_space<vmem>>, vector<16x128xf32>,
    %eq3A_86 = arith.constant 9 : i32
    %eq3A_87 = arith.cmpi eq, %arg0, %eq3A_86 : i32
    %convert_element_type3A_88 = arith.extui %eq3A_87 : i1 to i32
    %cond3A_89 = arith.constant 0 : i32
    %cond3A_90 = arith.cmpi ne, %convert_element_type3A_88, %cond3A_89 : i32
    scf.if %cond3A_90 {
      %get3A_91 = arith.constant 0 : index
      %get3A_92 = arith.constant 0 : index
      %get3A_93 = vector.load %arg15[%get3A_91, %get3A_92] : memref<16x128xf32, #tpu.memory_space<vmem>>, vector<16x128xf32>
      %get3A_94 = arith.constant 0 : index
      %get3A_95 = arith.constant 0 : index
      %get3A_96 = vector.load %arg16[%get3A_94, %get3A_95] : memref<16x128xf32, #tpu.memory_space<vmem>>, vector<16x128xf32>
      %max3A_97 = arith.constant 1.000000e+00 : f32
      %max3A_98 = vector.broadcast %max3A_97 : f32 to vector<16x128xf32>
      %max3A_99 = arith.maximumf %get3A_96, %max3A_98 : vector<16x128xf32>
      %div3A_100 = arith.divf %get3A_93, %max3A_99 : vector<16x128xf32>
      %get3A_101 = arith.constant 0 : index
      %get3A_102 = arith.constant 0 : index
      %get3A_103 = vector.load %arg4[%get3A_101, %get3A_102] : memref<16x16xf32, #tpu.memory_space<vmem>>, vector<16x16xf32>
      %get3A_104 = arith.constant 0 : index
      %get3A_105 = arith.constant 0 : index
      %get3A_106 = vector.load %arg9[%get3A_104, %get3A_105] : memref<144x32xf32, #tpu.memory_space<vmem>>, vector<16x32xf32>
      %dot_general3A_107 = arith.constant dense<0.000000e+00> : vector<16x32xf32>
      %dot_general3A_108 = tpu.matmul %get3A_103, %get3A_106, %dot_general3A_107 {dimension_numbers = #tpu.dot_dimension_numbers<[1], [0], [0], [1], [0, 0, 1, 1], [], []>, transpose_lhs_hint = false} : vector<16x16xf32>, vector<16x32xf32>, vector<16x32xf32> -> vector<16x32xf32>
      %get3A_109 = arith.constant 16 : index
      %get3A_110 = arith.constant 0 : index
      %get3A_111 = vector.load %arg9[%get3A_109, %get3A_110] : memref<144x32xf32, #tpu.memory_space<vmem>>, vector<128x32xf32>
      %dot_general3A_112 = arith.constant dense<0.000000e+00> : vector<16x32xf32>
      %dot_general3A_113 = tpu.matmul %div3A_100, %get3A_111, %dot_general3A_112 {dimension_numbers = #tpu.dot_dimension_numbers<[1], [0], [0], [1], [0, 0, 1, 1], [], []>, transpose_lhs_hint = false} : vector<16x128xf32>, vector<128x32xf32>, vector<16x32xf32> -> vector<16x32xf32>
      %add3A_114 = arith.addf %dot_general3A_108, %dot_general3A_113 : vector<16x32xf32>
      %get3A_115 = arith.constant 0 : index
      %get3A_116 = arith.constant 0 : index
      %get3A_117 = vector.load %arg10[%get3A_115, %get3A_116] : memref<1x32xf32, #tpu.memory_space<vmem>>, vector<1x32xf32>
      %get3A_118 = vector.shape_cast %get3A_117 : vector<1x32xf32> to vector<32xf32>
      %broadcast_in_dim3A_119 = vector.shape_cast %get3A_118 : vector<32xf32> to vector<1x32xf32>
      %add3A_120 = vector.broadcast %broadcast_in_dim3A_119 : vector<1x32xf32> to vector<16x32xf32>
      %add3A_121 = arith.addf %add3A_114, %add3A_120 : vector<16x32xf32>
      %max3A_122 = arith.constant 0.000000e+00 : f32
      %max3A_123 = vector.broadcast %max3A_122 : f32 to vector<16x32xf32>
      %max3A_124 = arith.maximumf %add3A_121, %max3A_123 : vector<16x32xf32>
      %get3A_125 = arith.constant 0 : index
      %get3A_126 = arith.constant 0 : index
      %get3A_127 = vector.load %arg11[%get3A_125, %get3A_126] : memref<32x16xf32, #tpu.memory_space<vmem>>, vector<32x16xf32>
      %dot_general3A_128 = arith.constant dense<0.000000e+00> : vector<16x16xf32>
      %dot_general3A_129 = tpu.matmul %max3A_124, %get3A_127, %dot_general3A_128 {dimension_numbers = #tpu.dot_dimension_numbers<[1], [0], [0], [1], [0, 0, 1, 1], [], []>, transpose_lhs_hint = false} : vector<16x32xf32>, vector<32x16xf32>, vector<16x16xf32> -> vector<16x16xf32>
      %get3A_130 = arith.constant 0 : index
      %get3A_131 = arith.constant 0 : index
      %get3A_132 = vector.load %arg12[%get3A_130, %get3A_131] : memref<1x16xf32, #tpu.memory_space<vmem>>, vector<1x16xf32>
      %get3A_133 = vector.shape_cast %get3A_132 : vector<1x16xf32> to vector<16xf32>
      %broadcast_in_dim3A_134 = vector.shape_cast %get3A_133 : vector<16xf32> to vector<1x16xf32>
      %add3A_135 = vector.broadcast %broadcast_in_dim3A_134 : vector<1x16xf32> to vector<16x16xf32>
      %add3A_136 = arith.addf %dot_general3A_129, %add3A_135 : vector<16x16xf32>
      %swap3A_137 = arith.constant 0 : index
      %swap3A_138 = arith.constant 0 : index
      %swap3A_139 = vector.load %arg14[%swap3A_137, %swap3A_138] : memref<16x16xf32, #tpu.memory_space<vmem>>, vector<16x16xf32>
      tpu.vector_store %arg14[%swap3A_137, %swap3A_138], %add3A_136 {strides = array<i32>} : memref<16x16xf32, #tpu.memory_space<vmem>>, vector<16x16xf32>,
    } else {
    }
    return
  }
  func.func @transform_0(%arg0: i32) -> (i32, i32) {
    %c0_i32 = arith.constant 0 : i32
    %c0_i32_0 = arith.constant 0 : i32
    return %arg0, %c0_i32 : i32, i32
  }
  func.func @transform_1(%arg0: i32) -> (i32, i32, i32) {
    %c0_i32 = arith.constant 0 : i32
    %c0_i32_0 = arith.constant 0 : i32
    %c0_i32_1 = arith.constant 0 : i32
    return %c0_i32, %arg0, %c0_i32_0 : i32, i32, i32
  }
  func.func @transform_2(%arg0: i32) -> (i32, i32, i32) {
    %c0_i32 = arith.constant 0 : i32
    %c0_i32_0 = arith.constant 0 : i32
    %c0_i32_1 = arith.constant 0 : i32
    return %arg0, %c0_i32, %c0_i32_0 : i32, i32, i32
  }
  func.func @transform_3(%arg0: i32) -> (i32, i32) {
    %c0_i32 = arith.constant 0 : i32
    %c0_i32_0 = arith.constant 0 : i32
    %c0_i32_1 = arith.constant 0 : i32
    return %c0_i32, %c0_i32_0 : i32, i32
  }
  func.func @transform_4(%arg0: i32) -> (i32, i32) {
    %c0_i32 = arith.constant 0 : i32
    %c0_i32_0 = arith.constant 0 : i32
    %c0_i32_1 = arith.constant 0 : i32
    return %c0_i32, %c0_i32_0 : i32, i32
  }
  func.func @transform_5(%arg0: i32) -> (i32, i32) {
    %c0_i32 = arith.constant 0 : i32
    %c0_i32_0 = arith.constant 0 : i32
    %c0_i32_1 = arith.constant 0 : i32
    return %c0_i32, %c0_i32_0 : i32, i32
  }
  func.func @transform_6(%arg0: i32) -> (i32, i32) {
    %c0_i32 = arith.constant 0 : i32
    %c0_i32_0 = arith.constant 0 : i32
    %c0_i32_1 = arith.constant 0 : i32
    return %c0_i32, %c0_i32_0 : i32, i32
  }
  func.func @transform_7(%arg0: i32) -> (i32, i32) {
    %c0_i32 = arith.constant 0 : i32
    %c0_i32_0 = arith.constant 0 : i32
    %c0_i32_1 = arith.constant 0 : i32
    return %c0_i32, %c0_i32_0 : i32, i32
  }
  func.func @transform_8(%arg0: i32) -> (i32, i32) {
    %c0_i32 = arith.constant 0 : i32
    %c0_i32_0 = arith.constant 0 : i32
    %c0_i32_1 = arith.constant 0 : i32
    return %c0_i32, %c0_i32_0 : i32, i32
  }
  func.func @transform_9(%arg0: i32) -> (i32, i32) {
    %c0_i32 = arith.constant 0 : i32
    %c0_i32_0 = arith.constant 0 : i32
    %c0_i32_1 = arith.constant 0 : i32
    return %c0_i32, %c0_i32_0 : i32, i32
  }
  func.func @transform_10(%arg0: i32) -> (i32, i32) {
    %c0_i32 = arith.constant 0 : i32
    %c0_i32_0 = arith.constant 0 : i32
    %c0_i32_1 = arith.constant 0 : i32
    return %c0_i32, %c0_i32_0 : i32, i32
  }
  func.func @transform_11(%arg0: i32) -> (i32, i32) {
    %c0_i32 = arith.constant 0 : i32
    %c0_i32_0 = arith.constant 0 : i32
    %c0_i32_1 = arith.constant 0 : i32
    return %c0_i32, %c0_i32_0 : i32, i32
  }
  func.func @transform_12(%arg0: i32) -> (i32, i32) {
    %c0_i32 = arith.constant 0 : i32
    %c0_i32_0 = arith.constant 0 : i32
    return %arg0, %c0_i32 : i32, i32
  }
  func.func @transform_13(%arg0: i32) -> (i32, i32) {
    %c0_i32 = arith.constant 0 : i32
    %c0_i32_0 = arith.constant 0 : i32
    %c0_i32_1 = arith.constant 0 : i32
    return %c0_i32, %c0_i32_0 : i32, i32
  }
}

</mosaic_0001>

<sc_bundles>
// kernel: kernel.12.cloned.1.call-start
scs
__scs_entry_jumppad:
0x0: {  	(pc) =	sbr.rel $0x88, $3  }
0x1: {  	(tag) =	ssettag $0x0;
	lr =	simm.s32 $0x1  }
0x2: {  	[smem:$0x3F8C] =	sst lr;
	_ =	strace $0xD0000000  }
0x3: {  	_ = 	snop  }
0x4: {  	_ = 	snop  }
0x5: {  	_ = 	snop  }
0x6: {  	_ = 	snop  }
0x7: {  	_ = 	snop  }
__scs_overlays_trampoline_lowered:
0x8: {  	[smem:$0x3F9B] =	sst s0  }
0x9: {  	[smem:$0x3F9C] =	sst s1  }
0xa: {  	[smem:$0x3F9D] =	sst s2  }
0xb: {  	[smem:$0x3F9E] =	sst s3  }
0xc: {  	[smem:$0x3F9F] =	sst s4  }
0xd: {  	[smem:$0x3FA0] =	sst s5  }
0xe: {  	[smem:$0x3FA1] =	sst s6  }
0xf: {  	[smem:$0x3FA2] =	sst s7  }
0x10: {  	[smem:$0x3FA3] =	sst s8  }
0x11: {  	[smem:$0x3FA4] =	sst s9;
	s0 =	simm.s32 @!p0 $0x0  }
0x12: {  	s1 =	sld [smem:$0x3F8A];
	s0 =	simm.s32 @p0 $0x1  }
0x13: {  	[smem:$0x3FA5] =	sst s0;
	s0 =	simm.s32 @!p1 $0x0  }
0x14: {  	s2 =	sld [smem:$0x3F89];
	s0 =	simm.s32 @p1 $0x1  }
0x15: {  	[smem:$0x3FA6] =	sst s0;
	s0 =	simm.s32 @!p2 $0x0  }
0x16: {  	s3 =	sld [smem:$0x3FDB];
	s0 =	simm.s32 @p2 $0x1  }
0x17: {  	s4 =	simm.s32 $0x1BF5;
	[smem:$0x3FA8] =	sst s0  }
0x18: {  	s0 =	sld [smem:$0x3F8B];
	_ =	swait.ge [sflag:s4], $0x0  }
0x19: {  	s7 =	sld [smem:$0x3F8C]  }
0x1a: {  	s8 =	sadd.s32 $0xFFFFE003, lr  }
0x1b: {  	s9 =	sadd.s32 $0xFFFFFEF7, lr;
	s5 =	simm.s32 $0xFFFFFFFF;
	p2 =	slt.u32 s8, $0xFFFFF086  }
0x1c: {  	p1 =	slt.u32 s9, $0xF7A;
	s5 =	simm.s32 @!p2 $0x0  }
0x1d: {  	s5 =	simm.s32 @p1 $0x1;
	p0 =	seq.s32 s7, s2  }
0x1e: {  	s7 =	smul.u32 @!p0 $0xF7A, s2;
	p2 =	seq.s32 @!p0 s5, $0x0  }
0x1f: {  	s9 =	smul.u32 $0xF7A, s1;
	s8 =	simm.s32 @!p0 $0x1BF5;
	p2 =	por !p2, p0  }
0x20: {  	[sflag:s8] =	ssyncset.s32 @!p0 $0xFFFFF086;
	s6 =	sadd.s32 @!p0 s3, s7;
	s7 =	simm.s32 @!p0 $0x108  }
0x21: {  	s3 =	sadd.s32 s3, s9;
	s6 =	sadd.s32 @!p0 $0x88, s6;
	s7 =	simm.s32 @p2 $0x1082  }
0x22: {  	[simem:s7], [sflag:s8] =	dma.local @!p0 [hbm:s6], $0xF7A  }
0x23: {  	s9 =	sor.u32 $0xD0000000, s2;
	s6 =	simm.s32 $0x108;
	_ =	swait.ge @!p0 [sflag:s8], $0x0  }
0x24: {  	s3 =	sadd.s32 $0x88, s3;
	s6 =	simm.s32 @!p1 $0x1082;
	[sflag:s4] =	ssyncset.s32 $0xFFFFF086  }
0x25: {  	[simem:s6], [sflag:s4] =	dma.local [hbm:s3], $0xF7A  }
0x26: {  	[smem:$0x3F8C] =	sst s1;
	(tag) =	ssettag s2;
	_ =	strace s9  }
0x27: {  	s1 =	sld [smem:$0x3F9C]  }
0x28: {  	s2 =	sld [smem:$0x3F9D]  }
0x29: {  	s4 =	sld [smem:$0x3F9F]  }
0x2a: {  	p0 =	seq.s32 s5, $0x0;
	s5 =	sld [smem:$0x3FA0]  }
0x2b: {  	s6 =	sld [smem:$0x3FA1]  }
0x2c: {  	s7 =	sld [smem:$0x3FA2]  }
0x2d: {  	s3 =	simm.s32 $0x108;
	s8 =	sld [smem:$0x3FA3]  }
0x2e: {  	s3 =	simm.s32 @!p0 $0x1082;
	s9 =	sld [smem:$0x3FA4]  }
0x2f: {  	lr =	sadd.s32 s0, s3;
	s0 =	sld [smem:$0x3F9B]  }
0x30: {  	s3 =	sld [smem:$0x3F9E]  }
0x31: {  	[smem:$0x3FA7] =	sst s10  }
0x32: {  	s10 =	sld [smem:$0x3FA5];
	_ =	sdelay $0x3  }
0x33: {  	p0 =	seq.s32 s10, $0x1;
	s10 =	sld [smem:$0x3FA7];
	_ =	sdelay $0x3  }
0x34: {  	[smem:$0x3FA7] =	sst s10  }
0x35: {  	s10 =	sld [smem:$0x3FA6];
	_ =	sdelay $0x3  }
0x36: {  	p1 =	seq.s32 s10, $0x1;
	s10 =	sld [smem:$0x3FA7];
	_ =	sdelay $0x3  }
0x37: {  	[smem:$0x3FA7] =	sst s10  }
0x38: {  	s10 =	sld [smem:$0x3FA8]  }
0x39: {  	_ = 	snop;
	(pc) =	sbr.ind lr, $3  }
0x3a: {  	_ = 	snop  }
0x3b: {  	_ = 	snop  }
0x3c: {  	p2 =	seq.s32 s10, $0x1;
	s10 =	sld [smem:$0x3FA7]  }
0x3d: {  	_ =	shalt  }
0x3e: {  	_ =	shalt  }
0x3f: {  	_ =	shalt  }
0x40: {  	_ =	shalt  }
0x41: {  	_ =	shalt  }
0x42: {  	_ =	shalt  }
0x43: {  	_ =	shalt  }
0x44: {  	_ =	shalt  }
0x45: {  	_ =	shalt  }
0x46: {  	_ =	shalt  }
0x47: {  	_ =	shalt  }
0x48: {  	_ =	shalt  }
0x49: {  	_ =	shalt  }
0x4a: {  	_ =	shalt  }
0x4b: {  	_ =	shalt  }
0x4c: {  	_ =	shalt  }
0x4d: {  	_ =	shalt  }
0x4e: {  	_ =	shalt  }
0x4f: {  	_ =	shalt  }
0x50: {  	_ =	shalt  }
0x51: {  	_ =	shalt  }
0x52: {  	_ =	shalt  }
0x53: {  	_ =	shalt  }
0x54: {  	_ =	shalt  }
0x55: {  	_ =	shalt  }
0x56: {  	_ =	shalt  }
0x57: {  	_ =	shalt  }
0x58: {  	_ =	shalt  }
0x59: {  	_ =	shalt  }
0x5a: {  	_ =	shalt  }
0x5b: {  	_ =	shalt  }
0x5c: {  	_ =	shalt  }
0x5d: {  	_ =	shalt  }
0x5e: {  	_ =	shalt  }
0x5f: {  	_ =	shalt  }
0x60: {  	_ =	shalt  }
0x61: {  	_ =	shalt  }
0x62: {  	_ =	shalt  }
0x63: {  	_ =	shalt  }
0x64: {  	_ =	shalt  }
0x65: {  	_ =	shalt  }
0x66: {  	_ =	shalt  }
0x67: {  	_ =	shalt  }
0x68: {  	_ =	shalt  }
0x69: {  	_ =	shalt  }
0x6a: {  	_ =	shalt  }
0x6b: {  	_ =	shalt  }
0x6c: {  	_ =	shalt  }
0x6d: {  	_ =	shalt  }
0x6e: {  	_ =	shalt  }
0x6f: {  	_ =	shalt  }
0x70: {  	_ =	shalt  }
0x71: {  	_ =	shalt  }
0x72: {  	_ =	shalt  }
0x73: {  	_ =	shalt  }
0x74: {  	_ =	shalt  }
0x75: {  	_ =	shalt  }
0x76: {  	_ =	shalt  }
0x77: {  	_ =	shalt  }
0x78: {  	_ =	shalt  }
0x79: {  	_ =	shalt  }
0x7a: {  	_ =	shalt  }
0x7b: {  	_ =	shalt  }
0x7c: {  	_ =	shalt  }
0x7d: {  	_ =	shalt  }
0x7e: {  	_ =	shalt  }
0x7f: {  	_ =	shalt  }
0x80: {  	_ =	shalt  }
0x81: {  	_ =	shalt  }
0x82: {  	_ =	shalt  }
0x83: {  	_ =	shalt  }
0x84: {  	_ =	shalt  }
0x85: {  	_ =	shalt  }
0x86: {  	_ =	shalt  }
0x87: {  	_ =	shalt  }
.Lfunc_end0:
.L_simem_size_0:
called_computation.1_lowered:
.L_overlay_start_0:
0x88: {  	s2 =	sld [smem:$0x3FD9]  }
0x89: {  	s3 =	sld [smem:$0x3FFE];
	_ =	sdelay $0x1  }
0x8a: {  	s1 =	srdreg.scid  }
0x8b: {  	s0 =	sand.u32 $0x1, s1  }
0x8c: {  	s15 =	sshll.u32 s0, $0xA;
	s2 =	sadd.s32 s3, s2  }
0x8d: {  	s2 =	sadd.s32 s2, s15  }
0x8e: {  	[smem:$0x3FB3] =	sst s2  }
0x8f: {  	_ = 	snop  }
0x90: {  	s2 =	sld [smem:$0x3FD0];
	_ =	sdelay $0x2  }
0x91: {  	s16 =	simm.s32 $0xB;
	s4 =	simm.s32 $0x10  }
0x92: {  	[smem:s4], [sflag:s16] =	dma.local [hbm:s2], $0x1  }
0x93: {  	_ =	swait.eq [sflag:s16], $0x1  }
0x94: {  	[sflag:s16] =	ssyncset.done $0x0  }
0x95: {  	[sflag:s16] =	ssyncadd.s32 $0xFFFFFFFF  }
0x96: {  	s17 =	sld [smem:$0x10];
	(tm) =	ssettm $0x1  }
0x97: {  	s18 =	sld [smem:$0x3FFB];
	_ =	sdelay $0x3  }
0x98: {  	_ =	strace s18  }
0x99: {  	s2 =	sld [smem:$0x3FFC];
	_ =	sdelay $0x3  }
0x9a: {  	_ =	strace s2  }
0x9b: {  	s2 =	sld [smem:$0x3FFD];
	_ =	sdelay $0x3  }
0x9c: {  	_ =	strace s2  }
0x9d: {  	_ =	strace $0x8FFFFFFF  }
0x9e: {  	s19 =	sld [smem:$0x3FDB];
	_ =	sdelay $0x1  }
0x9f: {  	s20 =	simm.s32 $_scs_section_size  }
0xa0: {  	s5 =	simm.s32 $_size__tile_overlayer_lowered;
	s6 =	simm.s32 $_tile_overlayer_lowered  }
0xa1: {  	s7 =	simm.s32 $0x1BFF;
	s21 =	sshll.u32 s6, $0x1;
	s4 =	sadd.s32 s20, s19  }
0xa2: {  	s22 =	simm.s32 $0x0;
	s5 =	sshll.u32 s5, $0x1;
	s6 =	sadd.s32 s21, s4  }
0xa3: {  	[timem:s22], [sflag:s7] =	dma.local [hbm:s6], s5  }
0xa4: {  	_ =	swait.ge [sflag:s7], s5  }
0xa5: {  	s5 =	ssub.s32 $0x0, s5;
	[sflag:s7] =	ssyncset.done $0x0  }
0xa6: {  	[sflag:s7] =	ssyncadd.s32 s5;
	_ =	sdelay $0x1  }
0xa7: {  	s23 =	simm.s32 $0x1B8B  }
0xa8: {  	_ =	swait.ge [sflag:s23], $0x1  }
0xa9: {  	[sflag:s23] =	ssyncset.done $0x0  }
0xaa: {  	[sflag:s23] =	ssyncadd.s32 $0xFFFFFFFF  }
0xab: {  	s5 =	sld [smem:$0x0]  }
0xac: {  	s6 =	sand.u32 $0xFFFFFFFE, s1  }
0xad: {  	p0 =	sne.s32 s1, s6  }
0xae: {  	s6 =	sshll.u32 @p0 s6, $0xE  }
0xaf: {  	s6 =	sadd.s32 @p0 $0x11B8D, s6;
	s7 =	sshll.u32 @p0 s5, $0x11  }
0xb0: {  	s6 =	sor.u32 @p0 s7, s6  }
0xb1: {  	[sflag:s6] =	ssyncadd.remote.s32 @p0 $0x1;
	_ =	sdelay $0x1  }
0xb2: {  	s6 =	simm.s32 @p0 $0x1B8D  }
0xb3: {  	_ =	swait.eq @p0 [sflag:s6], $0x1  }
0xb4: {  	[sflag:s6] =	ssyncadd.s32 @p0 $0xFFFFFFFF  }
0xb5: {  	s7 =	sshll.u32 @!p0 s1, $0xE  }
0xb6: {  	s7 =	sor.u32 @!p0 $0x4000, s7;
	s6 =	simm.s32 @!p0 $0x1B8D  }
0xb7: {  	s5 =	sshll.u32 @!p0 s5, $0x11;
	s7 =	sadd.s32 @!p0 $0x11B8D, s7;
	_ =	swait.eq @!p0 [sflag:s6], $0x1  }
0xb8: {  	s5 =	sor.u32 @!p0 s5, s7;
	[sflag:s6] =	ssyncadd.s32 @!p0 $0xFFFFFFFF  }
0xb9: {  	s25 =	simm.s32 $0x1B8E;
	s24 =	sld [smem:$0x3FFE];
	[sflag:s5] =	ssyncadd.remote.s32 @!p0 $0x1  }
0xba: {  	s26 =	simm.s32 $execute0_lowered;
	[smem:$0x3FD2] =	sst s25  }
0xbb: {  	s6 =	sshll.u32 s26, $0x1;
	_ =	strace $0x80000049;
	[dreg:$0x1] =	wrdreg $0xFFFFFFFF  }
0xbc: {  	s28 =	simm.s32 $_size_execute0_lowered;
	s4 =	sadd.s32 s4, s6;
	[dreg:$0x0] =	wrdreg $0x0  }
0xbd: {  	s6 =	sshll.u32 s28, $0x1;
	[dreg:$0x2] =	wrdreg s4  }
0xbe: {  	[dreg:$0x3] =	wrdreg s6  }
0xbf: {  	[dreg:$0x4] =	wrdreg $0xC0  }
0xc0: {  	_ =	task [dreg:s22], $0x5FFFF  }
0xc1: {  	[dreg:$0x1] =	wrdreg $0xFFFFFFFF  }
0xc2: {  	[dreg:$0x0] =	wrdreg $0x60  }
0xc3: {  	[dreg:$0x2] =	wrdreg s17  }
0xc4: {  	[dreg:$0x3] =	wrdreg s24  }
0xc5: {  	[dreg:$0x4] =	wrdreg $0xA  }
0xc6: {  	_ =	task.clear_ibuf [dreg:s22], $0x5FFFF;
	_ =	strace $0x90000049  }
0xc7: {  	s29 =	simm.s32 $0xA;
	_ =	strace $0x8000004B  }
0xc8: {  	_ =	swait.ge [sflag:s29], $0x1  }
0xc9: {  	[sflag:s29] =	ssyncadd.s32 $0xFFFFFFFF  }
0xca: {  	_ =	strace $0x9000004B  }
0xcb: {  	_ =	sfence  }
0xcc: {  	s30 =	sld [smem:$0x0];
	_ =	sdelay $0x2  }
0xcd: {  	s31 =	sshll.u32 s1, $0xD;
	s1 =	sshrl.u32 s1, $0x2  }
0xce: {  	s4 =	sand.u32 $0x4000, s31;
	s1 =	sadd.s32 s1, s30  }
0xcf: {  	s0 =	sor.u32 s4, s0;
	s1 =	sshll.u32 s1, $0x11  }
0xd0: {  	s0 =	sor.u32 s1, s0  }
0xd1: {  	s0 =	sadd.s32 $0x8F2B, s0  }
0xd2: {  	[sflag:s0] =	ssyncadd.remote.s32 $0x1  }
0xd3: {  	_ =	sfence.sel $0xFFFF  }
0xd4: {  	[dreg:$0x0] =	wrdreg $0xFFFFFFFF;
	(pc) =	sbr.abs _section_cstart, $3  }
0xd5: {  	[dreg:$0x1] =	wrdreg $0xFFFFFFFF  }
0xd6: {  	_ =	task.clear_ibuf [dreg:s22], $0x2FFFF;
	_ =	strace $0x9FFFFFFF  }
0xd7: {  	(tm) =	ssettm $0x7FFFFFFF  }
tec
execute0_lowered:
.L_overlay_start_1:
0x0: {  	(tag) =	ssettag $0x1  }
0x1: {  	s2 =	rddreg [dreg:$0x0]  }
0x2: {  	s0 =	rddreg [dreg:$0x1]  }
0x3: {  	s3 =	stileid.u32;
	s1 =	srdreg.scid;
	s17 =	simm.s32 $0x0  }
0x4: {  	s8 =	simm.s32 $0x3;
	s11 =	simm.s32 $0x1;
	s12 =	simm.s32 $0x80  }
0x5: {  	s13 =	simm.s32 $0x3800;
	s14 =	simm.s32 $0x13800;
	s21 =	simm.s32 $0xD800  }
0x6: {  	s22 =	simm.s32 $0x18800;
	s23 =	simm.s32 $0xF800;
	s24 =	simm.s32 $0x19800  }
0x7: {  	s25 =	simm.s32 $0x11800;
	s26 =	simm.s32 $0x1A800;
	[smem:$0x7FF] =	sst s17  }
0x8: {  	s28 =	simm.s32 $0x17800;
	_ =	strace $0x8000004A;
	[dreg:$0x5] =	wrdreg s21  }
0x9: {  	s29 =	simm.s32 $0x2;
	s30 =	simm.s32 $0x40;
	[dreg:$0x6] =	wrdreg s22  }
0xa: {  	s31 =	simm.s32 $0x20;
	s15 =	simm.s32 $0x0;
	[dreg:$0x7] =	wrdreg s23  }
0xb: {  	s4 =	smul.u32 $0x18, s3;
	s1 =	sand.u32 $0x1, s1;
	[dreg:$0x8] =	wrdreg s24  }
0xc: {  	s5 =	smul.u32 $0x38, s3;
	p0 =	seq.s32 s1, $0x0;
	[dreg:$0x9] =	wrdreg s25  }
0xd: {  	s1 =	ssub.s32 $0x2, s1;
	[dreg:$0xa] =	wrdreg s26;
	s26 =	simm.s32 $0xB800  }
0xe: {  	s4 =	sadd.s32 $0x380, s4;
	s18 =	sshrl.u32 s1, $0x1;
	s8 =	simm.s32 @!p0 $0x7  }
0xf: {  	s5 =	smov.u32 @p0 s4;
	s4 =	sadd.s32 $0x7400, s0;
	s1 =	ssub.s32 s1, s18  }
0x10: {  	s9 =	sadd.s32 $0xFFFFFFFF, s8;
	s10 =	sshll.u32 s8, $0xC;
	s6 =	sshll.u32 s5, $0x4  }
0x11: {  	s5 =	sshll.u32 s5, $0xB;
	[dreg:$0x3] =	wrdreg s9;
	s1 =	smax.u32 s1, $0x1  }
0x12: {  	[dreg:$0x4] =	wrdreg s10;
	s7 =	sadd.s32 s6, s0;
	s0 =	sadd.s32 s5, s0  }
0x13: {  	s5 =	simm.s32 $0x3;
	[dreg:$0xd] =	wrdreg s1;
	s19 =	sadd.s32 $0x29B400, s7  }
0x14: {  	s1 =	simm.s32 $0x4;
	s20 =	sadd.s32 $0x2A0600, s7;
	[dreg:$0xb] =	wrdreg s19  }
0x15: {  	s9 =	sadd.s32 $0x2A5800, s0;
	s0 =	simm.s32 $0x5;
	[dreg:$0xc] =	wrdreg s20  }
.LBB2_1:
0x16: {  	s3 =	simm.s32 $0x0;
	s6 =	rddreg [dreg:$0xb]  }
0x17: {  	[tilespmem:s3], [sflag:$0x1] =	stream.linear.gather [hbm4b:s6+s3], $0x1C00, $0x38;
	[tilespmem:$0x1B800] =	vst v63  }
0x18: {  	s24 =	rddreg [dreg:$0xc];
	s7 =	simm.s32 $0x1C00  }
0x19: {  	[tilespmem:s7], [sflag:$0x1] =	stream.linear.gather [hbm4b:s24+s3], $0x1C00, $0x38;
	[tilespmem:$0x1B800] =	vst v63  }
0x1a: {  	_ =	swait.ge [sflag:s11], $0x1C00  }
0x1b: {  	[sflag:s11] =	ssyncset.done $0x0  }
0x1c: {  	[sflag:s11] =	ssyncadd.s32 $0xFFFFE400  }
0x1d: {  	_ =	swait.ge [sflag:s11], $0x1C00  }
0x1e: {  	[sflag:s11] =	ssyncset.done $0x0  }
0x1f: {  	[sflag:s11] =	ssyncadd.s32 $0xFFFFE400  }
0x20: {  	[tilespmem:s13], [sflag:$0x2] =	stream.indirect.gather [hbm4b:s2+s12], $0x40, s3, s12, $0xb8;
	[tilespmem:$0x1B800] =	vst v63  }
0x21: {  	_ = 	snop  }
0x22: {  	[tilespmem:s14], [sflag:$0x2] =	stream.indirect.gather [hbm4b:s4+s12], $0x20, s7, s12, $0xb8;
	[tilespmem:$0x1B800] =	vst v63  }
0x23: {  	s25 =	simm.s32 $0x5800  }
0x24: {  	[tilespmem:s25], [sflag:$0x2] =	stream.indirect.gather [hbm4b:s2+s12], $0x40, s12, s12, $0xb8;
	[tilespmem:$0x1B800] =	vst v63  }
0x25: {  	s6 =	simm.s32 $0x1C80;
	s7 =	simm.s32 $0x14800  }
0x26: {  	[tilespmem:s7], [sflag:$0x2] =	stream.indirect.gather [hbm4b:s4+s12], $0x20, s6, s12, $0xb8;
	[tilespmem:$0x1B800] =	vst v63  }
0x27: {  	s8 =	simm.s32 $0x100;
	s10 =	simm.s32 $0x7800  }
0x28: {  	[tilespmem:s10], [sflag:$0x2] =	stream.indirect.gather [hbm4b:s2+s12], $0x40, s8, s12, $0xb8;
	[tilespmem:$0x1B800] =	vst v63  }
0x29: {  	s16 =	simm.s32 $0x1D00;
	s17 =	simm.s32 $0x15800  }
0x2a: {  	[tilespmem:s17], [sflag:$0x2] =	stream.indirect.gather [hbm4b:s4+s12], $0x20, s16, s12, $0xb8;
	[tilespmem:$0x1B800] =	vst v63  }
0x2b: {  	s18 =	simm.s32 $0x180;
	s19 =	simm.s32 $0x9800;
	p0 =	por $0x1, $0x1  }
0x2c: {  	[tilespmem:s19], [sflag:$0x2] =	stream.indirect.gather [hbm4b:s2+s12], $0x40, s18, s12, $0xb8;
	[tilespmem:$0x1B800] =	vst v63  }
0x2d: {  	s20 =	simm.s32 $0x1D80;
	s21 =	simm.s32 $0x16800;
	s16 =	simm.s32 @!p0 $0x5  }
0x2e: {  	[tilespmem:s21], [sflag:$0x2] =	stream.indirect.gather [hbm4b:s4+s12], $0x20, s20, s12, $0xb8;
	[tilespmem:$0x1B800] =	vst v63  }
0x2f: {  	_ =	swait.ge @!p0 [sflag:s16], $0x8000  }
0x30: {  	[sflag:s16] =	ssyncset.done @!p0 $0x0  }
0x31: {  	[sflag:s16] =	ssyncadd.s32 @!p0 $0xFFFF8000  }
0x32: {  	_ =	swait.ge @!p0 [sflag:s16], $0x4000  }
0x33: {  	[sflag:s16] =	ssyncset.done @!p0 $0x0  }
0x34: {  	s22 =	simm.s32 $0x200;
	[sflag:s16] =	ssyncadd.s32 @!p0 $0xFFFFC000  }
0x35: {  	[tilespmem:s26], [sflag:$0x3] =	stream.indirect.gather [hbm4b:s2+s12], $0x40, s22, s12, $0xb8;
	[tilespmem:$0x1B800] =	vst v63  }
0x36: {  	s23 =	simm.s32 $0x1E00  }
0x37: {  	[tilespmem:s28], [sflag:$0x3] =	stream.indirect.gather [hbm4b:s4+s12], $0x20, s23, s12, $0xb8;
	[tilespmem:$0x1B800] =	vst v63  }
0x38: {  	s24 =	simm.s32 $0x280;
	s17 =	rddreg [dreg:$0x5]  }
0x39: {  	[tilespmem:s17], [sflag:$0x3] =	stream.indirect.gather [hbm4b:s2+s12], $0x40, s24, s12, $0xb8;
	[tilespmem:$0x1B800] =	vst v63  }
0x3a: {  	s25 =	simm.s32 $0x1E80;
	s18 =	rddreg [dreg:$0x6]  }
0x3b: {  	[tilespmem:s18], [sflag:$0x3] =	stream.indirect.gather [hbm4b:s4+s12], $0x20, s25, s12, $0xb8;
	[tilespmem:$0x1B800] =	vst v63  }
0x3c: {  	s6 =	simm.s32 $0x300;
	s3 =	rddreg [dreg:$0x7]  }
0x3d: {  	[tilespmem:s3], [sflag:$0x3] =	stream.indirect.gather [hbm4b:s2+s12], $0x40, s6, s12, $0xb8;
	[tilespmem:$0x1B800] =	vst v63  }
0x3e: {  	s8 =	simm.s32 $0x1F00;
	s7 =	rddreg [dreg:$0x8]  }
0x3f: {  	[tilespmem:s7], [sflag:$0x3] =	stream.indirect.gather [hbm4b:s4+s12], $0x20, s8, s12, $0xb8;
	[tilespmem:$0x1B800] =	vst v63  }
0x40: {  	s10 =	rddreg [dreg:$0x9];
	s18 =	simm.s32 $0x380  }
0x41: {  	[tilespmem:s10], [sflag:$0x3] =	stream.indirect.gather [hbm4b:s2+s12], $0x40, s18, s12, $0xb8;
	[tilespmem:$0x1B800] =	vst v63  }
0x42: {  	s20 =	simm.s32 $0x1F80;
	s19 =	rddreg [dreg:$0xa]  }
0x43: {  	[tilespmem:s19], [sflag:$0x3] =	stream.indirect.gather [hbm4b:s4+s12], $0x20, s20, s12, $0xb8;
	[tilespmem:$0x1B800] =	vst v63  }
0x44: {  	_ =	swait.ge [sflag:s29], $0x2000  }
0x45: {  	[sflag:s29] =	ssyncset.done $0x0  }
0x46: {  	[sflag:s29] =	ssyncadd.s32 $0xFFFFE000  }
0x47: {  	_ =	swait.ge [sflag:s29], $0x1000  }
0x48: {  	[sflag:s29] =	ssyncset.done $0x0  }
0x49: {  	[sflag:s29] =	ssyncadd.s32 $0xFFFFF000  }
0x4a: {  	_ =	swait.ge [sflag:s29], $0x2000  }
0x4b: {  	[sflag:s29] =	ssyncset.done $0x0  }
0x4c: {  	[sflag:s29] =	ssyncadd.s32 $0xFFFFE000  }
0x4d: {  	_ =	swait.ge [sflag:s29], $0x1000  }
0x4e: {  	[sflag:s29] =	ssyncset.done $0x0  }
0x4f: {  	[sflag:s29] =	ssyncadd.s32 $0xFFFFF000  }
0x50: {  	_ =	swait.ge [sflag:s29], $0x2000  }
0x51: {  	[sflag:s29] =	ssyncset.done $0x0  }
0x52: {  	[sflag:s29] =	ssyncadd.s32 $0xFFFFE000  }
0x53: {  	_ =	swait.ge [sflag:s29], $0x1000  }
0x54: {  	[sflag:s29] =	ssyncset.done $0x0  }
0x55: {  	[sflag:s29] =	ssyncadd.s32 $0xFFFFF000  }
0x56: {  	_ =	swait.ge [sflag:s29], $0x2000  }
0x57: {  	[sflag:s29] =	ssyncset.done $0x0  }
0x58: {  	[sflag:s29] =	ssyncadd.s32 $0xFFFFE000  }
0x59: {  	_ =	swait.ge [sflag:s29], $0x1000  }
0x5a: {  	[sflag:s29] =	ssyncset.done $0x0  }
0x5b: {  	[sflag:s29] =	ssyncadd.s32 $0xFFFFF000  }
0x5c: {  	[hbm4b:s9+s30] =	stream.strided.scatter [tilespmem:s13], [sflag:$0x4], $0x8000, s12, s30, $0x38;
	[tilespmem:$0x1B800] =	vst v63  }
0x5d: {  	s21 =	sadd.s32 $0x8, s9  }
0x5e: {  	[hbm4b:s21+s31] =	stream.strided.scatter [tilespmem:s14], [sflag:$0x4], $0x4000, s12, s31, $0x38;
	[tilespmem:$0x1B800] =	vst v63  }
0x5f: {  	_ =	swait.ge [sflag:s5], $0x2000  }
0x60: {  	[sflag:s5] =	ssyncset.done $0x0  }
0x61: {  	[sflag:s5] =	ssyncadd.s32 $0xFFFFE000  }
0x62: {  	_ =	swait.ge [sflag:s5], $0x1000  }
0x63: {  	[sflag:s5] =	ssyncset.done $0x0  }
0x64: {  	[sflag:s5] =	ssyncadd.s32 $0xFFFFF000  }
0x65: {  	_ =	swait.ge [sflag:s5], $0x2000  }
0x66: {  	[sflag:s5] =	ssyncset.done $0x0  }
0x67: {  	[sflag:s5] =	ssyncadd.s32 $0xFFFFE000  }
0x68: {  	_ =	swait.ge [sflag:s5], $0x1000  }
0x69: {  	[sflag:s5] =	ssyncset.done $0x0  }
0x6a: {  	[sflag:s5] =	ssyncadd.s32 $0xFFFFF000  }
0x6b: {  	_ =	swait.ge [sflag:s5], $0x2000  }
0x6c: {  	[sflag:s5] =	ssyncset.done $0x0  }
0x6d: {  	[sflag:s5] =	ssyncadd.s32 $0xFFFFE000  }
0x6e: {  	_ =	swait.ge [sflag:s5], $0x1000  }
0x6f: {  	[sflag:s5] =	ssyncset.done $0x0  }
0x70: {  	[sflag:s5] =	ssyncadd.s32 $0xFFFFF000  }
0x71: {  	_ =	swait.ge [sflag:s5], $0x2000  }
0x72: {  	[sflag:s5] =	ssyncset.done $0x0  }
0x73: {  	[sflag:s5] =	ssyncadd.s32 $0xFFFFE000  }
0x74: {  	_ =	swait.ge [sflag:s5], $0x1000  }
0x75: {  	[sflag:s5] =	ssyncset.done $0x0;
	s22 =	rddreg [dreg:$0x3]  }
0x76: {  	s23 =	sadd.s32 $0x2000, s9;
	[sflag:s5] =	ssyncadd.s32 $0xFFFFF000;
	p0 =	sle.u32 s22, $0x0  }
0x77: {  	[hbm4b:s23+s30] =	stream.strided.scatter [tilespmem:s26], [sflag:$0x5], $0x8000, s12, s30, $0x38;
	[tilespmem:$0x1B800] =	vst v63  }
0x78: {  	s24 =	sadd.s32 $0x2008, s9;
	s16 =	simm.s32 @!p0 $0x4  }
0x79: {  	[hbm4b:s24+s31] =	stream.strided.scatter [tilespmem:s28], [sflag:$0x5], $0x4000, s12, s31, $0x38;
	[tilespmem:$0x1B800] =	vst v63  }
0x7a: {  	_ =	swait.ge @!p0 [sflag:s16], $0x8000  }
0x7b: {  	[sflag:s16] =	ssyncset.done @!p0 $0x0  }
0x7c: {  	[sflag:s16] =	ssyncadd.s32 @!p0 $0xFFFF8000  }
0x7d: {  	_ =	swait.ge @!p0 [sflag:s16], $0x4000  }
0x7e: {  	s17 =	simm.s32 @!p0 $0x400;
	[sflag:s16] =	ssyncset.done @!p0 $0x0  }
0x7f: {  	s20 =	simm.s32 @!p0 $0x80;
	s18 =	simm.s32 @!p0 $0x3800;
	[sflag:s16] =	ssyncadd.s32 @!p0 $0xFFFFC000  }
0x80: {  	[tilespmem:s18], [sflag:$0x2] =	stream.indirect.gather @!p0 [hbm4b:s2+s20], $0x40, s17, s20, $0xb8;
	[tilespmem:$0x1B800] =	vst v63  }
0x81: {  	s16 =	simm.s32 @!p0 $0x2000;
	s17 =	simm.s32 @!p0 $0x13800  }
0x82: {  	[tilespmem:s17], [sflag:$0x2] =	stream.indirect.gather @!p0 [hbm4b:s4+s20], $0x20, s16, s20, $0xb8;
	[tilespmem:$0x1B800] =	vst v63  }
0x83: {  	s21 =	simm.s32 @!p0 $0x2180;
	s16 =	simm.s32 @!p0 $0x480;
	s17 =	simm.s32 @!p0 $0x5800  }
0x84: {  	[tilespmem:s17], [sflag:$0x2] =	stream.indirect.gather @!p0 [hbm4b:s2+s20], $0x40, s16, s20, $0xb8;
	[tilespmem:$0x1B800] =	vst v63  }
0x85: {  	s25 =	rddreg [dreg:$0x4];
	s16 =	simm.s32 @!p0 $0x2080;
	s17 =	simm.s32 @!p0 $0x14800  }
0x86: {  	[tilespmem:s17], [sflag:$0x2] =	stream.indirect.gather @!p0 [hbm4b:s4+s20], $0x20, s16, s20, $0xb8;
	[tilespmem:$0x1B800] =	vst v63  }
0x87: {  	p1 =	sne.s32 s25, $0x1000;
	s16 =	simm.s32 @!p0 $0x500;
	s17 =	simm.s32 @!p0 $0x7800  }
0x88: {  	[tilespmem:s17], [sflag:$0x2] =	stream.indirect.gather @!p0 [hbm4b:s2+s20], $0x40, s16, s20, $0xb8;
	[tilespmem:$0x1B800] =	vst v63  }
.Ltmp0:
0x89: {  	s18 =	simm.s32 @!p0 $0x15800;
	s16 =	simm.s32 @!p0 $0x2100;
	(pc) =	sbr.rel @!p1 .LBB2_3-.Ltmp0, $4  }
0x8a: {  	[tilespmem:s18], [sflag:$0x2] =	stream.indirect.gather @!p0 [hbm4b:s4+s20], $0x20, s16, s20, $0xb8;
	[tilespmem:$0x1B800] =	vst v63  }
0x8b: {  	s22 =	simm.s32 @!p0 $0x16800;
	s16 =	simm.s32 @!p0 $0x580;
	s18 =	simm.s32 @!p0 $0x9800  }
0x8c: {  	[tilespmem:s18], [sflag:$0x2] =	stream.indirect.gather @!p0 [hbm4b:s2+s20], $0x40, s16, s20, $0xb8;
	[tilespmem:$0x1B800] =	vst v63  }
0x8d: {  	s17 =	sadd.s32 $0x4000, s9;
	s16 =	simm.s32 $0x1000;
	s18 =	simm.s32 $0x0  }
.LBB2_2:
0x8e: {  	p1 =	seq.s32 s16, $0x0  }
0x8f: {  	[tilespmem:s22], [sflag:$0x2] =	stream.indirect.gather @!p0 [hbm4b:s4+s20], $0x20, s21, s20, $0xb8;
	[tilespmem:$0x1B800] =	vst v63  }
0x90: {  	s20 =	simm.s32 @!p1 $0x5  }
0x91: {  	_ =	swait.ge @!p1 [sflag:s20], $0x8000  }
0x92: {  	[sflag:s20] =	ssyncset.done @!p1 $0x0  }
0x93: {  	[sflag:s20] =	ssyncadd.s32 @!p1 $0xFFFF8000  }
0x94: {  	s19 =	smov.u32 s16;
	_ =	swait.ge @!p1 [sflag:s20], $0x4000  }
0x95: {  	s21 =	sshra.s32 s19, $0x2;
	[sflag:s20] =	ssyncset.done @!p1 $0x0  }
0x96: {  	s6 =	sadd.s32 $0x200, s21;
	[sflag:s20] =	ssyncadd.s32 @!p1 $0xFFFFC000  }
0x97: {  	[tilespmem:s26], [sflag:$0x3] =	stream.indirect.gather [hbm4b:s2+s12], $0x40, s6, s12, $0xb8;
	[tilespmem:$0x1B800] =	vst v63  }
0x98: {  	s7 =	sadd.s32 $0x1E00, s21  }
0x99: {  	[tilespmem:s28], [sflag:$0x3] =	stream.indirect.gather [hbm4b:s4+s12], $0x20, s7, s12, $0xb8;
	[tilespmem:$0x1B800] =	vst v63  }
0x9a: {  	s10 =	sadd.s32 $0x280, s21;
	s8 =	rddreg [dreg:$0x5]  }
0x9b: {  	[tilespmem:s8], [sflag:$0x3] =	stream.indirect.gather [hbm4b:s2+s12], $0x40, s10, s12, $0xb8;
	[tilespmem:$0x1B800] =	vst v63  }
0x9c: {  	s22 =	sadd.s32 $0x1E80, s21;
	s23 =	rddreg [dreg:$0x6]  }
0x9d: {  	[tilespmem:s23], [sflag:$0x3] =	stream.indirect.gather [hbm4b:s4+s12], $0x20, s22, s12, $0xb8;
	[tilespmem:$0x1B800] =	vst v63  }
0x9e: {  	s25 =	sadd.s32 $0x300, s21;
	s24 =	rddreg [dreg:$0x7]  }
0x9f: {  	[tilespmem:s24], [sflag:$0x3] =	stream.indirect.gather [hbm4b:s2+s12], $0x40, s25, s12, $0xb8;
	[tilespmem:$0x1B800] =	vst v63  }
0xa0: {  	s3 =	rddreg [dreg:$0x8];
	s6 =	sadd.s32 $0x1F00, s21  }
0xa1: {  	[tilespmem:s3], [sflag:$0x3] =	stream.indirect.gather [hbm4b:s4+s12], $0x20, s6, s12, $0xb8;
	[tilespmem:$0x1B800] =	vst v63  }
0xa2: {  	s7 =	rddreg [dreg:$0x9];
	s8 =	sadd.s32 $0x380, s21  }
0xa3: {  	[tilespmem:s7], [sflag:$0x3] =	stream.indirect.gather [hbm4b:s2+s12], $0x40, s8, s12, $0xb8;
	[tilespmem:$0x1B800] =	vst v63  }
0xa4: {  	s10 =	rddreg [dreg:$0xa];
	s21 =	sadd.s32 $0x1F80, s21  }
0xa5: {  	[tilespmem:s10], [sflag:$0x3] =	stream.indirect.gather [hbm4b:s4+s12], $0x20, s21, s12, $0xb8;
	[tilespmem:$0x1B800] =	vst v63  }
0xa6: {  	_ =	swait.ge [sflag:s29], $0x2000  }
0xa7: {  	[sflag:s29] =	ssyncset.done $0x0  }
0xa8: {  	[sflag:s29] =	ssyncadd.s32 $0xFFFFE000  }
0xa9: {  	_ =	swait.ge [sflag:s29], $0x1000  }
0xaa: {  	[sflag:s29] =	ssyncset.done $0x0  }
0xab: {  	[sflag:s29] =	ssyncadd.s32 $0xFFFFF000  }
0xac: {  	_ =	swait.ge [sflag:s29], $0x2000  }
0xad: {  	[sflag:s29] =	ssyncset.done $0x0  }
0xae: {  	[sflag:s29] =	ssyncadd.s32 $0xFFFFE000  }
0xaf: {  	_ =	swait.ge [sflag:s29], $0x1000  }
0xb0: {  	[sflag:s29] =	ssyncset.done $0x0  }
0xb1: {  	[sflag:s29] =	ssyncadd.s32 $0xFFFFF000  }
0xb2: {  	_ =	swait.ge [sflag:s29], $0x2000  }
0xb3: {  	[sflag:s29] =	ssyncset.done $0x0  }
0xb4: {  	[sflag:s29] =	ssyncadd.s32 $0xFFFFE000  }
0xb5: {  	_ =	swait.ge [sflag:s29], $0x1000  }
0xb6: {  	[sflag:s29] =	ssyncset.done $0x0  }
0xb7: {  	[sflag:s29] =	ssyncadd.s32 $0xFFFFF000  }
0xb8: {  	_ =	swait.ge [sflag:s29], $0x2000  }
0xb9: {  	[sflag:s29] =	ssyncset.done $0x0  }
0xba: {  	[sflag:s29] =	ssyncadd.s32 $0xFFFFE000  }
0xbb: {  	_ =	swait.ge [sflag:s29], $0x1000  }
0xbc: {  	[sflag:s29] =	ssyncset.done $0x0  }
0xbd: {  	[sflag:s29] =	ssyncadd.s32 $0xFFFFF000  }
0xbe: {  	[hbm4b:s17+s30] =	stream.strided.scatter [tilespmem:s13], [sflag:$0x4], $0x8000, s12, s30, $0x38;
	[tilespmem:$0x1B800] =	vst v63  }
0xbf: {  	s22 =	sadd.s32 $0x8, s17  }
0xc0: {  	[hbm4b:s22+s31] =	stream.strided.scatter [tilespmem:s14], [sflag:$0x4], $0x4000, s12, s31, $0x38;
	[tilespmem:$0x1B800] =	vst v63  }
0xc1: {  	_ =	swait.ge [sflag:s5], $0x2000  }
0xc2: {  	[sflag:s5] =	ssyncset.done $0x0  }
0xc3: {  	[sflag:s5] =	ssyncadd.s32 $0xFFFFE000  }
0xc4: {  	_ =	swait.ge [sflag:s5], $0x1000  }
0xc5: {  	[sflag:s5] =	ssyncset.done $0x0  }
0xc6: {  	[sflag:s5] =	ssyncadd.s32 $0xFFFFF000  }
0xc7: {  	_ =	swait.ge [sflag:s5], $0x2000  }
0xc8: {  	[sflag:s5] =	ssyncset.done $0x0  }
0xc9: {  	[sflag:s5] =	ssyncadd.s32 $0xFFFFE000  }
0xca: {  	_ =	swait.ge [sflag:s5], $0x1000  }
0xcb: {  	[sflag:s5] =	ssyncset.done $0x0  }
0xcc: {  	[sflag:s5] =	ssyncadd.s32 $0xFFFFF000  }
0xcd: {  	_ =	swait.ge [sflag:s5], $0x2000  }
0xce: {  	[sflag:s5] =	ssyncset.done $0x0  }
0xcf: {  	[sflag:s5] =	ssyncadd.s32 $0xFFFFE000  }
0xd0: {  	_ =	swait.ge [sflag:s5], $0x1000  }
0xd1: {  	[sflag:s5] =	ssyncset.done $0x0  }
0xd2: {  	[sflag:s5] =	ssyncadd.s32 $0xFFFFF000  }
0xd3: {  	_ =	swait.ge [sflag:s5], $0x2000  }
0xd4: {  	[sflag:s5] =	ssyncset.done $0x0  }
0xd5: {  	[sflag:s5] =	ssyncadd.s32 $0xFFFFE000  }
0xd6: {  	_ =	swait.ge [sflag:s5], $0x1000  }
0xd7: {  	s18 =	sadd.s32 $0x1, s18;
	[sflag:s5] =	ssyncset.done $0x0;
	s23 =	rddreg [dreg:$0x3]  }
0xd8: {  	s24 =	sadd.s32 $0x2000, s17;
	[sflag:s5] =	ssyncadd.s32 $0xFFFFF000;
	p0 =	sge.u32 s18, s23  }
0xd9: {  	[hbm4b:s24+s30] =	stream.strided.scatter [tilespmem:s26], [sflag:$0x5], $0x8000, s12, s30, $0x38;
	[tilespmem:$0x1B800] =	vst v63  }
0xda: {  	s25 =	sadd.s32 $0x2008, s17;
	s22 =	simm.s32 @!p0 $0x4  }
0xdb: {  	[hbm4b:s25+s31] =	stream.strided.scatter [tilespmem:s28], [sflag:$0x5], $0x4000, s12, s31, $0x38;
	[tilespmem:$0x1B800] =	vst v63  }
0xdc: {  	s19 =	sshra.s32 @!p0 s19, $0x2;
	_ =	swait.ge @!p0 [sflag:s22], $0x8000  }
0xdd: {  	s20 =	simm.s32 @!p0 $0x80;
	s23 =	sadd.s32 @!p0 $0x400, s19;
	[sflag:s22] =	ssyncset.done @!p0 $0x0  }
0xde: {  	s24 =	sadd.s32 @!p0 $0x2000, s19;
	s6 =	sadd.s32 @!p0 $0x2080, s19;
	[sflag:s22] =	ssyncadd.s32 @!p0 $0xFFFF8000  }
0xdf: {  	s10 =	sadd.s32 @!p0 $0x500, s19;
	s7 =	sadd.s32 @!p0 $0x2100, s19;
	_ =	swait.ge @!p0 [sflag:s22], $0x4000  }
0xe0: {  	s8 =	sadd.s32 @!p0 $0x580, s19;
	s21 =	sadd.s32 @!p0 $0x2180, s19;
	[sflag:s22] =	ssyncset.done @!p0 $0x0  }
0xe1: {  	s25 =	sadd.s32 @!p0 $0x480, s19;
	s19 =	simm.s32 @!p0 $0x3800;
	[sflag:s22] =	ssyncadd.s32 @!p0 $0xFFFFC000  }
0xe2: {  	[tilespmem:s19], [sflag:$0x2] =	stream.indirect.gather @!p0 [hbm4b:s2+s20], $0x40, s23, s20, $0xb8;
	[tilespmem:$0x1B800] =	vst v63  }
0xe3: {  	s22 =	simm.s32 @!p0 $0x13800  }
0xe4: {  	[tilespmem:s22], [sflag:$0x2] =	stream.indirect.gather @!p0 [hbm4b:s4+s20], $0x20, s24, s20, $0xb8;
	[tilespmem:$0x1B800] =	vst v63  }
0xe5: {  	s19 =	simm.s32 @!p0 $0x5800  }
0xe6: {  	[tilespmem:s19], [sflag:$0x2] =	stream.indirect.gather @!p0 [hbm4b:s2+s20], $0x40, s25, s20, $0xb8;
	[tilespmem:$0x1B800] =	vst v63  }
0xe7: {  	s16 =	sadd.s32 $0x1000, s16;
	s3 =	rddreg [dreg:$0x4];
	s22 =	simm.s32 @!p0 $0x14800  }
0xe8: {  	[tilespmem:s22], [sflag:$0x2] =	stream.indirect.gather @!p0 [hbm4b:s4+s20], $0x20, s6, s20, $0xb8;
	[tilespmem:$0x1B800] =	vst v63  }
0xe9: {  	p1 =	sne.s32 s3, s16;
	s3 =	simm.s32 @!p0 $0x7800  }
0xea: {  	[tilespmem:s3], [sflag:$0x2] =	stream.indirect.gather @!p0 [hbm4b:s2+s20], $0x40, s10, s20, $0xb8;
	[tilespmem:$0x1B800] =	vst v63  }
.Ltmp1:
0xeb: {  	_ = 	snop;
	(pc) =	sbr.rel @p1 .LBB2_2-.Ltmp1, $4  }
0xec: {  	s6 =	simm.s32 @!p0 $0x15800  }
0xed: {  	[tilespmem:s6], [sflag:$0x2] =	stream.indirect.gather @!p0 [hbm4b:s4+s20], $0x20, s7, s20, $0xb8;
	[tilespmem:$0x1B800] =	vst v63  }
0xee: {  	s17 =	sadd.s32 $0x4000, s17;
	s22 =	simm.s32 @!p0 $0x16800;
	s3 =	simm.s32 @!p0 $0x9800  }
0xef: {  	[tilespmem:s3], [sflag:$0x2] =	stream.indirect.gather @!p0 [hbm4b:s2+s20], $0x40, s8, s20, $0xb8;
	[tilespmem:$0x1B800] =	vst v63  }
.LBB2_3:
0xf0: {  	[tilespmem:s22], [sflag:$0x2] =	stream.indirect.gather @!p0 [hbm4b:s4+s20], $0x20, s21, s20, $0xb8;
	[tilespmem:$0x1B800] =	vst v63  }
0xf1: {  	_ =	swait.ge [sflag:s1], $0x8000  }
0xf2: {  	[sflag:s1] =	ssyncset.done $0x0  }
0xf3: {  	[sflag:s1] =	ssyncadd.s32 $0xFFFF8000  }
0xf4: {  	_ =	swait.ge [sflag:s1], $0x4000  }
0xf5: {  	[sflag:s1] =	ssyncset.done $0x0  }
0xf6: {  	[sflag:s1] =	ssyncadd.s32 $0xFFFFC000  }
0xf7: {  	_ =	swait.ge [sflag:s0], $0x8000  }
0xf8: {  	[sflag:s0] =	ssyncset.done $0x0  }
0xf9: {  	[sflag:s0] =	ssyncadd.s32 $0xFFFF8000  }
0xfa: {  	_ =	swait.ge [sflag:s0], $0x4000  }
0xfb: {  	s15 =	sadd.s32 $0x1, s15;
	s3 =	rddreg [dreg:$0xd]  }
0xfc: {  	p0 =	sne.s32 s15, s3  }
.Ltmp2:
0xfd: {  	_ = 	snop;
	(pc) =	sbr.rel @p0 .LBB2_1-.Ltmp2, $3  }
0xfe: {  	_ =	sdelay $0x1  }
0xff: {  	[sflag:s0] =	ssyncset.done $0x0  }
0x100: {  	[sflag:s0] =	ssyncadd.s32 $0xFFFFC000  }
0x101: {  	_ =	sfence.sel $0x180000  }
0x102: {  	[bflag:$0x0] =	sbarrier.arrive $0xFFFF  }
0x103: {  	_ =	strace $0x9000004A  }
0x104: {  	s0 =	stileid.u32;
	[bflag:$0x2] =	sbarrier.arrive $0xFFFF  }
0x105: {  	p0 =	sne.s32 s0, $0x0;
	s0 =	rddreg [dreg:$0x2]  }
0x106: {  	s0 =	sadd.s32 @!p0 $0x100000, s0  }
0x107: {  	[sflag:s0] =	ssyncadd.tile.s32 @!p0 $0x1;
	_ =	shalt  }
.Lfunc_end2:
_tile_overlayer_lowered:
.L_overlay_start_2:
0x108: {  	(tag) =	ssettag $0x2  }
0x109: {  	s0 =	rddreg [dreg:$0x0];
	s2 =	stileid.u32  }
0x10a: {  	s1 =	rddreg [dreg:$0x1];
	p0 =	sne.s32 s2, $0x0  }
0x10b: {  	s3 =	rddreg [dreg:$0x2];
	[bflag:$0x3] =	sbarrier.arrive $0xFFFF;
	s2 =	simm.s32 @!p0 $0x1C06  }
0x10c: {  	[timem:s3], [sflag:s2] =	dma.local @!p0 [hbm:s0], s1  }
0x10d: {  	s0 =	simm.s32 @!p0 $0x6  }
0x10e: {  	_ =	swait.ge @!p0 [sflag:s0], s1  }
0x10f: {  	s1 =	ssub.s32 @!p0 $0x0, s1;
	[sflag:s0] =	ssyncset.done @!p0 $0x0  }
0x110: {  	[sflag:s0] =	ssyncadd.s32 @!p0 s1  }
0x111: {  	[bflag:$0x3] =	sbarrier.arrive $0xFFFF  }
0x112: {  	_ =	shalt  }

// kernel: kernel.15.cloned.1.call-start
scs
__scs_entry_jumppad:
0x0: {  	(pc) =	sbr.rel $0x88, $3  }
0x1: {  	(tag) =	ssettag $0x0;
	lr =	simm.s32 $0x1  }
0x2: {  	[smem:$0x3F8C] =	sst lr;
	_ =	strace $0xD0000000  }
0x3: {  	_ = 	snop  }
0x4: {  	_ = 	snop  }
0x5: {  	_ = 	snop  }
0x6: {  	_ = 	snop  }
0x7: {  	_ = 	snop  }
__scs_overlays_trampoline_lowered:
0x8: {  	[smem:$0x3F9B] =	sst s0  }
0x9: {  	[smem:$0x3F9C] =	sst s1  }
0xa: {  	[smem:$0x3F9D] =	sst s2  }
0xb: {  	[smem:$0x3F9E] =	sst s3  }
0xc: {  	[smem:$0x3F9F] =	sst s4  }
0xd: {  	[smem:$0x3FA0] =	sst s5  }
0xe: {  	[smem:$0x3FA1] =	sst s6  }
0xf: {  	[smem:$0x3FA2] =	sst s7  }
0x10: {  	[smem:$0x3FA3] =	sst s8  }
0x11: {  	[smem:$0x3FA4] =	sst s9;
	s0 =	simm.s32 @!p0 $0x0  }
0x12: {  	s1 =	sld [smem:$0x3F8A];
	s0 =	simm.s32 @p0 $0x1  }
0x13: {  	[smem:$0x3FA5] =	sst s0;
	s0 =	simm.s32 @!p1 $0x0  }
0x14: {  	s2 =	sld [smem:$0x3F89];
	s0 =	simm.s32 @p1 $0x1  }
0x15: {  	[smem:$0x3FA6] =	sst s0;
	s0 =	simm.s32 @!p2 $0x0  }
0x16: {  	s3 =	sld [smem:$0x3FDB];
	s0 =	simm.s32 @p2 $0x1  }
0x17: {  	s4 =	simm.s32 $0x1BF5;
	[smem:$0x3FA8] =	sst s0  }
0x18: {  	s0 =	sld [smem:$0x3F8B];
	_ =	swait.ge [sflag:s4], $0x0  }
0x19: {  	s7 =	sld [smem:$0x3F8C]  }
0x1a: {  	s8 =	sadd.s32 $0xFFFFE003, lr  }
0x1b: {  	s9 =	sadd.s32 $0xFFFFFEF7, lr;
	s5 =	simm.s32 $0xFFFFFFFF;
	p2 =	slt.u32 s8, $0xFFFFF086  }
0x1c: {  	p1 =	slt.u32 s9, $0xF7A;
	s5 =	simm.s32 @!p2 $0x0  }
0x1d: {  	s5 =	simm.s32 @p1 $0x1;
	p0 =	seq.s32 s7, s2  }
0x1e: {  	s7 =	smul.u32 @!p0 $0xF7A, s2;
	p2 =	seq.s32 @!p0 s5, $0x0  }
0x1f: {  	s9 =	smul.u32 $0xF7A, s1;
	s8 =	simm.s32 @!p0 $0x1BF5;
	p2 =	por !p2, p0  }
0x20: {  	[sflag:s8] =	ssyncset.s32 @!p0 $0xFFFFF086;
	s6 =	sadd.s32 @!p0 s3, s7;
	s7 =	simm.s32 @!p0 $0x108  }
0x21: {  	s3 =	sadd.s32 s3, s9;
	s6 =	sadd.s32 @!p0 $0x88, s6;
	s7 =	simm.s32 @p2 $0x1082  }
0x22: {  	[simem:s7], [sflag:s8] =	dma.local @!p0 [hbm:s6], $0xF7A  }
0x23: {  	s9 =	sor.u32 $0xD0000000, s2;
	s6 =	simm.s32 $0x108;
	_ =	swait.ge @!p0 [sflag:s8], $0x0  }
0x24: {  	s3 =	sadd.s32 $0x88, s3;
	s6 =	simm.s32 @!p1 $0x1082;
	[sflag:s4] =	ssyncset.s32 $0xFFFFF086  }
0x25: {  	[simem:s6], [sflag:s4] =	dma.local [hbm:s3], $0xF7A  }
0x26: {  	[smem:$0x3F8C] =	sst s1;
	(tag) =	ssettag s2;
	_ =	strace s9  }
0x27: {  	s1 =	sld [smem:$0x3F9C]  }
0x28: {  	s2 =	sld [smem:$0x3F9D]  }
0x29: {  	s4 =	sld [smem:$0x3F9F]  }
0x2a: {  	p0 =	seq.s32 s5, $0x0;
	s5 =	sld [smem:$0x3FA0]  }
0x2b: {  	s6 =	sld [smem:$0x3FA1]  }
0x2c: {  	s7 =	sld [smem:$0x3FA2]  }
0x2d: {  	s3 =	simm.s32 $0x108;
	s8 =	sld [smem:$0x3FA3]  }
0x2e: {  	s3 =	simm.s32 @!p0 $0x1082;
	s9 =	sld [smem:$0x3FA4]  }
0x2f: {  	lr =	sadd.s32 s0, s3;
	s0 =	sld [smem:$0x3F9B]  }
0x30: {  	s3 =	sld [smem:$0x3F9E]  }
0x31: {  	[smem:$0x3FA7] =	sst s10  }
0x32: {  	s10 =	sld [smem:$0x3FA5];
	_ =	sdelay $0x3  }
0x33: {  	p0 =	seq.s32 s10, $0x1;
	s10 =	sld [smem:$0x3FA7];
	_ =	sdelay $0x3  }
0x34: {  	[smem:$0x3FA7] =	sst s10  }
0x35: {  	s10 =	sld [smem:$0x3FA6];
	_ =	sdelay $0x3  }
0x36: {  	p1 =	seq.s32 s10, $0x1;
	s10 =	sld [smem:$0x3FA7];
	_ =	sdelay $0x3  }
0x37: {  	[smem:$0x3FA7] =	sst s10  }
0x38: {  	s10 =	sld [smem:$0x3FA8]  }
0x39: {  	_ = 	snop;
	(pc) =	sbr.ind lr, $3  }
0x3a: {  	_ = 	snop  }
0x3b: {  	_ = 	snop  }
0x3c: {  	p2 =	seq.s32 s10, $0x1;
	s10 =	sld [smem:$0x3FA7]  }
0x3d: {  	_ =	shalt  }
0x3e: {  	_ =	shalt  }
0x3f: {  	_ =	shalt  }
0x40: {  	_ =	shalt  }
0x41: {  	_ =	shalt  }
0x42: {  	_ =	shalt  }
0x43: {  	_ =	shalt  }
0x44: {  	_ =	shalt  }
0x45: {  	_ =	shalt  }
0x46: {  	_ =	shalt  }
0x47: {  	_ =	shalt  }
0x48: {  	_ =	shalt  }
0x49: {  	_ =	shalt  }
0x4a: {  	_ =	shalt  }
0x4b: {  	_ =	shalt  }
0x4c: {  	_ =	shalt  }
0x4d: {  	_ =	shalt  }
0x4e: {  	_ =	shalt  }
0x4f: {  	_ =	shalt  }
0x50: {  	_ =	shalt  }
0x51: {  	_ =	shalt  }
0x52: {  	_ =	shalt  }
0x53: {  	_ =	shalt  }
0x54: {  	_ =	shalt  }
0x55: {  	_ =	shalt  }
0x56: {  	_ =	shalt  }
0x57: {  	_ =	shalt  }
0x58: {  	_ =	shalt  }
0x59: {  	_ =	shalt  }
0x5a: {  	_ =	shalt  }
0x5b: {  	_ =	shalt  }
0x5c: {  	_ =	shalt  }
0x5d: {  	_ =	shalt  }
0x5e: {  	_ =	shalt  }
0x5f: {  	_ =	shalt  }
0x60: {  	_ =	shalt  }
0x61: {  	_ =	shalt  }
0x62: {  	_ =	shalt  }
0x63: {  	_ =	shalt  }
0x64: {  	_ =	shalt  }
0x65: {  	_ =	shalt  }
0x66: {  	_ =	shalt  }
0x67: {  	_ =	shalt  }
0x68: {  	_ =	shalt  }
0x69: {  	_ =	shalt  }
0x6a: {  	_ =	shalt  }
0x6b: {  	_ =	shalt  }
0x6c: {  	_ =	shalt  }
0x6d: {  	_ =	shalt  }
0x6e: {  	_ =	shalt  }
0x6f: {  	_ =	shalt  }
0x70: {  	_ =	shalt  }
0x71: {  	_ =	shalt  }
0x72: {  	_ =	shalt  }
0x73: {  	_ =	shalt  }
0x74: {  	_ =	shalt  }
0x75: {  	_ =	shalt  }
0x76: {  	_ =	shalt  }
0x77: {  	_ =	shalt  }
0x78: {  	_ =	shalt  }
0x79: {  	_ =	shalt  }
0x7a: {  	_ =	shalt  }
0x7b: {  	_ =	shalt  }
0x7c: {  	_ =	shalt  }
0x7d: {  	_ =	shalt  }
0x7e: {  	_ =	shalt  }
0x7f: {  	_ =	shalt  }
0x80: {  	_ =	shalt  }
0x81: {  	_ =	shalt  }
0x82: {  	_ =	shalt  }
0x83: {  	_ =	shalt  }
0x84: {  	_ =	shalt  }
0x85: {  	_ =	shalt  }
0x86: {  	_ =	shalt  }
0x87: {  	_ =	shalt  }
.Lfunc_end0:
.L_simem_size_0:
called_computation.2_lowered:
.L_overlay_start_0:
0x88: {  	s2 =	sld [smem:$0x3FD9]  }
0x89: {  	s3 =	sld [smem:$0x3FFE];
	_ =	sdelay $0x1  }
0x8a: {  	s1 =	srdreg.scid  }
0x8b: {  	s0 =	sand.u32 $0x1, s1  }
0x8c: {  	s14 =	sshll.u32 s0, $0xA;
	s2 =	sadd.s32 s3, s2  }
0x8d: {  	s2 =	sadd.s32 s2, s14  }
0x8e: {  	[smem:$0x3FB3] =	sst s2  }
0x8f: {  	_ = 	snop  }
0x90: {  	s2 =	sld [smem:$0x3FD0];
	_ =	sdelay $0x2  }
0x91: {  	s15 =	simm.s32 $0xB;
	s4 =	simm.s32 $0x10  }
0x92: {  	[smem:s4], [sflag:s15] =	dma.local [hbm:s2], $0x1  }
0x93: {  	_ =	swait.eq [sflag:s15], $0x1  }
0x94: {  	[sflag:s15] =	ssyncset.done $0x0  }
0x95: {  	[sflag:s15] =	ssyncadd.s32 $0xFFFFFFFF  }
0x96: {  	s16 =	sld [smem:$0x10];
	(tm) =	ssettm $0x1  }
0x97: {  	s17 =	sld [smem:$0x3FFB];
	_ =	sdelay $0x3  }
0x98: {  	_ =	strace s17  }
0x99: {  	s3 =	sld [smem:$0x3FFC];
	_ =	sdelay $0x3  }
0x9a: {  	_ =	strace s3  }
0x9b: {  	s3 =	sld [smem:$0x3FFD];
	_ =	sdelay $0x3  }
0x9c: {  	_ =	strace s3  }
0x9d: {  	_ =	strace $0x8FFFFFFF  }
0x9e: {  	s18 =	sld [smem:$0x3FDB];
	_ =	sdelay $0x1  }
0x9f: {  	s19 =	simm.s32 $_scs_section_size  }
0xa0: {  	s5 =	simm.s32 $_size__tile_overlayer_lowered;
	s6 =	simm.s32 $_tile_overlayer_lowered  }
0xa1: {  	s22 =	simm.s32 $0x1BFF;
	s21 =	sshll.u32 s6, $0x1;
	s3 =	sadd.s32 s19, s18  }
0xa2: {  	s7 =	simm.s32 $0x0;
	s20 =	sshll.u32 s5, $0x1;
	s5 =	sadd.s32 s21, s3  }
0xa3: {  	[timem:s7], [sflag:s22] =	dma.local [hbm:s5], s20  }
0xa4: {  	_ =	swait.ge [sflag:s22], s20  }
0xa5: {  	s4 =	ssub.s32 $0x0, s20;
	[sflag:s22] =	ssyncset.done $0x0  }
0xa6: {  	[sflag:s22] =	ssyncadd.s32 s4;
	_ =	sdelay $0x1  }
0xa7: {  	s23 =	simm.s32 $0x1B8B  }
0xa8: {  	_ =	swait.ge [sflag:s23], $0x1  }
0xa9: {  	[sflag:s23] =	ssyncset.done $0x0  }
0xaa: {  	s25 =	simm.s32 $0x1B8E;
	s24 =	sld [smem:$0x3FFE];
	[sflag:s23] =	ssyncadd.s32 $0xFFFFFFFF  }
0xab: {  	s26 =	simm.s32 $execute0_lowered;
	[smem:$0x3FD2] =	sst s25  }
0xac: {  	s5 =	sshll.u32 s26, $0x1;
	_ =	strace $0x8000004C;
	[dreg:$0x1] =	wrdreg $0xFFFFFFFF  }
0xad: {  	s28 =	simm.s32 $_size_execute0_lowered;
	s3 =	sadd.s32 s3, s5;
	[dreg:$0x0] =	wrdreg $0x0  }
0xae: {  	s5 =	sshll.u32 s28, $0x1;
	[dreg:$0x2] =	wrdreg s3  }
0xaf: {  	[dreg:$0x3] =	wrdreg s5  }
0xb0: {  	[dreg:$0x4] =	wrdreg $0xC0  }
0xb1: {  	_ =	task [dreg:s7], $0x5FFFF  }
0xb2: {  	[dreg:$0x1] =	wrdreg $0xFFFFFFFF  }
0xb3: {  	[dreg:$0x0] =	wrdreg $0x60  }
0xb4: {  	[dreg:$0x2] =	wrdreg s24  }
0xb5: {  	[dreg:$0x3] =	wrdreg s16  }
0xb6: {  	[dreg:$0x4] =	wrdreg $0x0  }
0xb7: {  	[dreg:$0x5] =	wrdreg $0x9  }
0xb8: {  	_ =	task.clear_ibuf [dreg:s7], $0x6FFFF;
	_ =	strace $0x9000004C  }
0xb9: {  	s29 =	simm.s32 $0x9;
	_ =	strace $0x8000004E  }
0xba: {  	_ =	swait.ge [sflag:s29], $0x1  }
0xbb: {  	[sflag:s29] =	ssyncadd.s32 $0xFFFFFFFF  }
0xbc: {  	_ =	strace $0x9000004E  }
0xbd: {  	_ =	sfence  }
0xbe: {  	s30 =	sld [smem:$0x0];
	_ =	sdelay $0x2  }
0xbf: {  	s31 =	sshll.u32 s1, $0xD;
	s1 =	sshrl.u32 s1, $0x2  }
0xc0: {  	s3 =	sand.u32 $0x4000, s31;
	s1 =	sadd.s32 s1, s30  }
0xc1: {  	s0 =	sor.u32 s3, s0;
	s1 =	sshll.u32 s1, $0x11  }
0xc2: {  	s0 =	sor.u32 s1, s0  }
0xc3: {  	s0 =	sadd.s32 $0x8F2B, s0  }
0xc4: {  	[sflag:s0] =	ssyncadd.remote.s32 $0x1  }
0xc5: {  	_ =	sfence.sel $0xFFFF  }
0xc6: {  	[dreg:$0x0] =	wrdreg $0xFFFFFFFF;
	(pc) =	sbr.abs _section_cstart, $3  }
0xc7: {  	[dreg:$0x1] =	wrdreg $0xFFFFFFFF  }
0xc8: {  	_ =	task.clear_ibuf [dreg:s7], $0x2FFFF;
	_ =	strace $0x9FFFFFFF  }
0xc9: {  	(tm) =	ssettm $0x7FFFFFFF  }
tec
execute0_lowered:
.L_overlay_start_1:
0x0: {  	(tag) =	ssettag $0x1  }
0x1: {  	s0 =	rddreg [dreg:$0x0]  }
0x2: {  	s1 =	rddreg [dreg:$0x1]  }
0x3: {  	s2 =	rddreg [dreg:$0x2]  }
0x4: {  	s4 =	srdreg.scid;
	s10 =	stileid.u32;
	s3 =	simm.s32 $0x0  }
0x5: {  	s28 =	simm.s32 $0x4;
	s29 =	simm.s32 $0xD560;
	s30 =	simm.s32 $0xED60  }
0x6: {  	s31 =	simm.s32 $0x10560;
	s6 =	sand.u32 $0x1, s4;
	s20 =	sshll.u32 s10, $0x1  }
0x7: {  	[smem:$0x7FF] =	sst s3;
	s4 =	sadd.s32 $0x52F800, s0;
	s9 =	smul.u32 $0x1D580, s10  }
0x8: {  	s5 =	sadd.s32 $0x5800, s0;
	s11 =	smul.u32 $0x7560, s10;
	s7 =	sor.u32 s6, s20  }
0x9: {  	_ =	strace $0x8000004D;
	s21 =	ssub.s32 $0x2, s6;
	s6 =	smul.u32 $0x75600, s6  }
0xa: {  	s20 =	simm.s32 $0x2;
	s8 =	smul.u32 $0x280, s7;
	s22 =	sshrl.u32 s21, $0x1  }
0xb: {  	s9 =	sshrl.u32 s9, $0x2;
	s13 =	smul.u32 $0x14000, s7;
	s14 =	sadd.s32 s11, s2  }
0xc: {  	s10 =	smul.u32 $0xA0000, s7;
	s7 =	simm.s32 $0x6;
	s9 =	sadd.s32 s9, s2  }
0xd: {  	s6 =	sadd.s32 s11, s6;
	s11 =	simm.s32 $0x0;
	[dreg:$0x4] =	wrdreg s14  }
0xe: {  	s0 =	sadd.s32 s8, s0;
	s8 =	ssub.s32 s21, s22;
	s9 =	sadd.s32 $0x3AB0, s9  }
0xf: {  	s12 =	sadd.s32 s5, s13;
	s24 =	sshrl.u32 s6, $0x3;
	s26 =	sadd.s32 $0x4000, s13  }
0x10: {  	s21 =	simm.s32 $0x3;
	s22 =	simm.s32 $0x80;
	[dreg:$0x5] =	wrdreg s9  }
0x11: {  	s23 =	sadd.s32 $0x525800, s0;
	s9 =	sadd.s32 s4, s13;
	s0 =	sadd.s32 $0x52A800, s0  }
.Ltmp0:
0x12: {  	s25 =	smax.u32 s8, $0x1;
	[dreg:$0x6] =	wrdreg s23;
	(pc) =	sbr.rel .LBB2_1-.Ltmp0, $4  }
0x13: {  	s15 =	sadd.s32 s4, s26;
	s16 =	sadd.s32 s5, s26;
	[dreg:$0x7] =	wrdreg s0  }
0x14: {  	s26 =	simm.s32 $0xBD60;
	s0 =	sadd.s32 s1, s24;
	[dreg:$0x9] =	wrdreg s25  }
0x15: {  	s23 =	simm.s32 $0x7560;
	s24 =	simm.s32 $0x8D60;
	s25 =	simm.s32 $0xA560  }
0x16: {  	v0 =	vimm.f32 $0.0e+00;
	v1 =	vimm.f32 $1.000000000e+00;
	s1 =	simm.s32 $0x5;
	[dreg:$0x8] =	wrdreg s0;
	s0 =	simm.s32 $0x11D60  }
.LBB2_23:
0x17: {  	_ =	swait.ge [sflag:s7], $0x1800  }
0x18: {  	[sflag:s7] =	ssyncset.done $0x0  }
0x19: {  	[sflag:s7] =	ssyncadd.s32 $0xFFFFE800  }
0x1a: {  	_ =	swait.ge [sflag:s7], $0x1800  }
0x1b: {  	[sflag:s7] =	ssyncset.done $0x0  }
0x1c: {  	[sflag:s7] =	ssyncadd.s32 $0xFFFFE800  }
0x1d: {  	_ =	swait.ge [sflag:s7], $0x1800  }
0x1e: {  	[sflag:s7] =	ssyncset.done $0x0  }
0x1f: {  	[sflag:s7] =	ssyncadd.s32 $0xFFFFE800  }
0x20: {  	_ =	swait.ge [sflag:s7], $0x1800  }
0x21: {  	[sflag:s7] =	ssyncset.done $0x0  }
0x22: {  	[sflag:s7] =	ssyncadd.s32 $0xFFFFE800  }
0x23: {  	s6 =	stileid.u32;
	[bflag:$0x0] =	sbarrier.arrive $0xFFFF  }
0x24: {  	s18 =	simm.s32 $0x7;
	s6 =	sshll.u32 s6, $0x6;
	s14 =	rddreg [dreg:$0x4]  }
0x25: {  	s6 =	sor.u32 $0x1C07, s6;
	s13 =	rddreg [dreg:$0x8];
	s8 =	sshrl.u32 s14, $0x3  }
0x26: {  	[hbm:s13], [sflag:s6] =	dma.local [spmem:s8], $0xEAC  }
0x27: {  	_ =	swait.ge [sflag:s18], $0xEAC  }
0x28: {  	s11 =	sadd.s32 $0x1, s11;
	s19 =	rddreg [dreg:$0x9]  }
0x29: {  	p0 =	sne.s32 s11, s19  }
.Ltmp1:
0x2a: {  	_ = 	snop;
	(pc) =	sbr.rel @!p0 .LBB2_24-.Ltmp1, $3  }
0x2b: {  	_ =	sdelay $0x1  }
0x2c: {  	[sflag:s18] =	ssyncset.done $0x0  }
0x2d: {  	[sflag:s18] =	ssyncadd.s32 $0xFFFFF154  }
.LBB2_1:
0x2e: {  	s8 =	simm.s32 $0xC0;
	s6 =	simm.s32 $0x0  }
.LBB2_2:
0x2f: {  	p0 =	sne.s32 s8, $0xEA00;
	[tilespmem:s6+$0x14980] =	vst v0;
	s13 =	smov.u32 s8;
	s8 =	sadd.s32 $0xC0, s8  }
.Ltmp2:
0x30: {  	[tilespmem:s6+$0x14960] =	vst v0;
	(pc) =	sbr.rel @p0 .LBB2_2-.Ltmp2, $2  }
0x31: {  	[tilespmem:s6+$0x14970] =	vst v0;
	_ =	sdelay $0x2  }
0x32: {  	s6 =	sshra.s32 s13, $0x2  }
0x33: {  	[tilespmem:s6+$0x14980] =	vst v0  }
0x34: {  	[tilespmem:s6+$0x14960] =	vst v0  }
0x35: {  	[tilespmem:s6+$0x14970] =	vst v0;
	s8 =	simm.s32 $0x14960;
	s13 =	simm.s32 $0x1  }
0x36: {  	[spmem:s14] =	stream.linear.scatter [tilespmem:s8], [sflag:$0x1], $0x3AB0, $0x38;
	[tilespmem:$0x18410] =	vst v63  }
0x37: {  	_ =	swait.ge [sflag:s13], $0x3AB0  }
0x38: {  	[sflag:s13] =	ssyncset.done $0x0  }
0x39: {  	s19 =	rddreg [dreg:$0x5];
	[sflag:s13] =	ssyncadd.s32 $0xFFFFC550  }
0x3a: {  	[spmem:s19] =	stream.linear.scatter [tilespmem:s8], [sflag:$0x1], $0x3AB0, $0x38;
	[tilespmem:$0x18410] =	vst v63  }
0x3b: {  	_ =	swait.ge [sflag:s13], $0x3AB0  }
0x3c: {  	[sflag:s13] =	ssyncset.done $0x0  }
0x3d: {  	s6 =	simm.s32 $0x20;
	s8 =	simm.s32 $0x140;
	[sflag:s13] =	ssyncadd.s32 $0xFFFFC550  }
.LBB2_4:
0x3e: {  	p0 =	sne.s32 s8, $0x17FC0;
	[tilespmem:s6+$0x7560] =	vst v1;
	s13 =	smov.u32 s8;
	s8 =	sadd.s32 $0xC0, s8  }
.Ltmp3:
0x3f: {  	[tilespmem:s6+$0xD560] =	vst v1;
	(pc) =	sbr.rel @p0 .LBB2_4-.Ltmp3, $2  }
0x40: {  	_ =	sdelay $0x2  }
0x41: {  	s6 =	sshra.s32 s13, $0x2  }
0x42: {  	[tilespmem:s6+$0x7560] =	vst v1  }
0x43: {  	[tilespmem:s6+$0xD560] =	vst v1  }
0x44: {  	[bflag:$0x0] =	sbarrier.arrive $0xFFFF  }
0x45: {  	s17 =	simm.s32 $0x0;
	s8 =	simm.s32 $0x13560;
	s19 =	rddreg [dreg:$0x6]  }
0x46: {  	[tilespmem:s8], [sflag:$0x2] =	stream.linear.gather [hbm4b:s19+s17], $0x1400, $0x38;
	[tilespmem:$0x18410] =	vst v63  }
0x47: {  	_ =	swait.ge [sflag:s20], $0x1400  }
0x48: {  	s13 =	simm.s32 $0x7560;
	s14 =	simm.s32 $0x10;
	[sflag:s20] =	ssyncset.done $0x0  }
0x49: {  	s6 =	sadd.s32 $0x0, s9;
	s8 =	simm.s32 $0x7590;
	[sflag:s20] =	ssyncadd.s32 $0xFFFFEC00  }
.LBB2_6:
0x4a: {  	[tilespmem:s13], [sflag:$0x3] =	stream.linear.gather [hbm4b:s6+s17], $0x20, $0x38;
	[tilespmem:$0x18410] =	vst v63  }
0x4b: {  	s6 =	smov.u32 s14;
	s13 =	smov.u32 s8;
	p0 =	sne.s32 s14, $0x1FF0  }
.Ltmp4:
0x4c: {  	s14 =	sadd.s32 $0x10, s14;
	(pc) =	sbr.rel @p0 .LBB2_6-.Ltmp4, $2  }
0x4d: {  	_ =	sdelay $0x2  }
0x4e: {  	s8 =	sadd.s32 $0x30, s8;
	s6 =	sadd.s32 s6, s9  }
0x4f: {  	[tilespmem:s13], [sflag:$0x3] =	stream.linear.gather [hbm4b:s6+s17], $0x20, $0x38;
	[tilespmem:$0x18410] =	vst v63  }
.LBB2_8:
0x50: {  	p0 =	seq.s32 s17, $0x0  }
0x51: {  	s6 =	simm.s32 @!p0 $0x6  }
0x52: {  	_ =	swait.ge @!p0 [sflag:s6], $0x1800  }
0x53: {  	[sflag:s6] =	ssyncset.done @!p0 $0x0  }
0x54: {  	[sflag:s6] =	ssyncadd.s32 @!p0 $0xFFFFE800  }
0x55: {  	_ =	swait.ge @!p0 [sflag:s6], $0x1800  }
0x56: {  	[sflag:s6] =	ssyncset.done @!p0 $0x0  }
0x57: {  	[sflag:s6] =	ssyncadd.s32 @!p0 $0xFFFFE800  }
0x58: {  	s13 =	sshllo.u32 s17, $0x1;
	_ =	swait.ge @!p0 [sflag:s6], $0x1800  }
0x59: {  	s8 =	sshll.u32 s13, $0x10;
	[sflag:s6] =	ssyncset.done @!p0 $0x0  }
0x5a: {  	s8 =	sadd.s32 s10, s8;
	[sflag:s6] =	ssyncadd.s32 @!p0 $0xFFFFE800  }
0x5b: {  	s14 =	simm.s32 $0xD560;
	s8 =	sshrl.u32 s8, $0x3;
	_ =	swait.ge @!p0 [sflag:s6], $0x1800  }
0x5c: {  	s19 =	sadd.s32 s4, s8;
	s8 =	simm.s32 $0x10;
	[sflag:s6] =	ssyncset.done @!p0 $0x0  }
0x5d: {  	s18 =	sadd.s32 $0x0, s19;
	[sflag:s6] =	ssyncadd.s32 @!p0 $0xFFFFE800;
	s6 =	simm.s32 $0xD590  }
.LBB2_9:
0x5e: {  	[tilespmem:s14], [sflag:$0x4] =	stream.linear.gather [hbm4b:s18+s3], $0x20, $0x38;
	[tilespmem:$0x18410] =	vst v63  }
0x5f: {  	s18 =	smov.u32 s8;
	s14 =	smov.u32 s6;
	p0 =	sne.s32 s8, $0x1FF0  }
.Ltmp5:
0x60: {  	s8 =	sadd.s32 $0x10, s8;
	(pc) =	sbr.rel @p0 .LBB2_9-.Ltmp5, $2  }
0x61: {  	_ =	sdelay $0x2  }
0x62: {  	s6 =	sadd.s32 $0x30, s6;
	s18 =	sadd.s32 s18, s19  }
0x63: {  	[tilespmem:s14], [sflag:$0x4] =	stream.linear.gather [hbm4b:s18+s3], $0x20, $0x38;
	[tilespmem:$0x18410] =	vst v63  }
0x64: {  	s6 =	sshll.u32 s17, $0xA;
	_ =	swait.ge [sflag:s21], $0x4000  }
0x65: {  	s6 =	sand.u32 $0x3FFFFC00, s6;
	[sflag:s21] =	ssyncset.done $0x0  }
0x66: {  	s8 =	sadd.s32 $0x13560, s6;
	[sflag:s21] =	ssyncadd.s32 $0xFFFFC000  }
0x67: {  	[spmem:s2] =	stream.indirect.scatter.add.f32 [tilespmem:s23], [sflag:$0x5], $0x30, s8, s22, $0xb8;
	[tilespmem:$0x18410] =	vst v63  }
0x68: {  	s18 =	sadd.s32 $0x135E0, s6  }
0x69: {  	[spmem:s2] =	stream.indirect.scatter.add.f32 [tilespmem:s24], [sflag:$0x5], $0x30, s18, s22, $0xb8;
	[tilespmem:$0x18410] =	vst v63  }
0x6a: {  	s19 =	sadd.s32 $0x13660, s6  }
0x6b: {  	[spmem:s2] =	stream.indirect.scatter.add.f32 [tilespmem:s25], [sflag:$0x5], $0x30, s19, s22, $0xb8;
	[tilespmem:$0x18410] =	vst v63  }
0x6c: {  	s6 =	sadd.s32 $0x136E0, s6  }
0x6d: {  	[spmem:s2] =	stream.indirect.scatter.add.f32 [tilespmem:s26], [sflag:$0x5], $0x30, s6, s22, $0xb8;
	[tilespmem:$0x18410] =	vst v63  }
0x6e: {  	s13 =	sshll.u32 s13, $0x9;
	_ =	swait.ge [sflag:s28], $0x4000  }
0x6f: {  	s6 =	sand.u32 $0x3FFFFE00, s13;
	[sflag:s28] =	ssyncset.done $0x0  }
0x70: {  	s14 =	sadd.s32 $0x13560, s6;
	[sflag:s28] =	ssyncadd.s32 $0xFFFFC000  }
0x71: {  	[spmem:s2] =	stream.indirect.scatter.add.f32 [tilespmem:s29], [sflag:$0x6], $0x30, s14, s22, $0xb8;
	[tilespmem:$0x18410] =	vst v63  }
0x72: {  	s18 =	sadd.s32 $0x135E0, s6  }
0x73: {  	[spmem:s2] =	stream.indirect.scatter.add.f32 [tilespmem:s30], [sflag:$0x6], $0x30, s18, s22, $0xb8;
	[tilespmem:$0x18410] =	vst v63  }
0x74: {  	s19 =	sadd.s32 $0x13660, s6  }
0x75: {  	[spmem:s2] =	stream.indirect.scatter.add.f32 [tilespmem:s31], [sflag:$0x6], $0x30, s19, s22, $0xb8;
	[tilespmem:$0x18410] =	vst v63  }
0x76: {  	s6 =	sadd.s32 $0x136E0, s6  }
0x77: {  	[spmem:s2] =	stream.indirect.scatter.add.f32 [tilespmem:s0], [sflag:$0x6], $0x30, s6, s22, $0xb8;
	[tilespmem:$0x18410] =	vst v63  }
0x78: {  	_ =	swait.ge [sflag:s1], $0x1800  }
0x79: {  	[sflag:s1] =	ssyncset.done $0x0  }
0x7a: {  	[sflag:s1] =	ssyncadd.s32 $0xFFFFE800  }
0x7b: {  	_ =	swait.ge [sflag:s1], $0x1800  }
0x7c: {  	[sflag:s1] =	ssyncset.done $0x0  }
0x7d: {  	[sflag:s1] =	ssyncadd.s32 $0xFFFFE800  }
0x7e: {  	p0 =	seq.s32 s17, $0x4;
	_ =	swait.ge [sflag:s1], $0x1800  }
.Ltmp6:
0x7f: {  	[sflag:s1] =	ssyncset.done $0x0;
	(pc) =	sbr.rel @p0 .LBB2_14-.Ltmp6, $4  }
0x80: {  	[sflag:s1] =	ssyncadd.s32 $0xFFFFE800  }
0x81: {  	_ =	swait.ge [sflag:s1], $0x1800  }
0x82: {  	[sflag:s1] =	ssyncset.done $0x0  }
0x83: {  	[sflag:s1] =	ssyncadd.s32 $0xFFFFE800  }
0x84: {  	s6 =	sshll.u32 s17, $0xE  }
0x85: {  	s14 =	simm.s32 $0x7560;
	s13 =	sadd.s32 s15, s6  }
0x86: {  	s8 =	simm.s32 $0x10;
	s6 =	simm.s32 $0x7590;
	s18 =	sadd.s32 $0x0, s13  }
.LBB2_12:
0x87: {  	[tilespmem:s14], [sflag:$0x3] =	stream.linear.gather [hbm4b:s18+s3], $0x20, $0x38;
	[tilespmem:$0x18410] =	vst v63  }
0x88: {  	s18 =	smov.u32 s8;
	s14 =	smov.u32 s6;
	p0 =	sne.s32 s8, $0x1FF0  }
.Ltmp7:
0x89: {  	s8 =	sadd.s32 $0x10, s8;
	(pc) =	sbr.rel @p0 .LBB2_12-.Ltmp7, $2  }
0x8a: {  	_ =	sdelay $0x2  }
0x8b: {  	s6 =	sadd.s32 $0x30, s6;
	s18 =	sadd.s32 s18, s13  }
.Ltmp8:
0x8c: {  	(pc) =	sbr.rel .LBB2_8-.Ltmp8, $3  }
0x8d: {  	_ =	sdelay $0x1  }
0x8e: {  	[tilespmem:s14], [sflag:$0x3] =	stream.linear.gather [hbm4b:s18+s3], $0x20, $0x38;
	[tilespmem:$0x18410] =	vst v63  }
0x8f: {  	s17 =	sadd.s32 $0x1, s17  }
.LBB2_14:
0x90: {  	_ =	swait.ge [sflag:s7], $0x1800  }
0x91: {  	[sflag:s7] =	ssyncset.done $0x0  }
0x92: {  	[sflag:s7] =	ssyncadd.s32 $0xFFFFE800  }
0x93: {  	_ =	swait.ge [sflag:s7], $0x1800  }
0x94: {  	[sflag:s7] =	ssyncset.done $0x0  }
0x95: {  	[sflag:s7] =	ssyncadd.s32 $0xFFFFE800  }
0x96: {  	_ =	swait.ge [sflag:s7], $0x1800  }
0x97: {  	[sflag:s7] =	ssyncset.done $0x0  }
0x98: {  	[sflag:s7] =	ssyncadd.s32 $0xFFFFE800  }
0x99: {  	_ =	swait.ge [sflag:s7], $0x1800  }
0x9a: {  	s17 =	simm.s32 $0x0;
	[sflag:s7] =	ssyncset.done $0x0  }
0x9b: {  	s8 =	simm.s32 $0x13560;
	s6 =	rddreg [dreg:$0x7];
	[sflag:s7] =	ssyncadd.s32 $0xFFFFE800  }
0x9c: {  	[tilespmem:s8], [sflag:$0x2] =	stream.linear.gather [hbm4b:s6+s17], $0x1400, $0x38;
	[tilespmem:$0x18410] =	vst v63  }
0x9d: {  	_ =	swait.ge [sflag:s20], $0x1400  }
0x9e: {  	s13 =	simm.s32 $0x7560;
	s14 =	sadd.s32 $0x0, s12;
	[sflag:s20] =	ssyncset.done $0x0  }
0x9f: {  	s8 =	simm.s32 $0x10;
	s6 =	simm.s32 $0x7590;
	[sflag:s20] =	ssyncadd.s32 $0xFFFFEC00  }
.LBB2_15:
0xa0: {  	[tilespmem:s13], [sflag:$0x3] =	stream.linear.gather [hbm4b:s14+s17], $0x20, $0x38;
	[tilespmem:$0x18410] =	vst v63  }
0xa1: {  	s14 =	smov.u32 s8;
	s13 =	smov.u32 s6;
	p0 =	sne.s32 s8, $0x1FF0  }
.Ltmp9:
0xa2: {  	s8 =	sadd.s32 $0x10, s8;
	(pc) =	sbr.rel @p0 .LBB2_15-.Ltmp9, $2  }
0xa3: {  	_ =	sdelay $0x2  }
0xa4: {  	s6 =	sadd.s32 $0x30, s6;
	s14 =	sadd.s32 s14, s12  }
0xa5: {  	[tilespmem:s13], [sflag:$0x3] =	stream.linear.gather [hbm4b:s14+s17], $0x20, $0x38;
	[tilespmem:$0x18410] =	vst v63  }
.LBB2_17:
0xa6: {  	p0 =	seq.s32 s17, $0x0  }
0xa7: {  	s6 =	simm.s32 @!p0 $0x6  }
0xa8: {  	_ =	swait.ge @!p0 [sflag:s6], $0x1800  }
0xa9: {  	[sflag:s6] =	ssyncset.done @!p0 $0x0  }
0xaa: {  	[sflag:s6] =	ssyncadd.s32 @!p0 $0xFFFFE800  }
0xab: {  	_ =	swait.ge @!p0 [sflag:s6], $0x1800  }
0xac: {  	[sflag:s6] =	ssyncset.done @!p0 $0x0  }
0xad: {  	[sflag:s6] =	ssyncadd.s32 @!p0 $0xFFFFE800  }
0xae: {  	s13 =	sshllo.u32 s17, $0x1;
	_ =	swait.ge @!p0 [sflag:s6], $0x1800  }
0xaf: {  	s8 =	sshll.u32 s13, $0x10;
	[sflag:s6] =	ssyncset.done @!p0 $0x0  }
0xb0: {  	s8 =	sadd.s32 s10, s8;
	[sflag:s6] =	ssyncadd.s32 @!p0 $0xFFFFE800  }
0xb1: {  	s14 =	simm.s32 $0xD560;
	s8 =	sshrl.u32 s8, $0x3;
	_ =	swait.ge @!p0 [sflag:s6], $0x1800  }
0xb2: {  	s19 =	sadd.s32 s5, s8;
	s8 =	simm.s32 $0x10;
	[sflag:s6] =	ssyncset.done @!p0 $0x0  }
0xb3: {  	s18 =	sadd.s32 $0x0, s19;
	[sflag:s6] =	ssyncadd.s32 @!p0 $0xFFFFE800;
	s6 =	simm.s32 $0xD590  }
.LBB2_18:
0xb4: {  	[tilespmem:s14], [sflag:$0x4] =	stream.linear.gather [hbm4b:s18+s3], $0x20, $0x38;
	[tilespmem:$0x18410] =	vst v63  }
0xb5: {  	s18 =	smov.u32 s8;
	s14 =	smov.u32 s6;
	p0 =	sne.s32 s8, $0x1FF0  }
.Ltmp10:
0xb6: {  	s8 =	sadd.s32 $0x10, s8;
	(pc) =	sbr.rel @p0 .LBB2_18-.Ltmp10, $2  }
0xb7: {  	_ =	sdelay $0x2  }
0xb8: {  	s6 =	sadd.s32 $0x30, s6;
	s18 =	sadd.s32 s18, s19  }
0xb9: {  	[tilespmem:s14], [sflag:$0x4] =	stream.linear.gather [hbm4b:s18+s3], $0x20, $0x38;
	[tilespmem:$0x18410] =	vst v63  }
0xba: {  	s6 =	sshll.u32 s17, $0xA;
	_ =	swait.ge [sflag:s21], $0x4000  }
0xbb: {  	s6 =	sand.u32 $0x3FFFFC00, s6;
	[sflag:s21] =	ssyncset.done $0x0  }
0xbc: {  	s8 =	sadd.s32 $0x13560, s6;
	[sflag:s21] =	ssyncadd.s32 $0xFFFFC000  }
0xbd: {  	[spmem:s2] =	stream.indirect.scatter.add.f32 [tilespmem:s23], [sflag:$0x5], $0x30, s8, s22, $0xb8;
	[tilespmem:$0x18410] =	vst v63  }
0xbe: {  	s18 =	sadd.s32 $0x135E0, s6  }
0xbf: {  	[spmem:s2] =	stream.indirect.scatter.add.f32 [tilespmem:s24], [sflag:$0x5], $0x30, s18, s22, $0xb8;
	[tilespmem:$0x18410] =	vst v63  }
0xc0: {  	s19 =	sadd.s32 $0x13660, s6  }
0xc1: {  	[spmem:s2] =	stream.indirect.scatter.add.f32 [tilespmem:s25], [sflag:$0x5], $0x30, s19, s22, $0xb8;
	[tilespmem:$0x18410] =	vst v63  }
0xc2: {  	s6 =	sadd.s32 $0x136E0, s6  }
0xc3: {  	[spmem:s2] =	stream.indirect.scatter.add.f32 [tilespmem:s26], [sflag:$0x5], $0x30, s6, s22, $0xb8;
	[tilespmem:$0x18410] =	vst v63  }
0xc4: {  	s13 =	sshll.u32 s13, $0x9;
	_ =	swait.ge [sflag:s28], $0x4000  }
0xc5: {  	s6 =	sand.u32 $0x3FFFFE00, s13;
	[sflag:s28] =	ssyncset.done $0x0  }
0xc6: {  	s14 =	sadd.s32 $0x13560, s6;
	[sflag:s28] =	ssyncadd.s32 $0xFFFFC000  }
0xc7: {  	[spmem:s2] =	stream.indirect.scatter.add.f32 [tilespmem:s29], [sflag:$0x6], $0x30, s14, s22, $0xb8;
	[tilespmem:$0x18410] =	vst v63  }
0xc8: {  	s18 =	sadd.s32 $0x135E0, s6  }
0xc9: {  	[spmem:s2] =	stream.indirect.scatter.add.f32 [tilespmem:s30], [sflag:$0x6], $0x30, s18, s22, $0xb8;
	[tilespmem:$0x18410] =	vst v63  }
0xca: {  	s19 =	sadd.s32 $0x13660, s6  }
0xcb: {  	[spmem:s2] =	stream.indirect.scatter.add.f32 [tilespmem:s31], [sflag:$0x6], $0x30, s19, s22, $0xb8;
	[tilespmem:$0x18410] =	vst v63  }
0xcc: {  	s6 =	sadd.s32 $0x136E0, s6  }
0xcd: {  	[spmem:s2] =	stream.indirect.scatter.add.f32 [tilespmem:s0], [sflag:$0x6], $0x30, s6, s22, $0xb8;
	[tilespmem:$0x18410] =	vst v63  }
0xce: {  	_ =	swait.ge [sflag:s1], $0x1800  }
0xcf: {  	[sflag:s1] =	ssyncset.done $0x0  }
0xd0: {  	[sflag:s1] =	ssyncadd.s32 $0xFFFFE800  }
0xd1: {  	_ =	swait.ge [sflag:s1], $0x1800  }
0xd2: {  	[sflag:s1] =	ssyncset.done $0x0  }
0xd3: {  	[sflag:s1] =	ssyncadd.s32 $0xFFFFE800  }
0xd4: {  	p0 =	seq.s32 s17, $0x4;
	_ =	swait.ge [sflag:s1], $0x1800  }
.Ltmp11:
0xd5: {  	[sflag:s1] =	ssyncset.done $0x0;
	(pc) =	sbr.rel @p0 .LBB2_23-.Ltmp11, $4  }
0xd6: {  	[sflag:s1] =	ssyncadd.s32 $0xFFFFE800  }
0xd7: {  	_ =	swait.ge [sflag:s1], $0x1800  }
0xd8: {  	[sflag:s1] =	ssyncset.done $0x0  }
0xd9: {  	[sflag:s1] =	ssyncadd.s32 $0xFFFFE800  }
0xda: {  	s6 =	sshll.u32 s17, $0xE  }
0xdb: {  	s14 =	simm.s32 $0x7560;
	s13 =	sadd.s32 s16, s6  }
0xdc: {  	s8 =	simm.s32 $0x10;
	s6 =	simm.s32 $0x7590;
	s18 =	sadd.s32 $0x0, s13  }
.LBB2_21:
0xdd: {  	[tilespmem:s14], [sflag:$0x3] =	stream.linear.gather [hbm4b:s18+s3], $0x20, $0x38;
	[tilespmem:$0x18410] =	vst v63  }
0xde: {  	s18 =	smov.u32 s8;
	s14 =	smov.u32 s6;
	p0 =	sne.s32 s8, $0x1FF0  }
.Ltmp12:
0xdf: {  	s8 =	sadd.s32 $0x10, s8;
	(pc) =	sbr.rel @p0 .LBB2_21-.Ltmp12, $2  }
0xe0: {  	_ =	sdelay $0x2  }
0xe1: {  	s6 =	sadd.s32 $0x30, s6;
	s18 =	sadd.s32 s18, s13  }
.Ltmp13:
0xe2: {  	(pc) =	sbr.rel .LBB2_17-.Ltmp13, $3  }
0xe3: {  	_ =	sdelay $0x1  }
0xe4: {  	[tilespmem:s14], [sflag:$0x3] =	stream.linear.gather [hbm4b:s18+s3], $0x20, $0x38;
	[tilespmem:$0x18410] =	vst v63  }
0xe5: {  	s17 =	sadd.s32 $0x1, s17  }
.LBB2_24:
0xe6: {  	_ =	sfence.sel $0x180000  }
0xe7: {  	[bflag:$0x0] =	sbarrier.arrive $0xFFFF  }
0xe8: {  	_ =	strace $0x9000004D  }
0xe9: {  	s0 =	stileid.u32;
	[bflag:$0x2] =	sbarrier.arrive $0xFFFF  }
0xea: {  	p0 =	sne.s32 s0, $0x0;
	s0 =	rddreg [dreg:$0x3]  }
0xeb: {  	s0 =	sadd.s32 @!p0 $0x100000, s0  }
0xec: {  	[sflag:s0] =	ssyncadd.tile.s32 @!p0 $0x1;
	_ =	shalt  }
.Lfunc_end2:
_tile_overlayer_lowered:
.L_overlay_start_2:
0xed: {  	(tag) =	ssettag $0x2  }
0xee: {  	s0 =	rddreg [dreg:$0x0];
	s2 =	stileid.u32  }
0xef: {  	s1 =	rddreg [dreg:$0x1];
	p0 =	sne.s32 s2, $0x0  }
0xf0: {  	s3 =	rddreg [dreg:$0x2];
	[bflag:$0x3] =	sbarrier.arrive $0xFFFF;
	s2 =	simm.s32 @!p0 $0x1C08  }
0xf1: {  	[timem:s3], [sflag:s2] =	dma.local @!p0 [hbm:s0], s1  }
0xf2: {  	s0 =	simm.s32 @!p0 $0x8  }
0xf3: {  	_ =	swait.ge @!p0 [sflag:s0], s1  }
0xf4: {  	s1 =	ssub.s32 @!p0 $0x0, s1;
	[sflag:s0] =	ssyncset.done @!p0 $0x0  }
0xf5: {  	[sflag:s0] =	ssyncadd.s32 @!p0 s1  }
0xf6: {  	[bflag:$0x3] =	sbarrier.arrive $0xFFFF  }
0xf7: {  	_ =	shalt  }

// kernel: kernel.9.cloned.1.call-start
scs
__scs_entry_jumppad:
0x0: {  	(pc) =	sbr.rel $0x88, $3  }
0x1: {  	(tag) =	ssettag $0x0;
	lr =	simm.s32 $0x1  }
0x2: {  	[smem:$0x3F8C] =	sst lr;
	_ =	strace $0xD0000000  }
0x3: {  	_ = 	snop  }
0x4: {  	_ = 	snop  }
0x5: {  	_ = 	snop  }
0x6: {  	_ = 	snop  }
0x7: {  	_ = 	snop  }
__scs_overlays_trampoline_lowered:
0x8: {  	[smem:$0x3F9B] =	sst s0  }
0x9: {  	[smem:$0x3F9C] =	sst s1  }
0xa: {  	[smem:$0x3F9D] =	sst s2  }
0xb: {  	[smem:$0x3F9E] =	sst s3  }
0xc: {  	[smem:$0x3F9F] =	sst s4  }
0xd: {  	[smem:$0x3FA0] =	sst s5  }
0xe: {  	[smem:$0x3FA1] =	sst s6  }
0xf: {  	[smem:$0x3FA2] =	sst s7  }
0x10: {  	[smem:$0x3FA3] =	sst s8  }
0x11: {  	[smem:$0x3FA4] =	sst s9;
	s0 =	simm.s32 @!p0 $0x0  }
0x12: {  	s1 =	sld [smem:$0x3F8A];
	s0 =	simm.s32 @p0 $0x1  }
0x13: {  	[smem:$0x3FA5] =	sst s0;
	s0 =	simm.s32 @!p1 $0x0  }
0x14: {  	s2 =	sld [smem:$0x3F89];
	s0 =	simm.s32 @p1 $0x1  }
0x15: {  	[smem:$0x3FA6] =	sst s0;
	s0 =	simm.s32 @!p2 $0x0  }
0x16: {  	s3 =	sld [smem:$0x3FDB];
	s0 =	simm.s32 @p2 $0x1  }
0x17: {  	s4 =	simm.s32 $0x1BF5;
	[smem:$0x3FA8] =	sst s0  }
0x18: {  	s0 =	sld [smem:$0x3F8B];
	_ =	swait.ge [sflag:s4], $0x0  }
0x19: {  	s7 =	sld [smem:$0x3F8C]  }
0x1a: {  	s8 =	sadd.s32 $0xFFFFE003, lr  }
0x1b: {  	s9 =	sadd.s32 $0xFFFFFEF7, lr;
	s5 =	simm.s32 $0xFFFFFFFF;
	p2 =	slt.u32 s8, $0xFFFFF086  }
0x1c: {  	p1 =	slt.u32 s9, $0xF7A;
	s5 =	simm.s32 @!p2 $0x0  }
0x1d: {  	s5 =	simm.s32 @p1 $0x1;
	p0 =	seq.s32 s7, s2  }
0x1e: {  	s7 =	smul.u32 @!p0 $0xF7A, s2;
	p2 =	seq.s32 @!p0 s5, $0x0  }
0x1f: {  	s9 =	smul.u32 $0xF7A, s1;
	s8 =	simm.s32 @!p0 $0x1BF5;
	p2 =	por !p2, p0  }
0x20: {  	[sflag:s8] =	ssyncset.s32 @!p0 $0xFFFFF086;
	s6 =	sadd.s32 @!p0 s3, s7;
	s7 =	simm.s32 @!p0 $0x108  }
0x21: {  	s3 =	sadd.s32 s3, s9;
	s6 =	sadd.s32 @!p0 $0x88, s6;
	s7 =	simm.s32 @p2 $0x1082  }
0x22: {  	[simem:s7], [sflag:s8] =	dma.local @!p0 [hbm:s6], $0xF7A  }
0x23: {  	s9 =	sor.u32 $0xD0000000, s2;
	s6 =	simm.s32 $0x108;
	_ =	swait.ge @!p0 [sflag:s8], $0x0  }
0x24: {  	s3 =	sadd.s32 $0x88, s3;
	s6 =	simm.s32 @!p1 $0x1082;
	[sflag:s4] =	ssyncset.s32 $0xFFFFF086  }
0x25: {  	[simem:s6], [sflag:s4] =	dma.local [hbm:s3], $0xF7A  }
0x26: {  	[smem:$0x3F8C] =	sst s1;
	(tag) =	ssettag s2;
	_ =	strace s9  }
0x27: {  	s1 =	sld [smem:$0x3F9C]  }
0x28: {  	s2 =	sld [smem:$0x3F9D]  }
0x29: {  	s4 =	sld [smem:$0x3F9F]  }
0x2a: {  	p0 =	seq.s32 s5, $0x0;
	s5 =	sld [smem:$0x3FA0]  }
0x2b: {  	s6 =	sld [smem:$0x3FA1]  }
0x2c: {  	s7 =	sld [smem:$0x3FA2]  }
0x2d: {  	s3 =	simm.s32 $0x108;
	s8 =	sld [smem:$0x3FA3]  }
0x2e: {  	s3 =	simm.s32 @!p0 $0x1082;
	s9 =	sld [smem:$0x3FA4]  }
0x2f: {  	lr =	sadd.s32 s0, s3;
	s0 =	sld [smem:$0x3F9B]  }
0x30: {  	s3 =	sld [smem:$0x3F9E]  }
0x31: {  	[smem:$0x3FA7] =	sst s10  }
0x32: {  	s10 =	sld [smem:$0x3FA5];
	_ =	sdelay $0x3  }
0x33: {  	p0 =	seq.s32 s10, $0x1;
	s10 =	sld [smem:$0x3FA7];
	_ =	sdelay $0x3  }
0x34: {  	[smem:$0x3FA7] =	sst s10  }
0x35: {  	s10 =	sld [smem:$0x3FA6];
	_ =	sdelay $0x3  }
0x36: {  	p1 =	seq.s32 s10, $0x1;
	s10 =	sld [smem:$0x3FA7];
	_ =	sdelay $0x3  }
0x37: {  	[smem:$0x3FA7] =	sst s10  }
0x38: {  	s10 =	sld [smem:$0x3FA8]  }
0x39: {  	_ = 	snop;
	(pc) =	sbr.ind lr, $3  }
0x3a: {  	_ = 	snop  }
0x3b: {  	_ = 	snop  }
0x3c: {  	p2 =	seq.s32 s10, $0x1;
	s10 =	sld [smem:$0x3FA7]  }
0x3d: {  	_ =	shalt  }
0x3e: {  	_ =	shalt  }
0x3f: {  	_ =	shalt  }
0x40: {  	_ =	shalt  }
0x41: {  	_ =	shalt  }
0x42: {  	_ =	shalt  }
0x43: {  	_ =	shalt  }
0x44: {  	_ =	shalt  }
0x45: {  	_ =	shalt  }
0x46: {  	_ =	shalt  }
0x47: {  	_ =	shalt  }
0x48: {  	_ =	shalt  }
0x49: {  	_ =	shalt  }
0x4a: {  	_ =	shalt  }
0x4b: {  	_ =	shalt  }
0x4c: {  	_ =	shalt  }
0x4d: {  	_ =	shalt  }
0x4e: {  	_ =	shalt  }
0x4f: {  	_ =	shalt  }
0x50: {  	_ =	shalt  }
0x51: {  	_ =	shalt  }
0x52: {  	_ =	shalt  }
0x53: {  	_ =	shalt  }
0x54: {  	_ =	shalt  }
0x55: {  	_ =	shalt  }
0x56: {  	_ =	shalt  }
0x57: {  	_ =	shalt  }
0x58: {  	_ =	shalt  }
0x59: {  	_ =	shalt  }
0x5a: {  	_ =	shalt  }
0x5b: {  	_ =	shalt  }
0x5c: {  	_ =	shalt  }
0x5d: {  	_ =	shalt  }
0x5e: {  	_ =	shalt  }
0x5f: {  	_ =	shalt  }
0x60: {  	_ =	shalt  }
0x61: {  	_ =	shalt  }
0x62: {  	_ =	shalt  }
0x63: {  	_ =	shalt  }
0x64: {  	_ =	shalt  }
0x65: {  	_ =	shalt  }
0x66: {  	_ =	shalt  }
0x67: {  	_ =	shalt  }
0x68: {  	_ =	shalt  }
0x69: {  	_ =	shalt  }
0x6a: {  	_ =	shalt  }
0x6b: {  	_ =	shalt  }
0x6c: {  	_ =	shalt  }
0x6d: {  	_ =	shalt  }
0x6e: {  	_ =	shalt  }
0x6f: {  	_ =	shalt  }
0x70: {  	_ =	shalt  }
0x71: {  	_ =	shalt  }
0x72: {  	_ =	shalt  }
0x73: {  	_ =	shalt  }
0x74: {  	_ =	shalt  }
0x75: {  	_ =	shalt  }
0x76: {  	_ =	shalt  }
0x77: {  	_ =	shalt  }
0x78: {  	_ =	shalt  }
0x79: {  	_ =	shalt  }
0x7a: {  	_ =	shalt  }
0x7b: {  	_ =	shalt  }
0x7c: {  	_ =	shalt  }
0x7d: {  	_ =	shalt  }
0x7e: {  	_ =	shalt  }
0x7f: {  	_ =	shalt  }
0x80: {  	_ =	shalt  }
0x81: {  	_ =	shalt  }
0x82: {  	_ =	shalt  }
0x83: {  	_ =	shalt  }
0x84: {  	_ =	shalt  }
0x85: {  	_ =	shalt  }
0x86: {  	_ =	shalt  }
0x87: {  	_ =	shalt  }
.Lfunc_end0:
.L_simem_size_0:
called_computation_lowered:
.L_overlay_start_0:
0x88: {  	s2 =	sld [smem:$0x3FD9]  }
0x89: {  	s3 =	sld [smem:$0x3FFE];
	_ =	sdelay $0x1  }
0x8a: {  	s1 =	srdreg.scid  }
0x8b: {  	s0 =	sand.u32 $0x1, s1  }
0x8c: {  	s14 =	sshll.u32 s0, $0xA;
	s2 =	sadd.s32 s3, s2  }
0x8d: {  	s2 =	sadd.s32 s2, s14  }
0x8e: {  	[smem:$0x3FB3] =	sst s2  }
0x8f: {  	_ = 	snop  }
0x90: {  	s2 =	sld [smem:$0x3FD0];
	_ =	sdelay $0x2  }
0x91: {  	s15 =	simm.s32 $0xB;
	s4 =	simm.s32 $0x10  }
0x92: {  	[smem:s4], [sflag:s15] =	dma.local [hbm:s2], $0x1  }
0x93: {  	_ =	swait.eq [sflag:s15], $0x1  }
0x94: {  	[sflag:s15] =	ssyncset.done $0x0  }
0x95: {  	s16 =	sld [smem:$0x10];
	[sflag:s15] =	ssyncadd.s32 $0xFFFFFFFF  }
0x96: {  	s17 =	sld [smem:$0x11];
	(tm) =	ssettm $0x1  }
0x97: {  	s18 =	sld [smem:$0x3FFB];
	_ =	sdelay $0x3  }
0x98: {  	_ =	strace s18  }
0x99: {  	s4 =	sld [smem:$0x3FFC];
	_ =	sdelay $0x3  }
0x9a: {  	_ =	strace s4  }
0x9b: {  	s4 =	sld [smem:$0x3FFD];
	_ =	sdelay $0x3  }
0x9c: {  	_ =	strace s4  }
0x9d: {  	_ =	strace $0x8FFFFFFF  }
0x9e: {  	s19 =	sld [smem:$0x3FDB];
	_ =	sdelay $0x1  }
0x9f: {  	s5 =	simm.s32 $_scs_section_size  }
0xa0: {  	s6 =	simm.s32 $_size__tile_overlayer_lowered;
	s7 =	simm.s32 $_tile_overlayer_lowered  }
0xa1: {  	s22 =	simm.s32 $0x1BFF;
	s21 =	sshll.u32 s7, $0x1;
	s4 =	sadd.s32 s5, s19  }
0xa2: {  	s8 =	simm.s32 $0x0;
	s20 =	sshll.u32 s6, $0x1;
	s6 =	sadd.s32 s21, s4  }
0xa3: {  	[timem:s8], [sflag:s22] =	dma.local [hbm:s6], s20  }
0xa4: {  	_ =	swait.ge [sflag:s22], s20  }
0xa5: {  	s5 =	ssub.s32 $0x0, s20;
	[sflag:s22] =	ssyncset.done $0x0  }
0xa6: {  	[sflag:s22] =	ssyncadd.s32 s5;
	_ =	sdelay $0x1  }
0xa7: {  	s23 =	simm.s32 $0x1B8B  }
0xa8: {  	_ =	swait.ge [sflag:s23], $0x1  }
0xa9: {  	[sflag:s23] =	ssyncset.done $0x0  }
0xaa: {  	s25 =	simm.s32 $0x1B8E;
	s24 =	sld [smem:$0x3FFE];
	[sflag:s23] =	ssyncadd.s32 $0xFFFFFFFF  }
0xab: {  	s26 =	simm.s32 $execute0_lowered;
	[smem:$0x3FD2] =	sst s25  }
0xac: {  	s6 =	sshll.u32 s26, $0x1;
	_ =	strace $0x80000046;
	[dreg:$0x1] =	wrdreg $0xFFFFFFFF  }
0xad: {  	s28 =	simm.s32 $_size_execute0_lowered;
	s4 =	sadd.s32 s4, s6;
	[dreg:$0x0] =	wrdreg $0x0  }
0xae: {  	s6 =	sshll.u32 s28, $0x1;
	[dreg:$0x2] =	wrdreg s4  }
0xaf: {  	[dreg:$0x3] =	wrdreg s6  }
0xb0: {  	[dreg:$0x4] =	wrdreg $0xC0  }
0xb1: {  	_ =	task [dreg:s8], $0x5FFFF  }
0xb2: {  	[dreg:$0x1] =	wrdreg $0xFFFFFFFF  }
0xb3: {  	[dreg:$0x0] =	wrdreg $0x60  }
0xb4: {  	[dreg:$0x2] =	wrdreg s16  }
0xb5: {  	[dreg:$0x3] =	wrdreg s24  }
0xb6: {  	[dreg:$0x4] =	wrdreg s17  }
0xb7: {  	[dreg:$0x5] =	wrdreg $0x9  }
0xb8: {  	_ =	task.clear_ibuf [dreg:s8], $0x6FFFF;
	_ =	strace $0x90000046  }
0xb9: {  	s29 =	simm.s32 $0x9;
	_ =	strace $0x80000048  }
0xba: {  	_ =	swait.ge [sflag:s29], $0x1  }
0xbb: {  	[sflag:s29] =	ssyncadd.s32 $0xFFFFFFFF  }
0xbc: {  	_ =	strace $0x90000048  }
0xbd: {  	_ =	sfence  }
0xbe: {  	s30 =	sld [smem:$0x0];
	_ =	sdelay $0x2  }
0xbf: {  	s31 =	sshll.u32 s1, $0xD;
	s1 =	sshrl.u32 s1, $0x2  }
0xc0: {  	s3 =	sand.u32 $0x4000, s31;
	s1 =	sadd.s32 s1, s30  }
0xc1: {  	s0 =	sor.u32 s3, s0;
	s1 =	sshll.u32 s1, $0x11  }
0xc2: {  	s0 =	sor.u32 s1, s0  }
0xc3: {  	s0 =	sadd.s32 $0x8F2B, s0  }
0xc4: {  	[sflag:s0] =	ssyncadd.remote.s32 $0x1  }
0xc5: {  	_ =	sfence.sel $0xFFFF  }
0xc6: {  	[dreg:$0x0] =	wrdreg $0xFFFFFFFF;
	(pc) =	sbr.abs _section_cstart, $3  }
0xc7: {  	[dreg:$0x1] =	wrdreg $0xFFFFFFFF  }
0xc8: {  	_ =	task.clear_ibuf [dreg:s8], $0x2FFFF;
	_ =	strace $0x9FFFFFFF  }
0xc9: {  	(tm) =	ssettm $0x7FFFFFFF  }
tec
execute0_lowered:
.L_overlay_start_1:
0x0: {  	(tag) =	ssettag $0x1  }
0x1: {  	s2 =	rddreg [dreg:$0x0]  }
0x2: {  	s0 =	rddreg [dreg:$0x1]  }
0x3: {  	s1 =	rddreg [dreg:$0x2]  }
0x4: {  	s6 =	stileid.u32;
	s3 =	srdreg.scid;
	s16 =	simm.s32 $0x0  }
0x5: {  	s10 =	simm.s32 $0x3;
	s11 =	simm.s32 $0x1;
	s12 =	simm.s32 $0x80  }
0x6: {  	s13 =	simm.s32 $0x3800;
	s14 =	simm.s32 $0x13800;
	s21 =	simm.s32 $0xD800  }
0x7: {  	s22 =	simm.s32 $0x18800;
	s23 =	simm.s32 $0xF800;
	s24 =	simm.s32 $0x19800  }
0x8: {  	s25 =	simm.s32 $0x11800;
	s26 =	simm.s32 $0x1A800;
	[smem:$0x7FF] =	sst s16  }
0x9: {  	s28 =	simm.s32 $0x17800;
	_ =	strace $0x80000047;
	[dreg:$0x6] =	wrdreg s21  }
0xa: {  	s29 =	simm.s32 $0x2;
	s30 =	simm.s32 $0x40;
	[dreg:$0x7] =	wrdreg s22  }
0xb: {  	s31 =	simm.s32 $0x20;
	s15 =	simm.s32 $0x0;
	[dreg:$0x8] =	wrdreg s23  }
0xc: {  	s4 =	smul.u32 $0x18, s6;
	s5 =	sand.u32 $0x1, s3;
	[dreg:$0x9] =	wrdreg s24  }
0xd: {  	s6 =	smul.u32 $0x38, s6;
	p0 =	seq.s32 s5, $0x0;
	[dreg:$0xa] =	wrdreg s25  }
0xe: {  	s5 =	ssub.s32 $0x2, s5;
	[dreg:$0xb] =	wrdreg s26;
	s26 =	simm.s32 $0xB800  }
0xf: {  	s4 =	sadd.s32 $0x380, s4;
	s9 =	sshrl.u32 s5, $0x1;
	s10 =	simm.s32 @!p0 $0x7  }
0x10: {  	s6 =	smov.u32 @p0 s4;
	s4 =	sadd.s32 $0x7400, s0;
	s9 =	ssub.s32 s5, s9  }
0x11: {  	s5 =	simm.s32 $0x3;
	s17 =	sadd.s32 $0xFFFFFFFF, s10;
	s19 =	sshll.u32 s10, $0xC  }
0x12: {  	s7 =	sshll.u32 s6, $0x4;
	s6 =	sshll.u32 s6, $0xB;
	[dreg:$0x4] =	wrdreg s17  }
0x13: {  	s20 =	smax.u32 s9, $0x1;
	[dreg:$0x5] =	wrdreg s19;
	s8 =	sadd.s32 s7, s0  }
0x14: {  	s0 =	sadd.s32 s6, s0;
	s1 =	sadd.s32 s1, s7;
	[dreg:$0xe] =	wrdreg s20  }
0x15: {  	[dreg:$0xc] =	wrdreg s1;
	s18 =	sadd.s32 $0x16200, s8;
	s9 =	sadd.s32 $0x1B400, s0  }
0x16: {  	s1 =	simm.s32 $0x4;
	s0 =	simm.s32 $0x5;
	[dreg:$0xd] =	wrdreg s18  }
.LBB2_1:
0x17: {  	s3 =	simm.s32 $0x0;
	s6 =	rddreg [dreg:$0xc]  }
0x18: {  	[tilespmem:s3], [sflag:$0x1] =	stream.linear.gather [hbm4b:s6+s3], $0x1C00, $0x38;
	[tilespmem:$0x1B800] =	vst v63  }
0x19: {  	s24 =	rddreg [dreg:$0xd];
	s7 =	simm.s32 $0x1C00  }
0x1a: {  	[tilespmem:s7], [sflag:$0x1] =	stream.linear.gather [hbm4b:s24+s3], $0x1C00, $0x38;
	[tilespmem:$0x1B800] =	vst v63  }
0x1b: {  	_ =	swait.ge [sflag:s11], $0x1C00  }
0x1c: {  	[sflag:s11] =	ssyncset.done $0x0  }
0x1d: {  	[sflag:s11] =	ssyncadd.s32 $0xFFFFE400  }
0x1e: {  	_ =	swait.ge [sflag:s11], $0x1C00  }
0x1f: {  	[sflag:s11] =	ssyncset.done $0x0  }
0x20: {  	[sflag:s11] =	ssyncadd.s32 $0xFFFFE400  }
0x21: {  	[tilespmem:s13], [sflag:$0x2] =	stream.indirect.gather [hbm4b:s2+s12], $0x40, s3, s12, $0xb8;
	[tilespmem:$0x1B800] =	vst v63  }
0x22: {  	_ = 	snop  }
0x23: {  	[tilespmem:s14], [sflag:$0x2] =	stream.indirect.gather [hbm4b:s4+s12], $0x20, s7, s12, $0xb8;
	[tilespmem:$0x1B800] =	vst v63  }
0x24: {  	s25 =	simm.s32 $0x5800  }
0x25: {  	[tilespmem:s25], [sflag:$0x2] =	stream.indirect.gather [hbm4b:s2+s12], $0x40, s12, s12, $0xb8;
	[tilespmem:$0x1B800] =	vst v63  }
0x26: {  	s6 =	simm.s32 $0x1C80;
	s7 =	simm.s32 $0x14800  }
0x27: {  	[tilespmem:s7], [sflag:$0x2] =	stream.indirect.gather [hbm4b:s4+s12], $0x20, s6, s12, $0xb8;
	[tilespmem:$0x1B800] =	vst v63  }
0x28: {  	s8 =	simm.s32 $0x100;
	s10 =	simm.s32 $0x7800  }
0x29: {  	[tilespmem:s10], [sflag:$0x2] =	stream.indirect.gather [hbm4b:s2+s12], $0x40, s8, s12, $0xb8;
	[tilespmem:$0x1B800] =	vst v63  }
0x2a: {  	s16 =	simm.s32 $0x1D00;
	s17 =	simm.s32 $0x15800  }
0x2b: {  	[tilespmem:s17], [sflag:$0x2] =	stream.indirect.gather [hbm4b:s4+s12], $0x20, s16, s12, $0xb8;
	[tilespmem:$0x1B800] =	vst v63  }
0x2c: {  	s18 =	simm.s32 $0x180;
	s19 =	simm.s32 $0x9800;
	p0 =	por $0x1, $0x1  }
0x2d: {  	[tilespmem:s19], [sflag:$0x2] =	stream.indirect.gather [hbm4b:s2+s12], $0x40, s18, s12, $0xb8;
	[tilespmem:$0x1B800] =	vst v63  }
0x2e: {  	s20 =	simm.s32 $0x1D80;
	s21 =	simm.s32 $0x16800;
	s16 =	simm.s32 @!p0 $0x5  }
0x2f: {  	[tilespmem:s21], [sflag:$0x2] =	stream.indirect.gather [hbm4b:s4+s12], $0x20, s20, s12, $0xb8;
	[tilespmem:$0x1B800] =	vst v63  }
0x30: {  	_ =	swait.ge @!p0 [sflag:s16], $0x8000  }
0x31: {  	[sflag:s16] =	ssyncset.done @!p0 $0x0  }
0x32: {  	[sflag:s16] =	ssyncadd.s32 @!p0 $0xFFFF8000  }
0x33: {  	_ =	swait.ge @!p0 [sflag:s16], $0x4000  }
0x34: {  	[sflag:s16] =	ssyncset.done @!p0 $0x0  }
0x35: {  	s22 =	simm.s32 $0x200;
	[sflag:s16] =	ssyncadd.s32 @!p0 $0xFFFFC000  }
0x36: {  	[tilespmem:s26], [sflag:$0x3] =	stream.indirect.gather [hbm4b:s2+s12], $0x40, s22, s12, $0xb8;
	[tilespmem:$0x1B800] =	vst v63  }
0x37: {  	s23 =	simm.s32 $0x1E00  }
0x38: {  	[tilespmem:s28], [sflag:$0x3] =	stream.indirect.gather [hbm4b:s4+s12], $0x20, s23, s12, $0xb8;
	[tilespmem:$0x1B800] =	vst v63  }
0x39: {  	s24 =	simm.s32 $0x280;
	s17 =	rddreg [dreg:$0x6]  }
0x3a: {  	[tilespmem:s17], [sflag:$0x3] =	stream.indirect.gather [hbm4b:s2+s12], $0x40, s24, s12, $0xb8;
	[tilespmem:$0x1B800] =	vst v63  }
0x3b: {  	s25 =	simm.s32 $0x1E80;
	s18 =	rddreg [dreg:$0x7]  }
0x3c: {  	[tilespmem:s18], [sflag:$0x3] =	stream.indirect.gather [hbm4b:s4+s12], $0x20, s25, s12, $0xb8;
	[tilespmem:$0x1B800] =	vst v63  }
0x3d: {  	s6 =	simm.s32 $0x300;
	s3 =	rddreg [dreg:$0x8]  }
0x3e: {  	[tilespmem:s3], [sflag:$0x3] =	stream.indirect.gather [hbm4b:s2+s12], $0x40, s6, s12, $0xb8;
	[tilespmem:$0x1B800] =	vst v63  }
0x3f: {  	s8 =	simm.s32 $0x1F00;
	s7 =	rddreg [dreg:$0x9]  }
0x40: {  	[tilespmem:s7], [sflag:$0x3] =	stream.indirect.gather [hbm4b:s4+s12], $0x20, s8, s12, $0xb8;
	[tilespmem:$0x1B800] =	vst v63  }
0x41: {  	s10 =	rddreg [dreg:$0xa];
	s18 =	simm.s32 $0x380  }
0x42: {  	[tilespmem:s10], [sflag:$0x3] =	stream.indirect.gather [hbm4b:s2+s12], $0x40, s18, s12, $0xb8;
	[tilespmem:$0x1B800] =	vst v63  }
0x43: {  	s20 =	simm.s32 $0x1F80;
	s19 =	rddreg [dreg:$0xb]  }
0x44: {  	[tilespmem:s19], [sflag:$0x3] =	stream.indirect.gather [hbm4b:s4+s12], $0x20, s20, s12, $0xb8;
	[tilespmem:$0x1B800] =	vst v63  }
0x45: {  	_ =	swait.ge [sflag:s29], $0x2000  }
0x46: {  	[sflag:s29] =	ssyncset.done $0x0  }
0x47: {  	[sflag:s29] =	ssyncadd.s32 $0xFFFFE000  }
0x48: {  	_ =	swait.ge [sflag:s29], $0x1000  }
0x49: {  	[sflag:s29] =	ssyncset.done $0x0  }
0x4a: {  	[sflag:s29] =	ssyncadd.s32 $0xFFFFF000  }
0x4b: {  	_ =	swait.ge [sflag:s29], $0x2000  }
0x4c: {  	[sflag:s29] =	ssyncset.done $0x0  }
0x4d: {  	[sflag:s29] =	ssyncadd.s32 $0xFFFFE000  }
0x4e: {  	_ =	swait.ge [sflag:s29], $0x1000  }
0x4f: {  	[sflag:s29] =	ssyncset.done $0x0  }
0x50: {  	[sflag:s29] =	ssyncadd.s32 $0xFFFFF000  }
0x51: {  	_ =	swait.ge [sflag:s29], $0x2000  }
0x52: {  	[sflag:s29] =	ssyncset.done $0x0  }
0x53: {  	[sflag:s29] =	ssyncadd.s32 $0xFFFFE000  }
0x54: {  	_ =	swait.ge [sflag:s29], $0x1000  }
0x55: {  	[sflag:s29] =	ssyncset.done $0x0  }
0x56: {  	[sflag:s29] =	ssyncadd.s32 $0xFFFFF000  }
0x57: {  	_ =	swait.ge [sflag:s29], $0x2000  }
0x58: {  	[sflag:s29] =	ssyncset.done $0x0  }
0x59: {  	[sflag:s29] =	ssyncadd.s32 $0xFFFFE000  }
0x5a: {  	_ =	swait.ge [sflag:s29], $0x1000  }
0x5b: {  	[sflag:s29] =	ssyncset.done $0x0  }
0x5c: {  	[sflag:s29] =	ssyncadd.s32 $0xFFFFF000  }
0x5d: {  	[hbm4b:s9+s30] =	stream.strided.scatter [tilespmem:s13], [sflag:$0x4], $0x8000, s12, s30, $0x38;
	[tilespmem:$0x1B800] =	vst v63  }
0x5e: {  	s21 =	sadd.s32 $0x8, s9  }
0x5f: {  	[hbm4b:s21+s31] =	stream.strided.scatter [tilespmem:s14], [sflag:$0x4], $0x4000, s12, s31, $0x38;
	[tilespmem:$0x1B800] =	vst v63  }
0x60: {  	_ =	swait.ge [sflag:s5], $0x2000  }
0x61: {  	[sflag:s5] =	ssyncset.done $0x0  }
0x62: {  	[sflag:s5] =	ssyncadd.s32 $0xFFFFE000  }
0x63: {  	_ =	swait.ge [sflag:s5], $0x1000  }
0x64: {  	[sflag:s5] =	ssyncset.done $0x0  }
0x65: {  	[sflag:s5] =	ssyncadd.s32 $0xFFFFF000  }
0x66: {  	_ =	swait.ge [sflag:s5], $0x2000  }
0x67: {  	[sflag:s5] =	ssyncset.done $0x0  }
0x68: {  	[sflag:s5] =	ssyncadd.s32 $0xFFFFE000  }
0x69: {  	_ =	swait.ge [sflag:s5], $0x1000  }
0x6a: {  	[sflag:s5] =	ssyncset.done $0x0  }
0x6b: {  	[sflag:s5] =	ssyncadd.s32 $0xFFFFF000  }
0x6c: {  	_ =	swait.ge [sflag:s5], $0x2000  }
0x6d: {  	[sflag:s5] =	ssyncset.done $0x0  }
0x6e: {  	[sflag:s5] =	ssyncadd.s32 $0xFFFFE000  }
0x6f: {  	_ =	swait.ge [sflag:s5], $0x1000  }
0x70: {  	[sflag:s5] =	ssyncset.done $0x0  }
0x71: {  	[sflag:s5] =	ssyncadd.s32 $0xFFFFF000  }
0x72: {  	_ =	swait.ge [sflag:s5], $0x2000  }
0x73: {  	[sflag:s5] =	ssyncset.done $0x0  }
0x74: {  	[sflag:s5] =	ssyncadd.s32 $0xFFFFE000  }
0x75: {  	_ =	swait.ge [sflag:s5], $0x1000  }
0x76: {  	[sflag:s5] =	ssyncset.done $0x0;
	s22 =	rddreg [dreg:$0x4]  }
0x77: {  	s23 =	sadd.s32 $0x2000, s9;
	[sflag:s5] =	ssyncadd.s32 $0xFFFFF000;
	p0 =	sle.u32 s22, $0x0  }
0x78: {  	[hbm4b:s23+s30] =	stream.strided.scatter [tilespmem:s26], [sflag:$0x5], $0x8000, s12, s30, $0x38;
	[tilespmem:$0x1B800] =	vst v63  }
0x79: {  	s24 =	sadd.s32 $0x2008, s9;
	s16 =	simm.s32 @!p0 $0x4  }
0x7a: {  	[hbm4b:s24+s31] =	stream.strided.scatter [tilespmem:s28], [sflag:$0x5], $0x4000, s12, s31, $0x38;
	[tilespmem:$0x1B800] =	vst v63  }
0x7b: {  	_ =	swait.ge @!p0 [sflag:s16], $0x8000  }
0x7c: {  	[sflag:s16] =	ssyncset.done @!p0 $0x0  }
0x7d: {  	[sflag:s16] =	ssyncadd.s32 @!p0 $0xFFFF8000  }
0x7e: {  	_ =	swait.ge @!p0 [sflag:s16], $0x4000  }
0x7f: {  	s17 =	simm.s32 @!p0 $0x400;
	[sflag:s16] =	ssyncset.done @!p0 $0x0  }
0x80: {  	s20 =	simm.s32 @!p0 $0x80;
	s18 =	simm.s32 @!p0 $0x3800;
	[sflag:s16] =	ssyncadd.s32 @!p0 $0xFFFFC000  }
0x81: {  	[tilespmem:s18], [sflag:$0x2] =	stream.indirect.gather @!p0 [hbm4b:s2+s20], $0x40, s17, s20, $0xb8;
	[tilespmem:$0x1B800] =	vst v63  }
0x82: {  	s16 =	simm.s32 @!p0 $0x2000;
	s17 =	simm.s32 @!p0 $0x13800  }
0x83: {  	[tilespmem:s17], [sflag:$0x2] =	stream.indirect.gather @!p0 [hbm4b:s4+s20], $0x20, s16, s20, $0xb8;
	[tilespmem:$0x1B800] =	vst v63  }
0x84: {  	s21 =	simm.s32 @!p0 $0x2180;
	s16 =	simm.s32 @!p0 $0x480;
	s17 =	simm.s32 @!p0 $0x5800  }
0x85: {  	[tilespmem:s17], [sflag:$0x2] =	stream.indirect.gather @!p0 [hbm4b:s2+s20], $0x40, s16, s20, $0xb8;
	[tilespmem:$0x1B800] =	vst v63  }
0x86: {  	s25 =	rddreg [dreg:$0x5];
	s16 =	simm.s32 @!p0 $0x2080;
	s17 =	simm.s32 @!p0 $0x14800  }
0x87: {  	[tilespmem:s17], [sflag:$0x2] =	stream.indirect.gather @!p0 [hbm4b:s4+s20], $0x20, s16, s20, $0xb8;
	[tilespmem:$0x1B800] =	vst v63  }
0x88: {  	p1 =	sne.s32 s25, $0x1000;
	s16 =	simm.s32 @!p0 $0x500;
	s17 =	simm.s32 @!p0 $0x7800  }
0x89: {  	[tilespmem:s17], [sflag:$0x2] =	stream.indirect.gather @!p0 [hbm4b:s2+s20], $0x40, s16, s20, $0xb8;
	[tilespmem:$0x1B800] =	vst v63  }
.Ltmp0:
0x8a: {  	s18 =	simm.s32 @!p0 $0x15800;
	s16 =	simm.s32 @!p0 $0x2100;
	(pc) =	sbr.rel @!p1 .LBB2_3-.Ltmp0, $4  }
0x8b: {  	[tilespmem:s18], [sflag:$0x2] =	stream.indirect.gather @!p0 [hbm4b:s4+s20], $0x20, s16, s20, $0xb8;
	[tilespmem:$0x1B800] =	vst v63  }
0x8c: {  	s22 =	simm.s32 @!p0 $0x16800;
	s16 =	simm.s32 @!p0 $0x580;
	s18 =	simm.s32 @!p0 $0x9800  }
0x8d: {  	[tilespmem:s18], [sflag:$0x2] =	stream.indirect.gather @!p0 [hbm4b:s2+s20], $0x40, s16, s20, $0xb8;
	[tilespmem:$0x1B800] =	vst v63  }
0x8e: {  	s17 =	sadd.s32 $0x4000, s9;
	s16 =	simm.s32 $0x1000;
	s18 =	simm.s32 $0x0  }
.LBB2_2:
0x8f: {  	p1 =	seq.s32 s16, $0x0  }
0x90: {  	[tilespmem:s22], [sflag:$0x2] =	stream.indirect.gather @!p0 [hbm4b:s4+s20], $0x20, s21, s20, $0xb8;
	[tilespmem:$0x1B800] =	vst v63  }
0x91: {  	s20 =	simm.s32 @!p1 $0x5  }
0x92: {  	_ =	swait.ge @!p1 [sflag:s20], $0x8000  }
0x93: {  	[sflag:s20] =	ssyncset.done @!p1 $0x0  }
0x94: {  	[sflag:s20] =	ssyncadd.s32 @!p1 $0xFFFF8000  }
0x95: {  	s19 =	smov.u32 s16;
	_ =	swait.ge @!p1 [sflag:s20], $0x4000  }
0x96: {  	s21 =	sshra.s32 s19, $0x2;
	[sflag:s20] =	ssyncset.done @!p1 $0x0  }
0x97: {  	s6 =	sadd.s32 $0x200, s21;
	[sflag:s20] =	ssyncadd.s32 @!p1 $0xFFFFC000  }
0x98: {  	[tilespmem:s26], [sflag:$0x3] =	stream.indirect.gather [hbm4b:s2+s12], $0x40, s6, s12, $0xb8;
	[tilespmem:$0x1B800] =	vst v63  }
0x99: {  	s7 =	sadd.s32 $0x1E00, s21  }
0x9a: {  	[tilespmem:s28], [sflag:$0x3] =	stream.indirect.gather [hbm4b:s4+s12], $0x20, s7, s12, $0xb8;
	[tilespmem:$0x1B800] =	vst v63  }
0x9b: {  	s10 =	sadd.s32 $0x280, s21;
	s8 =	rddreg [dreg:$0x6]  }
0x9c: {  	[tilespmem:s8], [sflag:$0x3] =	stream.indirect.gather [hbm4b:s2+s12], $0x40, s10, s12, $0xb8;
	[tilespmem:$0x1B800] =	vst v63  }
0x9d: {  	s22 =	sadd.s32 $0x1E80, s21;
	s23 =	rddreg [dreg:$0x7]  }
0x9e: {  	[tilespmem:s23], [sflag:$0x3] =	stream.indirect.gather [hbm4b:s4+s12], $0x20, s22, s12, $0xb8;
	[tilespmem:$0x1B800] =	vst v63  }
0x9f: {  	s25 =	sadd.s32 $0x300, s21;
	s24 =	rddreg [dreg:$0x8]  }
0xa0: {  	[tilespmem:s24], [sflag:$0x3] =	stream.indirect.gather [hbm4b:s2+s12], $0x40, s25, s12, $0xb8;
	[tilespmem:$0x1B800] =	vst v63  }
0xa1: {  	s3 =	rddreg [dreg:$0x9];
	s6 =	sadd.s32 $0x1F00, s21  }
0xa2: {  	[tilespmem:s3], [sflag:$0x3] =	stream.indirect.gather [hbm4b:s4+s12], $0x20, s6, s12, $0xb8;
	[tilespmem:$0x1B800] =	vst v63  }
0xa3: {  	s7 =	rddreg [dreg:$0xa];
	s8 =	sadd.s32 $0x380, s21  }
0xa4: {  	[tilespmem:s7], [sflag:$0x3] =	stream.indirect.gather [hbm4b:s2+s12], $0x40, s8, s12, $0xb8;
	[tilespmem:$0x1B800] =	vst v63  }
0xa5: {  	s10 =	rddreg [dreg:$0xb];
	s21 =	sadd.s32 $0x1F80, s21  }
0xa6: {  	[tilespmem:s10], [sflag:$0x3] =	stream.indirect.gather [hbm4b:s4+s12], $0x20, s21, s12, $0xb8;
	[tilespmem:$0x1B800] =	vst v63  }
0xa7: {  	_ =	swait.ge [sflag:s29], $0x2000  }
0xa8: {  	[sflag:s29] =	ssyncset.done $0x0  }
0xa9: {  	[sflag:s29] =	ssyncadd.s32 $0xFFFFE000  }
0xaa: {  	_ =	swait.ge [sflag:s29], $0x1000  }
0xab: {  	[sflag:s29] =	ssyncset.done $0x0  }
0xac: {  	[sflag:s29] =	ssyncadd.s32 $0xFFFFF000  }
0xad: {  	_ =	swait.ge [sflag:s29], $0x2000  }
0xae: {  	[sflag:s29] =	ssyncset.done $0x0  }
0xaf: {  	[sflag:s29] =	ssyncadd.s32 $0xFFFFE000  }
0xb0: {  	_ =	swait.ge [sflag:s29], $0x1000  }
0xb1: {  	[sflag:s29] =	ssyncset.done $0x0  }
0xb2: {  	[sflag:s29] =	ssyncadd.s32 $0xFFFFF000  }
0xb3: {  	_ =	swait.ge [sflag:s29], $0x2000  }
0xb4: {  	[sflag:s29] =	ssyncset.done $0x0  }
0xb5: {  	[sflag:s29] =	ssyncadd.s32 $0xFFFFE000  }
0xb6: {  	_ =	swait.ge [sflag:s29], $0x1000  }
0xb7: {  	[sflag:s29] =	ssyncset.done $0x0  }
0xb8: {  	[sflag:s29] =	ssyncadd.s32 $0xFFFFF000  }
0xb9: {  	_ =	swait.ge [sflag:s29], $0x2000  }
0xba: {  	[sflag:s29] =	ssyncset.done $0x0  }
0xbb: {  	[sflag:s29] =	ssyncadd.s32 $0xFFFFE000  }
0xbc: {  	_ =	swait.ge [sflag:s29], $0x1000  }
0xbd: {  	[sflag:s29] =	ssyncset.done $0x0  }
0xbe: {  	[sflag:s29] =	ssyncadd.s32 $0xFFFFF000  }
0xbf: {  	[hbm4b:s17+s30] =	stream.strided.scatter [tilespmem:s13], [sflag:$0x4], $0x8000, s12, s30, $0x38;
	[tilespmem:$0x1B800] =	vst v63  }
0xc0: {  	s22 =	sadd.s32 $0x8, s17  }
0xc1: {  	[hbm4b:s22+s31] =	stream.strided.scatter [tilespmem:s14], [sflag:$0x4], $0x4000, s12, s31, $0x38;
	[tilespmem:$0x1B800] =	vst v63  }
0xc2: {  	_ =	swait.ge [sflag:s5], $0x2000  }
0xc3: {  	[sflag:s5] =	ssyncset.done $0x0  }
0xc4: {  	[sflag:s5] =	ssyncadd.s32 $0xFFFFE000  }
0xc5: {  	_ =	swait.ge [sflag:s5], $0x1000  }
0xc6: {  	[sflag:s5] =	ssyncset.done $0x0  }
0xc7: {  	[sflag:s5] =	ssyncadd.s32 $0xFFFFF000  }
0xc8: {  	_ =	swait.ge [sflag:s5], $0x2000  }
0xc9: {  	[sflag:s5] =	ssyncset.done $0x0  }
0xca: {  	[sflag:s5] =	ssyncadd.s32 $0xFFFFE000  }
0xcb: {  	_ =	swait.ge [sflag:s5], $0x1000  }
0xcc: {  	[sflag:s5] =	ssyncset.done $0x0  }
0xcd: {  	[sflag:s5] =	ssyncadd.s32 $0xFFFFF000  }
0xce: {  	_ =	swait.ge [sflag:s5], $0x2000  }
0xcf: {  	[sflag:s5] =	ssyncset.done $0x0  }
0xd0: {  	[sflag:s5] =	ssyncadd.s32 $0xFFFFE000  }
0xd1: {  	_ =	swait.ge [sflag:s5], $0x1000  }
0xd2: {  	[sflag:s5] =	ssyncset.done $0x0  }
0xd3: {  	[sflag:s5] =	ssyncadd.s32 $0xFFFFF000  }
0xd4: {  	_ =	swait.ge [sflag:s5], $0x2000  }
0xd5: {  	[sflag:s5] =	ssyncset.done $0x0  }
0xd6: {  	[sflag:s5] =	ssyncadd.s32 $0xFFFFE000  }
0xd7: {  	_ =	swait.ge [sflag:s5], $0x1000  }
0xd8: {  	s18 =	sadd.s32 $0x1, s18;
	[sflag:s5] =	ssyncset.done $0x0;
	s23 =	rddreg [dreg:$0x4]  }
0xd9: {  	s24 =	sadd.s32 $0x2000, s17;
	[sflag:s5] =	ssyncadd.s32 $0xFFFFF000;
	p0 =	sge.u32 s18, s23  }
0xda: {  	[hbm4b:s24+s30] =	stream.strided.scatter [tilespmem:s26], [sflag:$0x5], $0x8000, s12, s30, $0x38;
	[tilespmem:$0x1B800] =	vst v63  }
0xdb: {  	s25 =	sadd.s32 $0x2008, s17;
	s22 =	simm.s32 @!p0 $0x4  }
0xdc: {  	[hbm4b:s25+s31] =	stream.strided.scatter [tilespmem:s28], [sflag:$0x5], $0x4000, s12, s31, $0x38;
	[tilespmem:$0x1B800] =	vst v63  }
0xdd: {  	s19 =	sshra.s32 @!p0 s19, $0x2;
	_ =	swait.ge @!p0 [sflag:s22], $0x8000  }
0xde: {  	s20 =	simm.s32 @!p0 $0x80;
	s23 =	sadd.s32 @!p0 $0x400, s19;
	[sflag:s22] =	ssyncset.done @!p0 $0x0  }
0xdf: {  	s24 =	sadd.s32 @!p0 $0x2000, s19;
	s6 =	sadd.s32 @!p0 $0x2080, s19;
	[sflag:s22] =	ssyncadd.s32 @!p0 $0xFFFF8000  }
0xe0: {  	s10 =	sadd.s32 @!p0 $0x500, s19;
	s7 =	sadd.s32 @!p0 $0x2100, s19;
	_ =	swait.ge @!p0 [sflag:s22], $0x4000  }
0xe1: {  	s8 =	sadd.s32 @!p0 $0x580, s19;
	s21 =	sadd.s32 @!p0 $0x2180, s19;
	[sflag:s22] =	ssyncset.done @!p0 $0x0  }
0xe2: {  	s25 =	sadd.s32 @!p0 $0x480, s19;
	s19 =	simm.s32 @!p0 $0x3800;
	[sflag:s22] =	ssyncadd.s32 @!p0 $0xFFFFC000  }
0xe3: {  	[tilespmem:s19], [sflag:$0x2] =	stream.indirect.gather @!p0 [hbm4b:s2+s20], $0x40, s23, s20, $0xb8;
	[tilespmem:$0x1B800] =	vst v63  }
0xe4: {  	s22 =	simm.s32 @!p0 $0x13800  }
0xe5: {  	[tilespmem:s22], [sflag:$0x2] =	stream.indirect.gather @!p0 [hbm4b:s4+s20], $0x20, s24, s20, $0xb8;
	[tilespmem:$0x1B800] =	vst v63  }
0xe6: {  	s19 =	simm.s32 @!p0 $0x5800  }
0xe7: {  	[tilespmem:s19], [sflag:$0x2] =	stream.indirect.gather @!p0 [hbm4b:s2+s20], $0x40, s25, s20, $0xb8;
	[tilespmem:$0x1B800] =	vst v63  }
0xe8: {  	s16 =	sadd.s32 $0x1000, s16;
	s3 =	rddreg [dreg:$0x5];
	s22 =	simm.s32 @!p0 $0x14800  }
0xe9: {  	[tilespmem:s22], [sflag:$0x2] =	stream.indirect.gather @!p0 [hbm4b:s4+s20], $0x20, s6, s20, $0xb8;
	[tilespmem:$0x1B800] =	vst v63  }
0xea: {  	p1 =	sne.s32 s3, s16;
	s3 =	simm.s32 @!p0 $0x7800  }
0xeb: {  	[tilespmem:s3], [sflag:$0x2] =	stream.indirect.gather @!p0 [hbm4b:s2+s20], $0x40, s10, s20, $0xb8;
	[tilespmem:$0x1B800] =	vst v63  }
.Ltmp1:
0xec: {  	_ = 	snop;
	(pc) =	sbr.rel @p1 .LBB2_2-.Ltmp1, $4  }
0xed: {  	s6 =	simm.s32 @!p0 $0x15800  }
0xee: {  	[tilespmem:s6], [sflag:$0x2] =	stream.indirect.gather @!p0 [hbm4b:s4+s20], $0x20, s7, s20, $0xb8;
	[tilespmem:$0x1B800] =	vst v63  }
0xef: {  	s17 =	sadd.s32 $0x4000, s17;
	s22 =	simm.s32 @!p0 $0x16800;
	s3 =	simm.s32 @!p0 $0x9800  }
0xf0: {  	[tilespmem:s3], [sflag:$0x2] =	stream.indirect.gather @!p0 [hbm4b:s2+s20], $0x40, s8, s20, $0xb8;
	[tilespmem:$0x1B800] =	vst v63  }
.LBB2_3:
0xf1: {  	[tilespmem:s22], [sflag:$0x2] =	stream.indirect.gather @!p0 [hbm4b:s4+s20], $0x20, s21, s20, $0xb8;
	[tilespmem:$0x1B800] =	vst v63  }
0xf2: {  	_ =	swait.ge [sflag:s1], $0x8000  }
0xf3: {  	[sflag:s1] =	ssyncset.done $0x0  }
0xf4: {  	[sflag:s1] =	ssyncadd.s32 $0xFFFF8000  }
0xf5: {  	_ =	swait.ge [sflag:s1], $0x4000  }
0xf6: {  	[sflag:s1] =	ssyncset.done $0x0  }
0xf7: {  	[sflag:s1] =	ssyncadd.s32 $0xFFFFC000  }
0xf8: {  	_ =	swait.ge [sflag:s0], $0x8000  }
0xf9: {  	[sflag:s0] =	ssyncset.done $0x0  }
0xfa: {  	[sflag:s0] =	ssyncadd.s32 $0xFFFF8000  }
0xfb: {  	_ =	swait.ge [sflag:s0], $0x4000  }
0xfc: {  	s15 =	sadd.s32 $0x1, s15;
	s3 =	rddreg [dreg:$0xe]  }
0xfd: {  	p0 =	sne.s32 s15, s3  }
.Ltmp2:
0xfe: {  	_ = 	snop;
	(pc) =	sbr.rel @p0 .LBB2_1-.Ltmp2, $3  }
0xff: {  	_ =	sdelay $0x1  }
0x100: {  	[sflag:s0] =	ssyncset.done $0x0  }
0x101: {  	[sflag:s0] =	ssyncadd.s32 $0xFFFFC000  }
0x102: {  	_ =	sfence.sel $0x180000  }
0x103: {  	[bflag:$0x0] =	sbarrier.arrive $0xFFFF  }
0x104: {  	_ =	strace $0x90000047  }
0x105: {  	s0 =	stileid.u32;
	[bflag:$0x2] =	sbarrier.arrive $0xFFFF  }
0x106: {  	p0 =	sne.s32 s0, $0x0;
	s0 =	rddreg [dreg:$0x3]  }
0x107: {  	s0 =	sadd.s32 @!p0 $0x100000, s0  }
0x108: {  	[sflag:s0] =	ssyncadd.tile.s32 @!p0 $0x1;
	_ =	shalt  }
.Lfunc_end2:
_tile_overlayer_lowered:
.L_overlay_start_2:
0x109: {  	(tag) =	ssettag $0x2  }
0x10a: {  	s0 =	rddreg [dreg:$0x0];
	s2 =	stileid.u32  }
0x10b: {  	s1 =	rddreg [dreg:$0x1];
	p0 =	sne.s32 s2, $0x0  }
0x10c: {  	s3 =	rddreg [dreg:$0x2];
	[bflag:$0x3] =	sbarrier.arrive $0xFFFF;
	s2 =	simm.s32 @!p0 $0x1C06  }
0x10d: {  	[timem:s3], [sflag:s2] =	dma.local @!p0 [hbm:s0], s1  }
0x10e: {  	s0 =	simm.s32 @!p0 $0x6  }
0x10f: {  	_ =	swait.ge @!p0 [sflag:s0], s1  }
0x110: {  	s1 =	ssub.s32 @!p0 $0x0, s1;
	[sflag:s0] =	ssyncset.done @!p0 $0x0  }
0x111: {  	[sflag:s0] =	ssyncadd.s32 @!p0 s1  }
0x112: {  	[bflag:$0x3] =	sbarrier.arrive $0xFFFF  }
0x113: {  	_ =	shalt  }

</sc_bundles>
